<compile_context>
chip_gen: v7x
topology: tpu7x:2x2x1
jax: 0.10.2.dev20260603
libtpu: 0.0.44.dev20260713+nightly
codegen_flags: <defaults>
</compile_context>

<pallas_src>
import jax
import jax.numpy as jnp
from jax import lax
from jax.experimental import pallas as pl
from jax.experimental.pallas import tpu as pltpu
from jax.experimental.pallas import tpu_sc as plsc

_H = 512
_W = 512
_B = 16384
_NC = 2
_NS = 16
_NW = _NC * _NS
_BPW = _B // _NW
_VEC = 16
_CHUNK = 128
_NCHUNK = _BPW // _CHUNK
_SPC = _CHUNK // _VEC

_mesh = plsc.VectorSubcoreMesh(
    core_axis_name="c", subcore_axis_name="s", num_cores=_NC, num_subcores=_NS)
_params = pltpu.CompilerParams(needs_layout_passes=False)


def _lane_sum_broadcast(vec):
    lanes = lax.iota(jnp.int32, _VEC)
    cur = vec
    for s in (8, 4, 2, 1):
        perm = jnp.bitwise_xor(lanes, s)
        cur = cur + jnp.take_along_axis(cur, perm, axis=0,
                                        mode="promise_in_bounds")
    return cur


def _body(img, x1c, y1c, x2c, y2c, wc, labc, out,
          x1_v, y1_v, x2_v, y2_v, w_v, lab_v, idx_v, val_v, row_v,
          sem_g0, sem_g1, sem_g2, sem_g3, sem_in):
    cid = lax.axis_index("c")
    sid = lax.axis_index("s")
    wid = sid * _NC + cid
    base = wid * _BPW

    in_cps = [
        pltpu.async_copy(src.at[pl.ds(base, _BPW)], dst, sem_in)
        for src, dst in [
            (x1c, x1_v), (y1c, y1_v), (x2c, x2_v), (y2c, y2_v),
            (wc, w_v), (labc, lab_v)]
    ]
    for cp in in_cps:
        cp.wait()

    lanes = lax.iota(jnp.int32, _VEC)

    cps = []
    for r in range(_NCHUNK):
        for k in range(_SPC):
            sl = pl.ds((r * _SPC + k) * _VEC, _VEC)
            ix1 = (x1_v[sl] * float(_W)).astype(jnp.int32)
            iy1 = (y1_v[sl] * float(_H)).astype(jnp.int32)
            ix2 = (x2_v[sl] * float(_W)).astype(jnp.int32)
            iy2 = (y2_v[sl] * float(_H)).astype(jnp.int32)
            idx_v[r, pl.ds(k * _VEC, _VEC)] = iy1 * _W + ix1
            idx_v[_NCHUNK + r, pl.ds(k * _VEC, _VEC)] = iy2 * _W + ix2
        sem_r = (sem_g0, sem_g1, sem_g2, sem_g3)[r]
        cps.append((
            pltpu.async_copy(img.at[idx_v.at[r]], val_v.at[r], sem_r),
            pltpu.async_copy(img.at[idx_v.at[_NCHUNK + r]],
                             val_v.at[_NCHUNK + r], sem_r),
        ))

    acc_whdr = jnp.zeros((_VEC,), jnp.float32)
    acc_wt = jnp.zeros((_VEC,), jnp.float32)
    for r in range(_NCHUNK):
        cps[r][0].wait()
        cps[r][1].wait()
        for k in range(_SPC):
            slv = pl.ds(k * _VEC, _VEC)
            sl = pl.ds((r * _SPC + k) * _VEC, _VEC)
            divisor = val_v[r, slv]
            dividend = val_v[_NCHUNK + r, slv]
            ratio = divisor / (dividend + 1e-07)
            p = jnp.where(ratio <= 1.0 + 0.12, ratio, 2.0)
            p = jnp.where(p >= 1.0 / (1.0 + 0.12), p, 1.0)
            p = jnp.where(p == 1.0, p, 0.0) + jnp.where(p == 2.0, p, 0.0)
            wv = w_v[sl]
            acc_whdr = acc_whdr + jnp.where(lab_v[sl] != p, wv, 0.0)
            acc_wt = acc_wt + wv

    whdr_tot = _lane_sum_broadcast(acc_whdr)
    wt_tot = _lane_sum_broadcast(acc_wt)
    row_v[...] = (jnp.where(lanes == 0, whdr_tot, 0.0)
                  + jnp.where(lanes == 1, wt_tot, 0.0))
    pltpu.sync_copy(row_v, out.at[wid])


def kernel(input, target):
    img = input.reshape(_H * _W)
    t = target[0]
    parts = pl.kernel(
        _body,
        out_type=jax.ShapeDtypeStruct((_NW, _VEC), jnp.float32),
        mesh=_mesh,
        compiler_params=_params,
        scratch_types=[
            pltpu.VMEM((_BPW,), jnp.float32),
            pltpu.VMEM((_BPW,), jnp.float32),
            pltpu.VMEM((_BPW,), jnp.float32),
            pltpu.VMEM((_BPW,), jnp.float32),
            pltpu.VMEM((_BPW,), jnp.float32),
            pltpu.VMEM((_BPW,), jnp.float32),
            pltpu.VMEM((2 * _NCHUNK, _CHUNK), jnp.int32),
            pltpu.VMEM((2 * _NCHUNK, _CHUNK), jnp.float32),
            pltpu.VMEM((_VEC,), jnp.float32),
            pltpu.SemaphoreType.DMA,
            pltpu.SemaphoreType.DMA,
            pltpu.SemaphoreType.DMA,
            pltpu.SemaphoreType.DMA,
            pltpu.SemaphoreType.DMA,
        ],
    )(img, t[:, 2], t[:, 3], t[:, 4], t[:, 5], t[:, 0], t[:, 1])
    return jnp.sum(parts[:, 0]) / jnp.sum(parts[:, 1])

# --- scband reference (transcript-rebuilt; emitter-appended) ---
"""Pipeline reference for scband-whdrhinge-loss-para-pro-module-45423574122757 (READ-ONLY COPY).

The authoritative reference and input builder live on the scoring server;
editing this copy changes nothing except your own understanding.
"""

import jax, jax.numpy as jnp
import numpy as np


def setup_inputs(seed: int = 0) -> dict:
    key = jax.random.key(seed)
    k1, k2 = jax.random.split(key)
    inp = jax.random.uniform(k1, (1, 1, 512, 512), dtype=jnp.float32)
    target = jax.random.uniform(k2, (1, 16384, 6), dtype=jnp.float32)
    return {"input": inp, "target": target}


def reference(input, target):
    _, _, height, width = input.shape
    weight = jnp.sum(target[0, :, 0])
    point1_x = jnp.floor(width * target[0, :, 2]).astype(jnp.int32)
    point1_y = jnp.floor(height * target[0, :, 3]).astype(jnp.int32)
    point2_x = jnp.floor(width * target[0, :, 4]).astype(jnp.int32)
    point2_y = jnp.floor(height * target[0, :, 5]).astype(jnp.int32)
    img = input[0, 0]
    # torch code does index_select along rows then cols and extracts the diagonal;
    # that diagonal equals the direct (y, x) gather below (same math).
    divisor = img[point1_y, point1_x]
    dividend = img[point2_y, point2_x]
    ratio = divisor / (dividend + 1e-07)
    predict = jnp.where(ratio <= 1.0 + 0.12, ratio, jnp.full_like(ratio, 2.0))
    predict = jnp.where(predict >= 1.0 / (1.0 + 0.12), predict, jnp.ones_like(predict))
    predict = jnp.where(predict == 1.0, predict, jnp.zeros_like(predict)) + jnp.where(predict == 2.0, predict, jnp.zeros_like(predict))
    whdr = jnp.sum(jnp.where(target[0, :, 1] != predict, target[0, :, 0], jnp.zeros_like(target[0, :, 0])))
    return whdr / weight

if __name__ == "__main__":
    import jax
    _d = setup_inputs()
    print(jax.jit(kernel)(*tuple(_d.values())))

</pallas_src>

<mosaic_0001>
#map = affine_map<(d0, d1) -> (0)>
#map1 = affine_map<(d0, d1) -> (0, 0)>
module attributes {stable_mosaic.version = 14 : i64} {
  func.func @_body(%arg0: i32, %arg1: i32, %arg2: memref<262144xf32, #tpu.memory_space<hbm>>, %arg3: memref<16384xf32, #tpu.memory_space<hbm>>, %arg4: memref<16384xf32, #tpu.memory_space<hbm>>, %arg5: memref<16384xf32, #tpu.memory_space<hbm>>, %arg6: memref<16384xf32, #tpu.memory_space<hbm>>, %arg7: memref<16384xf32, #tpu.memory_space<hbm>>, %arg8: memref<16384xf32, #tpu.memory_space<hbm>>, %arg9: memref<32x16xf32, #tpu.memory_space<hbm>>, %arg10: memref<512xf32, #tpu.memory_space<vmem>>, %arg11: memref<512xf32, #tpu.memory_space<vmem>>, %arg12: memref<512xf32, #tpu.memory_space<vmem>>, %arg13: memref<512xf32, #tpu.memory_space<vmem>>, %arg14: memref<512xf32, #tpu.memory_space<vmem>>, %arg15: memref<512xf32, #tpu.memory_space<vmem>>, %arg16: memref<8x128xi32, #tpu.memory_space<vmem>>, %arg17: memref<8x128xf32, #tpu.memory_space<vmem>>, %arg18: memref<16xf32, #tpu.memory_space<vmem>>, %arg19: memref<!tpu.dma_semaphore, #tpu.memory_space<semaphore_mem>>, %arg20: memref<!tpu.dma_semaphore, #tpu.memory_space<semaphore_mem>>, %arg21: memref<!tpu.dma_semaphore, #tpu.memory_space<semaphore_mem>>, %arg22: memref<!tpu.dma_semaphore, #tpu.memory_space<semaphore_mem>>, %arg23: memref<!tpu.dma_semaphore, #tpu.memory_space<semaphore_mem>>) attributes {dimension_semantics = [#tpu.dimension_semantics<core_parallel>, #tpu.dimension_semantics<subcore_parallel>], iteration_bounds = array<i64: 2, 16>, scalar_prefetch = 0 : i64, scratch_operands = 14 : i64, tpu.core_type = #tpu.core_type<sc_vector_subcore>, window_params = [{transform_indices = #map}, {transform_indices = #map}, {transform_indices = #map}, {transform_indices = #map}, {transform_indices = #map}, {transform_indices = #map}, {transform_indices = #map}, {transform_indices = #map1}]} {
    %mul3A = arith.constant 2 : i32
    %mul3A_0 = arith.muli %arg1, %mul3A : i32
    %add3A = arith.addi %mul3A_0, %arg0 : i32
    %mul3A_1 = arith.constant 512 : i32
    %mul3A_2 = arith.muli %add3A, %mul3A_1 : i32
    %dma_start3A = tpu.memref_slice %arg3[%mul3A_2] : memref<16384xf32, #tpu.memory_space<hbm>> -> memref<512xf32, #tpu.memory_space<hbm>>
    %dma_start3A_3 = tpu.memref_slice %arg3[%mul3A_2] : memref<16384xf32, #tpu.memory_space<hbm>> -> memref<512xf32, #tpu.memory_space<hbm>>
    tpu.enqueue_dma source(%dma_start3A_3 : memref<512xf32, #tpu.memory_space<hbm>>) target(%arg10 : memref<512xf32, #tpu.memory_space<vmem>>) target_semaphore(%arg23 : memref<!tpu.dma_semaphore, #tpu.memory_space<semaphore_mem>>)
    %dma_start3A_4 = tpu.memref_slice %arg4[%mul3A_2] : memref<16384xf32, #tpu.memory_space<hbm>> -> memref<512xf32, #tpu.memory_space<hbm>>
    %dma_start3A_5 = tpu.memref_slice %arg4[%mul3A_2] : memref<16384xf32, #tpu.memory_space<hbm>> -> memref<512xf32, #tpu.memory_space<hbm>>
    tpu.enqueue_dma source(%dma_start3A_5 : memref<512xf32, #tpu.memory_space<hbm>>) target(%arg11 : memref<512xf32, #tpu.memory_space<vmem>>) target_semaphore(%arg23 : memref<!tpu.dma_semaphore, #tpu.memory_space<semaphore_mem>>)
    %dma_start3A_6 = tpu.memref_slice %arg5[%mul3A_2] : memref<16384xf32, #tpu.memory_space<hbm>> -> memref<512xf32, #tpu.memory_space<hbm>>
    %dma_start3A_7 = tpu.memref_slice %arg5[%mul3A_2] : memref<16384xf32, #tpu.memory_space<hbm>> -> memref<512xf32, #tpu.memory_space<hbm>>
    tpu.enqueue_dma source(%dma_start3A_7 : memref<512xf32, #tpu.memory_space<hbm>>) target(%arg12 : memref<512xf32, #tpu.memory_space<vmem>>) target_semaphore(%arg23 : memref<!tpu.dma_semaphore, #tpu.memory_space<semaphore_mem>>)
    %dma_start3A_8 = tpu.memref_slice %arg6[%mul3A_2] : memref<16384xf32, #tpu.memory_space<hbm>> -> memref<512xf32, #tpu.memory_space<hbm>>
    %dma_start3A_9 = tpu.memref_slice %arg6[%mul3A_2] : memref<16384xf32, #tpu.memory_space<hbm>> -> memref<512xf32, #tpu.memory_space<hbm>>
    tpu.enqueue_dma source(%dma_start3A_9 : memref<512xf32, #tpu.memory_space<hbm>>) target(%arg13 : memref<512xf32, #tpu.memory_space<vmem>>) target_semaphore(%arg23 : memref<!tpu.dma_semaphore, #tpu.memory_space<semaphore_mem>>)
    %dma_start3A_10 = tpu.memref_slice %arg7[%mul3A_2] : memref<16384xf32, #tpu.memory_space<hbm>> -> memref<512xf32, #tpu.memory_space<hbm>>
    %dma_start3A_11 = tpu.memref_slice %arg7[%mul3A_2] : memref<16384xf32, #tpu.memory_space<hbm>> -> memref<512xf32, #tpu.memory_space<hbm>>
    tpu.enqueue_dma source(%dma_start3A_11 : memref<512xf32, #tpu.memory_space<hbm>>) target(%arg14 : memref<512xf32, #tpu.memory_space<vmem>>) target_semaphore(%arg23 : memref<!tpu.dma_semaphore, #tpu.memory_space<semaphore_mem>>)
    %dma_start3A_12 = tpu.memref_slice %arg8[%mul3A_2] : memref<16384xf32, #tpu.memory_space<hbm>> -> memref<512xf32, #tpu.memory_space<hbm>>
    %dma_start3A_13 = tpu.memref_slice %arg8[%mul3A_2] : memref<16384xf32, #tpu.memory_space<hbm>> -> memref<512xf32, #tpu.memory_space<hbm>>
    tpu.enqueue_dma source(%dma_start3A_13 : memref<512xf32, #tpu.memory_space<hbm>>) target(%arg15 : memref<512xf32, #tpu.memory_space<vmem>>) target_semaphore(%arg23 : memref<!tpu.dma_semaphore, #tpu.memory_space<semaphore_mem>>)
    %dma_wait3A = tpu.memref_slice %arg3[%mul3A_2] : memref<16384xf32, #tpu.memory_space<hbm>> -> memref<512xf32, #tpu.memory_space<hbm>>
    %dma_wait3A_14 = tpu.memref_slice %arg3[%mul3A_2] : memref<16384xf32, #tpu.memory_space<hbm>> -> memref<512xf32, #tpu.memory_space<hbm>>
    tpu.wait_dma2 semaphore(%arg23 : memref<!tpu.dma_semaphore, #tpu.memory_space<semaphore_mem>>) src(%dma_wait3A_14 : memref<512xf32, #tpu.memory_space<hbm>>) dst(%arg10 : memref<512xf32, #tpu.memory_space<vmem>>)
    %dma_wait3A_15 = tpu.memref_slice %arg4[%mul3A_2] : memref<16384xf32, #tpu.memory_space<hbm>> -> memref<512xf32, #tpu.memory_space<hbm>>
    %dma_wait3A_16 = tpu.memref_slice %arg4[%mul3A_2] : memref<16384xf32, #tpu.memory_space<hbm>> -> memref<512xf32, #tpu.memory_space<hbm>>
    tpu.wait_dma2 semaphore(%arg23 : memref<!tpu.dma_semaphore, #tpu.memory_space<semaphore_mem>>) src(%dma_wait3A_16 : memref<512xf32, #tpu.memory_space<hbm>>) dst(%arg11 : memref<512xf32, #tpu.memory_space<vmem>>)
    %dma_wait3A_17 = tpu.memref_slice %arg5[%mul3A_2] : memref<16384xf32, #tpu.memory_space<hbm>> -> memref<512xf32, #tpu.memory_space<hbm>>
    %dma_wait3A_18 = tpu.memref_slice %arg5[%mul3A_2] : memref<16384xf32, #tpu.memory_space<hbm>> -> memref<512xf32, #tpu.memory_space<hbm>>
    tpu.wait_dma2 semaphore(%arg23 : memref<!tpu.dma_semaphore, #tpu.memory_space<semaphore_mem>>) src(%dma_wait3A_18 : memref<512xf32, #tpu.memory_space<hbm>>) dst(%arg12 : memref<512xf32, #tpu.memory_space<vmem>>)
    %dma_wait3A_19 = tpu.memref_slice %arg6[%mul3A_2] : memref<16384xf32, #tpu.memory_space<hbm>> -> memref<512xf32, #tpu.memory_space<hbm>>
    %dma_wait3A_20 = tpu.memref_slice %arg6[%mul3A_2] : memref<16384xf32, #tpu.memory_space<hbm>> -> memref<512xf32, #tpu.memory_space<hbm>>
    tpu.wait_dma2 semaphore(%arg23 : memref<!tpu.dma_semaphore, #tpu.memory_space<semaphore_mem>>) src(%dma_wait3A_20 : memref<512xf32, #tpu.memory_space<hbm>>) dst(%arg13 : memref<512xf32, #tpu.memory_space<vmem>>)
    %dma_wait3A_21 = tpu.memref_slice %arg7[%mul3A_2] : memref<16384xf32, #tpu.memory_space<hbm>> -> memref<512xf32, #tpu.memory_space<hbm>>
    %dma_wait3A_22 = tpu.memref_slice %arg7[%mul3A_2] : memref<16384xf32, #tpu.memory_space<hbm>> -> memref<512xf32, #tpu.memory_space<hbm>>
    tpu.wait_dma2 semaphore(%arg23 : memref<!tpu.dma_semaphore, #tpu.memory_space<semaphore_mem>>) src(%dma_wait3A_22 : memref<512xf32, #tpu.memory_space<hbm>>) dst(%arg14 : memref<512xf32, #tpu.memory_space<vmem>>)
    %dma_wait3A_23 = tpu.memref_slice %arg8[%mul3A_2] : memref<16384xf32, #tpu.memory_space<hbm>> -> memref<512xf32, #tpu.memory_space<hbm>>
    %dma_wait3A_24 = tpu.memref_slice %arg8[%mul3A_2] : memref<16384xf32, #tpu.memory_space<hbm>> -> memref<512xf32, #tpu.memory_space<hbm>>
    tpu.wait_dma2 semaphore(%arg23 : memref<!tpu.dma_semaphore, #tpu.memory_space<semaphore_mem>>) src(%dma_wait3A_24 : memref<512xf32, #tpu.memory_space<hbm>>) dst(%arg15 : memref<512xf32, #tpu.memory_space<vmem>>)
    %iota3A = tpu.iota {dimensions = array<i32: 0>} : vector<16xi32>
    %get3A = arith.constant 0 : index
    %get3A_25 = tpu.vector_load %arg10[%get3A] {strides = array<i32>} : memref<512xf32, #tpu.memory_space<vmem>>, vector<16xf32>,
    %mul3A_26 = arith.constant 5.120000e+02 : f32
    %mul3A_27 = vector.broadcast %mul3A_26 : f32 to vector<16xf32>
    %mul3A_28 = arith.mulf %get3A_25, %mul3A_27 : vector<16xf32>
    %convert_element_type3A = arith.fptosi %mul3A_28 : vector<16xf32> to vector<16xi32>
    %get3A_29 = arith.constant 0 : index
    %get3A_30 = tpu.vector_load %arg11[%get3A_29] {strides = array<i32>} : memref<512xf32, #tpu.memory_space<vmem>>, vector<16xf32>,
    %mul3A_31 = arith.constant 5.120000e+02 : f32
    %mul3A_32 = vector.broadcast %mul3A_31 : f32 to vector<16xf32>
    %mul3A_33 = arith.mulf %get3A_30, %mul3A_32 : vector<16xf32>
    %convert_element_type3A_34 = arith.fptosi %mul3A_33 : vector<16xf32> to vector<16xi32>
    %get3A_35 = arith.constant 0 : index
    %get3A_36 = tpu.vector_load %arg12[%get3A_35] {strides = array<i32>} : memref<512xf32, #tpu.memory_space<vmem>>, vector<16xf32>,
    %mul3A_37 = arith.constant 5.120000e+02 : f32
    %mul3A_38 = vector.broadcast %mul3A_37 : f32 to vector<16xf32>
    %mul3A_39 = arith.mulf %get3A_36, %mul3A_38 : vector<16xf32>
    %convert_element_type3A_40 = arith.fptosi %mul3A_39 : vector<16xf32> to vector<16xi32>
    %get3A_41 = arith.constant 0 : index
    %get3A_42 = tpu.vector_load %arg13[%get3A_41] {strides = array<i32>} : memref<512xf32, #tpu.memory_space<vmem>>, vector<16xf32>,
    %mul3A_43 = arith.constant 5.120000e+02 : f32
    %mul3A_44 = vector.broadcast %mul3A_43 : f32 to vector<16xf32>
    %mul3A_45 = arith.mulf %get3A_42, %mul3A_44 : vector<16xf32>
    %convert_element_type3A_46 = arith.fptosi %mul3A_45 : vector<16xf32> to vector<16xi32>
    %mul3A_47 = arith.constant 512 : i32
    %mul3A_48 = vector.broadcast %mul3A_47 : i32 to vector<16xi32>
    %mul3A_49 = arith.muli %convert_element_type3A_34, %mul3A_48 : vector<16xi32>
    %add3A_50 = arith.addi %mul3A_49, %convert_element_type3A : vector<16xi32>
    %swap3A = arith.constant 0 : i32
    %swap3A_51 = arith.index_cast %swap3A : i32 to index
    %swap3A_52 = arith.constant 0 : index
    %swap3A_53 = tpu.vector_load %arg16[%swap3A_51, %swap3A_52] {strides = array<i32>} : memref<8x128xi32, #tpu.memory_space<vmem>>, vector<16xi32>,
    tpu.vector_store %arg16[%swap3A_51, %swap3A_52], %add3A_50 {strides = array<i32>} : memref<8x128xi32, #tpu.memory_space<vmem>>, vector<16xi32>,
    %mul3A_54 = arith.constant 512 : i32
    %mul3A_55 = vector.broadcast %mul3A_54 : i32 to vector<16xi32>
    %mul3A_56 = arith.muli %convert_element_type3A_46, %mul3A_55 : vector<16xi32>
    %add3A_57 = arith.addi %mul3A_56, %convert_element_type3A_40 : vector<16xi32>
    %swap3A_58 = arith.constant 4 : i32
    %swap3A_59 = arith.index_cast %swap3A_58 : i32 to index
    %swap3A_60 = arith.constant 0 : index
    %swap3A_61 = tpu.vector_load %arg16[%swap3A_59, %swap3A_60] {strides = array<i32>} : memref<8x128xi32, #tpu.memory_space<vmem>>, vector<16xi32>,
    tpu.vector_store %arg16[%swap3A_59, %swap3A_60], %add3A_57 {strides = array<i32>} : memref<8x128xi32, #tpu.memory_space<vmem>>, vector<16xi32>,
    %get3A_62 = arith.constant 16 : index
    %get3A_63 = tpu.vector_load %arg10[%get3A_62] {strides = array<i32>} : memref<512xf32, #tpu.memory_space<vmem>>, vector<16xf32>,
    %mul3A_64 = arith.constant 5.120000e+02 : f32
    %mul3A_65 = vector.broadcast %mul3A_64 : f32 to vector<16xf32>
    %mul3A_66 = arith.mulf %get3A_63, %mul3A_65 : vector<16xf32>
    %convert_element_type3A_67 = arith.fptosi %mul3A_66 : vector<16xf32> to vector<16xi32>
    %get3A_68 = arith.constant 16 : index
    %get3A_69 = tpu.vector_load %arg11[%get3A_68] {strides = array<i32>} : memref<512xf32, #tpu.memory_space<vmem>>, vector<16xf32>,
    %mul3A_70 = arith.constant 5.120000e+02 : f32
    %mul3A_71 = vector.broadcast %mul3A_70 : f32 to vector<16xf32>
    %mul3A_72 = arith.mulf %get3A_69, %mul3A_71 : vector<16xf32>
    %convert_element_type3A_73 = arith.fptosi %mul3A_72 : vector<16xf32> to vector<16xi32>
    %get3A_74 = arith.constant 16 : index
    %get3A_75 = tpu.vector_load %arg12[%get3A_74] {strides = array<i32>} : memref<512xf32, #tpu.memory_space<vmem>>, vector<16xf32>,
    %mul3A_76 = arith.constant 5.120000e+02 : f32
    %mul3A_77 = vector.broadcast %mul3A_76 : f32 to vector<16xf32>
    %mul3A_78 = arith.mulf %get3A_75, %mul3A_77 : vector<16xf32>
    %convert_element_type3A_79 = arith.fptosi %mul3A_78 : vector<16xf32> to vector<16xi32>
    %get3A_80 = arith.constant 16 : index
    %get3A_81 = tpu.vector_load %arg13[%get3A_80] {strides = array<i32>} : memref<512xf32, #tpu.memory_space<vmem>>, vector<16xf32>,
    %mul3A_82 = arith.constant 5.120000e+02 : f32
    %mul3A_83 = vector.broadcast %mul3A_82 : f32 to vector<16xf32>
    %mul3A_84 = arith.mulf %get3A_81, %mul3A_83 : vector<16xf32>
    %convert_element_type3A_85 = arith.fptosi %mul3A_84 : vector<16xf32> to vector<16xi32>
    %mul3A_86 = arith.constant 512 : i32
    %mul3A_87 = vector.broadcast %mul3A_86 : i32 to vector<16xi32>
    %mul3A_88 = arith.muli %convert_element_type3A_73, %mul3A_87 : vector<16xi32>
    %add3A_89 = arith.addi %mul3A_88, %convert_element_type3A_67 : vector<16xi32>
    %swap3A_90 = arith.constant 0 : i32
    %swap3A_91 = arith.index_cast %swap3A_90 : i32 to index
    %swap3A_92 = arith.constant 16 : index
    %swap3A_93 = tpu.vector_load %arg16[%swap3A_91, %swap3A_92] {strides = array<i32>} : memref<8x128xi32, #tpu.memory_space<vmem>>, vector<16xi32>,
    tpu.vector_store %arg16[%swap3A_91, %swap3A_92], %add3A_89 {strides = array<i32>} : memref<8x128xi32, #tpu.memory_space<vmem>>, vector<16xi32>,
    %mul3A_94 = arith.constant 512 : i32
    %mul3A_95 = vector.broadcast %mul3A_94 : i32 to vector<16xi32>
    %mul3A_96 = arith.muli %convert_element_type3A_85, %mul3A_95 : vector<16xi32>
    %add3A_97 = arith.addi %mul3A_96, %convert_element_type3A_79 : vector<16xi32>
    %swap3A_98 = arith.constant 4 : i32
    %swap3A_99 = arith.index_cast %swap3A_98 : i32 to index
    %swap3A_100 = arith.constant 16 : index
    %swap3A_101 = tpu.vector_load %arg16[%swap3A_99, %swap3A_100] {strides = array<i32>} : memref<8x128xi32, #tpu.memory_space<vmem>>, vector<16xi32>,
    tpu.vector_store %arg16[%swap3A_99, %swap3A_100], %add3A_97 {strides = array<i32>} : memref<8x128xi32, #tpu.memory_space<vmem>>, vector<16xi32>,
    %get3A_102 = arith.constant 32 : index
    %get3A_103 = tpu.vector_load %arg10[%get3A_102] {strides = array<i32>} : memref<512xf32, #tpu.memory_space<vmem>>, vector<16xf32>,
    %mul3A_104 = arith.constant 5.120000e+02 : f32
    %mul3A_105 = vector.broadcast %mul3A_104 : f32 to vector<16xf32>
    %mul3A_106 = arith.mulf %get3A_103, %mul3A_105 : vector<16xf32>
    %convert_element_type3A_107 = arith.fptosi %mul3A_106 : vector<16xf32> to vector<16xi32>
    %get3A_108 = arith.constant 32 : index
    %get3A_109 = tpu.vector_load %arg11[%get3A_108] {strides = array<i32>} : memref<512xf32, #tpu.memory_space<vmem>>, vector<16xf32>,
    %mul3A_110 = arith.constant 5.120000e+02 : f32
    %mul3A_111 = vector.broadcast %mul3A_110 : f32 to vector<16xf32>
    %mul3A_112 = arith.mulf %get3A_109, %mul3A_111 : vector<16xf32>
    %convert_element_type3A_113 = arith.fptosi %mul3A_112 : vector<16xf32> to vector<16xi32>
    %get3A_114 = arith.constant 32 : index
    %get3A_115 = tpu.vector_load %arg12[%get3A_114] {strides = array<i32>} : memref<512xf32, #tpu.memory_space<vmem>>, vector<16xf32>,
    %mul3A_116 = arith.constant 5.120000e+02 : f32
    %mul3A_117 = vector.broadcast %mul3A_116 : f32 to vector<16xf32>
    %mul3A_118 = arith.mulf %get3A_115, %mul3A_117 : vector<16xf32>
    %convert_element_type3A_119 = arith.fptosi %mul3A_118 : vector<16xf32> to vector<16xi32>
    %get3A_120 = arith.constant 32 : index
    %get3A_121 = tpu.vector_load %arg13[%get3A_120] {strides = array<i32>} : memref<512xf32, #tpu.memory_space<vmem>>, vector<16xf32>,
    %mul3A_122 = arith.constant 5.120000e+02 : f32
    %mul3A_123 = vector.broadcast %mul3A_122 : f32 to vector<16xf32>
    %mul3A_124 = arith.mulf %get3A_121, %mul3A_123 : vector<16xf32>
    %convert_element_type3A_125 = arith.fptosi %mul3A_124 : vector<16xf32> to vector<16xi32>
    %mul3A_126 = arith.constant 512 : i32
    %mul3A_127 = vector.broadcast %mul3A_126 : i32 to vector<16xi32>
    %mul3A_128 = arith.muli %convert_element_type3A_113, %mul3A_127 : vector<16xi32>
    %add3A_129 = arith.addi %mul3A_128, %convert_element_type3A_107 : vector<16xi32>
    %swap3A_130 = arith.constant 0 : i32
    %swap3A_131 = arith.index_cast %swap3A_130 : i32 to index
    %swap3A_132 = arith.constant 32 : index
    %swap3A_133 = tpu.vector_load %arg16[%swap3A_131, %swap3A_132] {strides = array<i32>} : memref<8x128xi32, #tpu.memory_space<vmem>>, vector<16xi32>,
    tpu.vector_store %arg16[%swap3A_131, %swap3A_132], %add3A_129 {strides = array<i32>} : memref<8x128xi32, #tpu.memory_space<vmem>>, vector<16xi32>,
    %mul3A_134 = arith.constant 512 : i32
    %mul3A_135 = vector.broadcast %mul3A_134 : i32 to vector<16xi32>
    %mul3A_136 = arith.muli %convert_element_type3A_125, %mul3A_135 : vector<16xi32>
    %add3A_137 = arith.addi %mul3A_136, %convert_element_type3A_119 : vector<16xi32>
    %swap3A_138 = arith.constant 4 : i32
    %swap3A_139 = arith.index_cast %swap3A_138 : i32 to index
    %swap3A_140 = arith.constant 32 : index
    %swap3A_141 = tpu.vector_load %arg16[%swap3A_139, %swap3A_140] {strides = array<i32>} : memref<8x128xi32, #tpu.memory_space<vmem>>, vector<16xi32>,
    tpu.vector_store %arg16[%swap3A_139, %swap3A_140], %add3A_137 {strides = array<i32>} : memref<8x128xi32, #tpu.memory_space<vmem>>, vector<16xi32>,
    %get3A_142 = arith.constant 48 : index
    %get3A_143 = tpu.vector_load %arg10[%get3A_142] {strides = array<i32>} : memref<512xf32, #tpu.memory_space<vmem>>, vector<16xf32>,
    %mul3A_144 = arith.constant 5.120000e+02 : f32
    %mul3A_145 = vector.broadcast %mul3A_144 : f32 to vector<16xf32>
    %mul3A_146 = arith.mulf %get3A_143, %mul3A_145 : vector<16xf32>
    %convert_element_type3A_147 = arith.fptosi %mul3A_146 : vector<16xf32> to vector<16xi32>
    %get3A_148 = arith.constant 48 : index
    %get3A_149 = tpu.vector_load %arg11[%get3A_148] {strides = array<i32>} : memref<512xf32, #tpu.memory_space<vmem>>, vector<16xf32>,
    %mul3A_150 = arith.constant 5.120000e+02 : f32
    %mul3A_151 = vector.broadcast %mul3A_150 : f32 to vector<16xf32>
    %mul3A_152 = arith.mulf %get3A_149, %mul3A_151 : vector<16xf32>
    %convert_element_type3A_153 = arith.fptosi %mul3A_152 : vector<16xf32> to vector<16xi32>
    %get3A_154 = arith.constant 48 : index
    %get3A_155 = tpu.vector_load %arg12[%get3A_154] {strides = array<i32>} : memref<512xf32, #tpu.memory_space<vmem>>, vector<16xf32>,
    %mul3A_156 = arith.constant 5.120000e+02 : f32
    %mul3A_157 = vector.broadcast %mul3A_156 : f32 to vector<16xf32>
    %mul3A_158 = arith.mulf %get3A_155, %mul3A_157 : vector<16xf32>
    %convert_element_type3A_159 = arith.fptosi %mul3A_158 : vector<16xf32> to vector<16xi32>
    %get3A_160 = arith.constant 48 : index
    %get3A_161 = tpu.vector_load %arg13[%get3A_160] {strides = array<i32>} : memref<512xf32, #tpu.memory_space<vmem>>, vector<16xf32>,
    %mul3A_162 = arith.constant 5.120000e+02 : f32
    %mul3A_163 = vector.broadcast %mul3A_162 : f32 to vector<16xf32>
    %mul3A_164 = arith.mulf %get3A_161, %mul3A_163 : vector<16xf32>
    %convert_element_type3A_165 = arith.fptosi %mul3A_164 : vector<16xf32> to vector<16xi32>
    %mul3A_166 = arith.constant 512 : i32
    %mul3A_167 = vector.broadcast %mul3A_166 : i32 to vector<16xi32>
    %mul3A_168 = arith.muli %convert_element_type3A_153, %mul3A_167 : vector<16xi32>
    %add3A_169 = arith.addi %mul3A_168, %convert_element_type3A_147 : vector<16xi32>
    %swap3A_170 = arith.constant 0 : i32
    %swap3A_171 = arith.index_cast %swap3A_170 : i32 to index
    %swap3A_172 = arith.constant 48 : index
    %swap3A_173 = tpu.vector_load %arg16[%swap3A_171, %swap3A_172] {strides = array<i32>} : memref<8x128xi32, #tpu.memory_space<vmem>>, vector<16xi32>,
    tpu.vector_store %arg16[%swap3A_171, %swap3A_172], %add3A_169 {strides = array<i32>} : memref<8x128xi32, #tpu.memory_space<vmem>>, vector<16xi32>,
    %mul3A_174 = arith.constant 512 : i32
    %mul3A_175 = vector.broadcast %mul3A_174 : i32 to vector<16xi32>
    %mul3A_176 = arith.muli %convert_element_type3A_165, %mul3A_175 : vector<16xi32>
    %add3A_177 = arith.addi %mul3A_176, %convert_element_type3A_159 : vector<16xi32>
    %swap3A_178 = arith.constant 4 : i32
    %swap3A_179 = arith.index_cast %swap3A_178 : i32 to index
    %swap3A_180 = arith.constant 48 : index
    %swap3A_181 = tpu.vector_load %arg16[%swap3A_179, %swap3A_180] {strides = array<i32>} : memref<8x128xi32, #tpu.memory_space<vmem>>, vector<16xi32>,
    tpu.vector_store %arg16[%swap3A_179, %swap3A_180], %add3A_177 {strides = array<i32>} : memref<8x128xi32, #tpu.memory_space<vmem>>, vector<16xi32>,
    %get3A_182 = arith.constant 64 : index
    %get3A_183 = tpu.vector_load %arg10[%get3A_182] {strides = array<i32>} : memref<512xf32, #tpu.memory_space<vmem>>, vector<16xf32>,
    %mul3A_184 = arith.constant 5.120000e+02 : f32
    %mul3A_185 = vector.broadcast %mul3A_184 : f32 to vector<16xf32>
    %mul3A_186 = arith.mulf %get3A_183, %mul3A_185 : vector<16xf32>
    %convert_element_type3A_187 = arith.fptosi %mul3A_186 : vector<16xf32> to vector<16xi32>
    %get3A_188 = arith.constant 64 : index
    %get3A_189 = tpu.vector_load %arg11[%get3A_188] {strides = array<i32>} : memref<512xf32, #tpu.memory_space<vmem>>, vector<16xf32>,
    %mul3A_190 = arith.constant 5.120000e+02 : f32
    %mul3A_191 = vector.broadcast %mul3A_190 : f32 to vector<16xf32>
    %mul3A_192 = arith.mulf %get3A_189, %mul3A_191 : vector<16xf32>
    %convert_element_type3A_193 = arith.fptosi %mul3A_192 : vector<16xf32> to vector<16xi32>
    %get3A_194 = arith.constant 64 : index
    %get3A_195 = tpu.vector_load %arg12[%get3A_194] {strides = array<i32>} : memref<512xf32, #tpu.memory_space<vmem>>, vector<16xf32>,
    %mul3A_196 = arith.constant 5.120000e+02 : f32
    %mul3A_197 = vector.broadcast %mul3A_196 : f32 to vector<16xf32>
    %mul3A_198 = arith.mulf %get3A_195, %mul3A_197 : vector<16xf32>
    %convert_element_type3A_199 = arith.fptosi %mul3A_198 : vector<16xf32> to vector<16xi32>
    %get3A_200 = arith.constant 64 : index
    %get3A_201 = tpu.vector_load %arg13[%get3A_200] {strides = array<i32>} : memref<512xf32, #tpu.memory_space<vmem>>, vector<16xf32>,
    %mul3A_202 = arith.constant 5.120000e+02 : f32
    %mul3A_203 = vector.broadcast %mul3A_202 : f32 to vector<16xf32>
    %mul3A_204 = arith.mulf %get3A_201, %mul3A_203 : vector<16xf32>
    %convert_element_type3A_205 = arith.fptosi %mul3A_204 : vector<16xf32> to vector<16xi32>
    %mul3A_206 = arith.constant 512 : i32
    %mul3A_207 = vector.broadcast %mul3A_206 : i32 to vector<16xi32>
    %mul3A_208 = arith.muli %convert_element_type3A_193, %mul3A_207 : vector<16xi32>
    %add3A_209 = arith.addi %mul3A_208, %convert_element_type3A_187 : vector<16xi32>
    %swap3A_210 = arith.constant 0 : i32
    %swap3A_211 = arith.index_cast %swap3A_210 : i32 to index
    %swap3A_212 = arith.constant 64 : index
    %swap3A_213 = tpu.vector_load %arg16[%swap3A_211, %swap3A_212] {strides = array<i32>} : memref<8x128xi32, #tpu.memory_space<vmem>>, vector<16xi32>,
    tpu.vector_store %arg16[%swap3A_211, %swap3A_212], %add3A_209 {strides = array<i32>} : memref<8x128xi32, #tpu.memory_space<vmem>>, vector<16xi32>,
    %mul3A_214 = arith.constant 512 : i32
    %mul3A_215 = vector.broadcast %mul3A_214 : i32 to vector<16xi32>
    %mul3A_216 = arith.muli %convert_element_type3A_205, %mul3A_215 : vector<16xi32>
    %add3A_217 = arith.addi %mul3A_216, %convert_element_type3A_199 : vector<16xi32>
    %swap3A_218 = arith.constant 4 : i32
    %swap3A_219 = arith.index_cast %swap3A_218 : i32 to index
    %swap3A_220 = arith.constant 64 : index
    %swap3A_221 = tpu.vector_load %arg16[%swap3A_219, %swap3A_220] {strides = array<i32>} : memref<8x128xi32, #tpu.memory_space<vmem>>, vector<16xi32>,
    tpu.vector_store %arg16[%swap3A_219, %swap3A_220], %add3A_217 {strides = array<i32>} : memref<8x128xi32, #tpu.memory_space<vmem>>, vector<16xi32>,
    %get3A_222 = arith.constant 80 : index
    %get3A_223 = tpu.vector_load %arg10[%get3A_222] {strides = array<i32>} : memref<512xf32, #tpu.memory_space<vmem>>, vector<16xf32>,
    %mul3A_224 = arith.constant 5.120000e+02 : f32
    %mul3A_225 = vector.broadcast %mul3A_224 : f32 to vector<16xf32>
    %mul3A_226 = arith.mulf %get3A_223, %mul3A_225 : vector<16xf32>
    %convert_element_type3A_227 = arith.fptosi %mul3A_226 : vector<16xf32> to vector<16xi32>
    %get3A_228 = arith.constant 80 : index
    %get3A_229 = tpu.vector_load %arg11[%get3A_228] {strides = array<i32>} : memref<512xf32, #tpu.memory_space<vmem>>, vector<16xf32>,
    %mul3A_230 = arith.constant 5.120000e+02 : f32
    %mul3A_231 = vector.broadcast %mul3A_230 : f32 to vector<16xf32>
    %mul3A_232 = arith.mulf %get3A_229, %mul3A_231 : vector<16xf32>
    %convert_element_type3A_233 = arith.fptosi %mul3A_232 : vector<16xf32> to vector<16xi32>
    %get3A_234 = arith.constant 80 : index
    %get3A_235 = tpu.vector_load %arg12[%get3A_234] {strides = array<i32>} : memref<512xf32, #tpu.memory_space<vmem>>, vector<16xf32>,
    %mul3A_236 = arith.constant 5.120000e+02 : f32
    %mul3A_237 = vector.broadcast %mul3A_236 : f32 to vector<16xf32>
    %mul3A_238 = arith.mulf %get3A_235, %mul3A_237 : vector<16xf32>
    %convert_element_type3A_239 = arith.fptosi %mul3A_238 : vector<16xf32> to vector<16xi32>
    %get3A_240 = arith.constant 80 : index
    %get3A_241 = tpu.vector_load %arg13[%get3A_240] {strides = array<i32>} : memref<512xf32, #tpu.memory_space<vmem>>, vector<16xf32>,
    %mul3A_242 = arith.constant 5.120000e+02 : f32
    %mul3A_243 = vector.broadcast %mul3A_242 : f32 to vector<16xf32>
    %mul3A_244 = arith.mulf %get3A_241, %mul3A_243 : vector<16xf32>
    %convert_element_type3A_245 = arith.fptosi %mul3A_244 : vector<16xf32> to vector<16xi32>
    %mul3A_246 = arith.constant 512 : i32
    %mul3A_247 = vector.broadcast %mul3A_246 : i32 to vector<16xi32>
    %mul3A_248 = arith.muli %convert_element_type3A_233, %mul3A_247 : vector<16xi32>
    %add3A_249 = arith.addi %mul3A_248, %convert_element_type3A_227 : vector<16xi32>
    %swap3A_250 = arith.constant 0 : i32
    %swap3A_251 = arith.index_cast %swap3A_250 : i32 to index
    %swap3A_252 = arith.constant 80 : index
    %swap3A_253 = tpu.vector_load %arg16[%swap3A_251, %swap3A_252] {strides = array<i32>} : memref<8x128xi32, #tpu.memory_space<vmem>>, vector<16xi32>,
    tpu.vector_store %arg16[%swap3A_251, %swap3A_252], %add3A_249 {strides = array<i32>} : memref<8x128xi32, #tpu.memory_space<vmem>>, vector<16xi32>,
    %mul3A_254 = arith.constant 512 : i32
    %mul3A_255 = vector.broadcast %mul3A_254 : i32 to vector<16xi32>
    %mul3A_256 = arith.muli %convert_element_type3A_245, %mul3A_255 : vector<16xi32>
    %add3A_257 = arith.addi %mul3A_256, %convert_element_type3A_239 : vector<16xi32>
    %swap3A_258 = arith.constant 4 : i32
    %swap3A_259 = arith.index_cast %swap3A_258 : i32 to index
    %swap3A_260 = arith.constant 80 : index
    %swap3A_261 = tpu.vector_load %arg16[%swap3A_259, %swap3A_260] {strides = array<i32>} : memref<8x128xi32, #tpu.memory_space<vmem>>, vector<16xi32>,
    tpu.vector_store %arg16[%swap3A_259, %swap3A_260], %add3A_257 {strides = array<i32>} : memref<8x128xi32, #tpu.memory_space<vmem>>, vector<16xi32>,
    %get3A_262 = arith.constant 96 : index
    %get3A_263 = tpu.vector_load %arg10[%get3A_262] {strides = array<i32>} : memref<512xf32, #tpu.memory_space<vmem>>, vector<16xf32>,
    %mul3A_264 = arith.constant 5.120000e+02 : f32
    %mul3A_265 = vector.broadcast %mul3A_264 : f32 to vector<16xf32>
    %mul3A_266 = arith.mulf %get3A_263, %mul3A_265 : vector<16xf32>
    %convert_element_type3A_267 = arith.fptosi %mul3A_266 : vector<16xf32> to vector<16xi32>
    %get3A_268 = arith.constant 96 : index
    %get3A_269 = tpu.vector_load %arg11[%get3A_268] {strides = array<i32>} : memref<512xf32, #tpu.memory_space<vmem>>, vector<16xf32>,
    %mul3A_270 = arith.constant 5.120000e+02 : f32
    %mul3A_271 = vector.broadcast %mul3A_270 : f32 to vector<16xf32>
    %mul3A_272 = arith.mulf %get3A_269, %mul3A_271 : vector<16xf32>
    %convert_element_type3A_273 = arith.fptosi %mul3A_272 : vector<16xf32> to vector<16xi32>
    %get3A_274 = arith.constant 96 : index
    %get3A_275 = tpu.vector_load %arg12[%get3A_274] {strides = array<i32>} : memref<512xf32, #tpu.memory_space<vmem>>, vector<16xf32>,
    %mul3A_276 = arith.constant 5.120000e+02 : f32
    %mul3A_277 = vector.broadcast %mul3A_276 : f32 to vector<16xf32>
    %mul3A_278 = arith.mulf %get3A_275, %mul3A_277 : vector<16xf32>
    %convert_element_type3A_279 = arith.fptosi %mul3A_278 : vector<16xf32> to vector<16xi32>
    %get3A_280 = arith.constant 96 : index
    %get3A_281 = tpu.vector_load %arg13[%get3A_280] {strides = array<i32>} : memref<512xf32, #tpu.memory_space<vmem>>, vector<16xf32>,
    %mul3A_282 = arith.constant 5.120000e+02 : f32
    %mul3A_283 = vector.broadcast %mul3A_282 : f32 to vector<16xf32>
    %mul3A_284 = arith.mulf %get3A_281, %mul3A_283 : vector<16xf32>
    %convert_element_type3A_285 = arith.fptosi %mul3A_284 : vector<16xf32> to vector<16xi32>
    %mul3A_286 = arith.constant 512 : i32
    %mul3A_287 = vector.broadcast %mul3A_286 : i32 to vector<16xi32>
    %mul3A_288 = arith.muli %convert_element_type3A_273, %mul3A_287 : vector<16xi32>
    %add3A_289 = arith.addi %mul3A_288, %convert_element_type3A_267 : vector<16xi32>
    %swap3A_290 = arith.constant 0 : i32
    %swap3A_291 = arith.index_cast %swap3A_290 : i32 to index
    %swap3A_292 = arith.constant 96 : index
    %swap3A_293 = tpu.vector_load %arg16[%swap3A_291, %swap3A_292] {strides = array<i32>} : memref<8x128xi32, #tpu.memory_space<vmem>>, vector<16xi32>,
    tpu.vector_store %arg16[%swap3A_291, %swap3A_292], %add3A_289 {strides = array<i32>} : memref<8x128xi32, #tpu.memory_space<vmem>>, vector<16xi32>,
    %mul3A_294 = arith.constant 512 : i32
    %mul3A_295 = vector.broadcast %mul3A_294 : i32 to vector<16xi32>
    %mul3A_296 = arith.muli %convert_element_type3A_285, %mul3A_295 : vector<16xi32>
    %add3A_297 = arith.addi %mul3A_296, %convert_element_type3A_279 : vector<16xi32>
    %swap3A_298 = arith.constant 4 : i32
    %swap3A_299 = arith.index_cast %swap3A_298 : i32 to index
    %swap3A_300 = arith.constant 96 : index
    %swap3A_301 = tpu.vector_load %arg16[%swap3A_299, %swap3A_300] {strides = array<i32>} : memref<8x128xi32, #tpu.memory_space<vmem>>, vector<16xi32>,
    tpu.vector_store %arg16[%swap3A_299, %swap3A_300], %add3A_297 {strides = array<i32>} : memref<8x128xi32, #tpu.memory_space<vmem>>, vector<16xi32>,
    %get3A_302 = arith.constant 112 : index
    %get3A_303 = tpu.vector_load %arg10[%get3A_302] {strides = array<i32>} : memref<512xf32, #tpu.memory_space<vmem>>, vector<16xf32>,
    %mul3A_304 = arith.constant 5.120000e+02 : f32
    %mul3A_305 = vector.broadcast %mul3A_304 : f32 to vector<16xf32>
    %mul3A_306 = arith.mulf %get3A_303, %mul3A_305 : vector<16xf32>
    %convert_element_type3A_307 = arith.fptosi %mul3A_306 : vector<16xf32> to vector<16xi32>
    %get3A_308 = arith.constant 112 : index
    %get3A_309 = tpu.vector_load %arg11[%get3A_308] {strides = array<i32>} : memref<512xf32, #tpu.memory_space<vmem>>, vector<16xf32>,
    %mul3A_310 = arith.constant 5.120000e+02 : f32
    %mul3A_311 = vector.broadcast %mul3A_310 : f32 to vector<16xf32>
    %mul3A_312 = arith.mulf %get3A_309, %mul3A_311 : vector<16xf32>
    %convert_element_type3A_313 = arith.fptosi %mul3A_312 : vector<16xf32> to vector<16xi32>
    %get3A_314 = arith.constant 112 : index
    %get3A_315 = tpu.vector_load %arg12[%get3A_314] {strides = array<i32>} : memref<512xf32, #tpu.memory_space<vmem>>, vector<16xf32>,
    %mul3A_316 = arith.constant 5.120000e+02 : f32
    %mul3A_317 = vector.broadcast %mul3A_316 : f32 to vector<16xf32>
    %mul3A_318 = arith.mulf %get3A_315, %mul3A_317 : vector<16xf32>
    %convert_element_type3A_319 = arith.fptosi %mul3A_318 : vector<16xf32> to vector<16xi32>
    %get3A_320 = arith.constant 112 : index
    %get3A_321 = tpu.vector_load %arg13[%get3A_320] {strides = array<i32>} : memref<512xf32, #tpu.memory_space<vmem>>, vector<16xf32>,
    %mul3A_322 = arith.constant 5.120000e+02 : f32
    %mul3A_323 = vector.broadcast %mul3A_322 : f32 to vector<16xf32>
    %mul3A_324 = arith.mulf %get3A_321, %mul3A_323 : vector<16xf32>
    %convert_element_type3A_325 = arith.fptosi %mul3A_324 : vector<16xf32> to vector<16xi32>
    %mul3A_326 = arith.constant 512 : i32
    %mul3A_327 = vector.broadcast %mul3A_326 : i32 to vector<16xi32>
    %mul3A_328 = arith.muli %convert_element_type3A_313, %mul3A_327 : vector<16xi32>
    %add3A_329 = arith.addi %mul3A_328, %convert_element_type3A_307 : vector<16xi32>
    %swap3A_330 = arith.constant 0 : i32
    %swap3A_331 = arith.index_cast %swap3A_330 : i32 to index
    %swap3A_332 = arith.constant 112 : index
    %swap3A_333 = tpu.vector_load %arg16[%swap3A_331, %swap3A_332] {strides = array<i32>} : memref<8x128xi32, #tpu.memory_space<vmem>>, vector<16xi32>,
    tpu.vector_store %arg16[%swap3A_331, %swap3A_332], %add3A_329 {strides = array<i32>} : memref<8x128xi32, #tpu.memory_space<vmem>>, vector<16xi32>,
    %mul3A_334 = arith.constant 512 : i32
    %mul3A_335 = vector.broadcast %mul3A_334 : i32 to vector<16xi32>
    %mul3A_336 = arith.muli %convert_element_type3A_325, %mul3A_335 : vector<16xi32>
    %add3A_337 = arith.addi %mul3A_336, %convert_element_type3A_319 : vector<16xi32>
    %swap3A_338 = arith.constant 4 : i32
    %swap3A_339 = arith.index_cast %swap3A_338 : i32 to index
    %swap3A_340 = arith.constant 112 : index
    %swap3A_341 = tpu.vector_load %arg16[%swap3A_339, %swap3A_340] {strides = array<i32>} : memref<8x128xi32, #tpu.memory_space<vmem>>, vector<16xi32>,
    tpu.vector_store %arg16[%swap3A_339, %swap3A_340], %add3A_337 {strides = array<i32>} : memref<8x128xi32, #tpu.memory_space<vmem>>, vector<16xi32>,
    %dma_start3A_342 = arith.constant 0 : i32
    %dma_start3A_343 = arith.constant 0 : i32
    %dma_start3A_344 = arith.constant 0 : i32
    %dma_start3A_345 = tpu.memref_slice %arg17[%dma_start3A_343, %dma_start3A_344] : memref<8x128xf32, #tpu.memory_space<vmem>> -> memref<1x128xf32, #tpu.memory_space<vmem>>
    %dma_start3A_346 = tpu.memref_squeeze %dma_start3A_345 : memref<1x128xf32, #tpu.memory_space<vmem>> -> memref<128xf32, #tpu.memory_space<vmem>>
    %dma_start3A_347 = arith.constant 0 : i32
    %dma_start3A_348 = tpu.memref_slice %arg16[%dma_start3A_342, %dma_start3A_347] : memref<8x128xi32, #tpu.memory_space<vmem>> -> memref<1x128xi32, #tpu.memory_space<vmem>>
    %dma_start3A_349 = tpu.memref_squeeze %dma_start3A_348 : memref<1x128xi32, #tpu.memory_space<vmem>> -> memref<128xi32, #tpu.memory_space<vmem>>
    %dma_start3A_350 = arith.constant 0 : i32
    %dma_start3A_351 = tpu.memref_slice %arg2[%dma_start3A_350] : memref<262144xf32, #tpu.memory_space<hbm>> -> memref<262144xf32, #tpu.memory_space<hbm>>
    tpu.enqueue_indirect_dma source(%dma_start3A_351 : memref<262144xf32, #tpu.memory_space<hbm>>) target(%dma_start3A_346 : memref<128xf32, #tpu.memory_space<vmem>>) offsets(%dma_start3A_349 : memref<128xi32, #tpu.memory_space<vmem>>) semaphore(%arg19 : memref<!tpu.dma_semaphore, #tpu.memory_space<semaphore_mem>>)
    %dma_start3A_352 = arith.constant 4 : i32
    %dma_start3A_353 = arith.constant 4 : i32
    %dma_start3A_354 = arith.constant 0 : i32
    %dma_start3A_355 = tpu.memref_slice %arg17[%dma_start3A_353, %dma_start3A_354] : memref<8x128xf32, #tpu.memory_space<vmem>> -> memref<1x128xf32, #tpu.memory_space<vmem>>
    %dma_start3A_356 = tpu.memref_squeeze %dma_start3A_355 : memref<1x128xf32, #tpu.memory_space<vmem>> -> memref<128xf32, #tpu.memory_space<vmem>>
    %dma_start3A_357 = arith.constant 0 : i32
    %dma_start3A_358 = tpu.memref_slice %arg16[%dma_start3A_352, %dma_start3A_357] : memref<8x128xi32, #tpu.memory_space<vmem>> -> memref<1x128xi32, #tpu.memory_space<vmem>>
    %dma_start3A_359 = tpu.memref_squeeze %dma_start3A_358 : memref<1x128xi32, #tpu.memory_space<vmem>> -> memref<128xi32, #tpu.memory_space<vmem>>
    %dma_start3A_360 = arith.constant 0 : i32
    %dma_start3A_361 = tpu.memref_slice %arg2[%dma_start3A_360] : memref<262144xf32, #tpu.memory_space<hbm>> -> memref<262144xf32, #tpu.memory_space<hbm>>
    tpu.enqueue_indirect_dma source(%dma_start3A_361 : memref<262144xf32, #tpu.memory_space<hbm>>) target(%dma_start3A_356 : memref<128xf32, #tpu.memory_space<vmem>>) offsets(%dma_start3A_359 : memref<128xi32, #tpu.memory_space<vmem>>) semaphore(%arg19 : memref<!tpu.dma_semaphore, #tpu.memory_space<semaphore_mem>>)
    %get3A_362 = arith.constant 128 : index
    %get3A_363 = tpu.vector_load %arg10[%get3A_362] {strides = array<i32>} : memref<512xf32, #tpu.memory_space<vmem>>, vector<16xf32>,
    %mul3A_364 = arith.constant 5.120000e+02 : f32
    %mul3A_365 = vector.broadcast %mul3A_364 : f32 to vector<16xf32>
    %mul3A_366 = arith.mulf %get3A_363, %mul3A_365 : vector<16xf32>
    %convert_element_type3A_367 = arith.fptosi %mul3A_366 : vector<16xf32> to vector<16xi32>
    %get3A_368 = arith.constant 128 : index
    %get3A_369 = tpu.vector_load %arg11[%get3A_368] {strides = array<i32>} : memref<512xf32, #tpu.memory_space<vmem>>, vector<16xf32>,
    %mul3A_370 = arith.constant 5.120000e+02 : f32
    %mul3A_371 = vector.broadcast %mul3A_370 : f32 to vector<16xf32>
    %mul3A_372 = arith.mulf %get3A_369, %mul3A_371 : vector<16xf32>
    %convert_element_type3A_373 = arith.fptosi %mul3A_372 : vector<16xf32> to vector<16xi32>
    %get3A_374 = arith.constant 128 : index
    %get3A_375 = tpu.vector_load %arg12[%get3A_374] {strides = array<i32>} : memref<512xf32, #tpu.memory_space<vmem>>, vector<16xf32>,
    %mul3A_376 = arith.constant 5.120000e+02 : f32
    %mul3A_377 = vector.broadcast %mul3A_376 : f32 to vector<16xf32>
    %mul3A_378 = arith.mulf %get3A_375, %mul3A_377 : vector<16xf32>
    %convert_element_type3A_379 = arith.fptosi %mul3A_378 : vector<16xf32> to vector<16xi32>
    %get3A_380 = arith.constant 128 : index
    %get3A_381 = tpu.vector_load %arg13[%get3A_380] {strides = array<i32>} : memref<512xf32, #tpu.memory_space<vmem>>, vector<16xf32>,
    %mul3A_382 = arith.constant 5.120000e+02 : f32
    %mul3A_383 = vector.broadcast %mul3A_382 : f32 to vector<16xf32>
    %mul3A_384 = arith.mulf %get3A_381, %mul3A_383 : vector<16xf32>
    %convert_element_type3A_385 = arith.fptosi %mul3A_384 : vector<16xf32> to vector<16xi32>
    %mul3A_386 = arith.constant 512 : i32
    %mul3A_387 = vector.broadcast %mul3A_386 : i32 to vector<16xi32>
    %mul3A_388 = arith.muli %convert_element_type3A_373, %mul3A_387 : vector<16xi32>
    %add3A_389 = arith.addi %mul3A_388, %convert_element_type3A_367 : vector<16xi32>
    %swap3A_390 = arith.constant 1 : i32
    %swap3A_391 = arith.index_cast %swap3A_390 : i32 to index
    %swap3A_392 = arith.constant 0 : index
    %swap3A_393 = tpu.vector_load %arg16[%swap3A_391, %swap3A_392] {strides = array<i32>} : memref<8x128xi32, #tpu.memory_space<vmem>>, vector<16xi32>,
    tpu.vector_store %arg16[%swap3A_391, %swap3A_392], %add3A_389 {strides = array<i32>} : memref<8x128xi32, #tpu.memory_space<vmem>>, vector<16xi32>,
    %mul3A_394 = arith.constant 512 : i32
    %mul3A_395 = vector.broadcast %mul3A_394 : i32 to vector<16xi32>
    %mul3A_396 = arith.muli %convert_element_type3A_385, %mul3A_395 : vector<16xi32>
    %add3A_397 = arith.addi %mul3A_396, %convert_element_type3A_379 : vector<16xi32>
    %swap3A_398 = arith.constant 5 : i32
    %swap3A_399 = arith.index_cast %swap3A_398 : i32 to index
    %swap3A_400 = arith.constant 0 : index
    %swap3A_401 = tpu.vector_load %arg16[%swap3A_399, %swap3A_400] {strides = array<i32>} : memref<8x128xi32, #tpu.memory_space<vmem>>, vector<16xi32>,
    tpu.vector_store %arg16[%swap3A_399, %swap3A_400], %add3A_397 {strides = array<i32>} : memref<8x128xi32, #tpu.memory_space<vmem>>, vector<16xi32>,
    %get3A_402 = arith.constant 144 : index
    %get3A_403 = tpu.vector_load %arg10[%get3A_402] {strides = array<i32>} : memref<512xf32, #tpu.memory_space<vmem>>, vector<16xf32>,
    %mul3A_404 = arith.constant 5.120000e+02 : f32
    %mul3A_405 = vector.broadcast %mul3A_404 : f32 to vector<16xf32>
    %mul3A_406 = arith.mulf %get3A_403, %mul3A_405 : vector<16xf32>
    %convert_element_type3A_407 = arith.fptosi %mul3A_406 : vector<16xf32> to vector<16xi32>
    %get3A_408 = arith.constant 144 : index
    %get3A_409 = tpu.vector_load %arg11[%get3A_408] {strides = array<i32>} : memref<512xf32, #tpu.memory_space<vmem>>, vector<16xf32>,
    %mul3A_410 = arith.constant 5.120000e+02 : f32
    %mul3A_411 = vector.broadcast %mul3A_410 : f32 to vector<16xf32>
    %mul3A_412 = arith.mulf %get3A_409, %mul3A_411 : vector<16xf32>
    %convert_element_type3A_413 = arith.fptosi %mul3A_412 : vector<16xf32> to vector<16xi32>
    %get3A_414 = arith.constant 144 : index
    %get3A_415 = tpu.vector_load %arg12[%get3A_414] {strides = array<i32>} : memref<512xf32, #tpu.memory_space<vmem>>, vector<16xf32>,
    %mul3A_416 = arith.constant 5.120000e+02 : f32
    %mul3A_417 = vector.broadcast %mul3A_416 : f32 to vector<16xf32>
    %mul3A_418 = arith.mulf %get3A_415, %mul3A_417 : vector<16xf32>
    %convert_element_type3A_419 = arith.fptosi %mul3A_418 : vector<16xf32> to vector<16xi32>
    %get3A_420 = arith.constant 144 : index
    %get3A_421 = tpu.vector_load %arg13[%get3A_420] {strides = array<i32>} : memref<512xf32, #tpu.memory_space<vmem>>, vector<16xf32>,
    %mul3A_422 = arith.constant 5.120000e+02 : f32
    %mul3A_423 = vector.broadcast %mul3A_422 : f32 to vector<16xf32>
    %mul3A_424 = arith.mulf %get3A_421, %mul3A_423 : vector<16xf32>
    %convert_element_type3A_425 = arith.fptosi %mul3A_424 : vector<16xf32> to vector<16xi32>
    %mul3A_426 = arith.constant 512 : i32
    %mul3A_427 = vector.broadcast %mul3A_426 : i32 to vector<16xi32>
    %mul3A_428 = arith.muli %convert_element_type3A_413, %mul3A_427 : vector<16xi32>
    %add3A_429 = arith.addi %mul3A_428, %convert_element_type3A_407 : vector<16xi32>
    %swap3A_430 = arith.constant 1 : i32
    %swap3A_431 = arith.index_cast %swap3A_430 : i32 to index
    %swap3A_432 = arith.constant 16 : index
    %swap3A_433 = tpu.vector_load %arg16[%swap3A_431, %swap3A_432] {strides = array<i32>} : memref<8x128xi32, #tpu.memory_space<vmem>>, vector<16xi32>,
    tpu.vector_store %arg16[%swap3A_431, %swap3A_432], %add3A_429 {strides = array<i32>} : memref<8x128xi32, #tpu.memory_space<vmem>>, vector<16xi32>,
    %mul3A_434 = arith.constant 512 : i32
    %mul3A_435 = vector.broadcast %mul3A_434 : i32 to vector<16xi32>
    %mul3A_436 = arith.muli %convert_element_type3A_425, %mul3A_435 : vector<16xi32>
    %add3A_437 = arith.addi %mul3A_436, %convert_element_type3A_419 : vector<16xi32>
    %swap3A_438 = arith.constant 5 : i32
    %swap3A_439 = arith.index_cast %swap3A_438 : i32 to index
    %swap3A_440 = arith.constant 16 : index
    %swap3A_441 = tpu.vector_load %arg16[%swap3A_439, %swap3A_440] {strides = array<i32>} : memref<8x128xi32, #tpu.memory_space<vmem>>, vector<16xi32>,
    tpu.vector_store %arg16[%swap3A_439, %swap3A_440], %add3A_437 {strides = array<i32>} : memref<8x128xi32, #tpu.memory_space<vmem>>, vector<16xi32>,
    %get3A_442 = arith.constant 160 : index
    %get3A_443 = tpu.vector_load %arg10[%get3A_442] {strides = array<i32>} : memref<512xf32, #tpu.memory_space<vmem>>, vector<16xf32>,
    %mul3A_444 = arith.constant 5.120000e+02 : f32
    %mul3A_445 = vector.broadcast %mul3A_444 : f32 to vector<16xf32>
    %mul3A_446 = arith.mulf %get3A_443, %mul3A_445 : vector<16xf32>
    %convert_element_type3A_447 = arith.fptosi %mul3A_446 : vector<16xf32> to vector<16xi32>
    %get3A_448 = arith.constant 160 : index
    %get3A_449 = tpu.vector_load %arg11[%get3A_448] {strides = array<i32>} : memref<512xf32, #tpu.memory_space<vmem>>, vector<16xf32>,
    %mul3A_450 = arith.constant 5.120000e+02 : f32
    %mul3A_451 = vector.broadcast %mul3A_450 : f32 to vector<16xf32>
    %mul3A_452 = arith.mulf %get3A_449, %mul3A_451 : vector<16xf32>
    %convert_element_type3A_453 = arith.fptosi %mul3A_452 : vector<16xf32> to vector<16xi32>
    %get3A_454 = arith.constant 160 : index
    %get3A_455 = tpu.vector_load %arg12[%get3A_454] {strides = array<i32>} : memref<512xf32, #tpu.memory_space<vmem>>, vector<16xf32>,
    %mul3A_456 = arith.constant 5.120000e+02 : f32
    %mul3A_457 = vector.broadcast %mul3A_456 : f32 to vector<16xf32>
    %mul3A_458 = arith.mulf %get3A_455, %mul3A_457 : vector<16xf32>
    %convert_element_type3A_459 = arith.fptosi %mul3A_458 : vector<16xf32> to vector<16xi32>
    %get3A_460 = arith.constant 160 : index
    %get3A_461 = tpu.vector_load %arg13[%get3A_460] {strides = array<i32>} : memref<512xf32, #tpu.memory_space<vmem>>, vector<16xf32>,
    %mul3A_462 = arith.constant 5.120000e+02 : f32
    %mul3A_463 = vector.broadcast %mul3A_462 : f32 to vector<16xf32>
    %mul3A_464 = arith.mulf %get3A_461, %mul3A_463 : vector<16xf32>
    %convert_element_type3A_465 = arith.fptosi %mul3A_464 : vector<16xf32> to vector<16xi32>
    %mul3A_466 = arith.constant 512 : i32
    %mul3A_467 = vector.broadcast %mul3A_466 : i32 to vector<16xi32>
    %mul3A_468 = arith.muli %convert_element_type3A_453, %mul3A_467 : vector<16xi32>
    %add3A_469 = arith.addi %mul3A_468, %convert_element_type3A_447 : vector<16xi32>
    %swap3A_470 = arith.constant 1 : i32
    %swap3A_471 = arith.index_cast %swap3A_470 : i32 to index
    %swap3A_472 = arith.constant 32 : index
    %swap3A_473 = tpu.vector_load %arg16[%swap3A_471, %swap3A_472] {strides = array<i32>} : memref<8x128xi32, #tpu.memory_space<vmem>>, vector<16xi32>,
    tpu.vector_store %arg16[%swap3A_471, %swap3A_472], %add3A_469 {strides = array<i32>} : memref<8x128xi32, #tpu.memory_space<vmem>>, vector<16xi32>,
    %mul3A_474 = arith.constant 512 : i32
    %mul3A_475 = vector.broadcast %mul3A_474 : i32 to vector<16xi32>
    %mul3A_476 = arith.muli %convert_element_type3A_465, %mul3A_475 : vector<16xi32>
    %add3A_477 = arith.addi %mul3A_476, %convert_element_type3A_459 : vector<16xi32>
    %swap3A_478 = arith.constant 5 : i32
    %swap3A_479 = arith.index_cast %swap3A_478 : i32 to index
    %swap3A_480 = arith.constant 32 : index
    %swap3A_481 = tpu.vector_load %arg16[%swap3A_479, %swap3A_480] {strides = array<i32>} : memref<8x128xi32, #tpu.memory_space<vmem>>, vector<16xi32>,
    tpu.vector_store %arg16[%swap3A_479, %swap3A_480], %add3A_477 {strides = array<i32>} : memref<8x128xi32, #tpu.memory_space<vmem>>, vector<16xi32>,
    %get3A_482 = arith.constant 176 : index
    %get3A_483 = tpu.vector_load %arg10[%get3A_482] {strides = array<i32>} : memref<512xf32, #tpu.memory_space<vmem>>, vector<16xf32>,
    %mul3A_484 = arith.constant 5.120000e+02 : f32
    %mul3A_485 = vector.broadcast %mul3A_484 : f32 to vector<16xf32>
    %mul3A_486 = arith.mulf %get3A_483, %mul3A_485 : vector<16xf32>
    %convert_element_type3A_487 = arith.fptosi %mul3A_486 : vector<16xf32> to vector<16xi32>
    %get3A_488 = arith.constant 176 : index
    %get3A_489 = tpu.vector_load %arg11[%get3A_488] {strides = array<i32>} : memref<512xf32, #tpu.memory_space<vmem>>, vector<16xf32>,
    %mul3A_490 = arith.constant 5.120000e+02 : f32
    %mul3A_491 = vector.broadcast %mul3A_490 : f32 to vector<16xf32>
    %mul3A_492 = arith.mulf %get3A_489, %mul3A_491 : vector<16xf32>
    %convert_element_type3A_493 = arith.fptosi %mul3A_492 : vector<16xf32> to vector<16xi32>
    %get3A_494 = arith.constant 176 : index
    %get3A_495 = tpu.vector_load %arg12[%get3A_494] {strides = array<i32>} : memref<512xf32, #tpu.memory_space<vmem>>, vector<16xf32>,
    %mul3A_496 = arith.constant 5.120000e+02 : f32
    %mul3A_497 = vector.broadcast %mul3A_496 : f32 to vector<16xf32>
    %mul3A_498 = arith.mulf %get3A_495, %mul3A_497 : vector<16xf32>
    %convert_element_type3A_499 = arith.fptosi %mul3A_498 : vector<16xf32> to vector<16xi32>
    %get3A_500 = arith.constant 176 : index
    %get3A_501 = tpu.vector_load %arg13[%get3A_500] {strides = array<i32>} : memref<512xf32, #tpu.memory_space<vmem>>, vector<16xf32>,
    %mul3A_502 = arith.constant 5.120000e+02 : f32
    %mul3A_503 = vector.broadcast %mul3A_502 : f32 to vector<16xf32>
    %mul3A_504 = arith.mulf %get3A_501, %mul3A_503 : vector<16xf32>
    %convert_element_type3A_505 = arith.fptosi %mul3A_504 : vector<16xf32> to vector<16xi32>
    %mul3A_506 = arith.constant 512 : i32
    %mul3A_507 = vector.broadcast %mul3A_506 : i32 to vector<16xi32>
    %mul3A_508 = arith.muli %convert_element_type3A_493, %mul3A_507 : vector<16xi32>
    %add3A_509 = arith.addi %mul3A_508, %convert_element_type3A_487 : vector<16xi32>
    %swap3A_510 = arith.constant 1 : i32
    %swap3A_511 = arith.index_cast %swap3A_510 : i32 to index
    %swap3A_512 = arith.constant 48 : index
    %swap3A_513 = tpu.vector_load %arg16[%swap3A_511, %swap3A_512] {strides = array<i32>} : memref<8x128xi32, #tpu.memory_space<vmem>>, vector<16xi32>,
    tpu.vector_store %arg16[%swap3A_511, %swap3A_512], %add3A_509 {strides = array<i32>} : memref<8x128xi32, #tpu.memory_space<vmem>>, vector<16xi32>,
    %mul3A_514 = arith.constant 512 : i32
    %mul3A_515 = vector.broadcast %mul3A_514 : i32 to vector<16xi32>
    %mul3A_516 = arith.muli %convert_element_type3A_505, %mul3A_515 : vector<16xi32>
    %add3A_517 = arith.addi %mul3A_516, %convert_element_type3A_499 : vector<16xi32>
    %swap3A_518 = arith.constant 5 : i32
    %swap3A_519 = arith.index_cast %swap3A_518 : i32 to index
    %swap3A_520 = arith.constant 48 : index
    %swap3A_521 = tpu.vector_load %arg16[%swap3A_519, %swap3A_520] {strides = array<i32>} : memref<8x128xi32, #tpu.memory_space<vmem>>, vector<16xi32>,
    tpu.vector_store %arg16[%swap3A_519, %swap3A_520], %add3A_517 {strides = array<i32>} : memref<8x128xi32, #tpu.memory_space<vmem>>, vector<16xi32>,
    %get3A_522 = arith.constant 192 : index
    %get3A_523 = tpu.vector_load %arg10[%get3A_522] {strides = array<i32>} : memref<512xf32, #tpu.memory_space<vmem>>, vector<16xf32>,
    %mul3A_524 = arith.constant 5.120000e+02 : f32
    %mul3A_525 = vector.broadcast %mul3A_524 : f32 to vector<16xf32>
    %mul3A_526 = arith.mulf %get3A_523, %mul3A_525 : vector<16xf32>
    %convert_element_type3A_527 = arith.fptosi %mul3A_526 : vector<16xf32> to vector<16xi32>
    %get3A_528 = arith.constant 192 : index
    %get3A_529 = tpu.vector_load %arg11[%get3A_528] {strides = array<i32>} : memref<512xf32, #tpu.memory_space<vmem>>, vector<16xf32>,
    %mul3A_530 = arith.constant 5.120000e+02 : f32
    %mul3A_531 = vector.broadcast %mul3A_530 : f32 to vector<16xf32>
    %mul3A_532 = arith.mulf %get3A_529, %mul3A_531 : vector<16xf32>
    %convert_element_type3A_533 = arith.fptosi %mul3A_532 : vector<16xf32> to vector<16xi32>
    %get3A_534 = arith.constant 192 : index
    %get3A_535 = tpu.vector_load %arg12[%get3A_534] {strides = array<i32>} : memref<512xf32, #tpu.memory_space<vmem>>, vector<16xf32>,
    %mul3A_536 = arith.constant 5.120000e+02 : f32
    %mul3A_537 = vector.broadcast %mul3A_536 : f32 to vector<16xf32>
    %mul3A_538 = arith.mulf %get3A_535, %mul3A_537 : vector<16xf32>
    %convert_element_type3A_539 = arith.fptosi %mul3A_538 : vector<16xf32> to vector<16xi32>
    %get3A_540 = arith.constant 192 : index
    %get3A_541 = tpu.vector_load %arg13[%get3A_540] {strides = array<i32>} : memref<512xf32, #tpu.memory_space<vmem>>, vector<16xf32>,
    %mul3A_542 = arith.constant 5.120000e+02 : f32
    %mul3A_543 = vector.broadcast %mul3A_542 : f32 to vector<16xf32>
    %mul3A_544 = arith.mulf %get3A_541, %mul3A_543 : vector<16xf32>
    %convert_element_type3A_545 = arith.fptosi %mul3A_544 : vector<16xf32> to vector<16xi32>
    %mul3A_546 = arith.constant 512 : i32
    %mul3A_547 = vector.broadcast %mul3A_546 : i32 to vector<16xi32>
    %mul3A_548 = arith.muli %convert_element_type3A_533, %mul3A_547 : vector<16xi32>
    %add3A_549 = arith.addi %mul3A_548, %convert_element_type3A_527 : vector<16xi32>
    %swap3A_550 = arith.constant 1 : i32
    %swap3A_551 = arith.index_cast %swap3A_550 : i32 to index
    %swap3A_552 = arith.constant 64 : index
    %swap3A_553 = tpu.vector_load %arg16[%swap3A_551, %swap3A_552] {strides = array<i32>} : memref<8x128xi32, #tpu.memory_space<vmem>>, vector<16xi32>,
    tpu.vector_store %arg16[%swap3A_551, %swap3A_552], %add3A_549 {strides = array<i32>} : memref<8x128xi32, #tpu.memory_space<vmem>>, vector<16xi32>,
    %mul3A_554 = arith.constant 512 : i32
    %mul3A_555 = vector.broadcast %mul3A_554 : i32 to vector<16xi32>
    %mul3A_556 = arith.muli %convert_element_type3A_545, %mul3A_555 : vector<16xi32>
    %add3A_557 = arith.addi %mul3A_556, %convert_element_type3A_539 : vector<16xi32>
    %swap3A_558 = arith.constant 5 : i32
    %swap3A_559 = arith.index_cast %swap3A_558 : i32 to index
    %swap3A_560 = arith.constant 64 : index
    %swap3A_561 = tpu.vector_load %arg16[%swap3A_559, %swap3A_560] {strides = array<i32>} : memref<8x128xi32, #tpu.memory_space<vmem>>, vector<16xi32>,
    tpu.vector_store %arg16[%swap3A_559, %swap3A_560], %add3A_557 {strides = array<i32>} : memref<8x128xi32, #tpu.memory_space<vmem>>, vector<16xi32>,
    %get3A_562 = arith.constant 208 : index
    %get3A_563 = tpu.vector_load %arg10[%get3A_562] {strides = array<i32>} : memref<512xf32, #tpu.memory_space<vmem>>, vector<16xf32>,
    %mul3A_564 = arith.constant 5.120000e+02 : f32
    %mul3A_565 = vector.broadcast %mul3A_564 : f32 to vector<16xf32>
    %mul3A_566 = arith.mulf %get3A_563, %mul3A_565 : vector<16xf32>
    %convert_element_type3A_567 = arith.fptosi %mul3A_566 : vector<16xf32> to vector<16xi32>
    %get3A_568 = arith.constant 208 : index
    %get3A_569 = tpu.vector_load %arg11[%get3A_568] {strides = array<i32>} : memref<512xf32, #tpu.memory_space<vmem>>, vector<16xf32>,
    %mul3A_570 = arith.constant 5.120000e+02 : f32
    %mul3A_571 = vector.broadcast %mul3A_570 : f32 to vector<16xf32>
    %mul3A_572 = arith.mulf %get3A_569, %mul3A_571 : vector<16xf32>
    %convert_element_type3A_573 = arith.fptosi %mul3A_572 : vector<16xf32> to vector<16xi32>
    %get3A_574 = arith.constant 208 : index
    %get3A_575 = tpu.vector_load %arg12[%get3A_574] {strides = array<i32>} : memref<512xf32, #tpu.memory_space<vmem>>, vector<16xf32>,
    %mul3A_576 = arith.constant 5.120000e+02 : f32
    %mul3A_577 = vector.broadcast %mul3A_576 : f32 to vector<16xf32>
    %mul3A_578 = arith.mulf %get3A_575, %mul3A_577 : vector<16xf32>
    %convert_element_type3A_579 = arith.fptosi %mul3A_578 : vector<16xf32> to vector<16xi32>
    %get3A_580 = arith.constant 208 : index
    %get3A_581 = tpu.vector_load %arg13[%get3A_580] {strides = array<i32>} : memref<512xf32, #tpu.memory_space<vmem>>, vector<16xf32>,
    %mul3A_582 = arith.constant 5.120000e+02 : f32
    %mul3A_583 = vector.broadcast %mul3A_582 : f32 to vector<16xf32>
    %mul3A_584 = arith.mulf %get3A_581, %mul3A_583 : vector<16xf32>
    %convert_element_type3A_585 = arith.fptosi %mul3A_584 : vector<16xf32> to vector<16xi32>
    %mul3A_586 = arith.constant 512 : i32
    %mul3A_587 = vector.broadcast %mul3A_586 : i32 to vector<16xi32>
    %mul3A_588 = arith.muli %convert_element_type3A_573, %mul3A_587 : vector<16xi32>
    %add3A_589 = arith.addi %mul3A_588, %convert_element_type3A_567 : vector<16xi32>
    %swap3A_590 = arith.constant 1 : i32
    %swap3A_591 = arith.index_cast %swap3A_590 : i32 to index
    %swap3A_592 = arith.constant 80 : index
    %swap3A_593 = tpu.vector_load %arg16[%swap3A_591, %swap3A_592] {strides = array<i32>} : memref<8x128xi32, #tpu.memory_space<vmem>>, vector<16xi32>,
    tpu.vector_store %arg16[%swap3A_591, %swap3A_592], %add3A_589 {strides = array<i32>} : memref<8x128xi32, #tpu.memory_space<vmem>>, vector<16xi32>,
    %mul3A_594 = arith.constant 512 : i32
    %mul3A_595 = vector.broadcast %mul3A_594 : i32 to vector<16xi32>
    %mul3A_596 = arith.muli %convert_element_type3A_585, %mul3A_595 : vector<16xi32>
    %add3A_597 = arith.addi %mul3A_596, %convert_element_type3A_579 : vector<16xi32>
    %swap3A_598 = arith.constant 5 : i32
    %swap3A_599 = arith.index_cast %swap3A_598 : i32 to index
    %swap3A_600 = arith.constant 80 : index
    %swap3A_601 = tpu.vector_load %arg16[%swap3A_599, %swap3A_600] {strides = array<i32>} : memref<8x128xi32, #tpu.memory_space<vmem>>, vector<16xi32>,
    tpu.vector_store %arg16[%swap3A_599, %swap3A_600], %add3A_597 {strides = array<i32>} : memref<8x128xi32, #tpu.memory_space<vmem>>, vector<16xi32>,
    %get3A_602 = arith.constant 224 : index
    %get3A_603 = tpu.vector_load %arg10[%get3A_602] {strides = array<i32>} : memref<512xf32, #tpu.memory_space<vmem>>, vector<16xf32>,
    %mul3A_604 = arith.constant 5.120000e+02 : f32
    %mul3A_605 = vector.broadcast %mul3A_604 : f32 to vector<16xf32>
    %mul3A_606 = arith.mulf %get3A_603, %mul3A_605 : vector<16xf32>
    %convert_element_type3A_607 = arith.fptosi %mul3A_606 : vector<16xf32> to vector<16xi32>
    %get3A_608 = arith.constant 224 : index
    %get3A_609 = tpu.vector_load %arg11[%get3A_608] {strides = array<i32>} : memref<512xf32, #tpu.memory_space<vmem>>, vector<16xf32>,
    %mul3A_610 = arith.constant 5.120000e+02 : f32
    %mul3A_611 = vector.broadcast %mul3A_610 : f32 to vector<16xf32>
    %mul3A_612 = arith.mulf %get3A_609, %mul3A_611 : vector<16xf32>
    %convert_element_type3A_613 = arith.fptosi %mul3A_612 : vector<16xf32> to vector<16xi32>
    %get3A_614 = arith.constant 224 : index
    %get3A_615 = tpu.vector_load %arg12[%get3A_614] {strides = array<i32>} : memref<512xf32, #tpu.memory_space<vmem>>, vector<16xf32>,
    %mul3A_616 = arith.constant 5.120000e+02 : f32
    %mul3A_617 = vector.broadcast %mul3A_616 : f32 to vector<16xf32>
    %mul3A_618 = arith.mulf %get3A_615, %mul3A_617 : vector<16xf32>
    %convert_element_type3A_619 = arith.fptosi %mul3A_618 : vector<16xf32> to vector<16xi32>
    %get3A_620 = arith.constant 224 : index
    %get3A_621 = tpu.vector_load %arg13[%get3A_620] {strides = array<i32>} : memref<512xf32, #tpu.memory_space<vmem>>, vector<16xf32>,
    %mul3A_622 = arith.constant 5.120000e+02 : f32
    %mul3A_623 = vector.broadcast %mul3A_622 : f32 to vector<16xf32>
    %mul3A_624 = arith.mulf %get3A_621, %mul3A_623 : vector<16xf32>
    %convert_element_type3A_625 = arith.fptosi %mul3A_624 : vector<16xf32> to vector<16xi32>
    %mul3A_626 = arith.constant 512 : i32
    %mul3A_627 = vector.broadcast %mul3A_626 : i32 to vector<16xi32>
    %mul3A_628 = arith.muli %convert_element_type3A_613, %mul3A_627 : vector<16xi32>
    %add3A_629 = arith.addi %mul3A_628, %convert_element_type3A_607 : vector<16xi32>
    %swap3A_630 = arith.constant 1 : i32
    %swap3A_631 = arith.index_cast %swap3A_630 : i32 to index
    %swap3A_632 = arith.constant 96 : index
    %swap3A_633 = tpu.vector_load %arg16[%swap3A_631, %swap3A_632] {strides = array<i32>} : memref<8x128xi32, #tpu.memory_space<vmem>>, vector<16xi32>,
    tpu.vector_store %arg16[%swap3A_631, %swap3A_632], %add3A_629 {strides = array<i32>} : memref<8x128xi32, #tpu.memory_space<vmem>>, vector<16xi32>,
    %mul3A_634 = arith.constant 512 : i32
    %mul3A_635 = vector.broadcast %mul3A_634 : i32 to vector<16xi32>
    %mul3A_636 = arith.muli %convert_element_type3A_625, %mul3A_635 : vector<16xi32>
    %add3A_637 = arith.addi %mul3A_636, %convert_element_type3A_619 : vector<16xi32>
    %swap3A_638 = arith.constant 5 : i32
    %swap3A_639 = arith.index_cast %swap3A_638 : i32 to index
    %swap3A_640 = arith.constant 96 : index
    %swap3A_641 = tpu.vector_load %arg16[%swap3A_639, %swap3A_640] {strides = array<i32>} : memref<8x128xi32, #tpu.memory_space<vmem>>, vector<16xi32>,
    tpu.vector_store %arg16[%swap3A_639, %swap3A_640], %add3A_637 {strides = array<i32>} : memref<8x128xi32, #tpu.memory_space<vmem>>, vector<16xi32>,
    %get3A_642 = arith.constant 240 : index
    %get3A_643 = tpu.vector_load %arg10[%get3A_642] {strides = array<i32>} : memref<512xf32, #tpu.memory_space<vmem>>, vector<16xf32>,
    %mul3A_644 = arith.constant 5.120000e+02 : f32
    %mul3A_645 = vector.broadcast %mul3A_644 : f32 to vector<16xf32>
    %mul3A_646 = arith.mulf %get3A_643, %mul3A_645 : vector<16xf32>
    %convert_element_type3A_647 = arith.fptosi %mul3A_646 : vector<16xf32> to vector<16xi32>
    %get3A_648 = arith.constant 240 : index
    %get3A_649 = tpu.vector_load %arg11[%get3A_648] {strides = array<i32>} : memref<512xf32, #tpu.memory_space<vmem>>, vector<16xf32>,
    %mul3A_650 = arith.constant 5.120000e+02 : f32
    %mul3A_651 = vector.broadcast %mul3A_650 : f32 to vector<16xf32>
    %mul3A_652 = arith.mulf %get3A_649, %mul3A_651 : vector<16xf32>
    %convert_element_type3A_653 = arith.fptosi %mul3A_652 : vector<16xf32> to vector<16xi32>
    %get3A_654 = arith.constant 240 : index
    %get3A_655 = tpu.vector_load %arg12[%get3A_654] {strides = array<i32>} : memref<512xf32, #tpu.memory_space<vmem>>, vector<16xf32>,
    %mul3A_656 = arith.constant 5.120000e+02 : f32
    %mul3A_657 = vector.broadcast %mul3A_656 : f32 to vector<16xf32>
    %mul3A_658 = arith.mulf %get3A_655, %mul3A_657 : vector<16xf32>
    %convert_element_type3A_659 = arith.fptosi %mul3A_658 : vector<16xf32> to vector<16xi32>
    %get3A_660 = arith.constant 240 : index
    %get3A_661 = tpu.vector_load %arg13[%get3A_660] {strides = array<i32>} : memref<512xf32, #tpu.memory_space<vmem>>, vector<16xf32>,
    %mul3A_662 = arith.constant 5.120000e+02 : f32
    %mul3A_663 = vector.broadcast %mul3A_662 : f32 to vector<16xf32>
    %mul3A_664 = arith.mulf %get3A_661, %mul3A_663 : vector<16xf32>
    %convert_element_type3A_665 = arith.fptosi %mul3A_664 : vector<16xf32> to vector<16xi32>
    %mul3A_666 = arith.constant 512 : i32
    %mul3A_667 = vector.broadcast %mul3A_666 : i32 to vector<16xi32>
    %mul3A_668 = arith.muli %convert_element_type3A_653, %mul3A_667 : vector<16xi32>
    %add3A_669 = arith.addi %mul3A_668, %convert_element_type3A_647 : vector<16xi32>
    %swap3A_670 = arith.constant 1 : i32
    %swap3A_671 = arith.index_cast %swap3A_670 : i32 to index
    %swap3A_672 = arith.constant 112 : index
    %swap3A_673 = tpu.vector_load %arg16[%swap3A_671, %swap3A_672] {strides = array<i32>} : memref<8x128xi32, #tpu.memory_space<vmem>>, vector<16xi32>,
    tpu.vector_store %arg16[%swap3A_671, %swap3A_672], %add3A_669 {strides = array<i32>} : memref<8x128xi32, #tpu.memory_space<vmem>>, vector<16xi32>,
    %mul3A_674 = arith.constant 512 : i32
    %mul3A_675 = vector.broadcast %mul3A_674 : i32 to vector<16xi32>
    %mul3A_676 = arith.muli %convert_element_type3A_665, %mul3A_675 : vector<16xi32>
    %add3A_677 = arith.addi %mul3A_676, %convert_element_type3A_659 : vector<16xi32>
    %swap3A_678 = arith.constant 5 : i32
    %swap3A_679 = arith.index_cast %swap3A_678 : i32 to index
    %swap3A_680 = arith.constant 112 : index
    %swap3A_681 = tpu.vector_load %arg16[%swap3A_679, %swap3A_680] {strides = array<i32>} : memref<8x128xi32, #tpu.memory_space<vmem>>, vector<16xi32>,
    tpu.vector_store %arg16[%swap3A_679, %swap3A_680], %add3A_677 {strides = array<i32>} : memref<8x128xi32, #tpu.memory_space<vmem>>, vector<16xi32>,
    %dma_start3A_682 = arith.constant 1 : i32
    %dma_start3A_683 = arith.constant 1 : i32
    %dma_start3A_684 = arith.constant 0 : i32
    %dma_start3A_685 = tpu.memref_slice %arg17[%dma_start3A_683, %dma_start3A_684] : memref<8x128xf32, #tpu.memory_space<vmem>> -> memref<1x128xf32, #tpu.memory_space<vmem>>
    %dma_start3A_686 = tpu.memref_squeeze %dma_start3A_685 : memref<1x128xf32, #tpu.memory_space<vmem>> -> memref<128xf32, #tpu.memory_space<vmem>>
    %dma_start3A_687 = arith.constant 0 : i32
    %dma_start3A_688 = tpu.memref_slice %arg16[%dma_start3A_682, %dma_start3A_687] : memref<8x128xi32, #tpu.memory_space<vmem>> -> memref<1x128xi32, #tpu.memory_space<vmem>>
    %dma_start3A_689 = tpu.memref_squeeze %dma_start3A_688 : memref<1x128xi32, #tpu.memory_space<vmem>> -> memref<128xi32, #tpu.memory_space<vmem>>
    %dma_start3A_690 = arith.constant 0 : i32
    %dma_start3A_691 = tpu.memref_slice %arg2[%dma_start3A_690] : memref<262144xf32, #tpu.memory_space<hbm>> -> memref<262144xf32, #tpu.memory_space<hbm>>
    tpu.enqueue_indirect_dma source(%dma_start3A_691 : memref<262144xf32, #tpu.memory_space<hbm>>) target(%dma_start3A_686 : memref<128xf32, #tpu.memory_space<vmem>>) offsets(%dma_start3A_689 : memref<128xi32, #tpu.memory_space<vmem>>) semaphore(%arg20 : memref<!tpu.dma_semaphore, #tpu.memory_space<semaphore_mem>>)
    %dma_start3A_692 = arith.constant 5 : i32
    %dma_start3A_693 = arith.constant 5 : i32
    %dma_start3A_694 = arith.constant 0 : i32
    %dma_start3A_695 = tpu.memref_slice %arg17[%dma_start3A_693, %dma_start3A_694] : memref<8x128xf32, #tpu.memory_space<vmem>> -> memref<1x128xf32, #tpu.memory_space<vmem>>
    %dma_start3A_696 = tpu.memref_squeeze %dma_start3A_695 : memref<1x128xf32, #tpu.memory_space<vmem>> -> memref<128xf32, #tpu.memory_space<vmem>>
    %dma_start3A_697 = arith.constant 0 : i32
    %dma_start3A_698 = tpu.memref_slice %arg16[%dma_start3A_692, %dma_start3A_697] : memref<8x128xi32, #tpu.memory_space<vmem>> -> memref<1x128xi32, #tpu.memory_space<vmem>>
    %dma_start3A_699 = tpu.memref_squeeze %dma_start3A_698 : memref<1x128xi32, #tpu.memory_space<vmem>> -> memref<128xi32, #tpu.memory_space<vmem>>
    %dma_start3A_700 = arith.constant 0 : i32
    %dma_start3A_701 = tpu.memref_slice %arg2[%dma_start3A_700] : memref<262144xf32, #tpu.memory_space<hbm>> -> memref<262144xf32, #tpu.memory_space<hbm>>
    tpu.enqueue_indirect_dma source(%dma_start3A_701 : memref<262144xf32, #tpu.memory_space<hbm>>) target(%dma_start3A_696 : memref<128xf32, #tpu.memory_space<vmem>>) offsets(%dma_start3A_699 : memref<128xi32, #tpu.memory_space<vmem>>) semaphore(%arg20 : memref<!tpu.dma_semaphore, #tpu.memory_space<semaphore_mem>>)
    %get3A_702 = arith.constant 256 : index
    %get3A_703 = tpu.vector_load %arg10[%get3A_702] {strides = array<i32>} : memref<512xf32, #tpu.memory_space<vmem>>, vector<16xf32>,
    %mul3A_704 = arith.constant 5.120000e+02 : f32
    %mul3A_705 = vector.broadcast %mul3A_704 : f32 to vector<16xf32>
    %mul3A_706 = arith.mulf %get3A_703, %mul3A_705 : vector<16xf32>
    %convert_element_type3A_707 = arith.fptosi %mul3A_706 : vector<16xf32> to vector<16xi32>
    %get3A_708 = arith.constant 256 : index
    %get3A_709 = tpu.vector_load %arg11[%get3A_708] {strides = array<i32>} : memref<512xf32, #tpu.memory_space<vmem>>, vector<16xf32>,
    %mul3A_710 = arith.constant 5.120000e+02 : f32
    %mul3A_711 = vector.broadcast %mul3A_710 : f32 to vector<16xf32>
    %mul3A_712 = arith.mulf %get3A_709, %mul3A_711 : vector<16xf32>
    %convert_element_type3A_713 = arith.fptosi %mul3A_712 : vector<16xf32> to vector<16xi32>
    %get3A_714 = arith.constant 256 : index
    %get3A_715 = tpu.vector_load %arg12[%get3A_714] {strides = array<i32>} : memref<512xf32, #tpu.memory_space<vmem>>, vector<16xf32>,
    %mul3A_716 = arith.constant 5.120000e+02 : f32
    %mul3A_717 = vector.broadcast %mul3A_716 : f32 to vector<16xf32>
    %mul3A_718 = arith.mulf %get3A_715, %mul3A_717 : vector<16xf32>
    %convert_element_type3A_719 = arith.fptosi %mul3A_718 : vector<16xf32> to vector<16xi32>
    %get3A_720 = arith.constant 256 : index
    %get3A_721 = tpu.vector_load %arg13[%get3A_720] {strides = array<i32>} : memref<512xf32, #tpu.memory_space<vmem>>, vector<16xf32>,
    %mul3A_722 = arith.constant 5.120000e+02 : f32
    %mul3A_723 = vector.broadcast %mul3A_722 : f32 to vector<16xf32>
    %mul3A_724 = arith.mulf %get3A_721, %mul3A_723 : vector<16xf32>
    %convert_element_type3A_725 = arith.fptosi %mul3A_724 : vector<16xf32> to vector<16xi32>
    %mul3A_726 = arith.constant 512 : i32
    %mul3A_727 = vector.broadcast %mul3A_726 : i32 to vector<16xi32>
    %mul3A_728 = arith.muli %convert_element_type3A_713, %mul3A_727 : vector<16xi32>
    %add3A_729 = arith.addi %mul3A_728, %convert_element_type3A_707 : vector<16xi32>
    %swap3A_730 = arith.constant 2 : i32
    %swap3A_731 = arith.index_cast %swap3A_730 : i32 to index
    %swap3A_732 = arith.constant 0 : index
    %swap3A_733 = tpu.vector_load %arg16[%swap3A_731, %swap3A_732] {strides = array<i32>} : memref<8x128xi32, #tpu.memory_space<vmem>>, vector<16xi32>,
    tpu.vector_store %arg16[%swap3A_731, %swap3A_732], %add3A_729 {strides = array<i32>} : memref<8x128xi32, #tpu.memory_space<vmem>>, vector<16xi32>,
    %mul3A_734 = arith.constant 512 : i32
    %mul3A_735 = vector.broadcast %mul3A_734 : i32 to vector<16xi32>
    %mul3A_736 = arith.muli %convert_element_type3A_725, %mul3A_735 : vector<16xi32>
    %add3A_737 = arith.addi %mul3A_736, %convert_element_type3A_719 : vector<16xi32>
    %swap3A_738 = arith.constant 6 : i32
    %swap3A_739 = arith.index_cast %swap3A_738 : i32 to index
    %swap3A_740 = arith.constant 0 : index
    %swap3A_741 = tpu.vector_load %arg16[%swap3A_739, %swap3A_740] {strides = array<i32>} : memref<8x128xi32, #tpu.memory_space<vmem>>, vector<16xi32>,
    tpu.vector_store %arg16[%swap3A_739, %swap3A_740], %add3A_737 {strides = array<i32>} : memref<8x128xi32, #tpu.memory_space<vmem>>, vector<16xi32>,
    %get3A_742 = arith.constant 272 : index
    %get3A_743 = tpu.vector_load %arg10[%get3A_742] {strides = array<i32>} : memref<512xf32, #tpu.memory_space<vmem>>, vector<16xf32>,
    %mul3A_744 = arith.constant 5.120000e+02 : f32
    %mul3A_745 = vector.broadcast %mul3A_744 : f32 to vector<16xf32>
    %mul3A_746 = arith.mulf %get3A_743, %mul3A_745 : vector<16xf32>
    %convert_element_type3A_747 = arith.fptosi %mul3A_746 : vector<16xf32> to vector<16xi32>
    %get3A_748 = arith.constant 272 : index
    %get3A_749 = tpu.vector_load %arg11[%get3A_748] {strides = array<i32>} : memref<512xf32, #tpu.memory_space<vmem>>, vector<16xf32>,
    %mul3A_750 = arith.constant 5.120000e+02 : f32
    %mul3A_751 = vector.broadcast %mul3A_750 : f32 to vector<16xf32>
    %mul3A_752 = arith.mulf %get3A_749, %mul3A_751 : vector<16xf32>
    %convert_element_type3A_753 = arith.fptosi %mul3A_752 : vector<16xf32> to vector<16xi32>
    %get3A_754 = arith.constant 272 : index
    %get3A_755 = tpu.vector_load %arg12[%get3A_754] {strides = array<i32>} : memref<512xf32, #tpu.memory_space<vmem>>, vector<16xf32>,
    %mul3A_756 = arith.constant 5.120000e+02 : f32
    %mul3A_757 = vector.broadcast %mul3A_756 : f32 to vector<16xf32>
    %mul3A_758 = arith.mulf %get3A_755, %mul3A_757 : vector<16xf32>
    %convert_element_type3A_759 = arith.fptosi %mul3A_758 : vector<16xf32> to vector<16xi32>
    %get3A_760 = arith.constant 272 : index
    %get3A_761 = tpu.vector_load %arg13[%get3A_760] {strides = array<i32>} : memref<512xf32, #tpu.memory_space<vmem>>, vector<16xf32>,
    %mul3A_762 = arith.constant 5.120000e+02 : f32
    %mul3A_763 = vector.broadcast %mul3A_762 : f32 to vector<16xf32>
    %mul3A_764 = arith.mulf %get3A_761, %mul3A_763 : vector<16xf32>
    %convert_element_type3A_765 = arith.fptosi %mul3A_764 : vector<16xf32> to vector<16xi32>
    %mul3A_766 = arith.constant 512 : i32
    %mul3A_767 = vector.broadcast %mul3A_766 : i32 to vector<16xi32>
    %mul3A_768 = arith.muli %convert_element_type3A_753, %mul3A_767 : vector<16xi32>
    %add3A_769 = arith.addi %mul3A_768, %convert_element_type3A_747 : vector<16xi32>
    %swap3A_770 = arith.constant 2 : i32
    %swap3A_771 = arith.index_cast %swap3A_770 : i32 to index
    %swap3A_772 = arith.constant 16 : index
    %swap3A_773 = tpu.vector_load %arg16[%swap3A_771, %swap3A_772] {strides = array<i32>} : memref<8x128xi32, #tpu.memory_space<vmem>>, vector<16xi32>,
    tpu.vector_store %arg16[%swap3A_771, %swap3A_772], %add3A_769 {strides = array<i32>} : memref<8x128xi32, #tpu.memory_space<vmem>>, vector<16xi32>,
    %mul3A_774 = arith.constant 512 : i32
    %mul3A_775 = vector.broadcast %mul3A_774 : i32 to vector<16xi32>
    %mul3A_776 = arith.muli %convert_element_type3A_765, %mul3A_775 : vector<16xi32>
    %add3A_777 = arith.addi %mul3A_776, %convert_element_type3A_759 : vector<16xi32>
    %swap3A_778 = arith.constant 6 : i32
    %swap3A_779 = arith.index_cast %swap3A_778 : i32 to index
    %swap3A_780 = arith.constant 16 : index
    %swap3A_781 = tpu.vector_load %arg16[%swap3A_779, %swap3A_780] {strides = array<i32>} : memref<8x128xi32, #tpu.memory_space<vmem>>, vector<16xi32>,
    tpu.vector_store %arg16[%swap3A_779, %swap3A_780], %add3A_777 {strides = array<i32>} : memref<8x128xi32, #tpu.memory_space<vmem>>, vector<16xi32>,
    %get3A_782 = arith.constant 288 : index
    %get3A_783 = tpu.vector_load %arg10[%get3A_782] {strides = array<i32>} : memref<512xf32, #tpu.memory_space<vmem>>, vector<16xf32>,
    %mul3A_784 = arith.constant 5.120000e+02 : f32
    %mul3A_785 = vector.broadcast %mul3A_784 : f32 to vector<16xf32>
    %mul3A_786 = arith.mulf %get3A_783, %mul3A_785 : vector<16xf32>
    %convert_element_type3A_787 = arith.fptosi %mul3A_786 : vector<16xf32> to vector<16xi32>
    %get3A_788 = arith.constant 288 : index
    %get3A_789 = tpu.vector_load %arg11[%get3A_788] {strides = array<i32>} : memref<512xf32, #tpu.memory_space<vmem>>, vector<16xf32>,
    %mul3A_790 = arith.constant 5.120000e+02 : f32
    %mul3A_791 = vector.broadcast %mul3A_790 : f32 to vector<16xf32>
    %mul3A_792 = arith.mulf %get3A_789, %mul3A_791 : vector<16xf32>
    %convert_element_type3A_793 = arith.fptosi %mul3A_792 : vector<16xf32> to vector<16xi32>
    %get3A_794 = arith.constant 288 : index
    %get3A_795 = tpu.vector_load %arg12[%get3A_794] {strides = array<i32>} : memref<512xf32, #tpu.memory_space<vmem>>, vector<16xf32>,
    %mul3A_796 = arith.constant 5.120000e+02 : f32
    %mul3A_797 = vector.broadcast %mul3A_796 : f32 to vector<16xf32>
    %mul3A_798 = arith.mulf %get3A_795, %mul3A_797 : vector<16xf32>
    %convert_element_type3A_799 = arith.fptosi %mul3A_798 : vector<16xf32> to vector<16xi32>
    %get3A_800 = arith.constant 288 : index
    %get3A_801 = tpu.vector_load %arg13[%get3A_800] {strides = array<i32>} : memref<512xf32, #tpu.memory_space<vmem>>, vector<16xf32>,
    %mul3A_802 = arith.constant 5.120000e+02 : f32
    %mul3A_803 = vector.broadcast %mul3A_802 : f32 to vector<16xf32>
    %mul3A_804 = arith.mulf %get3A_801, %mul3A_803 : vector<16xf32>
    %convert_element_type3A_805 = arith.fptosi %mul3A_804 : vector<16xf32> to vector<16xi32>
    %mul3A_806 = arith.constant 512 : i32
    %mul3A_807 = vector.broadcast %mul3A_806 : i32 to vector<16xi32>
    %mul3A_808 = arith.muli %convert_element_type3A_793, %mul3A_807 : vector<16xi32>
    %add3A_809 = arith.addi %mul3A_808, %convert_element_type3A_787 : vector<16xi32>
    %swap3A_810 = arith.constant 2 : i32
    %swap3A_811 = arith.index_cast %swap3A_810 : i32 to index
    %swap3A_812 = arith.constant 32 : index
    %swap3A_813 = tpu.vector_load %arg16[%swap3A_811, %swap3A_812] {strides = array<i32>} : memref<8x128xi32, #tpu.memory_space<vmem>>, vector<16xi32>,
    tpu.vector_store %arg16[%swap3A_811, %swap3A_812], %add3A_809 {strides = array<i32>} : memref<8x128xi32, #tpu.memory_space<vmem>>, vector<16xi32>,
    %mul3A_814 = arith.constant 512 : i32
    %mul3A_815 = vector.broadcast %mul3A_814 : i32 to vector<16xi32>
    %mul3A_816 = arith.muli %convert_element_type3A_805, %mul3A_815 : vector<16xi32>
    %add3A_817 = arith.addi %mul3A_816, %convert_element_type3A_799 : vector<16xi32>
    %swap3A_818 = arith.constant 6 : i32
    %swap3A_819 = arith.index_cast %swap3A_818 : i32 to index
    %swap3A_820 = arith.constant 32 : index
    %swap3A_821 = tpu.vector_load %arg16[%swap3A_819, %swap3A_820] {strides = array<i32>} : memref<8x128xi32, #tpu.memory_space<vmem>>, vector<16xi32>,
    tpu.vector_store %arg16[%swap3A_819, %swap3A_820], %add3A_817 {strides = array<i32>} : memref<8x128xi32, #tpu.memory_space<vmem>>, vector<16xi32>,
    %get3A_822 = arith.constant 304 : index
    %get3A_823 = tpu.vector_load %arg10[%get3A_822] {strides = array<i32>} : memref<512xf32, #tpu.memory_space<vmem>>, vector<16xf32>,
    %mul3A_824 = arith.constant 5.120000e+02 : f32
    %mul3A_825 = vector.broadcast %mul3A_824 : f32 to vector<16xf32>
    %mul3A_826 = arith.mulf %get3A_823, %mul3A_825 : vector<16xf32>
    %convert_element_type3A_827 = arith.fptosi %mul3A_826 : vector<16xf32> to vector<16xi32>
    %get3A_828 = arith.constant 304 : index
    %get3A_829 = tpu.vector_load %arg11[%get3A_828] {strides = array<i32>} : memref<512xf32, #tpu.memory_space<vmem>>, vector<16xf32>,
    %mul3A_830 = arith.constant 5.120000e+02 : f32
    %mul3A_831 = vector.broadcast %mul3A_830 : f32 to vector<16xf32>
    %mul3A_832 = arith.mulf %get3A_829, %mul3A_831 : vector<16xf32>
    %convert_element_type3A_833 = arith.fptosi %mul3A_832 : vector<16xf32> to vector<16xi32>
    %get3A_834 = arith.constant 304 : index
    %get3A_835 = tpu.vector_load %arg12[%get3A_834] {strides = array<i32>} : memref<512xf32, #tpu.memory_space<vmem>>, vector<16xf32>,
    %mul3A_836 = arith.constant 5.120000e+02 : f32
    %mul3A_837 = vector.broadcast %mul3A_836 : f32 to vector<16xf32>
    %mul3A_838 = arith.mulf %get3A_835, %mul3A_837 : vector<16xf32>
    %convert_element_type3A_839 = arith.fptosi %mul3A_838 : vector<16xf32> to vector<16xi32>
    %get3A_840 = arith.constant 304 : index
    %get3A_841 = tpu.vector_load %arg13[%get3A_840] {strides = array<i32>} : memref<512xf32, #tpu.memory_space<vmem>>, vector<16xf32>,
    %mul3A_842 = arith.constant 5.120000e+02 : f32
    %mul3A_843 = vector.broadcast %mul3A_842 : f32 to vector<16xf32>
    %mul3A_844 = arith.mulf %get3A_841, %mul3A_843 : vector<16xf32>
    %convert_element_type3A_845 = arith.fptosi %mul3A_844 : vector<16xf32> to vector<16xi32>
    %mul3A_846 = arith.constant 512 : i32
    %mul3A_847 = vector.broadcast %mul3A_846 : i32 to vector<16xi32>
    %mul3A_848 = arith.muli %convert_element_type3A_833, %mul3A_847 : vector<16xi32>
    %add3A_849 = arith.addi %mul3A_848, %convert_element_type3A_827 : vector<16xi32>
    %swap3A_850 = arith.constant 2 : i32
    %swap3A_851 = arith.index_cast %swap3A_850 : i32 to index
    %swap3A_852 = arith.constant 48 : index
    %swap3A_853 = tpu.vector_load %arg16[%swap3A_851, %swap3A_852] {strides = array<i32>} : memref<8x128xi32, #tpu.memory_space<vmem>>, vector<16xi32>,
    tpu.vector_store %arg16[%swap3A_851, %swap3A_852], %add3A_849 {strides = array<i32>} : memref<8x128xi32, #tpu.memory_space<vmem>>, vector<16xi32>,
    %mul3A_854 = arith.constant 512 : i32
    %mul3A_855 = vector.broadcast %mul3A_854 : i32 to vector<16xi32>
    %mul3A_856 = arith.muli %convert_element_type3A_845, %mul3A_855 : vector<16xi32>
    %add3A_857 = arith.addi %mul3A_856, %convert_element_type3A_839 : vector<16xi32>
    %swap3A_858 = arith.constant 6 : i32
    %swap3A_859 = arith.index_cast %swap3A_858 : i32 to index
    %swap3A_860 = arith.constant 48 : index
    %swap3A_861 = tpu.vector_load %arg16[%swap3A_859, %swap3A_860] {strides = array<i32>} : memref<8x128xi32, #tpu.memory_space<vmem>>, vector<16xi32>,
    tpu.vector_store %arg16[%swap3A_859, %swap3A_860], %add3A_857 {strides = array<i32>} : memref<8x128xi32, #tpu.memory_space<vmem>>, vector<16xi32>,
    %get3A_862 = arith.constant 320 : index
    %get3A_863 = tpu.vector_load %arg10[%get3A_862] {strides = array<i32>} : memref<512xf32, #tpu.memory_space<vmem>>, vector<16xf32>,
    %mul3A_864 = arith.constant 5.120000e+02 : f32
    %mul3A_865 = vector.broadcast %mul3A_864 : f32 to vector<16xf32>
    %mul3A_866 = arith.mulf %get3A_863, %mul3A_865 : vector<16xf32>
    %convert_element_type3A_867 = arith.fptosi %mul3A_866 : vector<16xf32> to vector<16xi32>
    %get3A_868 = arith.constant 320 : index
    %get3A_869 = tpu.vector_load %arg11[%get3A_868] {strides = array<i32>} : memref<512xf32, #tpu.memory_space<vmem>>, vector<16xf32>,
    %mul3A_870 = arith.constant 5.120000e+02 : f32
    %mul3A_871 = vector.broadcast %mul3A_870 : f32 to vector<16xf32>
    %mul3A_872 = arith.mulf %get3A_869, %mul3A_871 : vector<16xf32>
    %convert_element_type3A_873 = arith.fptosi %mul3A_872 : vector<16xf32> to vector<16xi32>
    %get3A_874 = arith.constant 320 : index
    %get3A_875 = tpu.vector_load %arg12[%get3A_874] {strides = array<i32>} : memref<512xf32, #tpu.memory_space<vmem>>, vector<16xf32>,
    %mul3A_876 = arith.constant 5.120000e+02 : f32
    %mul3A_877 = vector.broadcast %mul3A_876 : f32 to vector<16xf32>
    %mul3A_878 = arith.mulf %get3A_875, %mul3A_877 : vector<16xf32>
    %convert_element_type3A_879 = arith.fptosi %mul3A_878 : vector<16xf32> to vector<16xi32>
    %get3A_880 = arith.constant 320 : index
    %get3A_881 = tpu.vector_load %arg13[%get3A_880] {strides = array<i32>} : memref<512xf32, #tpu.memory_space<vmem>>, vector<16xf32>,
    %mul3A_882 = arith.constant 5.120000e+02 : f32
    %mul3A_883 = vector.broadcast %mul3A_882 : f32 to vector<16xf32>
    %mul3A_884 = arith.mulf %get3A_881, %mul3A_883 : vector<16xf32>
    %convert_element_type3A_885 = arith.fptosi %mul3A_884 : vector<16xf32> to vector<16xi32>
    %mul3A_886 = arith.constant 512 : i32
    %mul3A_887 = vector.broadcast %mul3A_886 : i32 to vector<16xi32>
    %mul3A_888 = arith.muli %convert_element_type3A_873, %mul3A_887 : vector<16xi32>
    %add3A_889 = arith.addi %mul3A_888, %convert_element_type3A_867 : vector<16xi32>
    %swap3A_890 = arith.constant 2 : i32
    %swap3A_891 = arith.index_cast %swap3A_890 : i32 to index
    %swap3A_892 = arith.constant 64 : index
    %swap3A_893 = tpu.vector_load %arg16[%swap3A_891, %swap3A_892] {strides = array<i32>} : memref<8x128xi32, #tpu.memory_space<vmem>>, vector<16xi32>,
    tpu.vector_store %arg16[%swap3A_891, %swap3A_892], %add3A_889 {strides = array<i32>} : memref<8x128xi32, #tpu.memory_space<vmem>>, vector<16xi32>,
    %mul3A_894 = arith.constant 512 : i32
    %mul3A_895 = vector.broadcast %mul3A_894 : i32 to vector<16xi32>
    %mul3A_896 = arith.muli %convert_element_type3A_885, %mul3A_895 : vector<16xi32>
    %add3A_897 = arith.addi %mul3A_896, %convert_element_type3A_879 : vector<16xi32>
    %swap3A_898 = arith.constant 6 : i32
    %swap3A_899 = arith.index_cast %swap3A_898 : i32 to index
    %swap3A_900 = arith.constant 64 : index
    %swap3A_901 = tpu.vector_load %arg16[%swap3A_899, %swap3A_900] {strides = array<i32>} : memref<8x128xi32, #tpu.memory_space<vmem>>, vector<16xi32>,
    tpu.vector_store %arg16[%swap3A_899, %swap3A_900], %add3A_897 {strides = array<i32>} : memref<8x128xi32, #tpu.memory_space<vmem>>, vector<16xi32>,
    %get3A_902 = arith.constant 336 : index
    %get3A_903 = tpu.vector_load %arg10[%get3A_902] {strides = array<i32>} : memref<512xf32, #tpu.memory_space<vmem>>, vector<16xf32>,
    %mul3A_904 = arith.constant 5.120000e+02 : f32
    %mul3A_905 = vector.broadcast %mul3A_904 : f32 to vector<16xf32>
    %mul3A_906 = arith.mulf %get3A_903, %mul3A_905 : vector<16xf32>
    %convert_element_type3A_907 = arith.fptosi %mul3A_906 : vector<16xf32> to vector<16xi32>
    %get3A_908 = arith.constant 336 : index
    %get3A_909 = tpu.vector_load %arg11[%get3A_908] {strides = array<i32>} : memref<512xf32, #tpu.memory_space<vmem>>, vector<16xf32>,
    %mul3A_910 = arith.constant 5.120000e+02 : f32
    %mul3A_911 = vector.broadcast %mul3A_910 : f32 to vector<16xf32>
    %mul3A_912 = arith.mulf %get3A_909, %mul3A_911 : vector<16xf32>
    %convert_element_type3A_913 = arith.fptosi %mul3A_912 : vector<16xf32> to vector<16xi32>
    %get3A_914 = arith.constant 336 : index
    %get3A_915 = tpu.vector_load %arg12[%get3A_914] {strides = array<i32>} : memref<512xf32, #tpu.memory_space<vmem>>, vector<16xf32>,
    %mul3A_916 = arith.constant 5.120000e+02 : f32
    %mul3A_917 = vector.broadcast %mul3A_916 : f32 to vector<16xf32>
    %mul3A_918 = arith.mulf %get3A_915, %mul3A_917 : vector<16xf32>
    %convert_element_type3A_919 = arith.fptosi %mul3A_918 : vector<16xf32> to vector<16xi32>
    %get3A_920 = arith.constant 336 : index
    %get3A_921 = tpu.vector_load %arg13[%get3A_920] {strides = array<i32>} : memref<512xf32, #tpu.memory_space<vmem>>, vector<16xf32>,
    %mul3A_922 = arith.constant 5.120000e+02 : f32
    %mul3A_923 = vector.broadcast %mul3A_922 : f32 to vector<16xf32>
    %mul3A_924 = arith.mulf %get3A_921, %mul3A_923 : vector<16xf32>
    %convert_element_type3A_925 = arith.fptosi %mul3A_924 : vector<16xf32> to vector<16xi32>
    %mul3A_926 = arith.constant 512 : i32
    %mul3A_927 = vector.broadcast %mul3A_926 : i32 to vector<16xi32>
    %mul3A_928 = arith.muli %convert_element_type3A_913, %mul3A_927 : vector<16xi32>
    %add3A_929 = arith.addi %mul3A_928, %convert_element_type3A_907 : vector<16xi32>
    %swap3A_930 = arith.constant 2 : i32
    %swap3A_931 = arith.index_cast %swap3A_930 : i32 to index
    %swap3A_932 = arith.constant 80 : index
    %swap3A_933 = tpu.vector_load %arg16[%swap3A_931, %swap3A_932] {strides = array<i32>} : memref<8x128xi32, #tpu.memory_space<vmem>>, vector<16xi32>,
    tpu.vector_store %arg16[%swap3A_931, %swap3A_932], %add3A_929 {strides = array<i32>} : memref<8x128xi32, #tpu.memory_space<vmem>>, vector<16xi32>,
    %mul3A_934 = arith.constant 512 : i32
    %mul3A_935 = vector.broadcast %mul3A_934 : i32 to vector<16xi32>
    %mul3A_936 = arith.muli %convert_element_type3A_925, %mul3A_935 : vector<16xi32>
    %add3A_937 = arith.addi %mul3A_936, %convert_element_type3A_919 : vector<16xi32>
    %swap3A_938 = arith.constant 6 : i32
    %swap3A_939 = arith.index_cast %swap3A_938 : i32 to index
    %swap3A_940 = arith.constant 80 : index
    %swap3A_941 = tpu.vector_load %arg16[%swap3A_939, %swap3A_940] {strides = array<i32>} : memref<8x128xi32, #tpu.memory_space<vmem>>, vector<16xi32>,
    tpu.vector_store %arg16[%swap3A_939, %swap3A_940], %add3A_937 {strides = array<i32>} : memref<8x128xi32, #tpu.memory_space<vmem>>, vector<16xi32>,
    %get3A_942 = arith.constant 352 : index
    %get3A_943 = tpu.vector_load %arg10[%get3A_942] {strides = array<i32>} : memref<512xf32, #tpu.memory_space<vmem>>, vector<16xf32>,
    %mul3A_944 = arith.constant 5.120000e+02 : f32
    %mul3A_945 = vector.broadcast %mul3A_944 : f32 to vector<16xf32>
    %mul3A_946 = arith.mulf %get3A_943, %mul3A_945 : vector<16xf32>
    %convert_element_type3A_947 = arith.fptosi %mul3A_946 : vector<16xf32> to vector<16xi32>
    %get3A_948 = arith.constant 352 : index
    %get3A_949 = tpu.vector_load %arg11[%get3A_948] {strides = array<i32>} : memref<512xf32, #tpu.memory_space<vmem>>, vector<16xf32>,
    %mul3A_950 = arith.constant 5.120000e+02 : f32
    %mul3A_951 = vector.broadcast %mul3A_950 : f32 to vector<16xf32>
    %mul3A_952 = arith.mulf %get3A_949, %mul3A_951 : vector<16xf32>
    %convert_element_type3A_953 = arith.fptosi %mul3A_952 : vector<16xf32> to vector<16xi32>
    %get3A_954 = arith.constant 352 : index
    %get3A_955 = tpu.vector_load %arg12[%get3A_954] {strides = array<i32>} : memref<512xf32, #tpu.memory_space<vmem>>, vector<16xf32>,
    %mul3A_956 = arith.constant 5.120000e+02 : f32
    %mul3A_957 = vector.broadcast %mul3A_956 : f32 to vector<16xf32>
    %mul3A_958 = arith.mulf %get3A_955, %mul3A_957 : vector<16xf32>
    %convert_element_type3A_959 = arith.fptosi %mul3A_958 : vector<16xf32> to vector<16xi32>
    %get3A_960 = arith.constant 352 : index
    %get3A_961 = tpu.vector_load %arg13[%get3A_960] {strides = array<i32>} : memref<512xf32, #tpu.memory_space<vmem>>, vector<16xf32>,
    %mul3A_962 = arith.constant 5.120000e+02 : f32
    %mul3A_963 = vector.broadcast %mul3A_962 : f32 to vector<16xf32>
    %mul3A_964 = arith.mulf %get3A_961, %mul3A_963 : vector<16xf32>
    %convert_element_type3A_965 = arith.fptosi %mul3A_964 : vector<16xf32> to vector<16xi32>
    %mul3A_966 = arith.constant 512 : i32
    %mul3A_967 = vector.broadcast %mul3A_966 : i32 to vector<16xi32>
    %mul3A_968 = arith.muli %convert_element_type3A_953, %mul3A_967 : vector<16xi32>
    %add3A_969 = arith.addi %mul3A_968, %convert_element_type3A_947 : vector<16xi32>
    %swap3A_970 = arith.constant 2 : i32
    %swap3A_971 = arith.index_cast %swap3A_970 : i32 to index
    %swap3A_972 = arith.constant 96 : index
    %swap3A_973 = tpu.vector_load %arg16[%swap3A_971, %swap3A_972] {strides = array<i32>} : memref<8x128xi32, #tpu.memory_space<vmem>>, vector<16xi32>,
    tpu.vector_store %arg16[%swap3A_971, %swap3A_972], %add3A_969 {strides = array<i32>} : memref<8x128xi32, #tpu.memory_space<vmem>>, vector<16xi32>,
    %mul3A_974 = arith.constant 512 : i32
    %mul3A_975 = vector.broadcast %mul3A_974 : i32 to vector<16xi32>
    %mul3A_976 = arith.muli %convert_element_type3A_965, %mul3A_975 : vector<16xi32>
    %add3A_977 = arith.addi %mul3A_976, %convert_element_type3A_959 : vector<16xi32>
    %swap3A_978 = arith.constant 6 : i32
    %swap3A_979 = arith.index_cast %swap3A_978 : i32 to index
    %swap3A_980 = arith.constant 96 : index
    %swap3A_981 = tpu.vector_load %arg16[%swap3A_979, %swap3A_980] {strides = array<i32>} : memref<8x128xi32, #tpu.memory_space<vmem>>, vector<16xi32>,
    tpu.vector_store %arg16[%swap3A_979, %swap3A_980], %add3A_977 {strides = array<i32>} : memref<8x128xi32, #tpu.memory_space<vmem>>, vector<16xi32>,
    %get3A_982 = arith.constant 368 : index
    %get3A_983 = tpu.vector_load %arg10[%get3A_982] {strides = array<i32>} : memref<512xf32, #tpu.memory_space<vmem>>, vector<16xf32>,
    %mul3A_984 = arith.constant 5.120000e+02 : f32
    %mul3A_985 = vector.broadcast %mul3A_984 : f32 to vector<16xf32>
    %mul3A_986 = arith.mulf %get3A_983, %mul3A_985 : vector<16xf32>
    %convert_element_type3A_987 = arith.fptosi %mul3A_986 : vector<16xf32> to vector<16xi32>
    %get3A_988 = arith.constant 368 : index
    %get3A_989 = tpu.vector_load %arg11[%get3A_988] {strides = array<i32>} : memref<512xf32, #tpu.memory_space<vmem>>, vector<16xf32>,
    %mul3A_990 = arith.constant 5.120000e+02 : f32
    %mul3A_991 = vector.broadcast %mul3A_990 : f32 to vector<16xf32>
    %mul3A_992 = arith.mulf %get3A_989, %mul3A_991 : vector<16xf32>
    %convert_element_type3A_993 = arith.fptosi %mul3A_992 : vector<16xf32> to vector<16xi32>
    %get3A_994 = arith.constant 368 : index
    %get3A_995 = tpu.vector_load %arg12[%get3A_994] {strides = array<i32>} : memref<512xf32, #tpu.memory_space<vmem>>, vector<16xf32>,
    %mul3A_996 = arith.constant 5.120000e+02 : f32
    %mul3A_997 = vector.broadcast %mul3A_996 : f32 to vector<16xf32>
    %mul3A_998 = arith.mulf %get3A_995, %mul3A_997 : vector<16xf32>
    %convert_element_type3A_999 = arith.fptosi %mul3A_998 : vector<16xf32> to vector<16xi32>
    %get3A_1000 = arith.constant 368 : index
    %get3A_1001 = tpu.vector_load %arg13[%get3A_1000] {strides = array<i32>} : memref<512xf32, #tpu.memory_space<vmem>>, vector<16xf32>,
    %mul3A_1002 = arith.constant 5.120000e+02 : f32
    %mul3A_1003 = vector.broadcast %mul3A_1002 : f32 to vector<16xf32>
    %mul3A_1004 = arith.mulf %get3A_1001, %mul3A_1003 : vector<16xf32>
    %convert_element_type3A_1005 = arith.fptosi %mul3A_1004 : vector<16xf32> to vector<16xi32>
    %mul3A_1006 = arith.constant 512 : i32
    %mul3A_1007 = vector.broadcast %mul3A_1006 : i32 to vector<16xi32>
    %mul3A_1008 = arith.muli %convert_element_type3A_993, %mul3A_1007 : vector<16xi32>
    %add3A_1009 = arith.addi %mul3A_1008, %convert_element_type3A_987 : vector<16xi32>
    %swap3A_1010 = arith.constant 2 : i32
    %swap3A_1011 = arith.index_cast %swap3A_1010 : i32 to index
    %swap3A_1012 = arith.constant 112 : index
    %swap3A_1013 = tpu.vector_load %arg16[%swap3A_1011, %swap3A_1012] {strides = array<i32>} : memref<8x128xi32, #tpu.memory_space<vmem>>, vector<16xi32>,
    tpu.vector_store %arg16[%swap3A_1011, %swap3A_1012], %add3A_1009 {strides = array<i32>} : memref<8x128xi32, #tpu.memory_space<vmem>>, vector<16xi32>,
    %mul3A_1014 = arith.constant 512 : i32
    %mul3A_1015 = vector.broadcast %mul3A_1014 : i32 to vector<16xi32>
    %mul3A_1016 = arith.muli %convert_element_type3A_1005, %mul3A_1015 : vector<16xi32>
    %add3A_1017 = arith.addi %mul3A_1016, %convert_element_type3A_999 : vector<16xi32>
    %swap3A_1018 = arith.constant 6 : i32
    %swap3A_1019 = arith.index_cast %swap3A_1018 : i32 to index
    %swap3A_1020 = arith.constant 112 : index
    %swap3A_1021 = tpu.vector_load %arg16[%swap3A_1019, %swap3A_1020] {strides = array<i32>} : memref<8x128xi32, #tpu.memory_space<vmem>>, vector<16xi32>,
    tpu.vector_store %arg16[%swap3A_1019, %swap3A_1020], %add3A_1017 {strides = array<i32>} : memref<8x128xi32, #tpu.memory_space<vmem>>, vector<16xi32>,
    %dma_start3A_1022 = arith.constant 2 : i32
    %dma_start3A_1023 = arith.constant 2 : i32
    %dma_start3A_1024 = arith.constant 0 : i32
    %dma_start3A_1025 = tpu.memref_slice %arg17[%dma_start3A_1023, %dma_start3A_1024] : memref<8x128xf32, #tpu.memory_space<vmem>> -> memref<1x128xf32, #tpu.memory_space<vmem>>
    %dma_start3A_1026 = tpu.memref_squeeze %dma_start3A_1025 : memref<1x128xf32, #tpu.memory_space<vmem>> -> memref<128xf32, #tpu.memory_space<vmem>>
    %dma_start3A_1027 = arith.constant 0 : i32
    %dma_start3A_1028 = tpu.memref_slice %arg16[%dma_start3A_1022, %dma_start3A_1027] : memref<8x128xi32, #tpu.memory_space<vmem>> -> memref<1x128xi32, #tpu.memory_space<vmem>>
    %dma_start3A_1029 = tpu.memref_squeeze %dma_start3A_1028 : memref<1x128xi32, #tpu.memory_space<vmem>> -> memref<128xi32, #tpu.memory_space<vmem>>
    %dma_start3A_1030 = arith.constant 0 : i32
    %dma_start3A_1031 = tpu.memref_slice %arg2[%dma_start3A_1030] : memref<262144xf32, #tpu.memory_space<hbm>> -> memref<262144xf32, #tpu.memory_space<hbm>>
    tpu.enqueue_indirect_dma source(%dma_start3A_1031 : memref<262144xf32, #tpu.memory_space<hbm>>) target(%dma_start3A_1026 : memref<128xf32, #tpu.memory_space<vmem>>) offsets(%dma_start3A_1029 : memref<128xi32, #tpu.memory_space<vmem>>) semaphore(%arg21 : memref<!tpu.dma_semaphore, #tpu.memory_space<semaphore_mem>>)
    %dma_start3A_1032 = arith.constant 6 : i32
    %dma_start3A_1033 = arith.constant 6 : i32
    %dma_start3A_1034 = arith.constant 0 : i32
    %dma_start3A_1035 = tpu.memref_slice %arg17[%dma_start3A_1033, %dma_start3A_1034] : memref<8x128xf32, #tpu.memory_space<vmem>> -> memref<1x128xf32, #tpu.memory_space<vmem>>
    %dma_start3A_1036 = tpu.memref_squeeze %dma_start3A_1035 : memref<1x128xf32, #tpu.memory_space<vmem>> -> memref<128xf32, #tpu.memory_space<vmem>>
    %dma_start3A_1037 = arith.constant 0 : i32
    %dma_start3A_1038 = tpu.memref_slice %arg16[%dma_start3A_1032, %dma_start3A_1037] : memref<8x128xi32, #tpu.memory_space<vmem>> -> memref<1x128xi32, #tpu.memory_space<vmem>>
    %dma_start3A_1039 = tpu.memref_squeeze %dma_start3A_1038 : memref<1x128xi32, #tpu.memory_space<vmem>> -> memref<128xi32, #tpu.memory_space<vmem>>
    %dma_start3A_1040 = arith.constant 0 : i32
    %dma_start3A_1041 = tpu.memref_slice %arg2[%dma_start3A_1040] : memref<262144xf32, #tpu.memory_space<hbm>> -> memref<262144xf32, #tpu.memory_space<hbm>>
    tpu.enqueue_indirect_dma source(%dma_start3A_1041 : memref<262144xf32, #tpu.memory_space<hbm>>) target(%dma_start3A_1036 : memref<128xf32, #tpu.memory_space<vmem>>) offsets(%dma_start3A_1039 : memref<128xi32, #tpu.memory_space<vmem>>) semaphore(%arg21 : memref<!tpu.dma_semaphore, #tpu.memory_space<semaphore_mem>>)
    %get3A_1042 = arith.constant 384 : index
    %get3A_1043 = tpu.vector_load %arg10[%get3A_1042] {strides = array<i32>} : memref<512xf32, #tpu.memory_space<vmem>>, vector<16xf32>,
    %mul3A_1044 = arith.constant 5.120000e+02 : f32
    %mul3A_1045 = vector.broadcast %mul3A_1044 : f32 to vector<16xf32>
    %mul3A_1046 = arith.mulf %get3A_1043, %mul3A_1045 : vector<16xf32>
    %convert_element_type3A_1047 = arith.fptosi %mul3A_1046 : vector<16xf32> to vector<16xi32>
    %get3A_1048 = arith.constant 384 : index
    %get3A_1049 = tpu.vector_load %arg11[%get3A_1048] {strides = array<i32>} : memref<512xf32, #tpu.memory_space<vmem>>, vector<16xf32>,
    %mul3A_1050 = arith.constant 5.120000e+02 : f32
    %mul3A_1051 = vector.broadcast %mul3A_1050 : f32 to vector<16xf32>
    %mul3A_1052 = arith.mulf %get3A_1049, %mul3A_1051 : vector<16xf32>
    %convert_element_type3A_1053 = arith.fptosi %mul3A_1052 : vector<16xf32> to vector<16xi32>
    %get3A_1054 = arith.constant 384 : index
    %get3A_1055 = tpu.vector_load %arg12[%get3A_1054] {strides = array<i32>} : memref<512xf32, #tpu.memory_space<vmem>>, vector<16xf32>,
    %mul3A_1056 = arith.constant 5.120000e+02 : f32
    %mul3A_1057 = vector.broadcast %mul3A_1056 : f32 to vector<16xf32>
    %mul3A_1058 = arith.mulf %get3A_1055, %mul3A_1057 : vector<16xf32>
    %convert_element_type3A_1059 = arith.fptosi %mul3A_1058 : vector<16xf32> to vector<16xi32>
    %get3A_1060 = arith.constant 384 : index
    %get3A_1061 = tpu.vector_load %arg13[%get3A_1060] {strides = array<i32>} : memref<512xf32, #tpu.memory_space<vmem>>, vector<16xf32>,
    %mul3A_1062 = arith.constant 5.120000e+02 : f32
    %mul3A_1063 = vector.broadcast %mul3A_1062 : f32 to vector<16xf32>
    %mul3A_1064 = arith.mulf %get3A_1061, %mul3A_1063 : vector<16xf32>
    %convert_element_type3A_1065 = arith.fptosi %mul3A_1064 : vector<16xf32> to vector<16xi32>
    %mul3A_1066 = arith.constant 512 : i32
    %mul3A_1067 = vector.broadcast %mul3A_1066 : i32 to vector<16xi32>
    %mul3A_1068 = arith.muli %convert_element_type3A_1053, %mul3A_1067 : vector<16xi32>
    %add3A_1069 = arith.addi %mul3A_1068, %convert_element_type3A_1047 : vector<16xi32>
    %swap3A_1070 = arith.constant 3 : i32
    %swap3A_1071 = arith.index_cast %swap3A_1070 : i32 to index
    %swap3A_1072 = arith.constant 0 : index
    %swap3A_1073 = tpu.vector_load %arg16[%swap3A_1071, %swap3A_1072] {strides = array<i32>} : memref<8x128xi32, #tpu.memory_space<vmem>>, vector<16xi32>,
    tpu.vector_store %arg16[%swap3A_1071, %swap3A_1072], %add3A_1069 {strides = array<i32>} : memref<8x128xi32, #tpu.memory_space<vmem>>, vector<16xi32>,
    %mul3A_1074 = arith.constant 512 : i32
    %mul3A_1075 = vector.broadcast %mul3A_1074 : i32 to vector<16xi32>
    %mul3A_1076 = arith.muli %convert_element_type3A_1065, %mul3A_1075 : vector<16xi32>
    %add3A_1077 = arith.addi %mul3A_1076, %convert_element_type3A_1059 : vector<16xi32>
    %swap3A_1078 = arith.constant 7 : i32
    %swap3A_1079 = arith.index_cast %swap3A_1078 : i32 to index
    %swap3A_1080 = arith.constant 0 : index
    %swap3A_1081 = tpu.vector_load %arg16[%swap3A_1079, %swap3A_1080] {strides = array<i32>} : memref<8x128xi32, #tpu.memory_space<vmem>>, vector<16xi32>,
    tpu.vector_store %arg16[%swap3A_1079, %swap3A_1080], %add3A_1077 {strides = array<i32>} : memref<8x128xi32, #tpu.memory_space<vmem>>, vector<16xi32>,
    %get3A_1082 = arith.constant 400 : index
    %get3A_1083 = tpu.vector_load %arg10[%get3A_1082] {strides = array<i32>} : memref<512xf32, #tpu.memory_space<vmem>>, vector<16xf32>,
    %mul3A_1084 = arith.constant 5.120000e+02 : f32
    %mul3A_1085 = vector.broadcast %mul3A_1084 : f32 to vector<16xf32>
    %mul3A_1086 = arith.mulf %get3A_1083, %mul3A_1085 : vector<16xf32>
    %convert_element_type3A_1087 = arith.fptosi %mul3A_1086 : vector<16xf32> to vector<16xi32>
    %get3A_1088 = arith.constant 400 : index
    %get3A_1089 = tpu.vector_load %arg11[%get3A_1088] {strides = array<i32>} : memref<512xf32, #tpu.memory_space<vmem>>, vector<16xf32>,
    %mul3A_1090 = arith.constant 5.120000e+02 : f32
    %mul3A_1091 = vector.broadcast %mul3A_1090 : f32 to vector<16xf32>
    %mul3A_1092 = arith.mulf %get3A_1089, %mul3A_1091 : vector<16xf32>
    %convert_element_type3A_1093 = arith.fptosi %mul3A_1092 : vector<16xf32> to vector<16xi32>
    %get3A_1094 = arith.constant 400 : index
    %get3A_1095 = tpu.vector_load %arg12[%get3A_1094] {strides = array<i32>} : memref<512xf32, #tpu.memory_space<vmem>>, vector<16xf32>,
    %mul3A_1096 = arith.constant 5.120000e+02 : f32
    %mul3A_1097 = vector.broadcast %mul3A_1096 : f32 to vector<16xf32>
    %mul3A_1098 = arith.mulf %get3A_1095, %mul3A_1097 : vector<16xf32>
    %convert_element_type3A_1099 = arith.fptosi %mul3A_1098 : vector<16xf32> to vector<16xi32>
    %get3A_1100 = arith.constant 400 : index
    %get3A_1101 = tpu.vector_load %arg13[%get3A_1100] {strides = array<i32>} : memref<512xf32, #tpu.memory_space<vmem>>, vector<16xf32>,
    %mul3A_1102 = arith.constant 5.120000e+02 : f32
    %mul3A_1103 = vector.broadcast %mul3A_1102 : f32 to vector<16xf32>
    %mul3A_1104 = arith.mulf %get3A_1101, %mul3A_1103 : vector<16xf32>
    %convert_element_type3A_1105 = arith.fptosi %mul3A_1104 : vector<16xf32> to vector<16xi32>
    %mul3A_1106 = arith.constant 512 : i32
    %mul3A_1107 = vector.broadcast %mul3A_1106 : i32 to vector<16xi32>
    %mul3A_1108 = arith.muli %convert_element_type3A_1093, %mul3A_1107 : vector<16xi32>
    %add3A_1109 = arith.addi %mul3A_1108, %convert_element_type3A_1087 : vector<16xi32>
    %swap3A_1110 = arith.constant 3 : i32
    %swap3A_1111 = arith.index_cast %swap3A_1110 : i32 to index
    %swap3A_1112 = arith.constant 16 : index
    %swap3A_1113 = tpu.vector_load %arg16[%swap3A_1111, %swap3A_1112] {strides = array<i32>} : memref<8x128xi32, #tpu.memory_space<vmem>>, vector<16xi32>,
    tpu.vector_store %arg16[%swap3A_1111, %swap3A_1112], %add3A_1109 {strides = array<i32>} : memref<8x128xi32, #tpu.memory_space<vmem>>, vector<16xi32>,
    %mul3A_1114 = arith.constant 512 : i32
    %mul3A_1115 = vector.broadcast %mul3A_1114 : i32 to vector<16xi32>
    %mul3A_1116 = arith.muli %convert_element_type3A_1105, %mul3A_1115 : vector<16xi32>
    %add3A_1117 = arith.addi %mul3A_1116, %convert_element_type3A_1099 : vector<16xi32>
    %swap3A_1118 = arith.constant 7 : i32
    %swap3A_1119 = arith.index_cast %swap3A_1118 : i32 to index
    %swap3A_1120 = arith.constant 16 : index
    %swap3A_1121 = tpu.vector_load %arg16[%swap3A_1119, %swap3A_1120] {strides = array<i32>} : memref<8x128xi32, #tpu.memory_space<vmem>>, vector<16xi32>,
    tpu.vector_store %arg16[%swap3A_1119, %swap3A_1120], %add3A_1117 {strides = array<i32>} : memref<8x128xi32, #tpu.memory_space<vmem>>, vector<16xi32>,
    %get3A_1122 = arith.constant 416 : index
    %get3A_1123 = tpu.vector_load %arg10[%get3A_1122] {strides = array<i32>} : memref<512xf32, #tpu.memory_space<vmem>>, vector<16xf32>,
    %mul3A_1124 = arith.constant 5.120000e+02 : f32
    %mul3A_1125 = vector.broadcast %mul3A_1124 : f32 to vector<16xf32>
    %mul3A_1126 = arith.mulf %get3A_1123, %mul3A_1125 : vector<16xf32>
    %convert_element_type3A_1127 = arith.fptosi %mul3A_1126 : vector<16xf32> to vector<16xi32>
    %get3A_1128 = arith.constant 416 : index
    %get3A_1129 = tpu.vector_load %arg11[%get3A_1128] {strides = array<i32>} : memref<512xf32, #tpu.memory_space<vmem>>, vector<16xf32>,
    %mul3A_1130 = arith.constant 5.120000e+02 : f32
    %mul3A_1131 = vector.broadcast %mul3A_1130 : f32 to vector<16xf32>
    %mul3A_1132 = arith.mulf %get3A_1129, %mul3A_1131 : vector<16xf32>
    %convert_element_type3A_1133 = arith.fptosi %mul3A_1132 : vector<16xf32> to vector<16xi32>
    %get3A_1134 = arith.constant 416 : index
    %get3A_1135 = tpu.vector_load %arg12[%get3A_1134] {strides = array<i32>} : memref<512xf32, #tpu.memory_space<vmem>>, vector<16xf32>,
    %mul3A_1136 = arith.constant 5.120000e+02 : f32
    %mul3A_1137 = vector.broadcast %mul3A_1136 : f32 to vector<16xf32>
    %mul3A_1138 = arith.mulf %get3A_1135, %mul3A_1137 : vector<16xf32>
    %convert_element_type3A_1139 = arith.fptosi %mul3A_1138 : vector<16xf32> to vector<16xi32>
    %get3A_1140 = arith.constant 416 : index
    %get3A_1141 = tpu.vector_load %arg13[%get3A_1140] {strides = array<i32>} : memref<512xf32, #tpu.memory_space<vmem>>, vector<16xf32>,
    %mul3A_1142 = arith.constant 5.120000e+02 : f32
    %mul3A_1143 = vector.broadcast %mul3A_1142 : f32 to vector<16xf32>
    %mul3A_1144 = arith.mulf %get3A_1141, %mul3A_1143 : vector<16xf32>
    %convert_element_type3A_1145 = arith.fptosi %mul3A_1144 : vector<16xf32> to vector<16xi32>
    %mul3A_1146 = arith.constant 512 : i32
    %mul3A_1147 = vector.broadcast %mul3A_1146 : i32 to vector<16xi32>
    %mul3A_1148 = arith.muli %convert_element_type3A_1133, %mul3A_1147 : vector<16xi32>
    %add3A_1149 = arith.addi %mul3A_1148, %convert_element_type3A_1127 : vector<16xi32>
    %swap3A_1150 = arith.constant 3 : i32
    %swap3A_1151 = arith.index_cast %swap3A_1150 : i32 to index
    %swap3A_1152 = arith.constant 32 : index
    %swap3A_1153 = tpu.vector_load %arg16[%swap3A_1151, %swap3A_1152] {strides = array<i32>} : memref<8x128xi32, #tpu.memory_space<vmem>>, vector<16xi32>,
    tpu.vector_store %arg16[%swap3A_1151, %swap3A_1152], %add3A_1149 {strides = array<i32>} : memref<8x128xi32, #tpu.memory_space<vmem>>, vector<16xi32>,
    %mul3A_1154 = arith.constant 512 : i32
    %mul3A_1155 = vector.broadcast %mul3A_1154 : i32 to vector<16xi32>
    %mul3A_1156 = arith.muli %convert_element_type3A_1145, %mul3A_1155 : vector<16xi32>
    %add3A_1157 = arith.addi %mul3A_1156, %convert_element_type3A_1139 : vector<16xi32>
    %swap3A_1158 = arith.constant 7 : i32
    %swap3A_1159 = arith.index_cast %swap3A_1158 : i32 to index
    %swap3A_1160 = arith.constant 32 : index
    %swap3A_1161 = tpu.vector_load %arg16[%swap3A_1159, %swap3A_1160] {strides = array<i32>} : memref<8x128xi32, #tpu.memory_space<vmem>>, vector<16xi32>,
    tpu.vector_store %arg16[%swap3A_1159, %swap3A_1160], %add3A_1157 {strides = array<i32>} : memref<8x128xi32, #tpu.memory_space<vmem>>, vector<16xi32>,
    %get3A_1162 = arith.constant 432 : index
    %get3A_1163 = tpu.vector_load %arg10[%get3A_1162] {strides = array<i32>} : memref<512xf32, #tpu.memory_space<vmem>>, vector<16xf32>,
    %mul3A_1164 = arith.constant 5.120000e+02 : f32
    %mul3A_1165 = vector.broadcast %mul3A_1164 : f32 to vector<16xf32>
    %mul3A_1166 = arith.mulf %get3A_1163, %mul3A_1165 : vector<16xf32>
    %convert_element_type3A_1167 = arith.fptosi %mul3A_1166 : vector<16xf32> to vector<16xi32>
    %get3A_1168 = arith.constant 432 : index
    %get3A_1169 = tpu.vector_load %arg11[%get3A_1168] {strides = array<i32>} : memref<512xf32, #tpu.memory_space<vmem>>, vector<16xf32>,
    %mul3A_1170 = arith.constant 5.120000e+02 : f32
    %mul3A_1171 = vector.broadcast %mul3A_1170 : f32 to vector<16xf32>
    %mul3A_1172 = arith.mulf %get3A_1169, %mul3A_1171 : vector<16xf32>
    %convert_element_type3A_1173 = arith.fptosi %mul3A_1172 : vector<16xf32> to vector<16xi32>
    %get3A_1174 = arith.constant 432 : index
    %get3A_1175 = tpu.vector_load %arg12[%get3A_1174] {strides = array<i32>} : memref<512xf32, #tpu.memory_space<vmem>>, vector<16xf32>,
    %mul3A_1176 = arith.constant 5.120000e+02 : f32
    %mul3A_1177 = vector.broadcast %mul3A_1176 : f32 to vector<16xf32>
    %mul3A_1178 = arith.mulf %get3A_1175, %mul3A_1177 : vector<16xf32>
    %convert_element_type3A_1179 = arith.fptosi %mul3A_1178 : vector<16xf32> to vector<16xi32>
    %get3A_1180 = arith.constant 432 : index
    %get3A_1181 = tpu.vector_load %arg13[%get3A_1180] {strides = array<i32>} : memref<512xf32, #tpu.memory_space<vmem>>, vector<16xf32>,
    %mul3A_1182 = arith.constant 5.120000e+02 : f32
    %mul3A_1183 = vector.broadcast %mul3A_1182 : f32 to vector<16xf32>
    %mul3A_1184 = arith.mulf %get3A_1181, %mul3A_1183 : vector<16xf32>
    %convert_element_type3A_1185 = arith.fptosi %mul3A_1184 : vector<16xf32> to vector<16xi32>
    %mul3A_1186 = arith.constant 512 : i32
    %mul3A_1187 = vector.broadcast %mul3A_1186 : i32 to vector<16xi32>
    %mul3A_1188 = arith.muli %convert_element_type3A_1173, %mul3A_1187 : vector<16xi32>
    %add3A_1189 = arith.addi %mul3A_1188, %convert_element_type3A_1167 : vector<16xi32>
    %swap3A_1190 = arith.constant 3 : i32
    %swap3A_1191 = arith.index_cast %swap3A_1190 : i32 to index
    %swap3A_1192 = arith.constant 48 : index
    %swap3A_1193 = tpu.vector_load %arg16[%swap3A_1191, %swap3A_1192] {strides = array<i32>} : memref<8x128xi32, #tpu.memory_space<vmem>>, vector<16xi32>,
    tpu.vector_store %arg16[%swap3A_1191, %swap3A_1192], %add3A_1189 {strides = array<i32>} : memref<8x128xi32, #tpu.memory_space<vmem>>, vector<16xi32>,
    %mul3A_1194 = arith.constant 512 : i32
    %mul3A_1195 = vector.broadcast %mul3A_1194 : i32 to vector<16xi32>
    %mul3A_1196 = arith.muli %convert_element_type3A_1185, %mul3A_1195 : vector<16xi32>
    %add3A_1197 = arith.addi %mul3A_1196, %convert_element_type3A_1179 : vector<16xi32>
    %swap3A_1198 = arith.constant 7 : i32
    %swap3A_1199 = arith.index_cast %swap3A_1198 : i32 to index
    %swap3A_1200 = arith.constant 48 : index
    %swap3A_1201 = tpu.vector_load %arg16[%swap3A_1199, %swap3A_1200] {strides = array<i32>} : memref<8x128xi32, #tpu.memory_space<vmem>>, vector<16xi32>,
    tpu.vector_store %arg16[%swap3A_1199, %swap3A_1200], %add3A_1197 {strides = array<i32>} : memref<8x128xi32, #tpu.memory_space<vmem>>, vector<16xi32>,
    %get3A_1202 = arith.constant 448 : index
    %get3A_1203 = tpu.vector_load %arg10[%get3A_1202] {strides = array<i32>} : memref<512xf32, #tpu.memory_space<vmem>>, vector<16xf32>,
    %mul3A_1204 = arith.constant 5.120000e+02 : f32
    %mul3A_1205 = vector.broadcast %mul3A_1204 : f32 to vector<16xf32>
    %mul3A_1206 = arith.mulf %get3A_1203, %mul3A_1205 : vector<16xf32>
    %convert_element_type3A_1207 = arith.fptosi %mul3A_1206 : vector<16xf32> to vector<16xi32>
    %get3A_1208 = arith.constant 448 : index
    %get3A_1209 = tpu.vector_load %arg11[%get3A_1208] {strides = array<i32>} : memref<512xf32, #tpu.memory_space<vmem>>, vector<16xf32>,
    %mul3A_1210 = arith.constant 5.120000e+02 : f32
    %mul3A_1211 = vector.broadcast %mul3A_1210 : f32 to vector<16xf32>
    %mul3A_1212 = arith.mulf %get3A_1209, %mul3A_1211 : vector<16xf32>
    %convert_element_type3A_1213 = arith.fptosi %mul3A_1212 : vector<16xf32> to vector<16xi32>
    %get3A_1214 = arith.constant 448 : index
    %get3A_1215 = tpu.vector_load %arg12[%get3A_1214] {strides = array<i32>} : memref<512xf32, #tpu.memory_space<vmem>>, vector<16xf32>,
    %mul3A_1216 = arith.constant 5.120000e+02 : f32
    %mul3A_1217 = vector.broadcast %mul3A_1216 : f32 to vector<16xf32>
    %mul3A_1218 = arith.mulf %get3A_1215, %mul3A_1217 : vector<16xf32>
    %convert_element_type3A_1219 = arith.fptosi %mul3A_1218 : vector<16xf32> to vector<16xi32>
    %get3A_1220 = arith.constant 448 : index
    %get3A_1221 = tpu.vector_load %arg13[%get3A_1220] {strides = array<i32>} : memref<512xf32, #tpu.memory_space<vmem>>, vector<16xf32>,
    %mul3A_1222 = arith.constant 5.120000e+02 : f32
    %mul3A_1223 = vector.broadcast %mul3A_1222 : f32 to vector<16xf32>
    %mul3A_1224 = arith.mulf %get3A_1221, %mul3A_1223 : vector<16xf32>
    %convert_element_type3A_1225 = arith.fptosi %mul3A_1224 : vector<16xf32> to vector<16xi32>
    %mul3A_1226 = arith.constant 512 : i32
    %mul3A_1227 = vector.broadcast %mul3A_1226 : i32 to vector<16xi32>
    %mul3A_1228 = arith.muli %convert_element_type3A_1213, %mul3A_1227 : vector<16xi32>
    %add3A_1229 = arith.addi %mul3A_1228, %convert_element_type3A_1207 : vector<16xi32>
    %swap3A_1230 = arith.constant 3 : i32
    %swap3A_1231 = arith.index_cast %swap3A_1230 : i32 to index
    %swap3A_1232 = arith.constant 64 : index
    %swap3A_1233 = tpu.vector_load %arg16[%swap3A_1231, %swap3A_1232] {strides = array<i32>} : memref<8x128xi32, #tpu.memory_space<vmem>>, vector<16xi32>,
    tpu.vector_store %arg16[%swap3A_1231, %swap3A_1232], %add3A_1229 {strides = array<i32>} : memref<8x128xi32, #tpu.memory_space<vmem>>, vector<16xi32>,
    %mul3A_1234 = arith.constant 512 : i32
    %mul3A_1235 = vector.broadcast %mul3A_1234 : i32 to vector<16xi32>
    %mul3A_1236 = arith.muli %convert_element_type3A_1225, %mul3A_1235 : vector<16xi32>
    %add3A_1237 = arith.addi %mul3A_1236, %convert_element_type3A_1219 : vector<16xi32>
    %swap3A_1238 = arith.constant 7 : i32
    %swap3A_1239 = arith.index_cast %swap3A_1238 : i32 to index
    %swap3A_1240 = arith.constant 64 : index
    %swap3A_1241 = tpu.vector_load %arg16[%swap3A_1239, %swap3A_1240] {strides = array<i32>} : memref<8x128xi32, #tpu.memory_space<vmem>>, vector<16xi32>,
    tpu.vector_store %arg16[%swap3A_1239, %swap3A_1240], %add3A_1237 {strides = array<i32>} : memref<8x128xi32, #tpu.memory_space<vmem>>, vector<16xi32>,
    %get3A_1242 = arith.constant 464 : index
    %get3A_1243 = tpu.vector_load %arg10[%get3A_1242] {strides = array<i32>} : memref<512xf32, #tpu.memory_space<vmem>>, vector<16xf32>,
    %mul3A_1244 = arith.constant 5.120000e+02 : f32
    %mul3A_1245 = vector.broadcast %mul3A_1244 : f32 to vector<16xf32>
    %mul3A_1246 = arith.mulf %get3A_1243, %mul3A_1245 : vector<16xf32>
    %convert_element_type3A_1247 = arith.fptosi %mul3A_1246 : vector<16xf32> to vector<16xi32>
    %get3A_1248 = arith.constant 464 : index
    %get3A_1249 = tpu.vector_load %arg11[%get3A_1248] {strides = array<i32>} : memref<512xf32, #tpu.memory_space<vmem>>, vector<16xf32>,
    %mul3A_1250 = arith.constant 5.120000e+02 : f32
    %mul3A_1251 = vector.broadcast %mul3A_1250 : f32 to vector<16xf32>
    %mul3A_1252 = arith.mulf %get3A_1249, %mul3A_1251 : vector<16xf32>
    %convert_element_type3A_1253 = arith.fptosi %mul3A_1252 : vector<16xf32> to vector<16xi32>
    %get3A_1254 = arith.constant 464 : index
    %get3A_1255 = tpu.vector_load %arg12[%get3A_1254] {strides = array<i32>} : memref<512xf32, #tpu.memory_space<vmem>>, vector<16xf32>,
    %mul3A_1256 = arith.constant 5.120000e+02 : f32
    %mul3A_1257 = vector.broadcast %mul3A_1256 : f32 to vector<16xf32>
    %mul3A_1258 = arith.mulf %get3A_1255, %mul3A_1257 : vector<16xf32>
    %convert_element_type3A_1259 = arith.fptosi %mul3A_1258 : vector<16xf32> to vector<16xi32>
    %get3A_1260 = arith.constant 464 : index
    %get3A_1261 = tpu.vector_load %arg13[%get3A_1260] {strides = array<i32>} : memref<512xf32, #tpu.memory_space<vmem>>, vector<16xf32>,
    %mul3A_1262 = arith.constant 5.120000e+02 : f32
    %mul3A_1263 = vector.broadcast %mul3A_1262 : f32 to vector<16xf32>
    %mul3A_1264 = arith.mulf %get3A_1261, %mul3A_1263 : vector<16xf32>
    %convert_element_type3A_1265 = arith.fptosi %mul3A_1264 : vector<16xf32> to vector<16xi32>
    %mul3A_1266 = arith.constant 512 : i32
    %mul3A_1267 = vector.broadcast %mul3A_1266 : i32 to vector<16xi32>
    %mul3A_1268 = arith.muli %convert_element_type3A_1253, %mul3A_1267 : vector<16xi32>
    %add3A_1269 = arith.addi %mul3A_1268, %convert_element_type3A_1247 : vector<16xi32>
    %swap3A_1270 = arith.constant 3 : i32
    %swap3A_1271 = arith.index_cast %swap3A_1270 : i32 to index
    %swap3A_1272 = arith.constant 80 : index
    %swap3A_1273 = tpu.vector_load %arg16[%swap3A_1271, %swap3A_1272] {strides = array<i32>} : memref<8x128xi32, #tpu.memory_space<vmem>>, vector<16xi32>,
    tpu.vector_store %arg16[%swap3A_1271, %swap3A_1272], %add3A_1269 {strides = array<i32>} : memref<8x128xi32, #tpu.memory_space<vmem>>, vector<16xi32>,
    %mul3A_1274 = arith.constant 512 : i32
    %mul3A_1275 = vector.broadcast %mul3A_1274 : i32 to vector<16xi32>
    %mul3A_1276 = arith.muli %convert_element_type3A_1265, %mul3A_1275 : vector<16xi32>
    %add3A_1277 = arith.addi %mul3A_1276, %convert_element_type3A_1259 : vector<16xi32>
    %swap3A_1278 = arith.constant 7 : i32
    %swap3A_1279 = arith.index_cast %swap3A_1278 : i32 to index
    %swap3A_1280 = arith.constant 80 : index
    %swap3A_1281 = tpu.vector_load %arg16[%swap3A_1279, %swap3A_1280] {strides = array<i32>} : memref<8x128xi32, #tpu.memory_space<vmem>>, vector<16xi32>,
    tpu.vector_store %arg16[%swap3A_1279, %swap3A_1280], %add3A_1277 {strides = array<i32>} : memref<8x128xi32, #tpu.memory_space<vmem>>, vector<16xi32>,
    %get3A_1282 = arith.constant 480 : index
    %get3A_1283 = tpu.vector_load %arg10[%get3A_1282] {strides = array<i32>} : memref<512xf32, #tpu.memory_space<vmem>>, vector<16xf32>,
    %mul3A_1284 = arith.constant 5.120000e+02 : f32
    %mul3A_1285 = vector.broadcast %mul3A_1284 : f32 to vector<16xf32>
    %mul3A_1286 = arith.mulf %get3A_1283, %mul3A_1285 : vector<16xf32>
    %convert_element_type3A_1287 = arith.fptosi %mul3A_1286 : vector<16xf32> to vector<16xi32>
    %get3A_1288 = arith.constant 480 : index
    %get3A_1289 = tpu.vector_load %arg11[%get3A_1288] {strides = array<i32>} : memref<512xf32, #tpu.memory_space<vmem>>, vector<16xf32>,
    %mul3A_1290 = arith.constant 5.120000e+02 : f32
    %mul3A_1291 = vector.broadcast %mul3A_1290 : f32 to vector<16xf32>
    %mul3A_1292 = arith.mulf %get3A_1289, %mul3A_1291 : vector<16xf32>
    %convert_element_type3A_1293 = arith.fptosi %mul3A_1292 : vector<16xf32> to vector<16xi32>
    %get3A_1294 = arith.constant 480 : index
    %get3A_1295 = tpu.vector_load %arg12[%get3A_1294] {strides = array<i32>} : memref<512xf32, #tpu.memory_space<vmem>>, vector<16xf32>,
    %mul3A_1296 = arith.constant 5.120000e+02 : f32
    %mul3A_1297 = vector.broadcast %mul3A_1296 : f32 to vector<16xf32>
    %mul3A_1298 = arith.mulf %get3A_1295, %mul3A_1297 : vector<16xf32>
    %convert_element_type3A_1299 = arith.fptosi %mul3A_1298 : vector<16xf32> to vector<16xi32>
    %get3A_1300 = arith.constant 480 : index
    %get3A_1301 = tpu.vector_load %arg13[%get3A_1300] {strides = array<i32>} : memref<512xf32, #tpu.memory_space<vmem>>, vector<16xf32>,
    %mul3A_1302 = arith.constant 5.120000e+02 : f32
    %mul3A_1303 = vector.broadcast %mul3A_1302 : f32 to vector<16xf32>
    %mul3A_1304 = arith.mulf %get3A_1301, %mul3A_1303 : vector<16xf32>
    %convert_element_type3A_1305 = arith.fptosi %mul3A_1304 : vector<16xf32> to vector<16xi32>
    %mul3A_1306 = arith.constant 512 : i32
    %mul3A_1307 = vector.broadcast %mul3A_1306 : i32 to vector<16xi32>
    %mul3A_1308 = arith.muli %convert_element_type3A_1293, %mul3A_1307 : vector<16xi32>
    %add3A_1309 = arith.addi %mul3A_1308, %convert_element_type3A_1287 : vector<16xi32>
    %swap3A_1310 = arith.constant 3 : i32
    %swap3A_1311 = arith.index_cast %swap3A_1310 : i32 to index
    %swap3A_1312 = arith.constant 96 : index
    %swap3A_1313 = tpu.vector_load %arg16[%swap3A_1311, %swap3A_1312] {strides = array<i32>} : memref<8x128xi32, #tpu.memory_space<vmem>>, vector<16xi32>,
    tpu.vector_store %arg16[%swap3A_1311, %swap3A_1312], %add3A_1309 {strides = array<i32>} : memref<8x128xi32, #tpu.memory_space<vmem>>, vector<16xi32>,
    %mul3A_1314 = arith.constant 512 : i32
    %mul3A_1315 = vector.broadcast %mul3A_1314 : i32 to vector<16xi32>
    %mul3A_1316 = arith.muli %convert_element_type3A_1305, %mul3A_1315 : vector<16xi32>
    %add3A_1317 = arith.addi %mul3A_1316, %convert_element_type3A_1299 : vector<16xi32>
    %swap3A_1318 = arith.constant 7 : i32
    %swap3A_1319 = arith.index_cast %swap3A_1318 : i32 to index
    %swap3A_1320 = arith.constant 96 : index
    %swap3A_1321 = tpu.vector_load %arg16[%swap3A_1319, %swap3A_1320] {strides = array<i32>} : memref<8x128xi32, #tpu.memory_space<vmem>>, vector<16xi32>,
    tpu.vector_store %arg16[%swap3A_1319, %swap3A_1320], %add3A_1317 {strides = array<i32>} : memref<8x128xi32, #tpu.memory_space<vmem>>, vector<16xi32>,
    %get3A_1322 = arith.constant 496 : index
    %get3A_1323 = tpu.vector_load %arg10[%get3A_1322] {strides = array<i32>} : memref<512xf32, #tpu.memory_space<vmem>>, vector<16xf32>,
    %mul3A_1324 = arith.constant 5.120000e+02 : f32
    %mul3A_1325 = vector.broadcast %mul3A_1324 : f32 to vector<16xf32>
    %mul3A_1326 = arith.mulf %get3A_1323, %mul3A_1325 : vector<16xf32>
    %convert_element_type3A_1327 = arith.fptosi %mul3A_1326 : vector<16xf32> to vector<16xi32>
    %get3A_1328 = arith.constant 496 : index
    %get3A_1329 = tpu.vector_load %arg11[%get3A_1328] {strides = array<i32>} : memref<512xf32, #tpu.memory_space<vmem>>, vector<16xf32>,
    %mul3A_1330 = arith.constant 5.120000e+02 : f32
    %mul3A_1331 = vector.broadcast %mul3A_1330 : f32 to vector<16xf32>
    %mul3A_1332 = arith.mulf %get3A_1329, %mul3A_1331 : vector<16xf32>
    %convert_element_type3A_1333 = arith.fptosi %mul3A_1332 : vector<16xf32> to vector<16xi32>
    %get3A_1334 = arith.constant 496 : index
    %get3A_1335 = tpu.vector_load %arg12[%get3A_1334] {strides = array<i32>} : memref<512xf32, #tpu.memory_space<vmem>>, vector<16xf32>,
    %mul3A_1336 = arith.constant 5.120000e+02 : f32
    %mul3A_1337 = vector.broadcast %mul3A_1336 : f32 to vector<16xf32>
    %mul3A_1338 = arith.mulf %get3A_1335, %mul3A_1337 : vector<16xf32>
    %convert_element_type3A_1339 = arith.fptosi %mul3A_1338 : vector<16xf32> to vector<16xi32>
    %get3A_1340 = arith.constant 496 : index
    %get3A_1341 = tpu.vector_load %arg13[%get3A_1340] {strides = array<i32>} : memref<512xf32, #tpu.memory_space<vmem>>, vector<16xf32>,
    %mul3A_1342 = arith.constant 5.120000e+02 : f32
    %mul3A_1343 = vector.broadcast %mul3A_1342 : f32 to vector<16xf32>
    %mul3A_1344 = arith.mulf %get3A_1341, %mul3A_1343 : vector<16xf32>
    %convert_element_type3A_1345 = arith.fptosi %mul3A_1344 : vector<16xf32> to vector<16xi32>
    %mul3A_1346 = arith.constant 512 : i32
    %mul3A_1347 = vector.broadcast %mul3A_1346 : i32 to vector<16xi32>
    %mul3A_1348 = arith.muli %convert_element_type3A_1333, %mul3A_1347 : vector<16xi32>
    %add3A_1349 = arith.addi %mul3A_1348, %convert_element_type3A_1327 : vector<16xi32>
    %swap3A_1350 = arith.constant 3 : i32
    %swap3A_1351 = arith.index_cast %swap3A_1350 : i32 to index
    %swap3A_1352 = arith.constant 112 : index
    %swap3A_1353 = tpu.vector_load %arg16[%swap3A_1351, %swap3A_1352] {strides = array<i32>} : memref<8x128xi32, #tpu.memory_space<vmem>>, vector<16xi32>,
    tpu.vector_store %arg16[%swap3A_1351, %swap3A_1352], %add3A_1349 {strides = array<i32>} : memref<8x128xi32, #tpu.memory_space<vmem>>, vector<16xi32>,
    %mul3A_1354 = arith.constant 512 : i32
    %mul3A_1355 = vector.broadcast %mul3A_1354 : i32 to vector<16xi32>
    %mul3A_1356 = arith.muli %convert_element_type3A_1345, %mul3A_1355 : vector<16xi32>
    %add3A_1357 = arith.addi %mul3A_1356, %convert_element_type3A_1339 : vector<16xi32>
    %swap3A_1358 = arith.constant 7 : i32
    %swap3A_1359 = arith.index_cast %swap3A_1358 : i32 to index
    %swap3A_1360 = arith.constant 112 : index
    %swap3A_1361 = tpu.vector_load %arg16[%swap3A_1359, %swap3A_1360] {strides = array<i32>} : memref<8x128xi32, #tpu.memory_space<vmem>>, vector<16xi32>,
    tpu.vector_store %arg16[%swap3A_1359, %swap3A_1360], %add3A_1357 {strides = array<i32>} : memref<8x128xi32, #tpu.memory_space<vmem>>, vector<16xi32>,
    %dma_start3A_1362 = arith.constant 3 : i32
    %dma_start3A_1363 = arith.constant 3 : i32
    %dma_start3A_1364 = arith.constant 0 : i32
    %dma_start3A_1365 = tpu.memref_slice %arg17[%dma_start3A_1363, %dma_start3A_1364] : memref<8x128xf32, #tpu.memory_space<vmem>> -> memref<1x128xf32, #tpu.memory_space<vmem>>
    %dma_start3A_1366 = tpu.memref_squeeze %dma_start3A_1365 : memref<1x128xf32, #tpu.memory_space<vmem>> -> memref<128xf32, #tpu.memory_space<vmem>>
    %dma_start3A_1367 = arith.constant 0 : i32
    %dma_start3A_1368 = tpu.memref_slice %arg16[%dma_start3A_1362, %dma_start3A_1367] : memref<8x128xi32, #tpu.memory_space<vmem>> -> memref<1x128xi32, #tpu.memory_space<vmem>>
    %dma_start3A_1369 = tpu.memref_squeeze %dma_start3A_1368 : memref<1x128xi32, #tpu.memory_space<vmem>> -> memref<128xi32, #tpu.memory_space<vmem>>
    %dma_start3A_1370 = arith.constant 0 : i32
    %dma_start3A_1371 = tpu.memref_slice %arg2[%dma_start3A_1370] : memref<262144xf32, #tpu.memory_space<hbm>> -> memref<262144xf32, #tpu.memory_space<hbm>>
    tpu.enqueue_indirect_dma source(%dma_start3A_1371 : memref<262144xf32, #tpu.memory_space<hbm>>) target(%dma_start3A_1366 : memref<128xf32, #tpu.memory_space<vmem>>) offsets(%dma_start3A_1369 : memref<128xi32, #tpu.memory_space<vmem>>) semaphore(%arg22 : memref<!tpu.dma_semaphore, #tpu.memory_space<semaphore_mem>>)
    %dma_start3A_1372 = arith.constant 7 : i32
    %dma_start3A_1373 = arith.constant 7 : i32
    %dma_start3A_1374 = arith.constant 0 : i32
    %dma_start3A_1375 = tpu.memref_slice %arg17[%dma_start3A_1373, %dma_start3A_1374] : memref<8x128xf32, #tpu.memory_space<vmem>> -> memref<1x128xf32, #tpu.memory_space<vmem>>
    %dma_start3A_1376 = tpu.memref_squeeze %dma_start3A_1375 : memref<1x128xf32, #tpu.memory_space<vmem>> -> memref<128xf32, #tpu.memory_space<vmem>>
    %dma_start3A_1377 = arith.constant 0 : i32
    %dma_start3A_1378 = tpu.memref_slice %arg16[%dma_start3A_1372, %dma_start3A_1377] : memref<8x128xi32, #tpu.memory_space<vmem>> -> memref<1x128xi32, #tpu.memory_space<vmem>>
    %dma_start3A_1379 = tpu.memref_squeeze %dma_start3A_1378 : memref<1x128xi32, #tpu.memory_space<vmem>> -> memref<128xi32, #tpu.memory_space<vmem>>
    %dma_start3A_1380 = arith.constant 0 : i32
    %dma_start3A_1381 = tpu.memref_slice %arg2[%dma_start3A_1380] : memref<262144xf32, #tpu.memory_space<hbm>> -> memref<262144xf32, #tpu.memory_space<hbm>>
    tpu.enqueue_indirect_dma source(%dma_start3A_1381 : memref<262144xf32, #tpu.memory_space<hbm>>) target(%dma_start3A_1376 : memref<128xf32, #tpu.memory_space<vmem>>) offsets(%dma_start3A_1379 : memref<128xi32, #tpu.memory_space<vmem>>) semaphore(%arg22 : memref<!tpu.dma_semaphore, #tpu.memory_space<semaphore_mem>>)
    %broadcast_in_dim3A = arith.constant 0.000000e+00 : f32
    %broadcast_in_dim3A_1382 = vector.broadcast %broadcast_in_dim3A : f32 to vector<16xf32>
    %broadcast_in_dim3A_1383 = arith.constant 0.000000e+00 : f32
    %broadcast_in_dim3A_1384 = vector.broadcast %broadcast_in_dim3A_1383 : f32 to vector<16xf32>
    %dma_wait3A_1385 = arith.constant 0 : i32
    %dma_wait3A_1386 = arith.constant 0 : i32
    %dma_wait3A_1387 = arith.constant 0 : i32
    %dma_wait3A_1388 = tpu.memref_slice %arg17[%dma_wait3A_1386, %dma_wait3A_1387] : memref<8x128xf32, #tpu.memory_space<vmem>> -> memref<1x128xf32, #tpu.memory_space<vmem>>
    %dma_wait3A_1389 = tpu.memref_squeeze %dma_wait3A_1388 : memref<1x128xf32, #tpu.memory_space<vmem>> -> memref<128xf32, #tpu.memory_space<vmem>>
    %dma_wait3A_1390 = arith.constant 0 : i32
    %dma_wait3A_1391 = tpu.memref_slice %arg16[%dma_wait3A_1385, %dma_wait3A_1390] : memref<8x128xi32, #tpu.memory_space<vmem>> -> memref<1x128xi32, #tpu.memory_space<vmem>>
    %dma_wait3A_1392 = tpu.memref_squeeze %dma_wait3A_1391 : memref<1x128xi32, #tpu.memory_space<vmem>> -> memref<128xi32, #tpu.memory_space<vmem>>
    %dma_wait3A_1393 = arith.constant 0 : i32
    %dma_wait3A_1394 = tpu.memref_slice %arg2[%dma_wait3A_1393] : memref<262144xf32, #tpu.memory_space<hbm>> -> memref<262144xf32, #tpu.memory_space<hbm>>
    tpu.wait_indirect_dma semaphore(%arg19 : memref<!tpu.dma_semaphore, #tpu.memory_space<semaphore_mem>>) src(%dma_wait3A_1394 : memref<262144xf32, #tpu.memory_space<hbm>>) dst(%dma_wait3A_1389 : memref<128xf32, #tpu.memory_space<vmem>>)
    %dma_wait3A_1395 = arith.constant 4 : i32
    %dma_wait3A_1396 = arith.constant 4 : i32
    %dma_wait3A_1397 = arith.constant 0 : i32
    %dma_wait3A_1398 = tpu.memref_slice %arg17[%dma_wait3A_1396, %dma_wait3A_1397] : memref<8x128xf32, #tpu.memory_space<vmem>> -> memref<1x128xf32, #tpu.memory_space<vmem>>
    %dma_wait3A_1399 = tpu.memref_squeeze %dma_wait3A_1398 : memref<1x128xf32, #tpu.memory_space<vmem>> -> memref<128xf32, #tpu.memory_space<vmem>>
    %dma_wait3A_1400 = arith.constant 0 : i32
    %dma_wait3A_1401 = tpu.memref_slice %arg16[%dma_wait3A_1395, %dma_wait3A_1400] : memref<8x128xi32, #tpu.memory_space<vmem>> -> memref<1x128xi32, #tpu.memory_space<vmem>>
    %dma_wait3A_1402 = tpu.memref_squeeze %dma_wait3A_1401 : memref<1x128xi32, #tpu.memory_space<vmem>> -> memref<128xi32, #tpu.memory_space<vmem>>
    %dma_wait3A_1403 = arith.constant 0 : i32
    %dma_wait3A_1404 = tpu.memref_slice %arg2[%dma_wait3A_1403] : memref<262144xf32, #tpu.memory_space<hbm>> -> memref<262144xf32, #tpu.memory_space<hbm>>
    tpu.wait_indirect_dma semaphore(%arg19 : memref<!tpu.dma_semaphore, #tpu.memory_space<semaphore_mem>>) src(%dma_wait3A_1404 : memref<262144xf32, #tpu.memory_space<hbm>>) dst(%dma_wait3A_1399 : memref<128xf32, #tpu.memory_space<vmem>>)
    %get3A_1405 = arith.constant 0 : i32
    %get3A_1406 = arith.index_cast %get3A_1405 : i32 to index
    %get3A_1407 = arith.constant 0 : index
    %get3A_1408 = tpu.vector_load %arg17[%get3A_1406, %get3A_1407] {strides = array<i32>} : memref<8x128xf32, #tpu.memory_space<vmem>>, vector<16xf32>,
    %get3A_1409 = arith.constant 4 : i32
    %get3A_1410 = arith.index_cast %get3A_1409 : i32 to index
    %get3A_1411 = arith.constant 0 : index
    %get3A_1412 = tpu.vector_load %arg17[%get3A_1410, %get3A_1411] {strides = array<i32>} : memref<8x128xf32, #tpu.memory_space<vmem>>, vector<16xf32>,
    %add3A_1413 = arith.constant 1.000000e-07 : f32
    %add3A_1414 = vector.broadcast %add3A_1413 : f32 to vector<16xf32>
    %add3A_1415 = arith.addf %get3A_1412, %add3A_1414 : vector<16xf32>
    %div3A = arith.divf %get3A_1408, %add3A_1415 : vector<16xf32>
    %le3A = arith.constant 1.120000e+00 : f32
    %le3A_1416 = vector.broadcast %le3A : f32 to vector<16xf32>
    %le3A_1417 = arith.cmpf ole, %div3A, %le3A_1416 : vector<16xf32>
    %jit3A = arith.constant 2.000000e+00 : f32
    %broadcast_in_dim3A_1418 = vector.broadcast %jit3A : f32 to vector<16xf32>
    %select_n3A = arith.select %le3A_1417, %div3A, %broadcast_in_dim3A_1418 : vector<16xi1>, vector<16xf32>
    %ge3A = arith.constant 0.892857134 : f32
    %ge3A_1419 = vector.broadcast %ge3A : f32 to vector<16xf32>
    %ge3A_1420 = arith.cmpf oge, %select_n3A, %ge3A_1419 : vector<16xf32>
    %jit3A_1421 = arith.constant 1.000000e+00 : f32
    %broadcast_in_dim3A_1422 = vector.broadcast %jit3A_1421 : f32 to vector<16xf32>
    %select_n3A_1423 = arith.select %ge3A_1420, %select_n3A, %broadcast_in_dim3A_1422 : vector<16xi1>, vector<16xf32>
    %eq3A = arith.constant 1.000000e+00 : f32
    %eq3A_1424 = vector.broadcast %eq3A : f32 to vector<16xf32>
    %eq3A_1425 = arith.cmpf oeq, %select_n3A_1423, %eq3A_1424 : vector<16xf32>
    %jit3A_1426 = arith.constant 0.000000e+00 : f32
    %broadcast_in_dim3A_1427 = vector.broadcast %jit3A_1426 : f32 to vector<16xf32>
    %select_n3A_1428 = arith.select %eq3A_1425, %select_n3A_1423, %broadcast_in_dim3A_1427 : vector<16xi1>, vector<16xf32>
    %eq3A_1429 = arith.constant 2.000000e+00 : f32
    %eq3A_1430 = vector.broadcast %eq3A_1429 : f32 to vector<16xf32>
    %eq3A_1431 = arith.cmpf oeq, %select_n3A_1423, %eq3A_1430 : vector<16xf32>
    %jit3A_1432 = arith.constant 0.000000e+00 : f32
    %broadcast_in_dim3A_1433 = vector.broadcast %jit3A_1432 : f32 to vector<16xf32>
    %select_n3A_1434 = arith.select %eq3A_1431, %select_n3A_1423, %broadcast_in_dim3A_1433 : vector<16xi1>, vector<16xf32>
    %add3A_1435 = arith.addf %select_n3A_1428, %select_n3A_1434 : vector<16xf32>
    %get3A_1436 = arith.constant 0 : index
    %get3A_1437 = tpu.vector_load %arg14[%get3A_1436] {strides = array<i32>} : memref<512xf32, #tpu.memory_space<vmem>>, vector<16xf32>,
    %get3A_1438 = arith.constant 0 : index
    %get3A_1439 = tpu.vector_load %arg15[%get3A_1438] {strides = array<i32>} : memref<512xf32, #tpu.memory_space<vmem>>, vector<16xf32>,
    %ne3A = arith.cmpf one, %get3A_1439, %add3A_1435 : vector<16xf32>
    %jit3A_1440 = arith.constant 0.000000e+00 : f32
    %broadcast_in_dim3A_1441 = vector.broadcast %jit3A_1440 : f32 to vector<16xf32>
    %select_n3A_1442 = arith.select %ne3A, %get3A_1437, %broadcast_in_dim3A_1441 : vector<16xi1>, vector<16xf32>
    %add3A_1443 = arith.addf %broadcast_in_dim3A_1382, %select_n3A_1442 : vector<16xf32>
    %add3A_1444 = arith.addf %broadcast_in_dim3A_1384, %get3A_1437 : vector<16xf32>
    %get3A_1445 = arith.constant 0 : i32
    %get3A_1446 = arith.index_cast %get3A_1445 : i32 to index
    %get3A_1447 = arith.constant 16 : index
    %get3A_1448 = tpu.vector_load %arg17[%get3A_1446, %get3A_1447] {strides = array<i32>} : memref<8x128xf32, #tpu.memory_space<vmem>>, vector<16xf32>,
    %get3A_1449 = arith.constant 4 : i32
    %get3A_1450 = arith.index_cast %get3A_1449 : i32 to index
    %get3A_1451 = arith.constant 16 : index
    %get3A_1452 = tpu.vector_load %arg17[%get3A_1450, %get3A_1451] {strides = array<i32>} : memref<8x128xf32, #tpu.memory_space<vmem>>, vector<16xf32>,
    %add3A_1453 = arith.constant 1.000000e-07 : f32
    %add3A_1454 = vector.broadcast %add3A_1453 : f32 to vector<16xf32>
    %add3A_1455 = arith.addf %get3A_1452, %add3A_1454 : vector<16xf32>
    %div3A_1456 = arith.divf %get3A_1448, %add3A_1455 : vector<16xf32>
    %le3A_1457 = arith.constant 1.120000e+00 : f32
    %le3A_1458 = vector.broadcast %le3A_1457 : f32 to vector<16xf32>
    %le3A_1459 = arith.cmpf ole, %div3A_1456, %le3A_1458 : vector<16xf32>
    %jit3A_1460 = arith.constant 2.000000e+00 : f32
    %broadcast_in_dim3A_1461 = vector.broadcast %jit3A_1460 : f32 to vector<16xf32>
    %select_n3A_1462 = arith.select %le3A_1459, %div3A_1456, %broadcast_in_dim3A_1461 : vector<16xi1>, vector<16xf32>
    %ge3A_1463 = arith.constant 0.892857134 : f32
    %ge3A_1464 = vector.broadcast %ge3A_1463 : f32 to vector<16xf32>
    %ge3A_1465 = arith.cmpf oge, %select_n3A_1462, %ge3A_1464 : vector<16xf32>
    %jit3A_1466 = arith.constant 1.000000e+00 : f32
    %broadcast_in_dim3A_1467 = vector.broadcast %jit3A_1466 : f32 to vector<16xf32>
    %select_n3A_1468 = arith.select %ge3A_1465, %select_n3A_1462, %broadcast_in_dim3A_1467 : vector<16xi1>, vector<16xf32>
    %eq3A_1469 = arith.constant 1.000000e+00 : f32
    %eq3A_1470 = vector.broadcast %eq3A_1469 : f32 to vector<16xf32>
    %eq3A_1471 = arith.cmpf oeq, %select_n3A_1468, %eq3A_1470 : vector<16xf32>
    %jit3A_1472 = arith.constant 0.000000e+00 : f32
    %broadcast_in_dim3A_1473 = vector.broadcast %jit3A_1472 : f32 to vector<16xf32>
    %select_n3A_1474 = arith.select %eq3A_1471, %select_n3A_1468, %broadcast_in_dim3A_1473 : vector<16xi1>, vector<16xf32>
    %eq3A_1475 = arith.constant 2.000000e+00 : f32
    %eq3A_1476 = vector.broadcast %eq3A_1475 : f32 to vector<16xf32>
    %eq3A_1477 = arith.cmpf oeq, %select_n3A_1468, %eq3A_1476 : vector<16xf32>
    %jit3A_1478 = arith.constant 0.000000e+00 : f32
    %broadcast_in_dim3A_1479 = vector.broadcast %jit3A_1478 : f32 to vector<16xf32>
    %select_n3A_1480 = arith.select %eq3A_1477, %select_n3A_1468, %broadcast_in_dim3A_1479 : vector<16xi1>, vector<16xf32>
    %add3A_1481 = arith.addf %select_n3A_1474, %select_n3A_1480 : vector<16xf32>
    %get3A_1482 = arith.constant 16 : index
    %get3A_1483 = tpu.vector_load %arg14[%get3A_1482] {strides = array<i32>} : memref<512xf32, #tpu.memory_space<vmem>>, vector<16xf32>,
    %get3A_1484 = arith.constant 16 : index
    %get3A_1485 = tpu.vector_load %arg15[%get3A_1484] {strides = array<i32>} : memref<512xf32, #tpu.memory_space<vmem>>, vector<16xf32>,
    %ne3A_1486 = arith.cmpf one, %get3A_1485, %add3A_1481 : vector<16xf32>
    %jit3A_1487 = arith.constant 0.000000e+00 : f32
    %broadcast_in_dim3A_1488 = vector.broadcast %jit3A_1487 : f32 to vector<16xf32>
    %select_n3A_1489 = arith.select %ne3A_1486, %get3A_1483, %broadcast_in_dim3A_1488 : vector<16xi1>, vector<16xf32>
    %add3A_1490 = arith.addf %add3A_1443, %select_n3A_1489 : vector<16xf32>
    %add3A_1491 = arith.addf %add3A_1444, %get3A_1483 : vector<16xf32>
    %get3A_1492 = arith.constant 0 : i32
    %get3A_1493 = arith.index_cast %get3A_1492 : i32 to index
    %get3A_1494 = arith.constant 32 : index
    %get3A_1495 = tpu.vector_load %arg17[%get3A_1493, %get3A_1494] {strides = array<i32>} : memref<8x128xf32, #tpu.memory_space<vmem>>, vector<16xf32>,
    %get3A_1496 = arith.constant 4 : i32
    %get3A_1497 = arith.index_cast %get3A_1496 : i32 to index
    %get3A_1498 = arith.constant 32 : index
    %get3A_1499 = tpu.vector_load %arg17[%get3A_1497, %get3A_1498] {strides = array<i32>} : memref<8x128xf32, #tpu.memory_space<vmem>>, vector<16xf32>,
    %add3A_1500 = arith.constant 1.000000e-07 : f32
    %add3A_1501 = vector.broadcast %add3A_1500 : f32 to vector<16xf32>
    %add3A_1502 = arith.addf %get3A_1499, %add3A_1501 : vector<16xf32>
    %div3A_1503 = arith.divf %get3A_1495, %add3A_1502 : vector<16xf32>
    %le3A_1504 = arith.constant 1.120000e+00 : f32
    %le3A_1505 = vector.broadcast %le3A_1504 : f32 to vector<16xf32>
    %le3A_1506 = arith.cmpf ole, %div3A_1503, %le3A_1505 : vector<16xf32>
    %jit3A_1507 = arith.constant 2.000000e+00 : f32
    %broadcast_in_dim3A_1508 = vector.broadcast %jit3A_1507 : f32 to vector<16xf32>
    %select_n3A_1509 = arith.select %le3A_1506, %div3A_1503, %broadcast_in_dim3A_1508 : vector<16xi1>, vector<16xf32>
    %ge3A_1510 = arith.constant 0.892857134 : f32
    %ge3A_1511 = vector.broadcast %ge3A_1510 : f32 to vector<16xf32>
    %ge3A_1512 = arith.cmpf oge, %select_n3A_1509, %ge3A_1511 : vector<16xf32>
    %jit3A_1513 = arith.constant 1.000000e+00 : f32
    %broadcast_in_dim3A_1514 = vector.broadcast %jit3A_1513 : f32 to vector<16xf32>
    %select_n3A_1515 = arith.select %ge3A_1512, %select_n3A_1509, %broadcast_in_dim3A_1514 : vector<16xi1>, vector<16xf32>
    %eq3A_1516 = arith.constant 1.000000e+00 : f32
    %eq3A_1517 = vector.broadcast %eq3A_1516 : f32 to vector<16xf32>
    %eq3A_1518 = arith.cmpf oeq, %select_n3A_1515, %eq3A_1517 : vector<16xf32>
    %jit3A_1519 = arith.constant 0.000000e+00 : f32
    %broadcast_in_dim3A_1520 = vector.broadcast %jit3A_1519 : f32 to vector<16xf32>
    %select_n3A_1521 = arith.select %eq3A_1518, %select_n3A_1515, %broadcast_in_dim3A_1520 : vector<16xi1>, vector<16xf32>
    %eq3A_1522 = arith.constant 2.000000e+00 : f32
    %eq3A_1523 = vector.broadcast %eq3A_1522 : f32 to vector<16xf32>
    %eq3A_1524 = arith.cmpf oeq, %select_n3A_1515, %eq3A_1523 : vector<16xf32>
    %jit3A_1525 = arith.constant 0.000000e+00 : f32
    %broadcast_in_dim3A_1526 = vector.broadcast %jit3A_1525 : f32 to vector<16xf32>
    %select_n3A_1527 = arith.select %eq3A_1524, %select_n3A_1515, %broadcast_in_dim3A_1526 : vector<16xi1>, vector<16xf32>
    %add3A_1528 = arith.addf %select_n3A_1521, %select_n3A_1527 : vector<16xf32>
    %get3A_1529 = arith.constant 32 : index
    %get3A_1530 = tpu.vector_load %arg14[%get3A_1529] {strides = array<i32>} : memref<512xf32, #tpu.memory_space<vmem>>, vector<16xf32>,
    %get3A_1531 = arith.constant 32 : index
    %get3A_1532 = tpu.vector_load %arg15[%get3A_1531] {strides = array<i32>} : memref<512xf32, #tpu.memory_space<vmem>>, vector<16xf32>,
    %ne3A_1533 = arith.cmpf one, %get3A_1532, %add3A_1528 : vector<16xf32>
    %jit3A_1534 = arith.constant 0.000000e+00 : f32
    %broadcast_in_dim3A_1535 = vector.broadcast %jit3A_1534 : f32 to vector<16xf32>
    %select_n3A_1536 = arith.select %ne3A_1533, %get3A_1530, %broadcast_in_dim3A_1535 : vector<16xi1>, vector<16xf32>
    %add3A_1537 = arith.addf %add3A_1490, %select_n3A_1536 : vector<16xf32>
    %add3A_1538 = arith.addf %add3A_1491, %get3A_1530 : vector<16xf32>
    %get3A_1539 = arith.constant 0 : i32
    %get3A_1540 = arith.index_cast %get3A_1539 : i32 to index
    %get3A_1541 = arith.constant 48 : index
    %get3A_1542 = tpu.vector_load %arg17[%get3A_1540, %get3A_1541] {strides = array<i32>} : memref<8x128xf32, #tpu.memory_space<vmem>>, vector<16xf32>,
    %get3A_1543 = arith.constant 4 : i32
    %get3A_1544 = arith.index_cast %get3A_1543 : i32 to index
    %get3A_1545 = arith.constant 48 : index
    %get3A_1546 = tpu.vector_load %arg17[%get3A_1544, %get3A_1545] {strides = array<i32>} : memref<8x128xf32, #tpu.memory_space<vmem>>, vector<16xf32>,
    %add3A_1547 = arith.constant 1.000000e-07 : f32
    %add3A_1548 = vector.broadcast %add3A_1547 : f32 to vector<16xf32>
    %add3A_1549 = arith.addf %get3A_1546, %add3A_1548 : vector<16xf32>
    %div3A_1550 = arith.divf %get3A_1542, %add3A_1549 : vector<16xf32>
    %le3A_1551 = arith.constant 1.120000e+00 : f32
    %le3A_1552 = vector.broadcast %le3A_1551 : f32 to vector<16xf32>
    %le3A_1553 = arith.cmpf ole, %div3A_1550, %le3A_1552 : vector<16xf32>
    %jit3A_1554 = arith.constant 2.000000e+00 : f32
    %broadcast_in_dim3A_1555 = vector.broadcast %jit3A_1554 : f32 to vector<16xf32>
    %select_n3A_1556 = arith.select %le3A_1553, %div3A_1550, %broadcast_in_dim3A_1555 : vector<16xi1>, vector<16xf32>
    %ge3A_1557 = arith.constant 0.892857134 : f32
    %ge3A_1558 = vector.broadcast %ge3A_1557 : f32 to vector<16xf32>
    %ge3A_1559 = arith.cmpf oge, %select_n3A_1556, %ge3A_1558 : vector<16xf32>
    %jit3A_1560 = arith.constant 1.000000e+00 : f32
    %broadcast_in_dim3A_1561 = vector.broadcast %jit3A_1560 : f32 to vector<16xf32>
    %select_n3A_1562 = arith.select %ge3A_1559, %select_n3A_1556, %broadcast_in_dim3A_1561 : vector<16xi1>, vector<16xf32>
    %eq3A_1563 = arith.constant 1.000000e+00 : f32
    %eq3A_1564 = vector.broadcast %eq3A_1563 : f32 to vector<16xf32>
    %eq3A_1565 = arith.cmpf oeq, %select_n3A_1562, %eq3A_1564 : vector<16xf32>
    %jit3A_1566 = arith.constant 0.000000e+00 : f32
    %broadcast_in_dim3A_1567 = vector.broadcast %jit3A_1566 : f32 to vector<16xf32>
    %select_n3A_1568 = arith.select %eq3A_1565, %select_n3A_1562, %broadcast_in_dim3A_1567 : vector<16xi1>, vector<16xf32>
    %eq3A_1569 = arith.constant 2.000000e+00 : f32
    %eq3A_1570 = vector.broadcast %eq3A_1569 : f32 to vector<16xf32>
    %eq3A_1571 = arith.cmpf oeq, %select_n3A_1562, %eq3A_1570 : vector<16xf32>
    %jit3A_1572 = arith.constant 0.000000e+00 : f32
    %broadcast_in_dim3A_1573 = vector.broadcast %jit3A_1572 : f32 to vector<16xf32>
    %select_n3A_1574 = arith.select %eq3A_1571, %select_n3A_1562, %broadcast_in_dim3A_1573 : vector<16xi1>, vector<16xf32>
    %add3A_1575 = arith.addf %select_n3A_1568, %select_n3A_1574 : vector<16xf32>
    %get3A_1576 = arith.constant 48 : index
    %get3A_1577 = tpu.vector_load %arg14[%get3A_1576] {strides = array<i32>} : memref<512xf32, #tpu.memory_space<vmem>>, vector<16xf32>,
    %get3A_1578 = arith.constant 48 : index
    %get3A_1579 = tpu.vector_load %arg15[%get3A_1578] {strides = array<i32>} : memref<512xf32, #tpu.memory_space<vmem>>, vector<16xf32>,
    %ne3A_1580 = arith.cmpf one, %get3A_1579, %add3A_1575 : vector<16xf32>
    %jit3A_1581 = arith.constant 0.000000e+00 : f32
    %broadcast_in_dim3A_1582 = vector.broadcast %jit3A_1581 : f32 to vector<16xf32>
    %select_n3A_1583 = arith.select %ne3A_1580, %get3A_1577, %broadcast_in_dim3A_1582 : vector<16xi1>, vector<16xf32>
    %add3A_1584 = arith.addf %add3A_1537, %select_n3A_1583 : vector<16xf32>
    %add3A_1585 = arith.addf %add3A_1538, %get3A_1577 : vector<16xf32>
    %get3A_1586 = arith.constant 0 : i32
    %get3A_1587 = arith.index_cast %get3A_1586 : i32 to index
    %get3A_1588 = arith.constant 64 : index
    %get3A_1589 = tpu.vector_load %arg17[%get3A_1587, %get3A_1588] {strides = array<i32>} : memref<8x128xf32, #tpu.memory_space<vmem>>, vector<16xf32>,
    %get3A_1590 = arith.constant 4 : i32
    %get3A_1591 = arith.index_cast %get3A_1590 : i32 to index
    %get3A_1592 = arith.constant 64 : index
    %get3A_1593 = tpu.vector_load %arg17[%get3A_1591, %get3A_1592] {strides = array<i32>} : memref<8x128xf32, #tpu.memory_space<vmem>>, vector<16xf32>,
    %add3A_1594 = arith.constant 1.000000e-07 : f32
    %add3A_1595 = vector.broadcast %add3A_1594 : f32 to vector<16xf32>
    %add3A_1596 = arith.addf %get3A_1593, %add3A_1595 : vector<16xf32>
    %div3A_1597 = arith.divf %get3A_1589, %add3A_1596 : vector<16xf32>
    %le3A_1598 = arith.constant 1.120000e+00 : f32
    %le3A_1599 = vector.broadcast %le3A_1598 : f32 to vector<16xf32>
    %le3A_1600 = arith.cmpf ole, %div3A_1597, %le3A_1599 : vector<16xf32>
    %jit3A_1601 = arith.constant 2.000000e+00 : f32
    %broadcast_in_dim3A_1602 = vector.broadcast %jit3A_1601 : f32 to vector<16xf32>
    %select_n3A_1603 = arith.select %le3A_1600, %div3A_1597, %broadcast_in_dim3A_1602 : vector<16xi1>, vector<16xf32>
    %ge3A_1604 = arith.constant 0.892857134 : f32
    %ge3A_1605 = vector.broadcast %ge3A_1604 : f32 to vector<16xf32>
    %ge3A_1606 = arith.cmpf oge, %select_n3A_1603, %ge3A_1605 : vector<16xf32>
    %jit3A_1607 = arith.constant 1.000000e+00 : f32
    %broadcast_in_dim3A_1608 = vector.broadcast %jit3A_1607 : f32 to vector<16xf32>
    %select_n3A_1609 = arith.select %ge3A_1606, %select_n3A_1603, %broadcast_in_dim3A_1608 : vector<16xi1>, vector<16xf32>
    %eq3A_1610 = arith.constant 1.000000e+00 : f32
    %eq3A_1611 = vector.broadcast %eq3A_1610 : f32 to vector<16xf32>
    %eq3A_1612 = arith.cmpf oeq, %select_n3A_1609, %eq3A_1611 : vector<16xf32>
    %jit3A_1613 = arith.constant 0.000000e+00 : f32
    %broadcast_in_dim3A_1614 = vector.broadcast %jit3A_1613 : f32 to vector<16xf32>
    %select_n3A_1615 = arith.select %eq3A_1612, %select_n3A_1609, %broadcast_in_dim3A_1614 : vector<16xi1>, vector<16xf32>
    %eq3A_1616 = arith.constant 2.000000e+00 : f32
    %eq3A_1617 = vector.broadcast %eq3A_1616 : f32 to vector<16xf32>
    %eq3A_1618 = arith.cmpf oeq, %select_n3A_1609, %eq3A_1617 : vector<16xf32>
    %jit3A_1619 = arith.constant 0.000000e+00 : f32
    %broadcast_in_dim3A_1620 = vector.broadcast %jit3A_1619 : f32 to vector<16xf32>
    %select_n3A_1621 = arith.select %eq3A_1618, %select_n3A_1609, %broadcast_in_dim3A_1620 : vector<16xi1>, vector<16xf32>
    %add3A_1622 = arith.addf %select_n3A_1615, %select_n3A_1621 : vector<16xf32>
    %get3A_1623 = arith.constant 64 : index
    %get3A_1624 = tpu.vector_load %arg14[%get3A_1623] {strides = array<i32>} : memref<512xf32, #tpu.memory_space<vmem>>, vector<16xf32>,
    %get3A_1625 = arith.constant 64 : index
    %get3A_1626 = tpu.vector_load %arg15[%get3A_1625] {strides = array<i32>} : memref<512xf32, #tpu.memory_space<vmem>>, vector<16xf32>,
    %ne3A_1627 = arith.cmpf one, %get3A_1626, %add3A_1622 : vector<16xf32>
    %jit3A_1628 = arith.constant 0.000000e+00 : f32
    %broadcast_in_dim3A_1629 = vector.broadcast %jit3A_1628 : f32 to vector<16xf32>
    %select_n3A_1630 = arith.select %ne3A_1627, %get3A_1624, %broadcast_in_dim3A_1629 : vector<16xi1>, vector<16xf32>
    %add3A_1631 = arith.addf %add3A_1584, %select_n3A_1630 : vector<16xf32>
    %add3A_1632 = arith.addf %add3A_1585, %get3A_1624 : vector<16xf32>
    %get3A_1633 = arith.constant 0 : i32
    %get3A_1634 = arith.index_cast %get3A_1633 : i32 to index
    %get3A_1635 = arith.constant 80 : index
    %get3A_1636 = tpu.vector_load %arg17[%get3A_1634, %get3A_1635] {strides = array<i32>} : memref<8x128xf32, #tpu.memory_space<vmem>>, vector<16xf32>,
    %get3A_1637 = arith.constant 4 : i32
    %get3A_1638 = arith.index_cast %get3A_1637 : i32 to index
    %get3A_1639 = arith.constant 80 : index
    %get3A_1640 = tpu.vector_load %arg17[%get3A_1638, %get3A_1639] {strides = array<i32>} : memref<8x128xf32, #tpu.memory_space<vmem>>, vector<16xf32>,
    %add3A_1641 = arith.constant 1.000000e-07 : f32
    %add3A_1642 = vector.broadcast %add3A_1641 : f32 to vector<16xf32>
    %add3A_1643 = arith.addf %get3A_1640, %add3A_1642 : vector<16xf32>
    %div3A_1644 = arith.divf %get3A_1636, %add3A_1643 : vector<16xf32>
    %le3A_1645 = arith.constant 1.120000e+00 : f32
    %le3A_1646 = vector.broadcast %le3A_1645 : f32 to vector<16xf32>
    %le3A_1647 = arith.cmpf ole, %div3A_1644, %le3A_1646 : vector<16xf32>
    %jit3A_1648 = arith.constant 2.000000e+00 : f32
    %broadcast_in_dim3A_1649 = vector.broadcast %jit3A_1648 : f32 to vector<16xf32>
    %select_n3A_1650 = arith.select %le3A_1647, %div3A_1644, %broadcast_in_dim3A_1649 : vector<16xi1>, vector<16xf32>
    %ge3A_1651 = arith.constant 0.892857134 : f32
    %ge3A_1652 = vector.broadcast %ge3A_1651 : f32 to vector<16xf32>
    %ge3A_1653 = arith.cmpf oge, %select_n3A_1650, %ge3A_1652 : vector<16xf32>
    %jit3A_1654 = arith.constant 1.000000e+00 : f32
    %broadcast_in_dim3A_1655 = vector.broadcast %jit3A_1654 : f32 to vector<16xf32>
    %select_n3A_1656 = arith.select %ge3A_1653, %select_n3A_1650, %broadcast_in_dim3A_1655 : vector<16xi1>, vector<16xf32>
    %eq3A_1657 = arith.constant 1.000000e+00 : f32
    %eq3A_1658 = vector.broadcast %eq3A_1657 : f32 to vector<16xf32>
    %eq3A_1659 = arith.cmpf oeq, %select_n3A_1656, %eq3A_1658 : vector<16xf32>
    %jit3A_1660 = arith.constant 0.000000e+00 : f32
    %broadcast_in_dim3A_1661 = vector.broadcast %jit3A_1660 : f32 to vector<16xf32>
    %select_n3A_1662 = arith.select %eq3A_1659, %select_n3A_1656, %broadcast_in_dim3A_1661 : vector<16xi1>, vector<16xf32>
    %eq3A_1663 = arith.constant 2.000000e+00 : f32
    %eq3A_1664 = vector.broadcast %eq3A_1663 : f32 to vector<16xf32>
    %eq3A_1665 = arith.cmpf oeq, %select_n3A_1656, %eq3A_1664 : vector<16xf32>
    %jit3A_1666 = arith.constant 0.000000e+00 : f32
    %broadcast_in_dim3A_1667 = vector.broadcast %jit3A_1666 : f32 to vector<16xf32>
    %select_n3A_1668 = arith.select %eq3A_1665, %select_n3A_1656, %broadcast_in_dim3A_1667 : vector<16xi1>, vector<16xf32>
    %add3A_1669 = arith.addf %select_n3A_1662, %select_n3A_1668 : vector<16xf32>
    %get3A_1670 = arith.constant 80 : index
    %get3A_1671 = tpu.vector_load %arg14[%get3A_1670] {strides = array<i32>} : memref<512xf32, #tpu.memory_space<vmem>>, vector<16xf32>,
    %get3A_1672 = arith.constant 80 : index
    %get3A_1673 = tpu.vector_load %arg15[%get3A_1672] {strides = array<i32>} : memref<512xf32, #tpu.memory_space<vmem>>, vector<16xf32>,
    %ne3A_1674 = arith.cmpf one, %get3A_1673, %add3A_1669 : vector<16xf32>
    %jit3A_1675 = arith.constant 0.000000e+00 : f32
    %broadcast_in_dim3A_1676 = vector.broadcast %jit3A_1675 : f32 to vector<16xf32>
    %select_n3A_1677 = arith.select %ne3A_1674, %get3A_1671, %broadcast_in_dim3A_1676 : vector<16xi1>, vector<16xf32>
    %add3A_1678 = arith.addf %add3A_1631, %select_n3A_1677 : vector<16xf32>
    %add3A_1679 = arith.addf %add3A_1632, %get3A_1671 : vector<16xf32>
    %get3A_1680 = arith.constant 0 : i32
    %get3A_1681 = arith.index_cast %get3A_1680 : i32 to index
    %get3A_1682 = arith.constant 96 : index
    %get3A_1683 = tpu.vector_load %arg17[%get3A_1681, %get3A_1682] {strides = array<i32>} : memref<8x128xf32, #tpu.memory_space<vmem>>, vector<16xf32>,
    %get3A_1684 = arith.constant 4 : i32
    %get3A_1685 = arith.index_cast %get3A_1684 : i32 to index
    %get3A_1686 = arith.constant 96 : index
    %get3A_1687 = tpu.vector_load %arg17[%get3A_1685, %get3A_1686] {strides = array<i32>} : memref<8x128xf32, #tpu.memory_space<vmem>>, vector<16xf32>,
    %add3A_1688 = arith.constant 1.000000e-07 : f32
    %add3A_1689 = vector.broadcast %add3A_1688 : f32 to vector<16xf32>
    %add3A_1690 = arith.addf %get3A_1687, %add3A_1689 : vector<16xf32>
    %div3A_1691 = arith.divf %get3A_1683, %add3A_1690 : vector<16xf32>
    %le3A_1692 = arith.constant 1.120000e+00 : f32
    %le3A_1693 = vector.broadcast %le3A_1692 : f32 to vector<16xf32>
    %le3A_1694 = arith.cmpf ole, %div3A_1691, %le3A_1693 : vector<16xf32>
    %jit3A_1695 = arith.constant 2.000000e+00 : f32
    %broadcast_in_dim3A_1696 = vector.broadcast %jit3A_1695 : f32 to vector<16xf32>
    %select_n3A_1697 = arith.select %le3A_1694, %div3A_1691, %broadcast_in_dim3A_1696 : vector<16xi1>, vector<16xf32>
    %ge3A_1698 = arith.constant 0.892857134 : f32
    %ge3A_1699 = vector.broadcast %ge3A_1698 : f32 to vector<16xf32>
    %ge3A_1700 = arith.cmpf oge, %select_n3A_1697, %ge3A_1699 : vector<16xf32>
    %jit3A_1701 = arith.constant 1.000000e+00 : f32
    %broadcast_in_dim3A_1702 = vector.broadcast %jit3A_1701 : f32 to vector<16xf32>
    %select_n3A_1703 = arith.select %ge3A_1700, %select_n3A_1697, %broadcast_in_dim3A_1702 : vector<16xi1>, vector<16xf32>
    %eq3A_1704 = arith.constant 1.000000e+00 : f32
    %eq3A_1705 = vector.broadcast %eq3A_1704 : f32 to vector<16xf32>
    %eq3A_1706 = arith.cmpf oeq, %select_n3A_1703, %eq3A_1705 : vector<16xf32>
    %jit3A_1707 = arith.constant 0.000000e+00 : f32
    %broadcast_in_dim3A_1708 = vector.broadcast %jit3A_1707 : f32 to vector<16xf32>
    %select_n3A_1709 = arith.select %eq3A_1706, %select_n3A_1703, %broadcast_in_dim3A_1708 : vector<16xi1>, vector<16xf32>
    %eq3A_1710 = arith.constant 2.000000e+00 : f32
    %eq3A_1711 = vector.broadcast %eq3A_1710 : f32 to vector<16xf32>
    %eq3A_1712 = arith.cmpf oeq, %select_n3A_1703, %eq3A_1711 : vector<16xf32>
    %jit3A_1713 = arith.constant 0.000000e+00 : f32
    %broadcast_in_dim3A_1714 = vector.broadcast %jit3A_1713 : f32 to vector<16xf32>
    %select_n3A_1715 = arith.select %eq3A_1712, %select_n3A_1703, %broadcast_in_dim3A_1714 : vector<16xi1>, vector<16xf32>
    %add3A_1716 = arith.addf %select_n3A_1709, %select_n3A_1715 : vector<16xf32>
    %get3A_1717 = arith.constant 96 : index
    %get3A_1718 = tpu.vector_load %arg14[%get3A_1717] {strides = array<i32>} : memref<512xf32, #tpu.memory_space<vmem>>, vector<16xf32>,
    %get3A_1719 = arith.constant 96 : index
    %get3A_1720 = tpu.vector_load %arg15[%get3A_1719] {strides = array<i32>} : memref<512xf32, #tpu.memory_space<vmem>>, vector<16xf32>,
    %ne3A_1721 = arith.cmpf one, %get3A_1720, %add3A_1716 : vector<16xf32>
    %jit3A_1722 = arith.constant 0.000000e+00 : f32
    %broadcast_in_dim3A_1723 = vector.broadcast %jit3A_1722 : f32 to vector<16xf32>
    %select_n3A_1724 = arith.select %ne3A_1721, %get3A_1718, %broadcast_in_dim3A_1723 : vector<16xi1>, vector<16xf32>
    %add3A_1725 = arith.addf %add3A_1678, %select_n3A_1724 : vector<16xf32>
    %add3A_1726 = arith.addf %add3A_1679, %get3A_1718 : vector<16xf32>
    %get3A_1727 = arith.constant 0 : i32
    %get3A_1728 = arith.index_cast %get3A_1727 : i32 to index
    %get3A_1729 = arith.constant 112 : index
    %get3A_1730 = tpu.vector_load %arg17[%get3A_1728, %get3A_1729] {strides = array<i32>} : memref<8x128xf32, #tpu.memory_space<vmem>>, vector<16xf32>,
    %get3A_1731 = arith.constant 4 : i32
    %get3A_1732 = arith.index_cast %get3A_1731 : i32 to index
    %get3A_1733 = arith.constant 112 : index
    %get3A_1734 = tpu.vector_load %arg17[%get3A_1732, %get3A_1733] {strides = array<i32>} : memref<8x128xf32, #tpu.memory_space<vmem>>, vector<16xf32>,
    %add3A_1735 = arith.constant 1.000000e-07 : f32
    %add3A_1736 = vector.broadcast %add3A_1735 : f32 to vector<16xf32>
    %add3A_1737 = arith.addf %get3A_1734, %add3A_1736 : vector<16xf32>
    %div3A_1738 = arith.divf %get3A_1730, %add3A_1737 : vector<16xf32>
    %le3A_1739 = arith.constant 1.120000e+00 : f32
    %le3A_1740 = vector.broadcast %le3A_1739 : f32 to vector<16xf32>
    %le3A_1741 = arith.cmpf ole, %div3A_1738, %le3A_1740 : vector<16xf32>
    %jit3A_1742 = arith.constant 2.000000e+00 : f32
    %broadcast_in_dim3A_1743 = vector.broadcast %jit3A_1742 : f32 to vector<16xf32>
    %select_n3A_1744 = arith.select %le3A_1741, %div3A_1738, %broadcast_in_dim3A_1743 : vector<16xi1>, vector<16xf32>
    %ge3A_1745 = arith.constant 0.892857134 : f32
    %ge3A_1746 = vector.broadcast %ge3A_1745 : f32 to vector<16xf32>
    %ge3A_1747 = arith.cmpf oge, %select_n3A_1744, %ge3A_1746 : vector<16xf32>
    %jit3A_1748 = arith.constant 1.000000e+00 : f32
    %broadcast_in_dim3A_1749 = vector.broadcast %jit3A_1748 : f32 to vector<16xf32>
    %select_n3A_1750 = arith.select %ge3A_1747, %select_n3A_1744, %broadcast_in_dim3A_1749 : vector<16xi1>, vector<16xf32>
    %eq3A_1751 = arith.constant 1.000000e+00 : f32
    %eq3A_1752 = vector.broadcast %eq3A_1751 : f32 to vector<16xf32>
    %eq3A_1753 = arith.cmpf oeq, %select_n3A_1750, %eq3A_1752 : vector<16xf32>
    %jit3A_1754 = arith.constant 0.000000e+00 : f32
    %broadcast_in_dim3A_1755 = vector.broadcast %jit3A_1754 : f32 to vector<16xf32>
    %select_n3A_1756 = arith.select %eq3A_1753, %select_n3A_1750, %broadcast_in_dim3A_1755 : vector<16xi1>, vector<16xf32>
    %eq3A_1757 = arith.constant 2.000000e+00 : f32
    %eq3A_1758 = vector.broadcast %eq3A_1757 : f32 to vector<16xf32>
    %eq3A_1759 = arith.cmpf oeq, %select_n3A_1750, %eq3A_1758 : vector<16xf32>
    %jit3A_1760 = arith.constant 0.000000e+00 : f32
    %broadcast_in_dim3A_1761 = vector.broadcast %jit3A_1760 : f32 to vector<16xf32>
    %select_n3A_1762 = arith.select %eq3A_1759, %select_n3A_1750, %broadcast_in_dim3A_1761 : vector<16xi1>, vector<16xf32>
    %add3A_1763 = arith.addf %select_n3A_1756, %select_n3A_1762 : vector<16xf32>
    %get3A_1764 = arith.constant 112 : index
    %get3A_1765 = tpu.vector_load %arg14[%get3A_1764] {strides = array<i32>} : memref<512xf32, #tpu.memory_space<vmem>>, vector<16xf32>,
    %get3A_1766 = arith.constant 112 : index
    %get3A_1767 = tpu.vector_load %arg15[%get3A_1766] {strides = array<i32>} : memref<512xf32, #tpu.memory_space<vmem>>, vector<16xf32>,
    %ne3A_1768 = arith.cmpf one, %get3A_1767, %add3A_1763 : vector<16xf32>
    %jit3A_1769 = arith.constant 0.000000e+00 : f32
    %broadcast_in_dim3A_1770 = vector.broadcast %jit3A_1769 : f32 to vector<16xf32>
    %select_n3A_1771 = arith.select %ne3A_1768, %get3A_1765, %broadcast_in_dim3A_1770 : vector<16xi1>, vector<16xf32>
    %add3A_1772 = arith.addf %add3A_1725, %select_n3A_1771 : vector<16xf32>
    %add3A_1773 = arith.addf %add3A_1726, %get3A_1765 : vector<16xf32>
    %dma_wait3A_1774 = arith.constant 1 : i32
    %dma_wait3A_1775 = arith.constant 1 : i32
    %dma_wait3A_1776 = arith.constant 0 : i32
    %dma_wait3A_1777 = tpu.memref_slice %arg17[%dma_wait3A_1775, %dma_wait3A_1776] : memref<8x128xf32, #tpu.memory_space<vmem>> -> memref<1x128xf32, #tpu.memory_space<vmem>>
    %dma_wait3A_1778 = tpu.memref_squeeze %dma_wait3A_1777 : memref<1x128xf32, #tpu.memory_space<vmem>> -> memref<128xf32, #tpu.memory_space<vmem>>
    %dma_wait3A_1779 = arith.constant 0 : i32
    %dma_wait3A_1780 = tpu.memref_slice %arg16[%dma_wait3A_1774, %dma_wait3A_1779] : memref<8x128xi32, #tpu.memory_space<vmem>> -> memref<1x128xi32, #tpu.memory_space<vmem>>
    %dma_wait3A_1781 = tpu.memref_squeeze %dma_wait3A_1780 : memref<1x128xi32, #tpu.memory_space<vmem>> -> memref<128xi32, #tpu.memory_space<vmem>>
    %dma_wait3A_1782 = arith.constant 0 : i32
    %dma_wait3A_1783 = tpu.memref_slice %arg2[%dma_wait3A_1782] : memref<262144xf32, #tpu.memory_space<hbm>> -> memref<262144xf32, #tpu.memory_space<hbm>>
    tpu.wait_indirect_dma semaphore(%arg20 : memref<!tpu.dma_semaphore, #tpu.memory_space<semaphore_mem>>) src(%dma_wait3A_1783 : memref<262144xf32, #tpu.memory_space<hbm>>) dst(%dma_wait3A_1778 : memref<128xf32, #tpu.memory_space<vmem>>)
    %dma_wait3A_1784 = arith.constant 5 : i32
    %dma_wait3A_1785 = arith.constant 5 : i32
    %dma_wait3A_1786 = arith.constant 0 : i32
    %dma_wait3A_1787 = tpu.memref_slice %arg17[%dma_wait3A_1785, %dma_wait3A_1786] : memref<8x128xf32, #tpu.memory_space<vmem>> -> memref<1x128xf32, #tpu.memory_space<vmem>>
    %dma_wait3A_1788 = tpu.memref_squeeze %dma_wait3A_1787 : memref<1x128xf32, #tpu.memory_space<vmem>> -> memref<128xf32, #tpu.memory_space<vmem>>
    %dma_wait3A_1789 = arith.constant 0 : i32
    %dma_wait3A_1790 = tpu.memref_slice %arg16[%dma_wait3A_1784, %dma_wait3A_1789] : memref<8x128xi32, #tpu.memory_space<vmem>> -> memref<1x128xi32, #tpu.memory_space<vmem>>
    %dma_wait3A_1791 = tpu.memref_squeeze %dma_wait3A_1790 : memref<1x128xi32, #tpu.memory_space<vmem>> -> memref<128xi32, #tpu.memory_space<vmem>>
    %dma_wait3A_1792 = arith.constant 0 : i32
    %dma_wait3A_1793 = tpu.memref_slice %arg2[%dma_wait3A_1792] : memref<262144xf32, #tpu.memory_space<hbm>> -> memref<262144xf32, #tpu.memory_space<hbm>>
    tpu.wait_indirect_dma semaphore(%arg20 : memref<!tpu.dma_semaphore, #tpu.memory_space<semaphore_mem>>) src(%dma_wait3A_1793 : memref<262144xf32, #tpu.memory_space<hbm>>) dst(%dma_wait3A_1788 : memref<128xf32, #tpu.memory_space<vmem>>)
    %get3A_1794 = arith.constant 1 : i32
    %get3A_1795 = arith.index_cast %get3A_1794 : i32 to index
    %get3A_1796 = arith.constant 0 : index
    %get3A_1797 = tpu.vector_load %arg17[%get3A_1795, %get3A_1796] {strides = array<i32>} : memref<8x128xf32, #tpu.memory_space<vmem>>, vector<16xf32>,
    %get3A_1798 = arith.constant 5 : i32
    %get3A_1799 = arith.index_cast %get3A_1798 : i32 to index
    %get3A_1800 = arith.constant 0 : index
    %get3A_1801 = tpu.vector_load %arg17[%get3A_1799, %get3A_1800] {strides = array<i32>} : memref<8x128xf32, #tpu.memory_space<vmem>>, vector<16xf32>,
    %add3A_1802 = arith.constant 1.000000e-07 : f32
    %add3A_1803 = vector.broadcast %add3A_1802 : f32 to vector<16xf32>
    %add3A_1804 = arith.addf %get3A_1801, %add3A_1803 : vector<16xf32>
    %div3A_1805 = arith.divf %get3A_1797, %add3A_1804 : vector<16xf32>
    %le3A_1806 = arith.constant 1.120000e+00 : f32
    %le3A_1807 = vector.broadcast %le3A_1806 : f32 to vector<16xf32>
    %le3A_1808 = arith.cmpf ole, %div3A_1805, %le3A_1807 : vector<16xf32>
    %jit3A_1809 = arith.constant 2.000000e+00 : f32
    %broadcast_in_dim3A_1810 = vector.broadcast %jit3A_1809 : f32 to vector<16xf32>
    %select_n3A_1811 = arith.select %le3A_1808, %div3A_1805, %broadcast_in_dim3A_1810 : vector<16xi1>, vector<16xf32>
    %ge3A_1812 = arith.constant 0.892857134 : f32
    %ge3A_1813 = vector.broadcast %ge3A_1812 : f32 to vector<16xf32>
    %ge3A_1814 = arith.cmpf oge, %select_n3A_1811, %ge3A_1813 : vector<16xf32>
    %jit3A_1815 = arith.constant 1.000000e+00 : f32
    %broadcast_in_dim3A_1816 = vector.broadcast %jit3A_1815 : f32 to vector<16xf32>
    %select_n3A_1817 = arith.select %ge3A_1814, %select_n3A_1811, %broadcast_in_dim3A_1816 : vector<16xi1>, vector<16xf32>
    %eq3A_1818 = arith.constant 1.000000e+00 : f32
    %eq3A_1819 = vector.broadcast %eq3A_1818 : f32 to vector<16xf32>
    %eq3A_1820 = arith.cmpf oeq, %select_n3A_1817, %eq3A_1819 : vector<16xf32>
    %jit3A_1821 = arith.constant 0.000000e+00 : f32
    %broadcast_in_dim3A_1822 = vector.broadcast %jit3A_1821 : f32 to vector<16xf32>
    %select_n3A_1823 = arith.select %eq3A_1820, %select_n3A_1817, %broadcast_in_dim3A_1822 : vector<16xi1>, vector<16xf32>
    %eq3A_1824 = arith.constant 2.000000e+00 : f32
    %eq3A_1825 = vector.broadcast %eq3A_1824 : f32 to vector<16xf32>
    %eq3A_1826 = arith.cmpf oeq, %select_n3A_1817, %eq3A_1825 : vector<16xf32>
    %jit3A_1827 = arith.constant 0.000000e+00 : f32
    %broadcast_in_dim3A_1828 = vector.broadcast %jit3A_1827 : f32 to vector<16xf32>
    %select_n3A_1829 = arith.select %eq3A_1826, %select_n3A_1817, %broadcast_in_dim3A_1828 : vector<16xi1>, vector<16xf32>
    %add3A_1830 = arith.addf %select_n3A_1823, %select_n3A_1829 : vector<16xf32>
    %get3A_1831 = arith.constant 128 : index
    %get3A_1832 = tpu.vector_load %arg14[%get3A_1831] {strides = array<i32>} : memref<512xf32, #tpu.memory_space<vmem>>, vector<16xf32>,
    %get3A_1833 = arith.constant 128 : index
    %get3A_1834 = tpu.vector_load %arg15[%get3A_1833] {strides = array<i32>} : memref<512xf32, #tpu.memory_space<vmem>>, vector<16xf32>,
    %ne3A_1835 = arith.cmpf one, %get3A_1834, %add3A_1830 : vector<16xf32>
    %jit3A_1836 = arith.constant 0.000000e+00 : f32
    %broadcast_in_dim3A_1837 = vector.broadcast %jit3A_1836 : f32 to vector<16xf32>
    %select_n3A_1838 = arith.select %ne3A_1835, %get3A_1832, %broadcast_in_dim3A_1837 : vector<16xi1>, vector<16xf32>
    %add3A_1839 = arith.addf %add3A_1772, %select_n3A_1838 : vector<16xf32>
    %add3A_1840 = arith.addf %add3A_1773, %get3A_1832 : vector<16xf32>
    %get3A_1841 = arith.constant 1 : i32
    %get3A_1842 = arith.index_cast %get3A_1841 : i32 to index
    %get3A_1843 = arith.constant 16 : index
    %get3A_1844 = tpu.vector_load %arg17[%get3A_1842, %get3A_1843] {strides = array<i32>} : memref<8x128xf32, #tpu.memory_space<vmem>>, vector<16xf32>,
    %get3A_1845 = arith.constant 5 : i32
    %get3A_1846 = arith.index_cast %get3A_1845 : i32 to index
    %get3A_1847 = arith.constant 16 : index
    %get3A_1848 = tpu.vector_load %arg17[%get3A_1846, %get3A_1847] {strides = array<i32>} : memref<8x128xf32, #tpu.memory_space<vmem>>, vector<16xf32>,
    %add3A_1849 = arith.constant 1.000000e-07 : f32
    %add3A_1850 = vector.broadcast %add3A_1849 : f32 to vector<16xf32>
    %add3A_1851 = arith.addf %get3A_1848, %add3A_1850 : vector<16xf32>
    %div3A_1852 = arith.divf %get3A_1844, %add3A_1851 : vector<16xf32>
    %le3A_1853 = arith.constant 1.120000e+00 : f32
    %le3A_1854 = vector.broadcast %le3A_1853 : f32 to vector<16xf32>
    %le3A_1855 = arith.cmpf ole, %div3A_1852, %le3A_1854 : vector<16xf32>
    %jit3A_1856 = arith.constant 2.000000e+00 : f32
    %broadcast_in_dim3A_1857 = vector.broadcast %jit3A_1856 : f32 to vector<16xf32>
    %select_n3A_1858 = arith.select %le3A_1855, %div3A_1852, %broadcast_in_dim3A_1857 : vector<16xi1>, vector<16xf32>
    %ge3A_1859 = arith.constant 0.892857134 : f32
    %ge3A_1860 = vector.broadcast %ge3A_1859 : f32 to vector<16xf32>
    %ge3A_1861 = arith.cmpf oge, %select_n3A_1858, %ge3A_1860 : vector<16xf32>
    %jit3A_1862 = arith.constant 1.000000e+00 : f32
    %broadcast_in_dim3A_1863 = vector.broadcast %jit3A_1862 : f32 to vector<16xf32>
    %select_n3A_1864 = arith.select %ge3A_1861, %select_n3A_1858, %broadcast_in_dim3A_1863 : vector<16xi1>, vector<16xf32>
    %eq3A_1865 = arith.constant 1.000000e+00 : f32
    %eq3A_1866 = vector.broadcast %eq3A_1865 : f32 to vector<16xf32>
    %eq3A_1867 = arith.cmpf oeq, %select_n3A_1864, %eq3A_1866 : vector<16xf32>
    %jit3A_1868 = arith.constant 0.000000e+00 : f32
    %broadcast_in_dim3A_1869 = vector.broadcast %jit3A_1868 : f32 to vector<16xf32>
    %select_n3A_1870 = arith.select %eq3A_1867, %select_n3A_1864, %broadcast_in_dim3A_1869 : vector<16xi1>, vector<16xf32>
    %eq3A_1871 = arith.constant 2.000000e+00 : f32
    %eq3A_1872 = vector.broadcast %eq3A_1871 : f32 to vector<16xf32>
    %eq3A_1873 = arith.cmpf oeq, %select_n3A_1864, %eq3A_1872 : vector<16xf32>
    %jit3A_1874 = arith.constant 0.000000e+00 : f32
    %broadcast_in_dim3A_1875 = vector.broadcast %jit3A_1874 : f32 to vector<16xf32>
    %select_n3A_1876 = arith.select %eq3A_1873, %select_n3A_1864, %broadcast_in_dim3A_1875 : vector<16xi1>, vector<16xf32>
    %add3A_1877 = arith.addf %select_n3A_1870, %select_n3A_1876 : vector<16xf32>
    %get3A_1878 = arith.constant 144 : index
    %get3A_1879 = tpu.vector_load %arg14[%get3A_1878] {strides = array<i32>} : memref<512xf32, #tpu.memory_space<vmem>>, vector<16xf32>,
    %get3A_1880 = arith.constant 144 : index
    %get3A_1881 = tpu.vector_load %arg15[%get3A_1880] {strides = array<i32>} : memref<512xf32, #tpu.memory_space<vmem>>, vector<16xf32>,
    %ne3A_1882 = arith.cmpf one, %get3A_1881, %add3A_1877 : vector<16xf32>
    %jit3A_1883 = arith.constant 0.000000e+00 : f32
    %broadcast_in_dim3A_1884 = vector.broadcast %jit3A_1883 : f32 to vector<16xf32>
    %select_n3A_1885 = arith.select %ne3A_1882, %get3A_1879, %broadcast_in_dim3A_1884 : vector<16xi1>, vector<16xf32>
    %add3A_1886 = arith.addf %add3A_1839, %select_n3A_1885 : vector<16xf32>
    %add3A_1887 = arith.addf %add3A_1840, %get3A_1879 : vector<16xf32>
    %get3A_1888 = arith.constant 1 : i32
    %get3A_1889 = arith.index_cast %get3A_1888 : i32 to index
    %get3A_1890 = arith.constant 32 : index
    %get3A_1891 = tpu.vector_load %arg17[%get3A_1889, %get3A_1890] {strides = array<i32>} : memref<8x128xf32, #tpu.memory_space<vmem>>, vector<16xf32>,
    %get3A_1892 = arith.constant 5 : i32
    %get3A_1893 = arith.index_cast %get3A_1892 : i32 to index
    %get3A_1894 = arith.constant 32 : index
    %get3A_1895 = tpu.vector_load %arg17[%get3A_1893, %get3A_1894] {strides = array<i32>} : memref<8x128xf32, #tpu.memory_space<vmem>>, vector<16xf32>,
    %add3A_1896 = arith.constant 1.000000e-07 : f32
    %add3A_1897 = vector.broadcast %add3A_1896 : f32 to vector<16xf32>
    %add3A_1898 = arith.addf %get3A_1895, %add3A_1897 : vector<16xf32>
    %div3A_1899 = arith.divf %get3A_1891, %add3A_1898 : vector<16xf32>
    %le3A_1900 = arith.constant 1.120000e+00 : f32
    %le3A_1901 = vector.broadcast %le3A_1900 : f32 to vector<16xf32>
    %le3A_1902 = arith.cmpf ole, %div3A_1899, %le3A_1901 : vector<16xf32>
    %jit3A_1903 = arith.constant 2.000000e+00 : f32
    %broadcast_in_dim3A_1904 = vector.broadcast %jit3A_1903 : f32 to vector<16xf32>
    %select_n3A_1905 = arith.select %le3A_1902, %div3A_1899, %broadcast_in_dim3A_1904 : vector<16xi1>, vector<16xf32>
    %ge3A_1906 = arith.constant 0.892857134 : f32
    %ge3A_1907 = vector.broadcast %ge3A_1906 : f32 to vector<16xf32>
    %ge3A_1908 = arith.cmpf oge, %select_n3A_1905, %ge3A_1907 : vector<16xf32>
    %jit3A_1909 = arith.constant 1.000000e+00 : f32
    %broadcast_in_dim3A_1910 = vector.broadcast %jit3A_1909 : f32 to vector<16xf32>
    %select_n3A_1911 = arith.select %ge3A_1908, %select_n3A_1905, %broadcast_in_dim3A_1910 : vector<16xi1>, vector<16xf32>
    %eq3A_1912 = arith.constant 1.000000e+00 : f32
    %eq3A_1913 = vector.broadcast %eq3A_1912 : f32 to vector<16xf32>
    %eq3A_1914 = arith.cmpf oeq, %select_n3A_1911, %eq3A_1913 : vector<16xf32>
    %jit3A_1915 = arith.constant 0.000000e+00 : f32
    %broadcast_in_dim3A_1916 = vector.broadcast %jit3A_1915 : f32 to vector<16xf32>
    %select_n3A_1917 = arith.select %eq3A_1914, %select_n3A_1911, %broadcast_in_dim3A_1916 : vector<16xi1>, vector<16xf32>
    %eq3A_1918 = arith.constant 2.000000e+00 : f32
    %eq3A_1919 = vector.broadcast %eq3A_1918 : f32 to vector<16xf32>
    %eq3A_1920 = arith.cmpf oeq, %select_n3A_1911, %eq3A_1919 : vector<16xf32>
    %jit3A_1921 = arith.constant 0.000000e+00 : f32
    %broadcast_in_dim3A_1922 = vector.broadcast %jit3A_1921 : f32 to vector<16xf32>
    %select_n3A_1923 = arith.select %eq3A_1920, %select_n3A_1911, %broadcast_in_dim3A_1922 : vector<16xi1>, vector<16xf32>
    %add3A_1924 = arith.addf %select_n3A_1917, %select_n3A_1923 : vector<16xf32>
    %get3A_1925 = arith.constant 160 : index
    %get3A_1926 = tpu.vector_load %arg14[%get3A_1925] {strides = array<i32>} : memref<512xf32, #tpu.memory_space<vmem>>, vector<16xf32>,
    %get3A_1927 = arith.constant 160 : index
    %get3A_1928 = tpu.vector_load %arg15[%get3A_1927] {strides = array<i32>} : memref<512xf32, #tpu.memory_space<vmem>>, vector<16xf32>,
    %ne3A_1929 = arith.cmpf one, %get3A_1928, %add3A_1924 : vector<16xf32>
    %jit3A_1930 = arith.constant 0.000000e+00 : f32
    %broadcast_in_dim3A_1931 = vector.broadcast %jit3A_1930 : f32 to vector<16xf32>
    %select_n3A_1932 = arith.select %ne3A_1929, %get3A_1926, %broadcast_in_dim3A_1931 : vector<16xi1>, vector<16xf32>
    %add3A_1933 = arith.addf %add3A_1886, %select_n3A_1932 : vector<16xf32>
    %add3A_1934 = arith.addf %add3A_1887, %get3A_1926 : vector<16xf32>
    %get3A_1935 = arith.constant 1 : i32
    %get3A_1936 = arith.index_cast %get3A_1935 : i32 to index
    %get3A_1937 = arith.constant 48 : index
    %get3A_1938 = tpu.vector_load %arg17[%get3A_1936, %get3A_1937] {strides = array<i32>} : memref<8x128xf32, #tpu.memory_space<vmem>>, vector<16xf32>,
    %get3A_1939 = arith.constant 5 : i32
    %get3A_1940 = arith.index_cast %get3A_1939 : i32 to index
    %get3A_1941 = arith.constant 48 : index
    %get3A_1942 = tpu.vector_load %arg17[%get3A_1940, %get3A_1941] {strides = array<i32>} : memref<8x128xf32, #tpu.memory_space<vmem>>, vector<16xf32>,
    %add3A_1943 = arith.constant 1.000000e-07 : f32
    %add3A_1944 = vector.broadcast %add3A_1943 : f32 to vector<16xf32>
    %add3A_1945 = arith.addf %get3A_1942, %add3A_1944 : vector<16xf32>
    %div3A_1946 = arith.divf %get3A_1938, %add3A_1945 : vector<16xf32>
    %le3A_1947 = arith.constant 1.120000e+00 : f32
    %le3A_1948 = vector.broadcast %le3A_1947 : f32 to vector<16xf32>
    %le3A_1949 = arith.cmpf ole, %div3A_1946, %le3A_1948 : vector<16xf32>
    %jit3A_1950 = arith.constant 2.000000e+00 : f32
    %broadcast_in_dim3A_1951 = vector.broadcast %jit3A_1950 : f32 to vector<16xf32>
    %select_n3A_1952 = arith.select %le3A_1949, %div3A_1946, %broadcast_in_dim3A_1951 : vector<16xi1>, vector<16xf32>
    %ge3A_1953 = arith.constant 0.892857134 : f32
    %ge3A_1954 = vector.broadcast %ge3A_1953 : f32 to vector<16xf32>
    %ge3A_1955 = arith.cmpf oge, %select_n3A_1952, %ge3A_1954 : vector<16xf32>
    %jit3A_1956 = arith.constant 1.000000e+00 : f32
    %broadcast_in_dim3A_1957 = vector.broadcast %jit3A_1956 : f32 to vector<16xf32>
    %select_n3A_1958 = arith.select %ge3A_1955, %select_n3A_1952, %broadcast_in_dim3A_1957 : vector<16xi1>, vector<16xf32>
    %eq3A_1959 = arith.constant 1.000000e+00 : f32
    %eq3A_1960 = vector.broadcast %eq3A_1959 : f32 to vector<16xf32>
    %eq3A_1961 = arith.cmpf oeq, %select_n3A_1958, %eq3A_1960 : vector<16xf32>
    %jit3A_1962 = arith.constant 0.000000e+00 : f32
    %broadcast_in_dim3A_1963 = vector.broadcast %jit3A_1962 : f32 to vector<16xf32>
    %select_n3A_1964 = arith.select %eq3A_1961, %select_n3A_1958, %broadcast_in_dim3A_1963 : vector<16xi1>, vector<16xf32>
    %eq3A_1965 = arith.constant 2.000000e+00 : f32
    %eq3A_1966 = vector.broadcast %eq3A_1965 : f32 to vector<16xf32>
    %eq3A_1967 = arith.cmpf oeq, %select_n3A_1958, %eq3A_1966 : vector<16xf32>
    %jit3A_1968 = arith.constant 0.000000e+00 : f32
    %broadcast_in_dim3A_1969 = vector.broadcast %jit3A_1968 : f32 to vector<16xf32>
    %select_n3A_1970 = arith.select %eq3A_1967, %select_n3A_1958, %broadcast_in_dim3A_1969 : vector<16xi1>, vector<16xf32>
    %add3A_1971 = arith.addf %select_n3A_1964, %select_n3A_1970 : vector<16xf32>
    %get3A_1972 = arith.constant 176 : index
    %get3A_1973 = tpu.vector_load %arg14[%get3A_1972] {strides = array<i32>} : memref<512xf32, #tpu.memory_space<vmem>>, vector<16xf32>,
    %get3A_1974 = arith.constant 176 : index
    %get3A_1975 = tpu.vector_load %arg15[%get3A_1974] {strides = array<i32>} : memref<512xf32, #tpu.memory_space<vmem>>, vector<16xf32>,
    %ne3A_1976 = arith.cmpf one, %get3A_1975, %add3A_1971 : vector<16xf32>
    %jit3A_1977 = arith.constant 0.000000e+00 : f32
    %broadcast_in_dim3A_1978 = vector.broadcast %jit3A_1977 : f32 to vector<16xf32>
    %select_n3A_1979 = arith.select %ne3A_1976, %get3A_1973, %broadcast_in_dim3A_1978 : vector<16xi1>, vector<16xf32>
    %add3A_1980 = arith.addf %add3A_1933, %select_n3A_1979 : vector<16xf32>
    %add3A_1981 = arith.addf %add3A_1934, %get3A_1973 : vector<16xf32>
    %get3A_1982 = arith.constant 1 : i32
    %get3A_1983 = arith.index_cast %get3A_1982 : i32 to index
    %get3A_1984 = arith.constant 64 : index
    %get3A_1985 = tpu.vector_load %arg17[%get3A_1983, %get3A_1984] {strides = array<i32>} : memref<8x128xf32, #tpu.memory_space<vmem>>, vector<16xf32>,
    %get3A_1986 = arith.constant 5 : i32
    %get3A_1987 = arith.index_cast %get3A_1986 : i32 to index
    %get3A_1988 = arith.constant 64 : index
    %get3A_1989 = tpu.vector_load %arg17[%get3A_1987, %get3A_1988] {strides = array<i32>} : memref<8x128xf32, #tpu.memory_space<vmem>>, vector<16xf32>,
    %add3A_1990 = arith.constant 1.000000e-07 : f32
    %add3A_1991 = vector.broadcast %add3A_1990 : f32 to vector<16xf32>
    %add3A_1992 = arith.addf %get3A_1989, %add3A_1991 : vector<16xf32>
    %div3A_1993 = arith.divf %get3A_1985, %add3A_1992 : vector<16xf32>
    %le3A_1994 = arith.constant 1.120000e+00 : f32
    %le3A_1995 = vector.broadcast %le3A_1994 : f32 to vector<16xf32>
    %le3A_1996 = arith.cmpf ole, %div3A_1993, %le3A_1995 : vector<16xf32>
    %jit3A_1997 = arith.constant 2.000000e+00 : f32
    %broadcast_in_dim3A_1998 = vector.broadcast %jit3A_1997 : f32 to vector<16xf32>
    %select_n3A_1999 = arith.select %le3A_1996, %div3A_1993, %broadcast_in_dim3A_1998 : vector<16xi1>, vector<16xf32>
    %ge3A_2000 = arith.constant 0.892857134 : f32
    %ge3A_2001 = vector.broadcast %ge3A_2000 : f32 to vector<16xf32>
    %ge3A_2002 = arith.cmpf oge, %select_n3A_1999, %ge3A_2001 : vector<16xf32>
    %jit3A_2003 = arith.constant 1.000000e+00 : f32
    %broadcast_in_dim3A_2004 = vector.broadcast %jit3A_2003 : f32 to vector<16xf32>
    %select_n3A_2005 = arith.select %ge3A_2002, %select_n3A_1999, %broadcast_in_dim3A_2004 : vector<16xi1>, vector<16xf32>
    %eq3A_2006 = arith.constant 1.000000e+00 : f32
    %eq3A_2007 = vector.broadcast %eq3A_2006 : f32 to vector<16xf32>
    %eq3A_2008 = arith.cmpf oeq, %select_n3A_2005, %eq3A_2007 : vector<16xf32>
    %jit3A_2009 = arith.constant 0.000000e+00 : f32
    %broadcast_in_dim3A_2010 = vector.broadcast %jit3A_2009 : f32 to vector<16xf32>
    %select_n3A_2011 = arith.select %eq3A_2008, %select_n3A_2005, %broadcast_in_dim3A_2010 : vector<16xi1>, vector<16xf32>
    %eq3A_2012 = arith.constant 2.000000e+00 : f32
    %eq3A_2013 = vector.broadcast %eq3A_2012 : f32 to vector<16xf32>
    %eq3A_2014 = arith.cmpf oeq, %select_n3A_2005, %eq3A_2013 : vector<16xf32>
    %jit3A_2015 = arith.constant 0.000000e+00 : f32
    %broadcast_in_dim3A_2016 = vector.broadcast %jit3A_2015 : f32 to vector<16xf32>
    %select_n3A_2017 = arith.select %eq3A_2014, %select_n3A_2005, %broadcast_in_dim3A_2016 : vector<16xi1>, vector<16xf32>
    %add3A_2018 = arith.addf %select_n3A_2011, %select_n3A_2017 : vector<16xf32>
    %get3A_2019 = arith.constant 192 : index
    %get3A_2020 = tpu.vector_load %arg14[%get3A_2019] {strides = array<i32>} : memref<512xf32, #tpu.memory_space<vmem>>, vector<16xf32>,
    %get3A_2021 = arith.constant 192 : index
    %get3A_2022 = tpu.vector_load %arg15[%get3A_2021] {strides = array<i32>} : memref<512xf32, #tpu.memory_space<vmem>>, vector<16xf32>,
    %ne3A_2023 = arith.cmpf one, %get3A_2022, %add3A_2018 : vector<16xf32>
    %jit3A_2024 = arith.constant 0.000000e+00 : f32
    %broadcast_in_dim3A_2025 = vector.broadcast %jit3A_2024 : f32 to vector<16xf32>
    %select_n3A_2026 = arith.select %ne3A_2023, %get3A_2020, %broadcast_in_dim3A_2025 : vector<16xi1>, vector<16xf32>
    %add3A_2027 = arith.addf %add3A_1980, %select_n3A_2026 : vector<16xf32>
    %add3A_2028 = arith.addf %add3A_1981, %get3A_2020 : vector<16xf32>
    %get3A_2029 = arith.constant 1 : i32
    %get3A_2030 = arith.index_cast %get3A_2029 : i32 to index
    %get3A_2031 = arith.constant 80 : index
    %get3A_2032 = tpu.vector_load %arg17[%get3A_2030, %get3A_2031] {strides = array<i32>} : memref<8x128xf32, #tpu.memory_space<vmem>>, vector<16xf32>,
    %get3A_2033 = arith.constant 5 : i32
    %get3A_2034 = arith.index_cast %get3A_2033 : i32 to index
    %get3A_2035 = arith.constant 80 : index
    %get3A_2036 = tpu.vector_load %arg17[%get3A_2034, %get3A_2035] {strides = array<i32>} : memref<8x128xf32, #tpu.memory_space<vmem>>, vector<16xf32>,
    %add3A_2037 = arith.constant 1.000000e-07 : f32
    %add3A_2038 = vector.broadcast %add3A_2037 : f32 to vector<16xf32>
    %add3A_2039 = arith.addf %get3A_2036, %add3A_2038 : vector<16xf32>
    %div3A_2040 = arith.divf %get3A_2032, %add3A_2039 : vector<16xf32>
    %le3A_2041 = arith.constant 1.120000e+00 : f32
    %le3A_2042 = vector.broadcast %le3A_2041 : f32 to vector<16xf32>
    %le3A_2043 = arith.cmpf ole, %div3A_2040, %le3A_2042 : vector<16xf32>
    %jit3A_2044 = arith.constant 2.000000e+00 : f32
    %broadcast_in_dim3A_2045 = vector.broadcast %jit3A_2044 : f32 to vector<16xf32>
    %select_n3A_2046 = arith.select %le3A_2043, %div3A_2040, %broadcast_in_dim3A_2045 : vector<16xi1>, vector<16xf32>
    %ge3A_2047 = arith.constant 0.892857134 : f32
    %ge3A_2048 = vector.broadcast %ge3A_2047 : f32 to vector<16xf32>
    %ge3A_2049 = arith.cmpf oge, %select_n3A_2046, %ge3A_2048 : vector<16xf32>
    %jit3A_2050 = arith.constant 1.000000e+00 : f32
    %broadcast_in_dim3A_2051 = vector.broadcast %jit3A_2050 : f32 to vector<16xf32>
    %select_n3A_2052 = arith.select %ge3A_2049, %select_n3A_2046, %broadcast_in_dim3A_2051 : vector<16xi1>, vector<16xf32>
    %eq3A_2053 = arith.constant 1.000000e+00 : f32
    %eq3A_2054 = vector.broadcast %eq3A_2053 : f32 to vector<16xf32>
    %eq3A_2055 = arith.cmpf oeq, %select_n3A_2052, %eq3A_2054 : vector<16xf32>
    %jit3A_2056 = arith.constant 0.000000e+00 : f32
    %broadcast_in_dim3A_2057 = vector.broadcast %jit3A_2056 : f32 to vector<16xf32>
    %select_n3A_2058 = arith.select %eq3A_2055, %select_n3A_2052, %broadcast_in_dim3A_2057 : vector<16xi1>, vector<16xf32>
    %eq3A_2059 = arith.constant 2.000000e+00 : f32
    %eq3A_2060 = vector.broadcast %eq3A_2059 : f32 to vector<16xf32>
    %eq3A_2061 = arith.cmpf oeq, %select_n3A_2052, %eq3A_2060 : vector<16xf32>
    %jit3A_2062 = arith.constant 0.000000e+00 : f32
    %broadcast_in_dim3A_2063 = vector.broadcast %jit3A_2062 : f32 to vector<16xf32>
    %select_n3A_2064 = arith.select %eq3A_2061, %select_n3A_2052, %broadcast_in_dim3A_2063 : vector<16xi1>, vector<16xf32>
    %add3A_2065 = arith.addf %select_n3A_2058, %select_n3A_2064 : vector<16xf32>
    %get3A_2066 = arith.constant 208 : index
    %get3A_2067 = tpu.vector_load %arg14[%get3A_2066] {strides = array<i32>} : memref<512xf32, #tpu.memory_space<vmem>>, vector<16xf32>,
    %get3A_2068 = arith.constant 208 : index
    %get3A_2069 = tpu.vector_load %arg15[%get3A_2068] {strides = array<i32>} : memref<512xf32, #tpu.memory_space<vmem>>, vector<16xf32>,
    %ne3A_2070 = arith.cmpf one, %get3A_2069, %add3A_2065 : vector<16xf32>
    %jit3A_2071 = arith.constant 0.000000e+00 : f32
    %broadcast_in_dim3A_2072 = vector.broadcast %jit3A_2071 : f32 to vector<16xf32>
    %select_n3A_2073 = arith.select %ne3A_2070, %get3A_2067, %broadcast_in_dim3A_2072 : vector<16xi1>, vector<16xf32>
    %add3A_2074 = arith.addf %add3A_2027, %select_n3A_2073 : vector<16xf32>
    %add3A_2075 = arith.addf %add3A_2028, %get3A_2067 : vector<16xf32>
    %get3A_2076 = arith.constant 1 : i32
    %get3A_2077 = arith.index_cast %get3A_2076 : i32 to index
    %get3A_2078 = arith.constant 96 : index
    %get3A_2079 = tpu.vector_load %arg17[%get3A_2077, %get3A_2078] {strides = array<i32>} : memref<8x128xf32, #tpu.memory_space<vmem>>, vector<16xf32>,
    %get3A_2080 = arith.constant 5 : i32
    %get3A_2081 = arith.index_cast %get3A_2080 : i32 to index
    %get3A_2082 = arith.constant 96 : index
    %get3A_2083 = tpu.vector_load %arg17[%get3A_2081, %get3A_2082] {strides = array<i32>} : memref<8x128xf32, #tpu.memory_space<vmem>>, vector<16xf32>,
    %add3A_2084 = arith.constant 1.000000e-07 : f32
    %add3A_2085 = vector.broadcast %add3A_2084 : f32 to vector<16xf32>
    %add3A_2086 = arith.addf %get3A_2083, %add3A_2085 : vector<16xf32>
    %div3A_2087 = arith.divf %get3A_2079, %add3A_2086 : vector<16xf32>
    %le3A_2088 = arith.constant 1.120000e+00 : f32
    %le3A_2089 = vector.broadcast %le3A_2088 : f32 to vector<16xf32>
    %le3A_2090 = arith.cmpf ole, %div3A_2087, %le3A_2089 : vector<16xf32>
    %jit3A_2091 = arith.constant 2.000000e+00 : f32
    %broadcast_in_dim3A_2092 = vector.broadcast %jit3A_2091 : f32 to vector<16xf32>
    %select_n3A_2093 = arith.select %le3A_2090, %div3A_2087, %broadcast_in_dim3A_2092 : vector<16xi1>, vector<16xf32>
    %ge3A_2094 = arith.constant 0.892857134 : f32
    %ge3A_2095 = vector.broadcast %ge3A_2094 : f32 to vector<16xf32>
    %ge3A_2096 = arith.cmpf oge, %select_n3A_2093, %ge3A_2095 : vector<16xf32>
    %jit3A_2097 = arith.constant 1.000000e+00 : f32
    %broadcast_in_dim3A_2098 = vector.broadcast %jit3A_2097 : f32 to vector<16xf32>
    %select_n3A_2099 = arith.select %ge3A_2096, %select_n3A_2093, %broadcast_in_dim3A_2098 : vector<16xi1>, vector<16xf32>
    %eq3A_2100 = arith.constant 1.000000e+00 : f32
    %eq3A_2101 = vector.broadcast %eq3A_2100 : f32 to vector<16xf32>
    %eq3A_2102 = arith.cmpf oeq, %select_n3A_2099, %eq3A_2101 : vector<16xf32>
    %jit3A_2103 = arith.constant 0.000000e+00 : f32
    %broadcast_in_dim3A_2104 = vector.broadcast %jit3A_2103 : f32 to vector<16xf32>
    %select_n3A_2105 = arith.select %eq3A_2102, %select_n3A_2099, %broadcast_in_dim3A_2104 : vector<16xi1>, vector<16xf32>
    %eq3A_2106 = arith.constant 2.000000e+00 : f32
    %eq3A_2107 = vector.broadcast %eq3A_2106 : f32 to vector<16xf32>
    %eq3A_2108 = arith.cmpf oeq, %select_n3A_2099, %eq3A_2107 : vector<16xf32>
    %jit3A_2109 = arith.constant 0.000000e+00 : f32
    %broadcast_in_dim3A_2110 = vector.broadcast %jit3A_2109 : f32 to vector<16xf32>
    %select_n3A_2111 = arith.select %eq3A_2108, %select_n3A_2099, %broadcast_in_dim3A_2110 : vector<16xi1>, vector<16xf32>
    %add3A_2112 = arith.addf %select_n3A_2105, %select_n3A_2111 : vector<16xf32>
    %get3A_2113 = arith.constant 224 : index
    %get3A_2114 = tpu.vector_load %arg14[%get3A_2113] {strides = array<i32>} : memref<512xf32, #tpu.memory_space<vmem>>, vector<16xf32>,
    %get3A_2115 = arith.constant 224 : index
    %get3A_2116 = tpu.vector_load %arg15[%get3A_2115] {strides = array<i32>} : memref<512xf32, #tpu.memory_space<vmem>>, vector<16xf32>,
    %ne3A_2117 = arith.cmpf one, %get3A_2116, %add3A_2112 : vector<16xf32>
    %jit3A_2118 = arith.constant 0.000000e+00 : f32
    %broadcast_in_dim3A_2119 = vector.broadcast %jit3A_2118 : f32 to vector<16xf32>
    %select_n3A_2120 = arith.select %ne3A_2117, %get3A_2114, %broadcast_in_dim3A_2119 : vector<16xi1>, vector<16xf32>
    %add3A_2121 = arith.addf %add3A_2074, %select_n3A_2120 : vector<16xf32>
    %add3A_2122 = arith.addf %add3A_2075, %get3A_2114 : vector<16xf32>
    %get3A_2123 = arith.constant 1 : i32
    %get3A_2124 = arith.index_cast %get3A_2123 : i32 to index
    %get3A_2125 = arith.constant 112 : index
    %get3A_2126 = tpu.vector_load %arg17[%get3A_2124, %get3A_2125] {strides = array<i32>} : memref<8x128xf32, #tpu.memory_space<vmem>>, vector<16xf32>,
    %get3A_2127 = arith.constant 5 : i32
    %get3A_2128 = arith.index_cast %get3A_2127 : i32 to index
    %get3A_2129 = arith.constant 112 : index
    %get3A_2130 = tpu.vector_load %arg17[%get3A_2128, %get3A_2129] {strides = array<i32>} : memref<8x128xf32, #tpu.memory_space<vmem>>, vector<16xf32>,
    %add3A_2131 = arith.constant 1.000000e-07 : f32
    %add3A_2132 = vector.broadcast %add3A_2131 : f32 to vector<16xf32>
    %add3A_2133 = arith.addf %get3A_2130, %add3A_2132 : vector<16xf32>
    %div3A_2134 = arith.divf %get3A_2126, %add3A_2133 : vector<16xf32>
    %le3A_2135 = arith.constant 1.120000e+00 : f32
    %le3A_2136 = vector.broadcast %le3A_2135 : f32 to vector<16xf32>
    %le3A_2137 = arith.cmpf ole, %div3A_2134, %le3A_2136 : vector<16xf32>
    %jit3A_2138 = arith.constant 2.000000e+00 : f32
    %broadcast_in_dim3A_2139 = vector.broadcast %jit3A_2138 : f32 to vector<16xf32>
    %select_n3A_2140 = arith.select %le3A_2137, %div3A_2134, %broadcast_in_dim3A_2139 : vector<16xi1>, vector<16xf32>
    %ge3A_2141 = arith.constant 0.892857134 : f32
    %ge3A_2142 = vector.broadcast %ge3A_2141 : f32 to vector<16xf32>
    %ge3A_2143 = arith.cmpf oge, %select_n3A_2140, %ge3A_2142 : vector<16xf32>
    %jit3A_2144 = arith.constant 1.000000e+00 : f32
    %broadcast_in_dim3A_2145 = vector.broadcast %jit3A_2144 : f32 to vector<16xf32>
    %select_n3A_2146 = arith.select %ge3A_2143, %select_n3A_2140, %broadcast_in_dim3A_2145 : vector<16xi1>, vector<16xf32>
    %eq3A_2147 = arith.constant 1.000000e+00 : f32
    %eq3A_2148 = vector.broadcast %eq3A_2147 : f32 to vector<16xf32>
    %eq3A_2149 = arith.cmpf oeq, %select_n3A_2146, %eq3A_2148 : vector<16xf32>
    %jit3A_2150 = arith.constant 0.000000e+00 : f32
    %broadcast_in_dim3A_2151 = vector.broadcast %jit3A_2150 : f32 to vector<16xf32>
    %select_n3A_2152 = arith.select %eq3A_2149, %select_n3A_2146, %broadcast_in_dim3A_2151 : vector<16xi1>, vector<16xf32>
    %eq3A_2153 = arith.constant 2.000000e+00 : f32
    %eq3A_2154 = vector.broadcast %eq3A_2153 : f32 to vector<16xf32>
    %eq3A_2155 = arith.cmpf oeq, %select_n3A_2146, %eq3A_2154 : vector<16xf32>
    %jit3A_2156 = arith.constant 0.000000e+00 : f32
    %broadcast_in_dim3A_2157 = vector.broadcast %jit3A_2156 : f32 to vector<16xf32>
    %select_n3A_2158 = arith.select %eq3A_2155, %select_n3A_2146, %broadcast_in_dim3A_2157 : vector<16xi1>, vector<16xf32>
    %add3A_2159 = arith.addf %select_n3A_2152, %select_n3A_2158 : vector<16xf32>
    %get3A_2160 = arith.constant 240 : index
    %get3A_2161 = tpu.vector_load %arg14[%get3A_2160] {strides = array<i32>} : memref<512xf32, #tpu.memory_space<vmem>>, vector<16xf32>,
    %get3A_2162 = arith.constant 240 : index
    %get3A_2163 = tpu.vector_load %arg15[%get3A_2162] {strides = array<i32>} : memref<512xf32, #tpu.memory_space<vmem>>, vector<16xf32>,
    %ne3A_2164 = arith.cmpf one, %get3A_2163, %add3A_2159 : vector<16xf32>
    %jit3A_2165 = arith.constant 0.000000e+00 : f32
    %broadcast_in_dim3A_2166 = vector.broadcast %jit3A_2165 : f32 to vector<16xf32>
    %select_n3A_2167 = arith.select %ne3A_2164, %get3A_2161, %broadcast_in_dim3A_2166 : vector<16xi1>, vector<16xf32>
    %add3A_2168 = arith.addf %add3A_2121, %select_n3A_2167 : vector<16xf32>
    %add3A_2169 = arith.addf %add3A_2122, %get3A_2161 : vector<16xf32>
    %dma_wait3A_2170 = arith.constant 2 : i32
    %dma_wait3A_2171 = arith.constant 2 : i32
    %dma_wait3A_2172 = arith.constant 0 : i32
    %dma_wait3A_2173 = tpu.memref_slice %arg17[%dma_wait3A_2171, %dma_wait3A_2172] : memref<8x128xf32, #tpu.memory_space<vmem>> -> memref<1x128xf32, #tpu.memory_space<vmem>>
    %dma_wait3A_2174 = tpu.memref_squeeze %dma_wait3A_2173 : memref<1x128xf32, #tpu.memory_space<vmem>> -> memref<128xf32, #tpu.memory_space<vmem>>
    %dma_wait3A_2175 = arith.constant 0 : i32
    %dma_wait3A_2176 = tpu.memref_slice %arg16[%dma_wait3A_2170, %dma_wait3A_2175] : memref<8x128xi32, #tpu.memory_space<vmem>> -> memref<1x128xi32, #tpu.memory_space<vmem>>
    %dma_wait3A_2177 = tpu.memref_squeeze %dma_wait3A_2176 : memref<1x128xi32, #tpu.memory_space<vmem>> -> memref<128xi32, #tpu.memory_space<vmem>>
    %dma_wait3A_2178 = arith.constant 0 : i32
    %dma_wait3A_2179 = tpu.memref_slice %arg2[%dma_wait3A_2178] : memref<262144xf32, #tpu.memory_space<hbm>> -> memref<262144xf32, #tpu.memory_space<hbm>>
    tpu.wait_indirect_dma semaphore(%arg21 : memref<!tpu.dma_semaphore, #tpu.memory_space<semaphore_mem>>) src(%dma_wait3A_2179 : memref<262144xf32, #tpu.memory_space<hbm>>) dst(%dma_wait3A_2174 : memref<128xf32, #tpu.memory_space<vmem>>)
    %dma_wait3A_2180 = arith.constant 6 : i32
    %dma_wait3A_2181 = arith.constant 6 : i32
    %dma_wait3A_2182 = arith.constant 0 : i32
    %dma_wait3A_2183 = tpu.memref_slice %arg17[%dma_wait3A_2181, %dma_wait3A_2182] : memref<8x128xf32, #tpu.memory_space<vmem>> -> memref<1x128xf32, #tpu.memory_space<vmem>>
    %dma_wait3A_2184 = tpu.memref_squeeze %dma_wait3A_2183 : memref<1x128xf32, #tpu.memory_space<vmem>> -> memref<128xf32, #tpu.memory_space<vmem>>
    %dma_wait3A_2185 = arith.constant 0 : i32
    %dma_wait3A_2186 = tpu.memref_slice %arg16[%dma_wait3A_2180, %dma_wait3A_2185] : memref<8x128xi32, #tpu.memory_space<vmem>> -> memref<1x128xi32, #tpu.memory_space<vmem>>
    %dma_wait3A_2187 = tpu.memref_squeeze %dma_wait3A_2186 : memref<1x128xi32, #tpu.memory_space<vmem>> -> memref<128xi32, #tpu.memory_space<vmem>>
    %dma_wait3A_2188 = arith.constant 0 : i32
    %dma_wait3A_2189 = tpu.memref_slice %arg2[%dma_wait3A_2188] : memref<262144xf32, #tpu.memory_space<hbm>> -> memref<262144xf32, #tpu.memory_space<hbm>>
    tpu.wait_indirect_dma semaphore(%arg21 : memref<!tpu.dma_semaphore, #tpu.memory_space<semaphore_mem>>) src(%dma_wait3A_2189 : memref<262144xf32, #tpu.memory_space<hbm>>) dst(%dma_wait3A_2184 : memref<128xf32, #tpu.memory_space<vmem>>)
    %get3A_2190 = arith.constant 2 : i32
    %get3A_2191 = arith.index_cast %get3A_2190 : i32 to index
    %get3A_2192 = arith.constant 0 : index
    %get3A_2193 = tpu.vector_load %arg17[%get3A_2191, %get3A_2192] {strides = array<i32>} : memref<8x128xf32, #tpu.memory_space<vmem>>, vector<16xf32>,
    %get3A_2194 = arith.constant 6 : i32
    %get3A_2195 = arith.index_cast %get3A_2194 : i32 to index
    %get3A_2196 = arith.constant 0 : index
    %get3A_2197 = tpu.vector_load %arg17[%get3A_2195, %get3A_2196] {strides = array<i32>} : memref<8x128xf32, #tpu.memory_space<vmem>>, vector<16xf32>,
    %add3A_2198 = arith.constant 1.000000e-07 : f32
    %add3A_2199 = vector.broadcast %add3A_2198 : f32 to vector<16xf32>
    %add3A_2200 = arith.addf %get3A_2197, %add3A_2199 : vector<16xf32>
    %div3A_2201 = arith.divf %get3A_2193, %add3A_2200 : vector<16xf32>
    %le3A_2202 = arith.constant 1.120000e+00 : f32
    %le3A_2203 = vector.broadcast %le3A_2202 : f32 to vector<16xf32>
    %le3A_2204 = arith.cmpf ole, %div3A_2201, %le3A_2203 : vector<16xf32>
    %jit3A_2205 = arith.constant 2.000000e+00 : f32
    %broadcast_in_dim3A_2206 = vector.broadcast %jit3A_2205 : f32 to vector<16xf32>
    %select_n3A_2207 = arith.select %le3A_2204, %div3A_2201, %broadcast_in_dim3A_2206 : vector<16xi1>, vector<16xf32>
    %ge3A_2208 = arith.constant 0.892857134 : f32
    %ge3A_2209 = vector.broadcast %ge3A_2208 : f32 to vector<16xf32>
    %ge3A_2210 = arith.cmpf oge, %select_n3A_2207, %ge3A_2209 : vector<16xf32>
    %jit3A_2211 = arith.constant 1.000000e+00 : f32
    %broadcast_in_dim3A_2212 = vector.broadcast %jit3A_2211 : f32 to vector<16xf32>
    %select_n3A_2213 = arith.select %ge3A_2210, %select_n3A_2207, %broadcast_in_dim3A_2212 : vector<16xi1>, vector<16xf32>
    %eq3A_2214 = arith.constant 1.000000e+00 : f32
    %eq3A_2215 = vector.broadcast %eq3A_2214 : f32 to vector<16xf32>
    %eq3A_2216 = arith.cmpf oeq, %select_n3A_2213, %eq3A_2215 : vector<16xf32>
    %jit3A_2217 = arith.constant 0.000000e+00 : f32
    %broadcast_in_dim3A_2218 = vector.broadcast %jit3A_2217 : f32 to vector<16xf32>
    %select_n3A_2219 = arith.select %eq3A_2216, %select_n3A_2213, %broadcast_in_dim3A_2218 : vector<16xi1>, vector<16xf32>
    %eq3A_2220 = arith.constant 2.000000e+00 : f32
    %eq3A_2221 = vector.broadcast %eq3A_2220 : f32 to vector<16xf32>
    %eq3A_2222 = arith.cmpf oeq, %select_n3A_2213, %eq3A_2221 : vector<16xf32>
    %jit3A_2223 = arith.constant 0.000000e+00 : f32
    %broadcast_in_dim3A_2224 = vector.broadcast %jit3A_2223 : f32 to vector<16xf32>
    %select_n3A_2225 = arith.select %eq3A_2222, %select_n3A_2213, %broadcast_in_dim3A_2224 : vector<16xi1>, vector<16xf32>
    %add3A_2226 = arith.addf %select_n3A_2219, %select_n3A_2225 : vector<16xf32>
    %get3A_2227 = arith.constant 256 : index
    %get3A_2228 = tpu.vector_load %arg14[%get3A_2227] {strides = array<i32>} : memref<512xf32, #tpu.memory_space<vmem>>, vector<16xf32>,
    %get3A_2229 = arith.constant 256 : index
    %get3A_2230 = tpu.vector_load %arg15[%get3A_2229] {strides = array<i32>} : memref<512xf32, #tpu.memory_space<vmem>>, vector<16xf32>,
    %ne3A_2231 = arith.cmpf one, %get3A_2230, %add3A_2226 : vector<16xf32>
    %jit3A_2232 = arith.constant 0.000000e+00 : f32
    %broadcast_in_dim3A_2233 = vector.broadcast %jit3A_2232 : f32 to vector<16xf32>
    %select_n3A_2234 = arith.select %ne3A_2231, %get3A_2228, %broadcast_in_dim3A_2233 : vector<16xi1>, vector<16xf32>
    %add3A_2235 = arith.addf %add3A_2168, %select_n3A_2234 : vector<16xf32>
    %add3A_2236 = arith.addf %add3A_2169, %get3A_2228 : vector<16xf32>
    %get3A_2237 = arith.constant 2 : i32
    %get3A_2238 = arith.index_cast %get3A_2237 : i32 to index
    %get3A_2239 = arith.constant 16 : index
    %get3A_2240 = tpu.vector_load %arg17[%get3A_2238, %get3A_2239] {strides = array<i32>} : memref<8x128xf32, #tpu.memory_space<vmem>>, vector<16xf32>,
    %get3A_2241 = arith.constant 6 : i32
    %get3A_2242 = arith.index_cast %get3A_2241 : i32 to index
    %get3A_2243 = arith.constant 16 : index
    %get3A_2244 = tpu.vector_load %arg17[%get3A_2242, %get3A_2243] {strides = array<i32>} : memref<8x128xf32, #tpu.memory_space<vmem>>, vector<16xf32>,
    %add3A_2245 = arith.constant 1.000000e-07 : f32
    %add3A_2246 = vector.broadcast %add3A_2245 : f32 to vector<16xf32>
    %add3A_2247 = arith.addf %get3A_2244, %add3A_2246 : vector<16xf32>
    %div3A_2248 = arith.divf %get3A_2240, %add3A_2247 : vector<16xf32>
    %le3A_2249 = arith.constant 1.120000e+00 : f32
    %le3A_2250 = vector.broadcast %le3A_2249 : f32 to vector<16xf32>
    %le3A_2251 = arith.cmpf ole, %div3A_2248, %le3A_2250 : vector<16xf32>
    %jit3A_2252 = arith.constant 2.000000e+00 : f32
    %broadcast_in_dim3A_2253 = vector.broadcast %jit3A_2252 : f32 to vector<16xf32>
    %select_n3A_2254 = arith.select %le3A_2251, %div3A_2248, %broadcast_in_dim3A_2253 : vector<16xi1>, vector<16xf32>
    %ge3A_2255 = arith.constant 0.892857134 : f32
    %ge3A_2256 = vector.broadcast %ge3A_2255 : f32 to vector<16xf32>
    %ge3A_2257 = arith.cmpf oge, %select_n3A_2254, %ge3A_2256 : vector<16xf32>
    %jit3A_2258 = arith.constant 1.000000e+00 : f32
    %broadcast_in_dim3A_2259 = vector.broadcast %jit3A_2258 : f32 to vector<16xf32>
    %select_n3A_2260 = arith.select %ge3A_2257, %select_n3A_2254, %broadcast_in_dim3A_2259 : vector<16xi1>, vector<16xf32>
    %eq3A_2261 = arith.constant 1.000000e+00 : f32
    %eq3A_2262 = vector.broadcast %eq3A_2261 : f32 to vector<16xf32>
    %eq3A_2263 = arith.cmpf oeq, %select_n3A_2260, %eq3A_2262 : vector<16xf32>
    %jit3A_2264 = arith.constant 0.000000e+00 : f32
    %broadcast_in_dim3A_2265 = vector.broadcast %jit3A_2264 : f32 to vector<16xf32>
    %select_n3A_2266 = arith.select %eq3A_2263, %select_n3A_2260, %broadcast_in_dim3A_2265 : vector<16xi1>, vector<16xf32>
    %eq3A_2267 = arith.constant 2.000000e+00 : f32
    %eq3A_2268 = vector.broadcast %eq3A_2267 : f32 to vector<16xf32>
    %eq3A_2269 = arith.cmpf oeq, %select_n3A_2260, %eq3A_2268 : vector<16xf32>
    %jit3A_2270 = arith.constant 0.000000e+00 : f32
    %broadcast_in_dim3A_2271 = vector.broadcast %jit3A_2270 : f32 to vector<16xf32>
    %select_n3A_2272 = arith.select %eq3A_2269, %select_n3A_2260, %broadcast_in_dim3A_2271 : vector<16xi1>, vector<16xf32>
    %add3A_2273 = arith.addf %select_n3A_2266, %select_n3A_2272 : vector<16xf32>
    %get3A_2274 = arith.constant 272 : index
    %get3A_2275 = tpu.vector_load %arg14[%get3A_2274] {strides = array<i32>} : memref<512xf32, #tpu.memory_space<vmem>>, vector<16xf32>,
    %get3A_2276 = arith.constant 272 : index
    %get3A_2277 = tpu.vector_load %arg15[%get3A_2276] {strides = array<i32>} : memref<512xf32, #tpu.memory_space<vmem>>, vector<16xf32>,
    %ne3A_2278 = arith.cmpf one, %get3A_2277, %add3A_2273 : vector<16xf32>
    %jit3A_2279 = arith.constant 0.000000e+00 : f32
    %broadcast_in_dim3A_2280 = vector.broadcast %jit3A_2279 : f32 to vector<16xf32>
    %select_n3A_2281 = arith.select %ne3A_2278, %get3A_2275, %broadcast_in_dim3A_2280 : vector<16xi1>, vector<16xf32>
    %add3A_2282 = arith.addf %add3A_2235, %select_n3A_2281 : vector<16xf32>
    %add3A_2283 = arith.addf %add3A_2236, %get3A_2275 : vector<16xf32>
    %get3A_2284 = arith.constant 2 : i32
    %get3A_2285 = arith.index_cast %get3A_2284 : i32 to index
    %get3A_2286 = arith.constant 32 : index
    %get3A_2287 = tpu.vector_load %arg17[%get3A_2285, %get3A_2286] {strides = array<i32>} : memref<8x128xf32, #tpu.memory_space<vmem>>, vector<16xf32>,
    %get3A_2288 = arith.constant 6 : i32
    %get3A_2289 = arith.index_cast %get3A_2288 : i32 to index
    %get3A_2290 = arith.constant 32 : index
    %get3A_2291 = tpu.vector_load %arg17[%get3A_2289, %get3A_2290] {strides = array<i32>} : memref<8x128xf32, #tpu.memory_space<vmem>>, vector<16xf32>,
    %add3A_2292 = arith.constant 1.000000e-07 : f32
    %add3A_2293 = vector.broadcast %add3A_2292 : f32 to vector<16xf32>
    %add3A_2294 = arith.addf %get3A_2291, %add3A_2293 : vector<16xf32>
    %div3A_2295 = arith.divf %get3A_2287, %add3A_2294 : vector<16xf32>
    %le3A_2296 = arith.constant 1.120000e+00 : f32
    %le3A_2297 = vector.broadcast %le3A_2296 : f32 to vector<16xf32>
    %le3A_2298 = arith.cmpf ole, %div3A_2295, %le3A_2297 : vector<16xf32>
    %jit3A_2299 = arith.constant 2.000000e+00 : f32
    %broadcast_in_dim3A_2300 = vector.broadcast %jit3A_2299 : f32 to vector<16xf32>
    %select_n3A_2301 = arith.select %le3A_2298, %div3A_2295, %broadcast_in_dim3A_2300 : vector<16xi1>, vector<16xf32>
    %ge3A_2302 = arith.constant 0.892857134 : f32
    %ge3A_2303 = vector.broadcast %ge3A_2302 : f32 to vector<16xf32>
    %ge3A_2304 = arith.cmpf oge, %select_n3A_2301, %ge3A_2303 : vector<16xf32>
    %jit3A_2305 = arith.constant 1.000000e+00 : f32
    %broadcast_in_dim3A_2306 = vector.broadcast %jit3A_2305 : f32 to vector<16xf32>
    %select_n3A_2307 = arith.select %ge3A_2304, %select_n3A_2301, %broadcast_in_dim3A_2306 : vector<16xi1>, vector<16xf32>
    %eq3A_2308 = arith.constant 1.000000e+00 : f32
    %eq3A_2309 = vector.broadcast %eq3A_2308 : f32 to vector<16xf32>
    %eq3A_2310 = arith.cmpf oeq, %select_n3A_2307, %eq3A_2309 : vector<16xf32>
    %jit3A_2311 = arith.constant 0.000000e+00 : f32
    %broadcast_in_dim3A_2312 = vector.broadcast %jit3A_2311 : f32 to vector<16xf32>
    %select_n3A_2313 = arith.select %eq3A_2310, %select_n3A_2307, %broadcast_in_dim3A_2312 : vector<16xi1>, vector<16xf32>
    %eq3A_2314 = arith.constant 2.000000e+00 : f32
    %eq3A_2315 = vector.broadcast %eq3A_2314 : f32 to vector<16xf32>
    %eq3A_2316 = arith.cmpf oeq, %select_n3A_2307, %eq3A_2315 : vector<16xf32>
    %jit3A_2317 = arith.constant 0.000000e+00 : f32
    %broadcast_in_dim3A_2318 = vector.broadcast %jit3A_2317 : f32 to vector<16xf32>
    %select_n3A_2319 = arith.select %eq3A_2316, %select_n3A_2307, %broadcast_in_dim3A_2318 : vector<16xi1>, vector<16xf32>
    %add3A_2320 = arith.addf %select_n3A_2313, %select_n3A_2319 : vector<16xf32>
    %get3A_2321 = arith.constant 288 : index
    %get3A_2322 = tpu.vector_load %arg14[%get3A_2321] {strides = array<i32>} : memref<512xf32, #tpu.memory_space<vmem>>, vector<16xf32>,
    %get3A_2323 = arith.constant 288 : index
    %get3A_2324 = tpu.vector_load %arg15[%get3A_2323] {strides = array<i32>} : memref<512xf32, #tpu.memory_space<vmem>>, vector<16xf32>,
    %ne3A_2325 = arith.cmpf one, %get3A_2324, %add3A_2320 : vector<16xf32>
    %jit3A_2326 = arith.constant 0.000000e+00 : f32
    %broadcast_in_dim3A_2327 = vector.broadcast %jit3A_2326 : f32 to vector<16xf32>
    %select_n3A_2328 = arith.select %ne3A_2325, %get3A_2322, %broadcast_in_dim3A_2327 : vector<16xi1>, vector<16xf32>
    %add3A_2329 = arith.addf %add3A_2282, %select_n3A_2328 : vector<16xf32>
    %add3A_2330 = arith.addf %add3A_2283, %get3A_2322 : vector<16xf32>
    %get3A_2331 = arith.constant 2 : i32
    %get3A_2332 = arith.index_cast %get3A_2331 : i32 to index
    %get3A_2333 = arith.constant 48 : index
    %get3A_2334 = tpu.vector_load %arg17[%get3A_2332, %get3A_2333] {strides = array<i32>} : memref<8x128xf32, #tpu.memory_space<vmem>>, vector<16xf32>,
    %get3A_2335 = arith.constant 6 : i32
    %get3A_2336 = arith.index_cast %get3A_2335 : i32 to index
    %get3A_2337 = arith.constant 48 : index
    %get3A_2338 = tpu.vector_load %arg17[%get3A_2336, %get3A_2337] {strides = array<i32>} : memref<8x128xf32, #tpu.memory_space<vmem>>, vector<16xf32>,
    %add3A_2339 = arith.constant 1.000000e-07 : f32
    %add3A_2340 = vector.broadcast %add3A_2339 : f32 to vector<16xf32>
    %add3A_2341 = arith.addf %get3A_2338, %add3A_2340 : vector<16xf32>
    %div3A_2342 = arith.divf %get3A_2334, %add3A_2341 : vector<16xf32>
    %le3A_2343 = arith.constant 1.120000e+00 : f32
    %le3A_2344 = vector.broadcast %le3A_2343 : f32 to vector<16xf32>
    %le3A_2345 = arith.cmpf ole, %div3A_2342, %le3A_2344 : vector<16xf32>
    %jit3A_2346 = arith.constant 2.000000e+00 : f32
    %broadcast_in_dim3A_2347 = vector.broadcast %jit3A_2346 : f32 to vector<16xf32>
    %select_n3A_2348 = arith.select %le3A_2345, %div3A_2342, %broadcast_in_dim3A_2347 : vector<16xi1>, vector<16xf32>
    %ge3A_2349 = arith.constant 0.892857134 : f32
    %ge3A_2350 = vector.broadcast %ge3A_2349 : f32 to vector<16xf32>
    %ge3A_2351 = arith.cmpf oge, %select_n3A_2348, %ge3A_2350 : vector<16xf32>
    %jit3A_2352 = arith.constant 1.000000e+00 : f32
    %broadcast_in_dim3A_2353 = vector.broadcast %jit3A_2352 : f32 to vector<16xf32>
    %select_n3A_2354 = arith.select %ge3A_2351, %select_n3A_2348, %broadcast_in_dim3A_2353 : vector<16xi1>, vector<16xf32>
    %eq3A_2355 = arith.constant 1.000000e+00 : f32
    %eq3A_2356 = vector.broadcast %eq3A_2355 : f32 to vector<16xf32>
    %eq3A_2357 = arith.cmpf oeq, %select_n3A_2354, %eq3A_2356 : vector<16xf32>
    %jit3A_2358 = arith.constant 0.000000e+00 : f32
    %broadcast_in_dim3A_2359 = vector.broadcast %jit3A_2358 : f32 to vector<16xf32>
    %select_n3A_2360 = arith.select %eq3A_2357, %select_n3A_2354, %broadcast_in_dim3A_2359 : vector<16xi1>, vector<16xf32>
    %eq3A_2361 = arith.constant 2.000000e+00 : f32
    %eq3A_2362 = vector.broadcast %eq3A_2361 : f32 to vector<16xf32>
    %eq3A_2363 = arith.cmpf oeq, %select_n3A_2354, %eq3A_2362 : vector<16xf32>
    %jit3A_2364 = arith.constant 0.000000e+00 : f32
    %broadcast_in_dim3A_2365 = vector.broadcast %jit3A_2364 : f32 to vector<16xf32>
    %select_n3A_2366 = arith.select %eq3A_2363, %select_n3A_2354, %broadcast_in_dim3A_2365 : vector<16xi1>, vector<16xf32>
    %add3A_2367 = arith.addf %select_n3A_2360, %select_n3A_2366 : vector<16xf32>
    %get3A_2368 = arith.constant 304 : index
    %get3A_2369 = tpu.vector_load %arg14[%get3A_2368] {strides = array<i32>} : memref<512xf32, #tpu.memory_space<vmem>>, vector<16xf32>,
    %get3A_2370 = arith.constant 304 : index
    %get3A_2371 = tpu.vector_load %arg15[%get3A_2370] {strides = array<i32>} : memref<512xf32, #tpu.memory_space<vmem>>, vector<16xf32>,
    %ne3A_2372 = arith.cmpf one, %get3A_2371, %add3A_2367 : vector<16xf32>
    %jit3A_2373 = arith.constant 0.000000e+00 : f32
    %broadcast_in_dim3A_2374 = vector.broadcast %jit3A_2373 : f32 to vector<16xf32>
    %select_n3A_2375 = arith.select %ne3A_2372, %get3A_2369, %broadcast_in_dim3A_2374 : vector<16xi1>, vector<16xf32>
    %add3A_2376 = arith.addf %add3A_2329, %select_n3A_2375 : vector<16xf32>
    %add3A_2377 = arith.addf %add3A_2330, %get3A_2369 : vector<16xf32>
    %get3A_2378 = arith.constant 2 : i32
    %get3A_2379 = arith.index_cast %get3A_2378 : i32 to index
    %get3A_2380 = arith.constant 64 : index
    %get3A_2381 = tpu.vector_load %arg17[%get3A_2379, %get3A_2380] {strides = array<i32>} : memref<8x128xf32, #tpu.memory_space<vmem>>, vector<16xf32>,
    %get3A_2382 = arith.constant 6 : i32
    %get3A_2383 = arith.index_cast %get3A_2382 : i32 to index
    %get3A_2384 = arith.constant 64 : index
    %get3A_2385 = tpu.vector_load %arg17[%get3A_2383, %get3A_2384] {strides = array<i32>} : memref<8x128xf32, #tpu.memory_space<vmem>>, vector<16xf32>,
    %add3A_2386 = arith.constant 1.000000e-07 : f32
    %add3A_2387 = vector.broadcast %add3A_2386 : f32 to vector<16xf32>
    %add3A_2388 = arith.addf %get3A_2385, %add3A_2387 : vector<16xf32>
    %div3A_2389 = arith.divf %get3A_2381, %add3A_2388 : vector<16xf32>
    %le3A_2390 = arith.constant 1.120000e+00 : f32
    %le3A_2391 = vector.broadcast %le3A_2390 : f32 to vector<16xf32>
    %le3A_2392 = arith.cmpf ole, %div3A_2389, %le3A_2391 : vector<16xf32>
    %jit3A_2393 = arith.constant 2.000000e+00 : f32
    %broadcast_in_dim3A_2394 = vector.broadcast %jit3A_2393 : f32 to vector<16xf32>
    %select_n3A_2395 = arith.select %le3A_2392, %div3A_2389, %broadcast_in_dim3A_2394 : vector<16xi1>, vector<16xf32>
    %ge3A_2396 = arith.constant 0.892857134 : f32
    %ge3A_2397 = vector.broadcast %ge3A_2396 : f32 to vector<16xf32>
    %ge3A_2398 = arith.cmpf oge, %select_n3A_2395, %ge3A_2397 : vector<16xf32>
    %jit3A_2399 = arith.constant 1.000000e+00 : f32
    %broadcast_in_dim3A_2400 = vector.broadcast %jit3A_2399 : f32 to vector<16xf32>
    %select_n3A_2401 = arith.select %ge3A_2398, %select_n3A_2395, %broadcast_in_dim3A_2400 : vector<16xi1>, vector<16xf32>
    %eq3A_2402 = arith.constant 1.000000e+00 : f32
    %eq3A_2403 = vector.broadcast %eq3A_2402 : f32 to vector<16xf32>
    %eq3A_2404 = arith.cmpf oeq, %select_n3A_2401, %eq3A_2403 : vector<16xf32>
    %jit3A_2405 = arith.constant 0.000000e+00 : f32
    %broadcast_in_dim3A_2406 = vector.broadcast %jit3A_2405 : f32 to vector<16xf32>
    %select_n3A_2407 = arith.select %eq3A_2404, %select_n3A_2401, %broadcast_in_dim3A_2406 : vector<16xi1>, vector<16xf32>
    %eq3A_2408 = arith.constant 2.000000e+00 : f32
    %eq3A_2409 = vector.broadcast %eq3A_2408 : f32 to vector<16xf32>
    %eq3A_2410 = arith.cmpf oeq, %select_n3A_2401, %eq3A_2409 : vector<16xf32>
    %jit3A_2411 = arith.constant 0.000000e+00 : f32
    %broadcast_in_dim3A_2412 = vector.broadcast %jit3A_2411 : f32 to vector<16xf32>
    %select_n3A_2413 = arith.select %eq3A_2410, %select_n3A_2401, %broadcast_in_dim3A_2412 : vector<16xi1>, vector<16xf32>
    %add3A_2414 = arith.addf %select_n3A_2407, %select_n3A_2413 : vector<16xf32>
    %get3A_2415 = arith.constant 320 : index
    %get3A_2416 = tpu.vector_load %arg14[%get3A_2415] {strides = array<i32>} : memref<512xf32, #tpu.memory_space<vmem>>, vector<16xf32>,
    %get3A_2417 = arith.constant 320 : index
    %get3A_2418 = tpu.vector_load %arg15[%get3A_2417] {strides = array<i32>} : memref<512xf32, #tpu.memory_space<vmem>>, vector<16xf32>,
    %ne3A_2419 = arith.cmpf one, %get3A_2418, %add3A_2414 : vector<16xf32>
    %jit3A_2420 = arith.constant 0.000000e+00 : f32
    %broadcast_in_dim3A_2421 = vector.broadcast %jit3A_2420 : f32 to vector<16xf32>
    %select_n3A_2422 = arith.select %ne3A_2419, %get3A_2416, %broadcast_in_dim3A_2421 : vector<16xi1>, vector<16xf32>
    %add3A_2423 = arith.addf %add3A_2376, %select_n3A_2422 : vector<16xf32>
    %add3A_2424 = arith.addf %add3A_2377, %get3A_2416 : vector<16xf32>
    %get3A_2425 = arith.constant 2 : i32
    %get3A_2426 = arith.index_cast %get3A_2425 : i32 to index
    %get3A_2427 = arith.constant 80 : index
    %get3A_2428 = tpu.vector_load %arg17[%get3A_2426, %get3A_2427] {strides = array<i32>} : memref<8x128xf32, #tpu.memory_space<vmem>>, vector<16xf32>,
    %get3A_2429 = arith.constant 6 : i32
    %get3A_2430 = arith.index_cast %get3A_2429 : i32 to index
    %get3A_2431 = arith.constant 80 : index
    %get3A_2432 = tpu.vector_load %arg17[%get3A_2430, %get3A_2431] {strides = array<i32>} : memref<8x128xf32, #tpu.memory_space<vmem>>, vector<16xf32>,
    %add3A_2433 = arith.constant 1.000000e-07 : f32
    %add3A_2434 = vector.broadcast %add3A_2433 : f32 to vector<16xf32>
    %add3A_2435 = arith.addf %get3A_2432, %add3A_2434 : vector<16xf32>
    %div3A_2436 = arith.divf %get3A_2428, %add3A_2435 : vector<16xf32>
    %le3A_2437 = arith.constant 1.120000e+00 : f32
    %le3A_2438 = vector.broadcast %le3A_2437 : f32 to vector<16xf32>
    %le3A_2439 = arith.cmpf ole, %div3A_2436, %le3A_2438 : vector<16xf32>
    %jit3A_2440 = arith.constant 2.000000e+00 : f32
    %broadcast_in_dim3A_2441 = vector.broadcast %jit3A_2440 : f32 to vector<16xf32>
    %select_n3A_2442 = arith.select %le3A_2439, %div3A_2436, %broadcast_in_dim3A_2441 : vector<16xi1>, vector<16xf32>
    %ge3A_2443 = arith.constant 0.892857134 : f32
    %ge3A_2444 = vector.broadcast %ge3A_2443 : f32 to vector<16xf32>
    %ge3A_2445 = arith.cmpf oge, %select_n3A_2442, %ge3A_2444 : vector<16xf32>
    %jit3A_2446 = arith.constant 1.000000e+00 : f32
    %broadcast_in_dim3A_2447 = vector.broadcast %jit3A_2446 : f32 to vector<16xf32>
    %select_n3A_2448 = arith.select %ge3A_2445, %select_n3A_2442, %broadcast_in_dim3A_2447 : vector<16xi1>, vector<16xf32>
    %eq3A_2449 = arith.constant 1.000000e+00 : f32
    %eq3A_2450 = vector.broadcast %eq3A_2449 : f32 to vector<16xf32>
    %eq3A_2451 = arith.cmpf oeq, %select_n3A_2448, %eq3A_2450 : vector<16xf32>
    %jit3A_2452 = arith.constant 0.000000e+00 : f32
    %broadcast_in_dim3A_2453 = vector.broadcast %jit3A_2452 : f32 to vector<16xf32>
    %select_n3A_2454 = arith.select %eq3A_2451, %select_n3A_2448, %broadcast_in_dim3A_2453 : vector<16xi1>, vector<16xf32>
    %eq3A_2455 = arith.constant 2.000000e+00 : f32
    %eq3A_2456 = vector.broadcast %eq3A_2455 : f32 to vector<16xf32>
    %eq3A_2457 = arith.cmpf oeq, %select_n3A_2448, %eq3A_2456 : vector<16xf32>
    %jit3A_2458 = arith.constant 0.000000e+00 : f32
    %broadcast_in_dim3A_2459 = vector.broadcast %jit3A_2458 : f32 to vector<16xf32>
    %select_n3A_2460 = arith.select %eq3A_2457, %select_n3A_2448, %broadcast_in_dim3A_2459 : vector<16xi1>, vector<16xf32>
    %add3A_2461 = arith.addf %select_n3A_2454, %select_n3A_2460 : vector<16xf32>
    %get3A_2462 = arith.constant 336 : index
    %get3A_2463 = tpu.vector_load %arg14[%get3A_2462] {strides = array<i32>} : memref<512xf32, #tpu.memory_space<vmem>>, vector<16xf32>,
    %get3A_2464 = arith.constant 336 : index
    %get3A_2465 = tpu.vector_load %arg15[%get3A_2464] {strides = array<i32>} : memref<512xf32, #tpu.memory_space<vmem>>, vector<16xf32>,
    %ne3A_2466 = arith.cmpf one, %get3A_2465, %add3A_2461 : vector<16xf32>
    %jit3A_2467 = arith.constant 0.000000e+00 : f32
    %broadcast_in_dim3A_2468 = vector.broadcast %jit3A_2467 : f32 to vector<16xf32>
    %select_n3A_2469 = arith.select %ne3A_2466, %get3A_2463, %broadcast_in_dim3A_2468 : vector<16xi1>, vector<16xf32>
    %add3A_2470 = arith.addf %add3A_2423, %select_n3A_2469 : vector<16xf32>
    %add3A_2471 = arith.addf %add3A_2424, %get3A_2463 : vector<16xf32>
    %get3A_2472 = arith.constant 2 : i32
    %get3A_2473 = arith.index_cast %get3A_2472 : i32 to index
    %get3A_2474 = arith.constant 96 : index
    %get3A_2475 = tpu.vector_load %arg17[%get3A_2473, %get3A_2474] {strides = array<i32>} : memref<8x128xf32, #tpu.memory_space<vmem>>, vector<16xf32>,
    %get3A_2476 = arith.constant 6 : i32
    %get3A_2477 = arith.index_cast %get3A_2476 : i32 to index
    %get3A_2478 = arith.constant 96 : index
    %get3A_2479 = tpu.vector_load %arg17[%get3A_2477, %get3A_2478] {strides = array<i32>} : memref<8x128xf32, #tpu.memory_space<vmem>>, vector<16xf32>,
    %add3A_2480 = arith.constant 1.000000e-07 : f32
    %add3A_2481 = vector.broadcast %add3A_2480 : f32 to vector<16xf32>
    %add3A_2482 = arith.addf %get3A_2479, %add3A_2481 : vector<16xf32>
    %div3A_2483 = arith.divf %get3A_2475, %add3A_2482 : vector<16xf32>
    %le3A_2484 = arith.constant 1.120000e+00 : f32
    %le3A_2485 = vector.broadcast %le3A_2484 : f32 to vector<16xf32>
    %le3A_2486 = arith.cmpf ole, %div3A_2483, %le3A_2485 : vector<16xf32>
    %jit3A_2487 = arith.constant 2.000000e+00 : f32
    %broadcast_in_dim3A_2488 = vector.broadcast %jit3A_2487 : f32 to vector<16xf32>
    %select_n3A_2489 = arith.select %le3A_2486, %div3A_2483, %broadcast_in_dim3A_2488 : vector<16xi1>, vector<16xf32>
    %ge3A_2490 = arith.constant 0.892857134 : f32
    %ge3A_2491 = vector.broadcast %ge3A_2490 : f32 to vector<16xf32>
    %ge3A_2492 = arith.cmpf oge, %select_n3A_2489, %ge3A_2491 : vector<16xf32>
    %jit3A_2493 = arith.constant 1.000000e+00 : f32
    %broadcast_in_dim3A_2494 = vector.broadcast %jit3A_2493 : f32 to vector<16xf32>
    %select_n3A_2495 = arith.select %ge3A_2492, %select_n3A_2489, %broadcast_in_dim3A_2494 : vector<16xi1>, vector<16xf32>
    %eq3A_2496 = arith.constant 1.000000e+00 : f32
    %eq3A_2497 = vector.broadcast %eq3A_2496 : f32 to vector<16xf32>
    %eq3A_2498 = arith.cmpf oeq, %select_n3A_2495, %eq3A_2497 : vector<16xf32>
    %jit3A_2499 = arith.constant 0.000000e+00 : f32
    %broadcast_in_dim3A_2500 = vector.broadcast %jit3A_2499 : f32 to vector<16xf32>
    %select_n3A_2501 = arith.select %eq3A_2498, %select_n3A_2495, %broadcast_in_dim3A_2500 : vector<16xi1>, vector<16xf32>
    %eq3A_2502 = arith.constant 2.000000e+00 : f32
    %eq3A_2503 = vector.broadcast %eq3A_2502 : f32 to vector<16xf32>
    %eq3A_2504 = arith.cmpf oeq, %select_n3A_2495, %eq3A_2503 : vector<16xf32>
    %jit3A_2505 = arith.constant 0.000000e+00 : f32
    %broadcast_in_dim3A_2506 = vector.broadcast %jit3A_2505 : f32 to vector<16xf32>
    %select_n3A_2507 = arith.select %eq3A_2504, %select_n3A_2495, %broadcast_in_dim3A_2506 : vector<16xi1>, vector<16xf32>
    %add3A_2508 = arith.addf %select_n3A_2501, %select_n3A_2507 : vector<16xf32>
    %get3A_2509 = arith.constant 352 : index
    %get3A_2510 = tpu.vector_load %arg14[%get3A_2509] {strides = array<i32>} : memref<512xf32, #tpu.memory_space<vmem>>, vector<16xf32>,
    %get3A_2511 = arith.constant 352 : index
    %get3A_2512 = tpu.vector_load %arg15[%get3A_2511] {strides = array<i32>} : memref<512xf32, #tpu.memory_space<vmem>>, vector<16xf32>,
    %ne3A_2513 = arith.cmpf one, %get3A_2512, %add3A_2508 : vector<16xf32>
    %jit3A_2514 = arith.constant 0.000000e+00 : f32
    %broadcast_in_dim3A_2515 = vector.broadcast %jit3A_2514 : f32 to vector<16xf32>
    %select_n3A_2516 = arith.select %ne3A_2513, %get3A_2510, %broadcast_in_dim3A_2515 : vector<16xi1>, vector<16xf32>
    %add3A_2517 = arith.addf %add3A_2470, %select_n3A_2516 : vector<16xf32>
    %add3A_2518 = arith.addf %add3A_2471, %get3A_2510 : vector<16xf32>
    %get3A_2519 = arith.constant 2 : i32
    %get3A_2520 = arith.index_cast %get3A_2519 : i32 to index
    %get3A_2521 = arith.constant 112 : index
    %get3A_2522 = tpu.vector_load %arg17[%get3A_2520, %get3A_2521] {strides = array<i32>} : memref<8x128xf32, #tpu.memory_space<vmem>>, vector<16xf32>,
    %get3A_2523 = arith.constant 6 : i32
    %get3A_2524 = arith.index_cast %get3A_2523 : i32 to index
    %get3A_2525 = arith.constant 112 : index
    %get3A_2526 = tpu.vector_load %arg17[%get3A_2524, %get3A_2525] {strides = array<i32>} : memref<8x128xf32, #tpu.memory_space<vmem>>, vector<16xf32>,
    %add3A_2527 = arith.constant 1.000000e-07 : f32
    %add3A_2528 = vector.broadcast %add3A_2527 : f32 to vector<16xf32>
    %add3A_2529 = arith.addf %get3A_2526, %add3A_2528 : vector<16xf32>
    %div3A_2530 = arith.divf %get3A_2522, %add3A_2529 : vector<16xf32>
    %le3A_2531 = arith.constant 1.120000e+00 : f32
    %le3A_2532 = vector.broadcast %le3A_2531 : f32 to vector<16xf32>
    %le3A_2533 = arith.cmpf ole, %div3A_2530, %le3A_2532 : vector<16xf32>
    %jit3A_2534 = arith.constant 2.000000e+00 : f32
    %broadcast_in_dim3A_2535 = vector.broadcast %jit3A_2534 : f32 to vector<16xf32>
    %select_n3A_2536 = arith.select %le3A_2533, %div3A_2530, %broadcast_in_dim3A_2535 : vector<16xi1>, vector<16xf32>
    %ge3A_2537 = arith.constant 0.892857134 : f32
    %ge3A_2538 = vector.broadcast %ge3A_2537 : f32 to vector<16xf32>
    %ge3A_2539 = arith.cmpf oge, %select_n3A_2536, %ge3A_2538 : vector<16xf32>
    %jit3A_2540 = arith.constant 1.000000e+00 : f32
    %broadcast_in_dim3A_2541 = vector.broadcast %jit3A_2540 : f32 to vector<16xf32>
    %select_n3A_2542 = arith.select %ge3A_2539, %select_n3A_2536, %broadcast_in_dim3A_2541 : vector<16xi1>, vector<16xf32>
    %eq3A_2543 = arith.constant 1.000000e+00 : f32
    %eq3A_2544 = vector.broadcast %eq3A_2543 : f32 to vector<16xf32>
    %eq3A_2545 = arith.cmpf oeq, %select_n3A_2542, %eq3A_2544 : vector<16xf32>
    %jit3A_2546 = arith.constant 0.000000e+00 : f32
    %broadcast_in_dim3A_2547 = vector.broadcast %jit3A_2546 : f32 to vector<16xf32>
    %select_n3A_2548 = arith.select %eq3A_2545, %select_n3A_2542, %broadcast_in_dim3A_2547 : vector<16xi1>, vector<16xf32>
    %eq3A_2549 = arith.constant 2.000000e+00 : f32
    %eq3A_2550 = vector.broadcast %eq3A_2549 : f32 to vector<16xf32>
    %eq3A_2551 = arith.cmpf oeq, %select_n3A_2542, %eq3A_2550 : vector<16xf32>
    %jit3A_2552 = arith.constant 0.000000e+00 : f32
    %broadcast_in_dim3A_2553 = vector.broadcast %jit3A_2552 : f32 to vector<16xf32>
    %select_n3A_2554 = arith.select %eq3A_2551, %select_n3A_2542, %broadcast_in_dim3A_2553 : vector<16xi1>, vector<16xf32>
    %add3A_2555 = arith.addf %select_n3A_2548, %select_n3A_2554 : vector<16xf32>
    %get3A_2556 = arith.constant 368 : index
    %get3A_2557 = tpu.vector_load %arg14[%get3A_2556] {strides = array<i32>} : memref<512xf32, #tpu.memory_space<vmem>>, vector<16xf32>,
    %get3A_2558 = arith.constant 368 : index
    %get3A_2559 = tpu.vector_load %arg15[%get3A_2558] {strides = array<i32>} : memref<512xf32, #tpu.memory_space<vmem>>, vector<16xf32>,
    %ne3A_2560 = arith.cmpf one, %get3A_2559, %add3A_2555 : vector<16xf32>
    %jit3A_2561 = arith.constant 0.000000e+00 : f32
    %broadcast_in_dim3A_2562 = vector.broadcast %jit3A_2561 : f32 to vector<16xf32>
    %select_n3A_2563 = arith.select %ne3A_2560, %get3A_2557, %broadcast_in_dim3A_2562 : vector<16xi1>, vector<16xf32>
    %add3A_2564 = arith.addf %add3A_2517, %select_n3A_2563 : vector<16xf32>
    %add3A_2565 = arith.addf %add3A_2518, %get3A_2557 : vector<16xf32>
    %dma_wait3A_2566 = arith.constant 3 : i32
    %dma_wait3A_2567 = arith.constant 3 : i32
    %dma_wait3A_2568 = arith.constant 0 : i32
    %dma_wait3A_2569 = tpu.memref_slice %arg17[%dma_wait3A_2567, %dma_wait3A_2568] : memref<8x128xf32, #tpu.memory_space<vmem>> -> memref<1x128xf32, #tpu.memory_space<vmem>>
    %dma_wait3A_2570 = tpu.memref_squeeze %dma_wait3A_2569 : memref<1x128xf32, #tpu.memory_space<vmem>> -> memref<128xf32, #tpu.memory_space<vmem>>
    %dma_wait3A_2571 = arith.constant 0 : i32
    %dma_wait3A_2572 = tpu.memref_slice %arg16[%dma_wait3A_2566, %dma_wait3A_2571] : memref<8x128xi32, #tpu.memory_space<vmem>> -> memref<1x128xi32, #tpu.memory_space<vmem>>
    %dma_wait3A_2573 = tpu.memref_squeeze %dma_wait3A_2572 : memref<1x128xi32, #tpu.memory_space<vmem>> -> memref<128xi32, #tpu.memory_space<vmem>>
    %dma_wait3A_2574 = arith.constant 0 : i32
    %dma_wait3A_2575 = tpu.memref_slice %arg2[%dma_wait3A_2574] : memref<262144xf32, #tpu.memory_space<hbm>> -> memref<262144xf32, #tpu.memory_space<hbm>>
    tpu.wait_indirect_dma semaphore(%arg22 : memref<!tpu.dma_semaphore, #tpu.memory_space<semaphore_mem>>) src(%dma_wait3A_2575 : memref<262144xf32, #tpu.memory_space<hbm>>) dst(%dma_wait3A_2570 : memref<128xf32, #tpu.memory_space<vmem>>)
    %dma_wait3A_2576 = arith.constant 7 : i32
    %dma_wait3A_2577 = arith.constant 7 : i32
    %dma_wait3A_2578 = arith.constant 0 : i32
    %dma_wait3A_2579 = tpu.memref_slice %arg17[%dma_wait3A_2577, %dma_wait3A_2578] : memref<8x128xf32, #tpu.memory_space<vmem>> -> memref<1x128xf32, #tpu.memory_space<vmem>>
    %dma_wait3A_2580 = tpu.memref_squeeze %dma_wait3A_2579 : memref<1x128xf32, #tpu.memory_space<vmem>> -> memref<128xf32, #tpu.memory_space<vmem>>
    %dma_wait3A_2581 = arith.constant 0 : i32
    %dma_wait3A_2582 = tpu.memref_slice %arg16[%dma_wait3A_2576, %dma_wait3A_2581] : memref<8x128xi32, #tpu.memory_space<vmem>> -> memref<1x128xi32, #tpu.memory_space<vmem>>
    %dma_wait3A_2583 = tpu.memref_squeeze %dma_wait3A_2582 : memref<1x128xi32, #tpu.memory_space<vmem>> -> memref<128xi32, #tpu.memory_space<vmem>>
    %dma_wait3A_2584 = arith.constant 0 : i32
    %dma_wait3A_2585 = tpu.memref_slice %arg2[%dma_wait3A_2584] : memref<262144xf32, #tpu.memory_space<hbm>> -> memref<262144xf32, #tpu.memory_space<hbm>>
    tpu.wait_indirect_dma semaphore(%arg22 : memref<!tpu.dma_semaphore, #tpu.memory_space<semaphore_mem>>) src(%dma_wait3A_2585 : memref<262144xf32, #tpu.memory_space<hbm>>) dst(%dma_wait3A_2580 : memref<128xf32, #tpu.memory_space<vmem>>)
    %get3A_2586 = arith.constant 3 : i32
    %get3A_2587 = arith.index_cast %get3A_2586 : i32 to index
    %get3A_2588 = arith.constant 0 : index
    %get3A_2589 = tpu.vector_load %arg17[%get3A_2587, %get3A_2588] {strides = array<i32>} : memref<8x128xf32, #tpu.memory_space<vmem>>, vector<16xf32>,
    %get3A_2590 = arith.constant 7 : i32
    %get3A_2591 = arith.index_cast %get3A_2590 : i32 to index
    %get3A_2592 = arith.constant 0 : index
    %get3A_2593 = tpu.vector_load %arg17[%get3A_2591, %get3A_2592] {strides = array<i32>} : memref<8x128xf32, #tpu.memory_space<vmem>>, vector<16xf32>,
    %add3A_2594 = arith.constant 1.000000e-07 : f32
    %add3A_2595 = vector.broadcast %add3A_2594 : f32 to vector<16xf32>
    %add3A_2596 = arith.addf %get3A_2593, %add3A_2595 : vector<16xf32>
    %div3A_2597 = arith.divf %get3A_2589, %add3A_2596 : vector<16xf32>
    %le3A_2598 = arith.constant 1.120000e+00 : f32
    %le3A_2599 = vector.broadcast %le3A_2598 : f32 to vector<16xf32>
    %le3A_2600 = arith.cmpf ole, %div3A_2597, %le3A_2599 : vector<16xf32>
    %jit3A_2601 = arith.constant 2.000000e+00 : f32
    %broadcast_in_dim3A_2602 = vector.broadcast %jit3A_2601 : f32 to vector<16xf32>
    %select_n3A_2603 = arith.select %le3A_2600, %div3A_2597, %broadcast_in_dim3A_2602 : vector<16xi1>, vector<16xf32>
    %ge3A_2604 = arith.constant 0.892857134 : f32
    %ge3A_2605 = vector.broadcast %ge3A_2604 : f32 to vector<16xf32>
    %ge3A_2606 = arith.cmpf oge, %select_n3A_2603, %ge3A_2605 : vector<16xf32>
    %jit3A_2607 = arith.constant 1.000000e+00 : f32
    %broadcast_in_dim3A_2608 = vector.broadcast %jit3A_2607 : f32 to vector<16xf32>
    %select_n3A_2609 = arith.select %ge3A_2606, %select_n3A_2603, %broadcast_in_dim3A_2608 : vector<16xi1>, vector<16xf32>
    %eq3A_2610 = arith.constant 1.000000e+00 : f32
    %eq3A_2611 = vector.broadcast %eq3A_2610 : f32 to vector<16xf32>
    %eq3A_2612 = arith.cmpf oeq, %select_n3A_2609, %eq3A_2611 : vector<16xf32>
    %jit3A_2613 = arith.constant 0.000000e+00 : f32
    %broadcast_in_dim3A_2614 = vector.broadcast %jit3A_2613 : f32 to vector<16xf32>
    %select_n3A_2615 = arith.select %eq3A_2612, %select_n3A_2609, %broadcast_in_dim3A_2614 : vector<16xi1>, vector<16xf32>
    %eq3A_2616 = arith.constant 2.000000e+00 : f32
    %eq3A_2617 = vector.broadcast %eq3A_2616 : f32 to vector<16xf32>
    %eq3A_2618 = arith.cmpf oeq, %select_n3A_2609, %eq3A_2617 : vector<16xf32>
    %jit3A_2619 = arith.constant 0.000000e+00 : f32
    %broadcast_in_dim3A_2620 = vector.broadcast %jit3A_2619 : f32 to vector<16xf32>
    %select_n3A_2621 = arith.select %eq3A_2618, %select_n3A_2609, %broadcast_in_dim3A_2620 : vector<16xi1>, vector<16xf32>
    %add3A_2622 = arith.addf %select_n3A_2615, %select_n3A_2621 : vector<16xf32>
    %get3A_2623 = arith.constant 384 : index
    %get3A_2624 = tpu.vector_load %arg14[%get3A_2623] {strides = array<i32>} : memref<512xf32, #tpu.memory_space<vmem>>, vector<16xf32>,
    %get3A_2625 = arith.constant 384 : index
    %get3A_2626 = tpu.vector_load %arg15[%get3A_2625] {strides = array<i32>} : memref<512xf32, #tpu.memory_space<vmem>>, vector<16xf32>,
    %ne3A_2627 = arith.cmpf one, %get3A_2626, %add3A_2622 : vector<16xf32>
    %jit3A_2628 = arith.constant 0.000000e+00 : f32
    %broadcast_in_dim3A_2629 = vector.broadcast %jit3A_2628 : f32 to vector<16xf32>
    %select_n3A_2630 = arith.select %ne3A_2627, %get3A_2624, %broadcast_in_dim3A_2629 : vector<16xi1>, vector<16xf32>
    %add3A_2631 = arith.addf %add3A_2564, %select_n3A_2630 : vector<16xf32>
    %add3A_2632 = arith.addf %add3A_2565, %get3A_2624 : vector<16xf32>
    %get3A_2633 = arith.constant 3 : i32
    %get3A_2634 = arith.index_cast %get3A_2633 : i32 to index
    %get3A_2635 = arith.constant 16 : index
    %get3A_2636 = tpu.vector_load %arg17[%get3A_2634, %get3A_2635] {strides = array<i32>} : memref<8x128xf32, #tpu.memory_space<vmem>>, vector<16xf32>,
    %get3A_2637 = arith.constant 7 : i32
    %get3A_2638 = arith.index_cast %get3A_2637 : i32 to index
    %get3A_2639 = arith.constant 16 : index
    %get3A_2640 = tpu.vector_load %arg17[%get3A_2638, %get3A_2639] {strides = array<i32>} : memref<8x128xf32, #tpu.memory_space<vmem>>, vector<16xf32>,
    %add3A_2641 = arith.constant 1.000000e-07 : f32
    %add3A_2642 = vector.broadcast %add3A_2641 : f32 to vector<16xf32>
    %add3A_2643 = arith.addf %get3A_2640, %add3A_2642 : vector<16xf32>
    %div3A_2644 = arith.divf %get3A_2636, %add3A_2643 : vector<16xf32>
    %le3A_2645 = arith.constant 1.120000e+00 : f32
    %le3A_2646 = vector.broadcast %le3A_2645 : f32 to vector<16xf32>
    %le3A_2647 = arith.cmpf ole, %div3A_2644, %le3A_2646 : vector<16xf32>
    %jit3A_2648 = arith.constant 2.000000e+00 : f32
    %broadcast_in_dim3A_2649 = vector.broadcast %jit3A_2648 : f32 to vector<16xf32>
    %select_n3A_2650 = arith.select %le3A_2647, %div3A_2644, %broadcast_in_dim3A_2649 : vector<16xi1>, vector<16xf32>
    %ge3A_2651 = arith.constant 0.892857134 : f32
    %ge3A_2652 = vector.broadcast %ge3A_2651 : f32 to vector<16xf32>
    %ge3A_2653 = arith.cmpf oge, %select_n3A_2650, %ge3A_2652 : vector<16xf32>
    %jit3A_2654 = arith.constant 1.000000e+00 : f32
    %broadcast_in_dim3A_2655 = vector.broadcast %jit3A_2654 : f32 to vector<16xf32>
    %select_n3A_2656 = arith.select %ge3A_2653, %select_n3A_2650, %broadcast_in_dim3A_2655 : vector<16xi1>, vector<16xf32>
    %eq3A_2657 = arith.constant 1.000000e+00 : f32
    %eq3A_2658 = vector.broadcast %eq3A_2657 : f32 to vector<16xf32>
    %eq3A_2659 = arith.cmpf oeq, %select_n3A_2656, %eq3A_2658 : vector<16xf32>
    %jit3A_2660 = arith.constant 0.000000e+00 : f32
    %broadcast_in_dim3A_2661 = vector.broadcast %jit3A_2660 : f32 to vector<16xf32>
    %select_n3A_2662 = arith.select %eq3A_2659, %select_n3A_2656, %broadcast_in_dim3A_2661 : vector<16xi1>, vector<16xf32>
    %eq3A_2663 = arith.constant 2.000000e+00 : f32
    %eq3A_2664 = vector.broadcast %eq3A_2663 : f32 to vector<16xf32>
    %eq3A_2665 = arith.cmpf oeq, %select_n3A_2656, %eq3A_2664 : vector<16xf32>
    %jit3A_2666 = arith.constant 0.000000e+00 : f32
    %broadcast_in_dim3A_2667 = vector.broadcast %jit3A_2666 : f32 to vector<16xf32>
    %select_n3A_2668 = arith.select %eq3A_2665, %select_n3A_2656, %broadcast_in_dim3A_2667 : vector<16xi1>, vector<16xf32>
    %add3A_2669 = arith.addf %select_n3A_2662, %select_n3A_2668 : vector<16xf32>
    %get3A_2670 = arith.constant 400 : index
    %get3A_2671 = tpu.vector_load %arg14[%get3A_2670] {strides = array<i32>} : memref<512xf32, #tpu.memory_space<vmem>>, vector<16xf32>,
    %get3A_2672 = arith.constant 400 : index
    %get3A_2673 = tpu.vector_load %arg15[%get3A_2672] {strides = array<i32>} : memref<512xf32, #tpu.memory_space<vmem>>, vector<16xf32>,
    %ne3A_2674 = arith.cmpf one, %get3A_2673, %add3A_2669 : vector<16xf32>
    %jit3A_2675 = arith.constant 0.000000e+00 : f32
    %broadcast_in_dim3A_2676 = vector.broadcast %jit3A_2675 : f32 to vector<16xf32>
    %select_n3A_2677 = arith.select %ne3A_2674, %get3A_2671, %broadcast_in_dim3A_2676 : vector<16xi1>, vector<16xf32>
    %add3A_2678 = arith.addf %add3A_2631, %select_n3A_2677 : vector<16xf32>
    %add3A_2679 = arith.addf %add3A_2632, %get3A_2671 : vector<16xf32>
    %get3A_2680 = arith.constant 3 : i32
    %get3A_2681 = arith.index_cast %get3A_2680 : i32 to index
    %get3A_2682 = arith.constant 32 : index
    %get3A_2683 = tpu.vector_load %arg17[%get3A_2681, %get3A_2682] {strides = array<i32>} : memref<8x128xf32, #tpu.memory_space<vmem>>, vector<16xf32>,
    %get3A_2684 = arith.constant 7 : i32
    %get3A_2685 = arith.index_cast %get3A_2684 : i32 to index
    %get3A_2686 = arith.constant 32 : index
    %get3A_2687 = tpu.vector_load %arg17[%get3A_2685, %get3A_2686] {strides = array<i32>} : memref<8x128xf32, #tpu.memory_space<vmem>>, vector<16xf32>,
    %add3A_2688 = arith.constant 1.000000e-07 : f32
    %add3A_2689 = vector.broadcast %add3A_2688 : f32 to vector<16xf32>
    %add3A_2690 = arith.addf %get3A_2687, %add3A_2689 : vector<16xf32>
    %div3A_2691 = arith.divf %get3A_2683, %add3A_2690 : vector<16xf32>
    %le3A_2692 = arith.constant 1.120000e+00 : f32
    %le3A_2693 = vector.broadcast %le3A_2692 : f32 to vector<16xf32>
    %le3A_2694 = arith.cmpf ole, %div3A_2691, %le3A_2693 : vector<16xf32>
    %jit3A_2695 = arith.constant 2.000000e+00 : f32
    %broadcast_in_dim3A_2696 = vector.broadcast %jit3A_2695 : f32 to vector<16xf32>
    %select_n3A_2697 = arith.select %le3A_2694, %div3A_2691, %broadcast_in_dim3A_2696 : vector<16xi1>, vector<16xf32>
    %ge3A_2698 = arith.constant 0.892857134 : f32
    %ge3A_2699 = vector.broadcast %ge3A_2698 : f32 to vector<16xf32>
    %ge3A_2700 = arith.cmpf oge, %select_n3A_2697, %ge3A_2699 : vector<16xf32>
    %jit3A_2701 = arith.constant 1.000000e+00 : f32
    %broadcast_in_dim3A_2702 = vector.broadcast %jit3A_2701 : f32 to vector<16xf32>
    %select_n3A_2703 = arith.select %ge3A_2700, %select_n3A_2697, %broadcast_in_dim3A_2702 : vector<16xi1>, vector<16xf32>
    %eq3A_2704 = arith.constant 1.000000e+00 : f32
    %eq3A_2705 = vector.broadcast %eq3A_2704 : f32 to vector<16xf32>
    %eq3A_2706 = arith.cmpf oeq, %select_n3A_2703, %eq3A_2705 : vector<16xf32>
    %jit3A_2707 = arith.constant 0.000000e+00 : f32
    %broadcast_in_dim3A_2708 = vector.broadcast %jit3A_2707 : f32 to vector<16xf32>
    %select_n3A_2709 = arith.select %eq3A_2706, %select_n3A_2703, %broadcast_in_dim3A_2708 : vector<16xi1>, vector<16xf32>
    %eq3A_2710 = arith.constant 2.000000e+00 : f32
    %eq3A_2711 = vector.broadcast %eq3A_2710 : f32 to vector<16xf32>
    %eq3A_2712 = arith.cmpf oeq, %select_n3A_2703, %eq3A_2711 : vector<16xf32>
    %jit3A_2713 = arith.constant 0.000000e+00 : f32
    %broadcast_in_dim3A_2714 = vector.broadcast %jit3A_2713 : f32 to vector<16xf32>
    %select_n3A_2715 = arith.select %eq3A_2712, %select_n3A_2703, %broadcast_in_dim3A_2714 : vector<16xi1>, vector<16xf32>
    %add3A_2716 = arith.addf %select_n3A_2709, %select_n3A_2715 : vector<16xf32>
    %get3A_2717 = arith.constant 416 : index
    %get3A_2718 = tpu.vector_load %arg14[%get3A_2717] {strides = array<i32>} : memref<512xf32, #tpu.memory_space<vmem>>, vector<16xf32>,
    %get3A_2719 = arith.constant 416 : index
    %get3A_2720 = tpu.vector_load %arg15[%get3A_2719] {strides = array<i32>} : memref<512xf32, #tpu.memory_space<vmem>>, vector<16xf32>,
    %ne3A_2721 = arith.cmpf one, %get3A_2720, %add3A_2716 : vector<16xf32>
    %jit3A_2722 = arith.constant 0.000000e+00 : f32
    %broadcast_in_dim3A_2723 = vector.broadcast %jit3A_2722 : f32 to vector<16xf32>
    %select_n3A_2724 = arith.select %ne3A_2721, %get3A_2718, %broadcast_in_dim3A_2723 : vector<16xi1>, vector<16xf32>
    %add3A_2725 = arith.addf %add3A_2678, %select_n3A_2724 : vector<16xf32>
    %add3A_2726 = arith.addf %add3A_2679, %get3A_2718 : vector<16xf32>
    %get3A_2727 = arith.constant 3 : i32
    %get3A_2728 = arith.index_cast %get3A_2727 : i32 to index
    %get3A_2729 = arith.constant 48 : index
    %get3A_2730 = tpu.vector_load %arg17[%get3A_2728, %get3A_2729] {strides = array<i32>} : memref<8x128xf32, #tpu.memory_space<vmem>>, vector<16xf32>,
    %get3A_2731 = arith.constant 7 : i32
    %get3A_2732 = arith.index_cast %get3A_2731 : i32 to index
    %get3A_2733 = arith.constant 48 : index
    %get3A_2734 = tpu.vector_load %arg17[%get3A_2732, %get3A_2733] {strides = array<i32>} : memref<8x128xf32, #tpu.memory_space<vmem>>, vector<16xf32>,
    %add3A_2735 = arith.constant 1.000000e-07 : f32
    %add3A_2736 = vector.broadcast %add3A_2735 : f32 to vector<16xf32>
    %add3A_2737 = arith.addf %get3A_2734, %add3A_2736 : vector<16xf32>
    %div3A_2738 = arith.divf %get3A_2730, %add3A_2737 : vector<16xf32>
    %le3A_2739 = arith.constant 1.120000e+00 : f32
    %le3A_2740 = vector.broadcast %le3A_2739 : f32 to vector<16xf32>
    %le3A_2741 = arith.cmpf ole, %div3A_2738, %le3A_2740 : vector<16xf32>
    %jit3A_2742 = arith.constant 2.000000e+00 : f32
    %broadcast_in_dim3A_2743 = vector.broadcast %jit3A_2742 : f32 to vector<16xf32>
    %select_n3A_2744 = arith.select %le3A_2741, %div3A_2738, %broadcast_in_dim3A_2743 : vector<16xi1>, vector<16xf32>
    %ge3A_2745 = arith.constant 0.892857134 : f32
    %ge3A_2746 = vector.broadcast %ge3A_2745 : f32 to vector<16xf32>
    %ge3A_2747 = arith.cmpf oge, %select_n3A_2744, %ge3A_2746 : vector<16xf32>
    %jit3A_2748 = arith.constant 1.000000e+00 : f32
    %broadcast_in_dim3A_2749 = vector.broadcast %jit3A_2748 : f32 to vector<16xf32>
    %select_n3A_2750 = arith.select %ge3A_2747, %select_n3A_2744, %broadcast_in_dim3A_2749 : vector<16xi1>, vector<16xf32>
    %eq3A_2751 = arith.constant 1.000000e+00 : f32
    %eq3A_2752 = vector.broadcast %eq3A_2751 : f32 to vector<16xf32>
    %eq3A_2753 = arith.cmpf oeq, %select_n3A_2750, %eq3A_2752 : vector<16xf32>
    %jit3A_2754 = arith.constant 0.000000e+00 : f32
    %broadcast_in_dim3A_2755 = vector.broadcast %jit3A_2754 : f32 to vector<16xf32>
    %select_n3A_2756 = arith.select %eq3A_2753, %select_n3A_2750, %broadcast_in_dim3A_2755 : vector<16xi1>, vector<16xf32>
    %eq3A_2757 = arith.constant 2.000000e+00 : f32
    %eq3A_2758 = vector.broadcast %eq3A_2757 : f32 to vector<16xf32>
    %eq3A_2759 = arith.cmpf oeq, %select_n3A_2750, %eq3A_2758 : vector<16xf32>
    %jit3A_2760 = arith.constant 0.000000e+00 : f32
    %broadcast_in_dim3A_2761 = vector.broadcast %jit3A_2760 : f32 to vector<16xf32>
    %select_n3A_2762 = arith.select %eq3A_2759, %select_n3A_2750, %broadcast_in_dim3A_2761 : vector<16xi1>, vector<16xf32>
    %add3A_2763 = arith.addf %select_n3A_2756, %select_n3A_2762 : vector<16xf32>
    %get3A_2764 = arith.constant 432 : index
    %get3A_2765 = tpu.vector_load %arg14[%get3A_2764] {strides = array<i32>} : memref<512xf32, #tpu.memory_space<vmem>>, vector<16xf32>,
    %get3A_2766 = arith.constant 432 : index
    %get3A_2767 = tpu.vector_load %arg15[%get3A_2766] {strides = array<i32>} : memref<512xf32, #tpu.memory_space<vmem>>, vector<16xf32>,
    %ne3A_2768 = arith.cmpf one, %get3A_2767, %add3A_2763 : vector<16xf32>
    %jit3A_2769 = arith.constant 0.000000e+00 : f32
    %broadcast_in_dim3A_2770 = vector.broadcast %jit3A_2769 : f32 to vector<16xf32>
    %select_n3A_2771 = arith.select %ne3A_2768, %get3A_2765, %broadcast_in_dim3A_2770 : vector<16xi1>, vector<16xf32>
    %add3A_2772 = arith.addf %add3A_2725, %select_n3A_2771 : vector<16xf32>
    %add3A_2773 = arith.addf %add3A_2726, %get3A_2765 : vector<16xf32>
    %get3A_2774 = arith.constant 3 : i32
    %get3A_2775 = arith.index_cast %get3A_2774 : i32 to index
    %get3A_2776 = arith.constant 64 : index
    %get3A_2777 = tpu.vector_load %arg17[%get3A_2775, %get3A_2776] {strides = array<i32>} : memref<8x128xf32, #tpu.memory_space<vmem>>, vector<16xf32>,
    %get3A_2778 = arith.constant 7 : i32
    %get3A_2779 = arith.index_cast %get3A_2778 : i32 to index
    %get3A_2780 = arith.constant 64 : index
    %get3A_2781 = tpu.vector_load %arg17[%get3A_2779, %get3A_2780] {strides = array<i32>} : memref<8x128xf32, #tpu.memory_space<vmem>>, vector<16xf32>,
    %add3A_2782 = arith.constant 1.000000e-07 : f32
    %add3A_2783 = vector.broadcast %add3A_2782 : f32 to vector<16xf32>
    %add3A_2784 = arith.addf %get3A_2781, %add3A_2783 : vector<16xf32>
    %div3A_2785 = arith.divf %get3A_2777, %add3A_2784 : vector<16xf32>
    %le3A_2786 = arith.constant 1.120000e+00 : f32
    %le3A_2787 = vector.broadcast %le3A_2786 : f32 to vector<16xf32>
    %le3A_2788 = arith.cmpf ole, %div3A_2785, %le3A_2787 : vector<16xf32>
    %jit3A_2789 = arith.constant 2.000000e+00 : f32
    %broadcast_in_dim3A_2790 = vector.broadcast %jit3A_2789 : f32 to vector<16xf32>
    %select_n3A_2791 = arith.select %le3A_2788, %div3A_2785, %broadcast_in_dim3A_2790 : vector<16xi1>, vector<16xf32>
    %ge3A_2792 = arith.constant 0.892857134 : f32
    %ge3A_2793 = vector.broadcast %ge3A_2792 : f32 to vector<16xf32>
    %ge3A_2794 = arith.cmpf oge, %select_n3A_2791, %ge3A_2793 : vector<16xf32>
    %jit3A_2795 = arith.constant 1.000000e+00 : f32
    %broadcast_in_dim3A_2796 = vector.broadcast %jit3A_2795 : f32 to vector<16xf32>
    %select_n3A_2797 = arith.select %ge3A_2794, %select_n3A_2791, %broadcast_in_dim3A_2796 : vector<16xi1>, vector<16xf32>
    %eq3A_2798 = arith.constant 1.000000e+00 : f32
    %eq3A_2799 = vector.broadcast %eq3A_2798 : f32 to vector<16xf32>
    %eq3A_2800 = arith.cmpf oeq, %select_n3A_2797, %eq3A_2799 : vector<16xf32>
    %jit3A_2801 = arith.constant 0.000000e+00 : f32
    %broadcast_in_dim3A_2802 = vector.broadcast %jit3A_2801 : f32 to vector<16xf32>
    %select_n3A_2803 = arith.select %eq3A_2800, %select_n3A_2797, %broadcast_in_dim3A_2802 : vector<16xi1>, vector<16xf32>
    %eq3A_2804 = arith.constant 2.000000e+00 : f32
    %eq3A_2805 = vector.broadcast %eq3A_2804 : f32 to vector<16xf32>
    %eq3A_2806 = arith.cmpf oeq, %select_n3A_2797, %eq3A_2805 : vector<16xf32>
    %jit3A_2807 = arith.constant 0.000000e+00 : f32
    %broadcast_in_dim3A_2808 = vector.broadcast %jit3A_2807 : f32 to vector<16xf32>
    %select_n3A_2809 = arith.select %eq3A_2806, %select_n3A_2797, %broadcast_in_dim3A_2808 : vector<16xi1>, vector<16xf32>
    %add3A_2810 = arith.addf %select_n3A_2803, %select_n3A_2809 : vector<16xf32>
    %get3A_2811 = arith.constant 448 : index
    %get3A_2812 = tpu.vector_load %arg14[%get3A_2811] {strides = array<i32>} : memref<512xf32, #tpu.memory_space<vmem>>, vector<16xf32>,
    %get3A_2813 = arith.constant 448 : index
    %get3A_2814 = tpu.vector_load %arg15[%get3A_2813] {strides = array<i32>} : memref<512xf32, #tpu.memory_space<vmem>>, vector<16xf32>,
    %ne3A_2815 = arith.cmpf one, %get3A_2814, %add3A_2810 : vector<16xf32>
    %jit3A_2816 = arith.constant 0.000000e+00 : f32
    %broadcast_in_dim3A_2817 = vector.broadcast %jit3A_2816 : f32 to vector<16xf32>
    %select_n3A_2818 = arith.select %ne3A_2815, %get3A_2812, %broadcast_in_dim3A_2817 : vector<16xi1>, vector<16xf32>
    %add3A_2819 = arith.addf %add3A_2772, %select_n3A_2818 : vector<16xf32>
    %add3A_2820 = arith.addf %add3A_2773, %get3A_2812 : vector<16xf32>
    %get3A_2821 = arith.constant 3 : i32
    %get3A_2822 = arith.index_cast %get3A_2821 : i32 to index
    %get3A_2823 = arith.constant 80 : index
    %get3A_2824 = tpu.vector_load %arg17[%get3A_2822, %get3A_2823] {strides = array<i32>} : memref<8x128xf32, #tpu.memory_space<vmem>>, vector<16xf32>,
    %get3A_2825 = arith.constant 7 : i32
    %get3A_2826 = arith.index_cast %get3A_2825 : i32 to index
    %get3A_2827 = arith.constant 80 : index
    %get3A_2828 = tpu.vector_load %arg17[%get3A_2826, %get3A_2827] {strides = array<i32>} : memref<8x128xf32, #tpu.memory_space<vmem>>, vector<16xf32>,
    %add3A_2829 = arith.constant 1.000000e-07 : f32
    %add3A_2830 = vector.broadcast %add3A_2829 : f32 to vector<16xf32>
    %add3A_2831 = arith.addf %get3A_2828, %add3A_2830 : vector<16xf32>
    %div3A_2832 = arith.divf %get3A_2824, %add3A_2831 : vector<16xf32>
    %le3A_2833 = arith.constant 1.120000e+00 : f32
    %le3A_2834 = vector.broadcast %le3A_2833 : f32 to vector<16xf32>
    %le3A_2835 = arith.cmpf ole, %div3A_2832, %le3A_2834 : vector<16xf32>
    %jit3A_2836 = arith.constant 2.000000e+00 : f32
    %broadcast_in_dim3A_2837 = vector.broadcast %jit3A_2836 : f32 to vector<16xf32>
    %select_n3A_2838 = arith.select %le3A_2835, %div3A_2832, %broadcast_in_dim3A_2837 : vector<16xi1>, vector<16xf32>
    %ge3A_2839 = arith.constant 0.892857134 : f32
    %ge3A_2840 = vector.broadcast %ge3A_2839 : f32 to vector<16xf32>
    %ge3A_2841 = arith.cmpf oge, %select_n3A_2838, %ge3A_2840 : vector<16xf32>
    %jit3A_2842 = arith.constant 1.000000e+00 : f32
    %broadcast_in_dim3A_2843 = vector.broadcast %jit3A_2842 : f32 to vector<16xf32>
    %select_n3A_2844 = arith.select %ge3A_2841, %select_n3A_2838, %broadcast_in_dim3A_2843 : vector<16xi1>, vector<16xf32>
    %eq3A_2845 = arith.constant 1.000000e+00 : f32
    %eq3A_2846 = vector.broadcast %eq3A_2845 : f32 to vector<16xf32>
    %eq3A_2847 = arith.cmpf oeq, %select_n3A_2844, %eq3A_2846 : vector<16xf32>
    %jit3A_2848 = arith.constant 0.000000e+00 : f32
    %broadcast_in_dim3A_2849 = vector.broadcast %jit3A_2848 : f32 to vector<16xf32>
    %select_n3A_2850 = arith.select %eq3A_2847, %select_n3A_2844, %broadcast_in_dim3A_2849 : vector<16xi1>, vector<16xf32>
    %eq3A_2851 = arith.constant 2.000000e+00 : f32
    %eq3A_2852 = vector.broadcast %eq3A_2851 : f32 to vector<16xf32>
    %eq3A_2853 = arith.cmpf oeq, %select_n3A_2844, %eq3A_2852 : vector<16xf32>
    %jit3A_2854 = arith.constant 0.000000e+00 : f32
    %broadcast_in_dim3A_2855 = vector.broadcast %jit3A_2854 : f32 to vector<16xf32>
    %select_n3A_2856 = arith.select %eq3A_2853, %select_n3A_2844, %broadcast_in_dim3A_2855 : vector<16xi1>, vector<16xf32>
    %add3A_2857 = arith.addf %select_n3A_2850, %select_n3A_2856 : vector<16xf32>
    %get3A_2858 = arith.constant 464 : index
    %get3A_2859 = tpu.vector_load %arg14[%get3A_2858] {strides = array<i32>} : memref<512xf32, #tpu.memory_space<vmem>>, vector<16xf32>,
    %get3A_2860 = arith.constant 464 : index
    %get3A_2861 = tpu.vector_load %arg15[%get3A_2860] {strides = array<i32>} : memref<512xf32, #tpu.memory_space<vmem>>, vector<16xf32>,
    %ne3A_2862 = arith.cmpf one, %get3A_2861, %add3A_2857 : vector<16xf32>
    %jit3A_2863 = arith.constant 0.000000e+00 : f32
    %broadcast_in_dim3A_2864 = vector.broadcast %jit3A_2863 : f32 to vector<16xf32>
    %select_n3A_2865 = arith.select %ne3A_2862, %get3A_2859, %broadcast_in_dim3A_2864 : vector<16xi1>, vector<16xf32>
    %add3A_2866 = arith.addf %add3A_2819, %select_n3A_2865 : vector<16xf32>
    %add3A_2867 = arith.addf %add3A_2820, %get3A_2859 : vector<16xf32>
    %get3A_2868 = arith.constant 3 : i32
    %get3A_2869 = arith.index_cast %get3A_2868 : i32 to index
    %get3A_2870 = arith.constant 96 : index
    %get3A_2871 = tpu.vector_load %arg17[%get3A_2869, %get3A_2870] {strides = array<i32>} : memref<8x128xf32, #tpu.memory_space<vmem>>, vector<16xf32>,
    %get3A_2872 = arith.constant 7 : i32
    %get3A_2873 = arith.index_cast %get3A_2872 : i32 to index
    %get3A_2874 = arith.constant 96 : index
    %get3A_2875 = tpu.vector_load %arg17[%get3A_2873, %get3A_2874] {strides = array<i32>} : memref<8x128xf32, #tpu.memory_space<vmem>>, vector<16xf32>,
    %add3A_2876 = arith.constant 1.000000e-07 : f32
    %add3A_2877 = vector.broadcast %add3A_2876 : f32 to vector<16xf32>
    %add3A_2878 = arith.addf %get3A_2875, %add3A_2877 : vector<16xf32>
    %div3A_2879 = arith.divf %get3A_2871, %add3A_2878 : vector<16xf32>
    %le3A_2880 = arith.constant 1.120000e+00 : f32
    %le3A_2881 = vector.broadcast %le3A_2880 : f32 to vector<16xf32>
    %le3A_2882 = arith.cmpf ole, %div3A_2879, %le3A_2881 : vector<16xf32>
    %jit3A_2883 = arith.constant 2.000000e+00 : f32
    %broadcast_in_dim3A_2884 = vector.broadcast %jit3A_2883 : f32 to vector<16xf32>
    %select_n3A_2885 = arith.select %le3A_2882, %div3A_2879, %broadcast_in_dim3A_2884 : vector<16xi1>, vector<16xf32>
    %ge3A_2886 = arith.constant 0.892857134 : f32
    %ge3A_2887 = vector.broadcast %ge3A_2886 : f32 to vector<16xf32>
    %ge3A_2888 = arith.cmpf oge, %select_n3A_2885, %ge3A_2887 : vector<16xf32>
    %jit3A_2889 = arith.constant 1.000000e+00 : f32
    %broadcast_in_dim3A_2890 = vector.broadcast %jit3A_2889 : f32 to vector<16xf32>
    %select_n3A_2891 = arith.select %ge3A_2888, %select_n3A_2885, %broadcast_in_dim3A_2890 : vector<16xi1>, vector<16xf32>
    %eq3A_2892 = arith.constant 1.000000e+00 : f32
    %eq3A_2893 = vector.broadcast %eq3A_2892 : f32 to vector<16xf32>
    %eq3A_2894 = arith.cmpf oeq, %select_n3A_2891, %eq3A_2893 : vector<16xf32>
    %jit3A_2895 = arith.constant 0.000000e+00 : f32
    %broadcast_in_dim3A_2896 = vector.broadcast %jit3A_2895 : f32 to vector<16xf32>
    %select_n3A_2897 = arith.select %eq3A_2894, %select_n3A_2891, %broadcast_in_dim3A_2896 : vector<16xi1>, vector<16xf32>
    %eq3A_2898 = arith.constant 2.000000e+00 : f32
    %eq3A_2899 = vector.broadcast %eq3A_2898 : f32 to vector<16xf32>
    %eq3A_2900 = arith.cmpf oeq, %select_n3A_2891, %eq3A_2899 : vector<16xf32>
    %jit3A_2901 = arith.constant 0.000000e+00 : f32
    %broadcast_in_dim3A_2902 = vector.broadcast %jit3A_2901 : f32 to vector<16xf32>
    %select_n3A_2903 = arith.select %eq3A_2900, %select_n3A_2891, %broadcast_in_dim3A_2902 : vector<16xi1>, vector<16xf32>
    %add3A_2904 = arith.addf %select_n3A_2897, %select_n3A_2903 : vector<16xf32>
    %get3A_2905 = arith.constant 480 : index
    %get3A_2906 = tpu.vector_load %arg14[%get3A_2905] {strides = array<i32>} : memref<512xf32, #tpu.memory_space<vmem>>, vector<16xf32>,
    %get3A_2907 = arith.constant 480 : index
    %get3A_2908 = tpu.vector_load %arg15[%get3A_2907] {strides = array<i32>} : memref<512xf32, #tpu.memory_space<vmem>>, vector<16xf32>,
    %ne3A_2909 = arith.cmpf one, %get3A_2908, %add3A_2904 : vector<16xf32>
    %jit3A_2910 = arith.constant 0.000000e+00 : f32
    %broadcast_in_dim3A_2911 = vector.broadcast %jit3A_2910 : f32 to vector<16xf32>
    %select_n3A_2912 = arith.select %ne3A_2909, %get3A_2906, %broadcast_in_dim3A_2911 : vector<16xi1>, vector<16xf32>
    %add3A_2913 = arith.addf %add3A_2866, %select_n3A_2912 : vector<16xf32>
    %add3A_2914 = arith.addf %add3A_2867, %get3A_2906 : vector<16xf32>
    %get3A_2915 = arith.constant 3 : i32
    %get3A_2916 = arith.index_cast %get3A_2915 : i32 to index
    %get3A_2917 = arith.constant 112 : index
    %get3A_2918 = tpu.vector_load %arg17[%get3A_2916, %get3A_2917] {strides = array<i32>} : memref<8x128xf32, #tpu.memory_space<vmem>>, vector<16xf32>,
    %get3A_2919 = arith.constant 7 : i32
    %get3A_2920 = arith.index_cast %get3A_2919 : i32 to index
    %get3A_2921 = arith.constant 112 : index
    %get3A_2922 = tpu.vector_load %arg17[%get3A_2920, %get3A_2921] {strides = array<i32>} : memref<8x128xf32, #tpu.memory_space<vmem>>, vector<16xf32>,
    %add3A_2923 = arith.constant 1.000000e-07 : f32
    %add3A_2924 = vector.broadcast %add3A_2923 : f32 to vector<16xf32>
    %add3A_2925 = arith.addf %get3A_2922, %add3A_2924 : vector<16xf32>
    %div3A_2926 = arith.divf %get3A_2918, %add3A_2925 : vector<16xf32>
    %le3A_2927 = arith.constant 1.120000e+00 : f32
    %le3A_2928 = vector.broadcast %le3A_2927 : f32 to vector<16xf32>
    %le3A_2929 = arith.cmpf ole, %div3A_2926, %le3A_2928 : vector<16xf32>
    %jit3A_2930 = arith.constant 2.000000e+00 : f32
    %broadcast_in_dim3A_2931 = vector.broadcast %jit3A_2930 : f32 to vector<16xf32>
    %select_n3A_2932 = arith.select %le3A_2929, %div3A_2926, %broadcast_in_dim3A_2931 : vector<16xi1>, vector<16xf32>
    %ge3A_2933 = arith.constant 0.892857134 : f32
    %ge3A_2934 = vector.broadcast %ge3A_2933 : f32 to vector<16xf32>
    %ge3A_2935 = arith.cmpf oge, %select_n3A_2932, %ge3A_2934 : vector<16xf32>
    %jit3A_2936 = arith.constant 1.000000e+00 : f32
    %broadcast_in_dim3A_2937 = vector.broadcast %jit3A_2936 : f32 to vector<16xf32>
    %select_n3A_2938 = arith.select %ge3A_2935, %select_n3A_2932, %broadcast_in_dim3A_2937 : vector<16xi1>, vector<16xf32>
    %eq3A_2939 = arith.constant 1.000000e+00 : f32
    %eq3A_2940 = vector.broadcast %eq3A_2939 : f32 to vector<16xf32>
    %eq3A_2941 = arith.cmpf oeq, %select_n3A_2938, %eq3A_2940 : vector<16xf32>
    %jit3A_2942 = arith.constant 0.000000e+00 : f32
    %broadcast_in_dim3A_2943 = vector.broadcast %jit3A_2942 : f32 to vector<16xf32>
    %select_n3A_2944 = arith.select %eq3A_2941, %select_n3A_2938, %broadcast_in_dim3A_2943 : vector<16xi1>, vector<16xf32>
    %eq3A_2945 = arith.constant 2.000000e+00 : f32
    %eq3A_2946 = vector.broadcast %eq3A_2945 : f32 to vector<16xf32>
    %eq3A_2947 = arith.cmpf oeq, %select_n3A_2938, %eq3A_2946 : vector<16xf32>
    %jit3A_2948 = arith.constant 0.000000e+00 : f32
    %broadcast_in_dim3A_2949 = vector.broadcast %jit3A_2948 : f32 to vector<16xf32>
    %select_n3A_2950 = arith.select %eq3A_2947, %select_n3A_2938, %broadcast_in_dim3A_2949 : vector<16xi1>, vector<16xf32>
    %add3A_2951 = arith.addf %select_n3A_2944, %select_n3A_2950 : vector<16xf32>
    %get3A_2952 = arith.constant 496 : index
    %get3A_2953 = tpu.vector_load %arg14[%get3A_2952] {strides = array<i32>} : memref<512xf32, #tpu.memory_space<vmem>>, vector<16xf32>,
    %get3A_2954 = arith.constant 496 : index
    %get3A_2955 = tpu.vector_load %arg15[%get3A_2954] {strides = array<i32>} : memref<512xf32, #tpu.memory_space<vmem>>, vector<16xf32>,
    %ne3A_2956 = arith.cmpf one, %get3A_2955, %add3A_2951 : vector<16xf32>
    %jit3A_2957 = arith.constant 0.000000e+00 : f32
    %broadcast_in_dim3A_2958 = vector.broadcast %jit3A_2957 : f32 to vector<16xf32>
    %select_n3A_2959 = arith.select %ne3A_2956, %get3A_2953, %broadcast_in_dim3A_2958 : vector<16xi1>, vector<16xf32>
    %add3A_2960 = arith.addf %add3A_2913, %select_n3A_2959 : vector<16xf32>
    %add3A_2961 = arith.addf %add3A_2914, %get3A_2953 : vector<16xf32>
    %iota3A_2962 = tpu.iota {dimensions = array<i32: 0>} : vector<16xi32>
    %xor3A = arith.constant 8 : i32
    %xor3A_2963 = vector.broadcast %xor3A : i32 to vector<16xi32>
    %xor3A_2964 = arith.xori %iota3A_2962, %xor3A_2963 : vector<16xi32>
    %reshape3A = vector.shape_cast %xor3A_2964 : vector<16xi32> to vector<16x1xi32>
    %gather3A = vector.shape_cast %reshape3A : vector<16x1xi32> to vector<16xi32>
    %gather3A_2965 = tpu.dynamic_gather %add3A_2960[%gather3A] in [0] : vector<16xf32>, vector<16xi32> -> vector<16xf32>
    %add3A_2966 = arith.addf %add3A_2960, %gather3A_2965 : vector<16xf32>
    %xor3A_2967 = arith.constant 4 : i32
    %xor3A_2968 = vector.broadcast %xor3A_2967 : i32 to vector<16xi32>
    %xor3A_2969 = arith.xori %iota3A_2962, %xor3A_2968 : vector<16xi32>
    %reshape3A_2970 = vector.shape_cast %xor3A_2969 : vector<16xi32> to vector<16x1xi32>
    %gather3A_2971 = vector.shape_cast %reshape3A_2970 : vector<16x1xi32> to vector<16xi32>
    %gather3A_2972 = tpu.dynamic_gather %add3A_2966[%gather3A_2971] in [0] : vector<16xf32>, vector<16xi32> -> vector<16xf32>
    %add3A_2973 = arith.addf %add3A_2966, %gather3A_2972 : vector<16xf32>
    %xor3A_2974 = arith.constant 2 : i32
    %xor3A_2975 = vector.broadcast %xor3A_2974 : i32 to vector<16xi32>
    %xor3A_2976 = arith.xori %iota3A_2962, %xor3A_2975 : vector<16xi32>
    %reshape3A_2977 = vector.shape_cast %xor3A_2976 : vector<16xi32> to vector<16x1xi32>
    %gather3A_2978 = vector.shape_cast %reshape3A_2977 : vector<16x1xi32> to vector<16xi32>
    %gather3A_2979 = tpu.dynamic_gather %add3A_2973[%gather3A_2978] in [0] : vector<16xf32>, vector<16xi32> -> vector<16xf32>
    %add3A_2980 = arith.addf %add3A_2973, %gather3A_2979 : vector<16xf32>
    %xor3A_2981 = arith.constant 1 : i32
    %xor3A_2982 = vector.broadcast %xor3A_2981 : i32 to vector<16xi32>
    %xor3A_2983 = arith.xori %iota3A_2962, %xor3A_2982 : vector<16xi32>
    %reshape3A_2984 = vector.shape_cast %xor3A_2983 : vector<16xi32> to vector<16x1xi32>
    %gather3A_2985 = vector.shape_cast %reshape3A_2984 : vector<16x1xi32> to vector<16xi32>
    %gather3A_2986 = tpu.dynamic_gather %add3A_2980[%gather3A_2985] in [0] : vector<16xf32>, vector<16xi32> -> vector<16xf32>
    %add3A_2987 = arith.addf %add3A_2980, %gather3A_2986 : vector<16xf32>
    %iota3A_2988 = tpu.iota {dimensions = array<i32: 0>} : vector<16xi32>
    %xor3A_2989 = arith.constant 8 : i32
    %xor3A_2990 = vector.broadcast %xor3A_2989 : i32 to vector<16xi32>
    %xor3A_2991 = arith.xori %iota3A_2988, %xor3A_2990 : vector<16xi32>
    %reshape3A_2992 = vector.shape_cast %xor3A_2991 : vector<16xi32> to vector<16x1xi32>
    %gather3A_2993 = vector.shape_cast %reshape3A_2992 : vector<16x1xi32> to vector<16xi32>
    %gather3A_2994 = tpu.dynamic_gather %add3A_2961[%gather3A_2993] in [0] : vector<16xf32>, vector<16xi32> -> vector<16xf32>
    %add3A_2995 = arith.addf %add3A_2961, %gather3A_2994 : vector<16xf32>
    %xor3A_2996 = arith.constant 4 : i32
    %xor3A_2997 = vector.broadcast %xor3A_2996 : i32 to vector<16xi32>
    %xor3A_2998 = arith.xori %iota3A_2988, %xor3A_2997 : vector<16xi32>
    %reshape3A_2999 = vector.shape_cast %xor3A_2998 : vector<16xi32> to vector<16x1xi32>
    %gather3A_3000 = vector.shape_cast %reshape3A_2999 : vector<16x1xi32> to vector<16xi32>
    %gather3A_3001 = tpu.dynamic_gather %add3A_2995[%gather3A_3000] in [0] : vector<16xf32>, vector<16xi32> -> vector<16xf32>
    %add3A_3002 = arith.addf %add3A_2995, %gather3A_3001 : vector<16xf32>
    %xor3A_3003 = arith.constant 2 : i32
    %xor3A_3004 = vector.broadcast %xor3A_3003 : i32 to vector<16xi32>
    %xor3A_3005 = arith.xori %iota3A_2988, %xor3A_3004 : vector<16xi32>
    %reshape3A_3006 = vector.shape_cast %xor3A_3005 : vector<16xi32> to vector<16x1xi32>
    %gather3A_3007 = vector.shape_cast %reshape3A_3006 : vector<16x1xi32> to vector<16xi32>
    %gather3A_3008 = tpu.dynamic_gather %add3A_3002[%gather3A_3007] in [0] : vector<16xf32>, vector<16xi32> -> vector<16xf32>
    %add3A_3009 = arith.addf %add3A_3002, %gather3A_3008 : vector<16xf32>
    %xor3A_3010 = arith.constant 1 : i32
    %xor3A_3011 = vector.broadcast %xor3A_3010 : i32 to vector<16xi32>
    %xor3A_3012 = arith.xori %iota3A_2988, %xor3A_3011 : vector<16xi32>
    %reshape3A_3013 = vector.shape_cast %xor3A_3012 : vector<16xi32> to vector<16x1xi32>
    %gather3A_3014 = vector.shape_cast %reshape3A_3013 : vector<16x1xi32> to vector<16xi32>
    %gather3A_3015 = tpu.dynamic_gather %add3A_3009[%gather3A_3014] in [0] : vector<16xf32>, vector<16xi32> -> vector<16xf32>
    %add3A_3016 = arith.addf %add3A_3009, %gather3A_3015 : vector<16xf32>
    %eq3A_3017 = arith.constant 0 : i32
    %eq3A_3018 = vector.broadcast %eq3A_3017 : i32 to vector<16xi32>
    %eq3A_3019 = arith.cmpi eq, %iota3A, %eq3A_3018 : vector<16xi32>
    %jit3A_3020 = arith.constant 0.000000e+00 : f32
    %broadcast_in_dim3A_3021 = vector.broadcast %jit3A_3020 : f32 to vector<16xf32>
    %select_n3A_3022 = arith.select %eq3A_3019, %add3A_2987, %broadcast_in_dim3A_3021 : vector<16xi1>, vector<16xf32>
    %eq3A_3023 = arith.constant 1 : i32
    %eq3A_3024 = vector.broadcast %eq3A_3023 : i32 to vector<16xi32>
    %eq3A_3025 = arith.cmpi eq, %iota3A, %eq3A_3024 : vector<16xi32>
    %jit3A_3026 = arith.constant 0.000000e+00 : f32
    %broadcast_in_dim3A_3027 = vector.broadcast %jit3A_3026 : f32 to vector<16xf32>
    %select_n3A_3028 = arith.select %eq3A_3025, %add3A_3016, %broadcast_in_dim3A_3027 : vector<16xi1>, vector<16xf32>
    %add3A_3029 = arith.addf %select_n3A_3022, %select_n3A_3028 : vector<16xf32>
    %swap3A_3030 = arith.constant 0 : index
    %swap3A_3031 = tpu.vector_load %arg18[%swap3A_3030] {strides = array<i32>} : memref<16xf32, #tpu.memory_space<vmem>>, vector<16xf32>,
    tpu.vector_store %arg18[%swap3A_3030], %add3A_3029 {strides = array<i32>} : memref<16xf32, #tpu.memory_space<vmem>>, vector<16xf32>,
    "tpu.region"() ({
      %run_scoped3A = tpu.sem_alloc : memref<!tpu.dma_semaphore, #tpu.memory_space<semaphore_mem>>
      %dma_start3A_3032 = arith.constant 0 : i32
      %dma_start3A_3033 = tpu.memref_slice %arg9[%add3A, %dma_start3A_3032] : memref<32x16xf32, #tpu.memory_space<hbm>> -> memref<1x16xf32, #tpu.memory_space<hbm>>
      %dma_start3A_3034 = tpu.memref_squeeze %dma_start3A_3033 : memref<1x16xf32, #tpu.memory_space<hbm>> -> memref<16xf32, #tpu.memory_space<hbm>>
      %dma_start3A_3035 = arith.constant 0 : i32
      %dma_start3A_3036 = tpu.memref_slice %arg9[%add3A, %dma_start3A_3035] : memref<32x16xf32, #tpu.memory_space<hbm>> -> memref<1x16xf32, #tpu.memory_space<hbm>>
      %dma_start3A_3037 = tpu.memref_squeeze %dma_start3A_3036 : memref<1x16xf32, #tpu.memory_space<hbm>> -> memref<16xf32, #tpu.memory_space<hbm>>
      tpu.enqueue_dma source(%arg18 : memref<16xf32, #tpu.memory_space<vmem>>) target(%dma_start3A_3037 : memref<16xf32, #tpu.memory_space<hbm>>) target_semaphore(%run_scoped3A : memref<!tpu.dma_semaphore, #tpu.memory_space<semaphore_mem>>)
      %dma_wait3A_3038 = arith.constant 0 : i32
      %dma_wait3A_3039 = tpu.memref_slice %arg9[%add3A, %dma_wait3A_3038] : memref<32x16xf32, #tpu.memory_space<hbm>> -> memref<1x16xf32, #tpu.memory_space<hbm>>
      %dma_wait3A_3040 = tpu.memref_squeeze %dma_wait3A_3039 : memref<1x16xf32, #tpu.memory_space<hbm>> -> memref<16xf32, #tpu.memory_space<hbm>>
      %dma_wait3A_3041 = arith.constant 0 : i32
      %dma_wait3A_3042 = tpu.memref_slice %arg9[%add3A, %dma_wait3A_3041] : memref<32x16xf32, #tpu.memory_space<hbm>> -> memref<1x16xf32, #tpu.memory_space<hbm>>
      %dma_wait3A_3043 = tpu.memref_squeeze %dma_wait3A_3042 : memref<1x16xf32, #tpu.memory_space<hbm>> -> memref<16xf32, #tpu.memory_space<hbm>>
      tpu.wait_dma2 semaphore(%run_scoped3A : memref<!tpu.dma_semaphore, #tpu.memory_space<semaphore_mem>>) src(%arg18 : memref<16xf32, #tpu.memory_space<vmem>>) dst(%dma_wait3A_3043 : memref<16xf32, #tpu.memory_space<hbm>>)
      tpu.yield
    }) : () -> ()
    return
  }
}

</mosaic_0001>

<sc_bundles>
// kernel: kernel.3.cloned.1.call-start
scs
__scs_entry_jumppad:
0x0: {  	(pc) =	sbr.rel $0x88, $3  }
0x1: {  	(tag) =	ssettag $0x0;
	lr =	simm.s32 $0x1  }
0x2: {  	[smem:$0x3F9F] =	sst lr;
	_ =	strace $0xD0000000  }
0x3: {  	_ = 	snop  }
0x4: {  	_ = 	snop  }
0x5: {  	_ = 	snop  }
0x6: {  	_ = 	snop  }
0x7: {  	_ = 	snop  }
__scs_overlays_trampoline_lowered:
0x8: {  	[smem:$0x3FAE] =	sst s0  }
0x9: {  	[smem:$0x3FAF] =	sst s1  }
0xa: {  	[smem:$0x3FB0] =	sst s2  }
0xb: {  	[smem:$0x3FB1] =	sst s3  }
0xc: {  	[smem:$0x3FB2] =	sst s4  }
0xd: {  	[smem:$0x3FB3] =	sst s5  }
0xe: {  	[smem:$0x3FB4] =	sst s6  }
0xf: {  	[smem:$0x3FB5] =	sst s7  }
0x10: {  	[smem:$0x3FB6] =	sst s8  }
0x11: {  	[smem:$0x3FB7] =	sst s9;
	s0 =	simm.s32 @!p0 $0x0  }
0x12: {  	s1 =	sld [smem:$0x3F9D];
	s0 =	simm.s32 @p0 $0x1  }
0x13: {  	[smem:$0x3FB8] =	sst s0;
	s0 =	simm.s32 @!p1 $0x0  }
0x14: {  	s2 =	sld [smem:$0x3F9C];
	s0 =	simm.s32 @p1 $0x1  }
0x15: {  	[smem:$0x3FB9] =	sst s0;
	s0 =	simm.s32 @!p2 $0x0  }
0x16: {  	s3 =	sld [smem:$0x3FDB];
	s0 =	simm.s32 @p2 $0x1  }
0x17: {  	s4 =	simm.s32 $0x1BF5;
	[smem:$0x3FBB] =	sst s0  }
0x18: {  	s0 =	sld [smem:$0x3F9E];
	_ =	swait.ge [sflag:s4], $0x0  }
0x19: {  	s7 =	sld [smem:$0x3F9F]  }
0x1a: {  	s8 =	sadd.s32 $0xFFFFE003, lr  }
0x1b: {  	s9 =	sadd.s32 $0xFFFFFEF7, lr;
	s5 =	simm.s32 $0xFFFFFFFF;
	p2 =	slt.u32 s8, $0xFFFFF086  }
0x1c: {  	p1 =	slt.u32 s9, $0xF7A;
	s5 =	simm.s32 @!p2 $0x0  }
0x1d: {  	s5 =	simm.s32 @p1 $0x1;
	p0 =	seq.s32 s7, s2  }
0x1e: {  	s7 =	smul.u32 @!p0 $0xF7A, s2;
	p2 =	seq.s32 @!p0 s5, $0x0  }
0x1f: {  	s9 =	smul.u32 $0xF7A, s1;
	s8 =	simm.s32 @!p0 $0x1BF5;
	p2 =	por !p2, p0  }
0x20: {  	[sflag:s8] =	ssyncset.s32 @!p0 $0xFFFFF086;
	s6 =	sadd.s32 @!p0 s3, s7;
	s7 =	simm.s32 @!p0 $0x108  }
0x21: {  	s3 =	sadd.s32 s3, s9;
	s6 =	sadd.s32 @!p0 $0x88, s6;
	s7 =	simm.s32 @p2 $0x1082  }
0x22: {  	[simem:s7], [sflag:s8] =	dma.local @!p0 [hbm:s6], $0xF7A  }
0x23: {  	s9 =	sor.u32 $0xD0000000, s2;
	s6 =	simm.s32 $0x108;
	_ =	swait.ge @!p0 [sflag:s8], $0x0  }
0x24: {  	s3 =	sadd.s32 $0x88, s3;
	s6 =	simm.s32 @!p1 $0x1082;
	[sflag:s4] =	ssyncset.s32 $0xFFFFF086  }
0x25: {  	[simem:s6], [sflag:s4] =	dma.local [hbm:s3], $0xF7A  }
0x26: {  	[smem:$0x3F9F] =	sst s1;
	(tag) =	ssettag s2;
	_ =	strace s9  }
0x27: {  	s1 =	sld [smem:$0x3FAF]  }
0x28: {  	s2 =	sld [smem:$0x3FB0]  }
0x29: {  	s4 =	sld [smem:$0x3FB2]  }
0x2a: {  	p0 =	seq.s32 s5, $0x0;
	s5 =	sld [smem:$0x3FB3]  }
0x2b: {  	s6 =	sld [smem:$0x3FB4]  }
0x2c: {  	s7 =	sld [smem:$0x3FB5]  }
0x2d: {  	s3 =	simm.s32 $0x108;
	s8 =	sld [smem:$0x3FB6]  }
0x2e: {  	s3 =	simm.s32 @!p0 $0x1082;
	s9 =	sld [smem:$0x3FB7]  }
0x2f: {  	lr =	sadd.s32 s0, s3;
	s0 =	sld [smem:$0x3FAE]  }
0x30: {  	s3 =	sld [smem:$0x3FB1]  }
0x31: {  	[smem:$0x3FBA] =	sst s10  }
0x32: {  	s10 =	sld [smem:$0x3FB8];
	_ =	sdelay $0x3  }
0x33: {  	p0 =	seq.s32 s10, $0x1;
	s10 =	sld [smem:$0x3FBA];
	_ =	sdelay $0x3  }
0x34: {  	[smem:$0x3FBA] =	sst s10  }
0x35: {  	s10 =	sld [smem:$0x3FB9];
	_ =	sdelay $0x3  }
0x36: {  	p1 =	seq.s32 s10, $0x1;
	s10 =	sld [smem:$0x3FBA];
	_ =	sdelay $0x3  }
0x37: {  	[smem:$0x3FBA] =	sst s10  }
0x38: {  	s10 =	sld [smem:$0x3FBB]  }
0x39: {  	_ = 	snop;
	(pc) =	sbr.ind lr, $3  }
0x3a: {  	_ = 	snop  }
0x3b: {  	_ = 	snop  }
0x3c: {  	p2 =	seq.s32 s10, $0x1;
	s10 =	sld [smem:$0x3FBA]  }
0x3d: {  	_ =	shalt  }
0x3e: {  	_ =	shalt  }
0x3f: {  	_ =	shalt  }
0x40: {  	_ =	shalt  }
0x41: {  	_ =	shalt  }
0x42: {  	_ =	shalt  }
0x43: {  	_ =	shalt  }
0x44: {  	_ =	shalt  }
0x45: {  	_ =	shalt  }
0x46: {  	_ =	shalt  }
0x47: {  	_ =	shalt  }
0x48: {  	_ =	shalt  }
0x49: {  	_ =	shalt  }
0x4a: {  	_ =	shalt  }
0x4b: {  	_ =	shalt  }
0x4c: {  	_ =	shalt  }
0x4d: {  	_ =	shalt  }
0x4e: {  	_ =	shalt  }
0x4f: {  	_ =	shalt  }
0x50: {  	_ =	shalt  }
0x51: {  	_ =	shalt  }
0x52: {  	_ =	shalt  }
0x53: {  	_ =	shalt  }
0x54: {  	_ =	shalt  }
0x55: {  	_ =	shalt  }
0x56: {  	_ =	shalt  }
0x57: {  	_ =	shalt  }
0x58: {  	_ =	shalt  }
0x59: {  	_ =	shalt  }
0x5a: {  	_ =	shalt  }
0x5b: {  	_ =	shalt  }
0x5c: {  	_ =	shalt  }
0x5d: {  	_ =	shalt  }
0x5e: {  	_ =	shalt  }
0x5f: {  	_ =	shalt  }
0x60: {  	_ =	shalt  }
0x61: {  	_ =	shalt  }
0x62: {  	_ =	shalt  }
0x63: {  	_ =	shalt  }
0x64: {  	_ =	shalt  }
0x65: {  	_ =	shalt  }
0x66: {  	_ =	shalt  }
0x67: {  	_ =	shalt  }
0x68: {  	_ =	shalt  }
0x69: {  	_ =	shalt  }
0x6a: {  	_ =	shalt  }
0x6b: {  	_ =	shalt  }
0x6c: {  	_ =	shalt  }
0x6d: {  	_ =	shalt  }
0x6e: {  	_ =	shalt  }
0x6f: {  	_ =	shalt  }
0x70: {  	_ =	shalt  }
0x71: {  	_ =	shalt  }
0x72: {  	_ =	shalt  }
0x73: {  	_ =	shalt  }
0x74: {  	_ =	shalt  }
0x75: {  	_ =	shalt  }
0x76: {  	_ =	shalt  }
0x77: {  	_ =	shalt  }
0x78: {  	_ =	shalt  }
0x79: {  	_ =	shalt  }
0x7a: {  	_ =	shalt  }
0x7b: {  	_ =	shalt  }
0x7c: {  	_ =	shalt  }
0x7d: {  	_ =	shalt  }
0x7e: {  	_ =	shalt  }
0x7f: {  	_ =	shalt  }
0x80: {  	_ =	shalt  }
0x81: {  	_ =	shalt  }
0x82: {  	_ =	shalt  }
0x83: {  	_ =	shalt  }
0x84: {  	_ =	shalt  }
0x85: {  	_ =	shalt  }
0x86: {  	_ =	shalt  }
0x87: {  	_ =	shalt  }
.Lfunc_end0:
.L_simem_size_0:
called_computation_lowered:
.L_overlay_start_0:
0x88: {  	s2 =	sld [smem:$0x3FD9]  }
0x89: {  	s3 =	sld [smem:$0x3FFE];
	_ =	sdelay $0x1  }
0x8a: {  	s1 =	srdreg.scid  }
0x8b: {  	s0 =	sand.u32 $0x1, s1  }
0x8c: {  	s16 =	sshll.u32 s0, $0xA;
	s2 =	sadd.s32 s3, s2  }
0x8d: {  	s2 =	sadd.s32 s2, s16  }
0x8e: {  	[smem:$0x3FC6] =	sst s2  }
0x8f: {  	_ = 	snop  }
0x90: {  	(tm) =	ssettm $0x1  }
0x91: {  	s17 =	sld [smem:$0x3FFB];
	_ =	sdelay $0x3  }
0x92: {  	_ =	strace s17  }
0x93: {  	s2 =	sld [smem:$0x3FFC];
	_ =	sdelay $0x3  }
0x94: {  	_ =	strace s2  }
0x95: {  	s2 =	sld [smem:$0x3FFD];
	_ =	sdelay $0x3  }
0x96: {  	_ =	strace s2  }
0x97: {  	_ =	strace $0x8FFFFFFF  }
0x98: {  	s18 =	sld [smem:$0x3FDB];
	_ =	sdelay $0x1  }
0x99: {  	s19 =	simm.s32 $_scs_section_size  }
0x9a: {  	s4 =	simm.s32 $_size__tile_overlayer_lowered;
	s5 =	simm.s32 $_tile_overlayer_lowered  }
0x9b: {  	s22 =	simm.s32 $0x1BFF;
	s21 =	sshll.u32 s5, $0x1;
	s2 =	sadd.s32 s19, s18  }
0x9c: {  	s6 =	simm.s32 $0x0;
	s20 =	sshll.u32 s4, $0x1;
	s4 =	sadd.s32 s21, s2  }
0x9d: {  	[timem:s6], [sflag:s22] =	dma.local [hbm:s4], s20  }
0x9e: {  	_ =	swait.ge [sflag:s22], s20  }
0x9f: {  	s3 =	ssub.s32 $0x0, s20;
	[sflag:s22] =	ssyncset.done $0x0  }
0xa0: {  	[sflag:s22] =	ssyncadd.s32 s3;
	_ =	sdelay $0x1  }
0xa1: {  	s23 =	simm.s32 $0x1B8B  }
0xa2: {  	_ =	swait.ge [sflag:s23], $0x1  }
0xa3: {  	[sflag:s23] =	ssyncset.done $0x0  }
0xa4: {  	s25 =	simm.s32 $0x1B8E;
	s24 =	sld [smem:$0x3FFE];
	[sflag:s23] =	ssyncadd.s32 $0xFFFFFFFF  }
0xa5: {  	s26 =	simm.s32 $execute0_lowered;
	[smem:$0x3FD2] =	sst s25  }
0xa6: {  	s4 =	sshll.u32 s26, $0x1;
	_ =	strace $0x80000046;
	[dreg:$0x1] =	wrdreg $0xFFFFFFFF  }
0xa7: {  	s28 =	simm.s32 $_size_execute0_lowered;
	s2 =	sadd.s32 s2, s4;
	[dreg:$0x0] =	wrdreg $0x0  }
0xa8: {  	s4 =	sshll.u32 s28, $0x1;
	[dreg:$0x2] =	wrdreg s2  }
0xa9: {  	[dreg:$0x3] =	wrdreg s4  }
0xaa: {  	[dreg:$0x4] =	wrdreg $0xC0  }
0xab: {  	_ =	task [dreg:s6], $0x5FFFF  }
0xac: {  	[dreg:$0x1] =	wrdreg $0xFFFFFFFF  }
0xad: {  	[dreg:$0x0] =	wrdreg $0x60  }
0xae: {  	[dreg:$0x2] =	wrdreg s24  }
0xaf: {  	[dreg:$0x3] =	wrdreg $0x9  }
0xb0: {  	_ =	task.clear_ibuf [dreg:s6], $0x4FFFF;
	_ =	strace $0x90000046  }
0xb1: {  	s29 =	simm.s32 $0x9;
	_ =	strace $0x80000048  }
0xb2: {  	_ =	swait.ge [sflag:s29], $0x1  }
0xb3: {  	[sflag:s29] =	ssyncadd.s32 $0xFFFFFFFF  }
0xb4: {  	_ =	strace $0x90000048  }
0xb5: {  	_ =	sfence  }
0xb6: {  	s30 =	sld [smem:$0x0];
	_ =	sdelay $0x2  }
0xb7: {  	s31 =	sshll.u32 s1, $0xD;
	s1 =	sshrl.u32 s1, $0x2  }
0xb8: {  	s3 =	sand.u32 $0x4000, s31;
	s1 =	sadd.s32 s1, s30  }
0xb9: {  	s0 =	sor.u32 s3, s0;
	s1 =	sshll.u32 s1, $0x11  }
0xba: {  	s0 =	sor.u32 s1, s0  }
0xbb: {  	s0 =	sadd.s32 $0x8F2B, s0  }
0xbc: {  	[sflag:s0] =	ssyncadd.remote.s32 $0x1  }
0xbd: {  	_ =	sfence.sel $0xFFFF  }
0xbe: {  	[dreg:$0x0] =	wrdreg $0xFFFFFFFF;
	(pc) =	sbr.abs _section_cstart, $3  }
0xbf: {  	[dreg:$0x1] =	wrdreg $0xFFFFFFFF  }
0xc0: {  	_ =	task.clear_ibuf [dreg:s6], $0x2FFFF;
	_ =	strace $0x9FFFFFFF  }
0xc1: {  	(tm) =	ssettm $0x7FFFFFFF  }
tec
execute0_lowered:
.L_overlay_start_1:
0x0: {  	(tag) =	ssettag $0x1  }
0x1: {  	s1 =	srdreg.scid;
	s0 =	stileid.u32  }
0x2: {  	s5 =	rddreg [dreg:$0x0];
	s24 =	simm.s32 $0x200;
	s25 =	simm.s32 $0x400  }
0x3: {  	s26 =	simm.s32 $0x600;
	s8 =	simm.s32 $0x5;
	s9 =	simm.s32 $0x80  }
0x4: {  	s11 =	simm.s32 $0x1000;
	s12 =	simm.s32 $0xE00;
	s13 =	simm.s32 $0x1200  }
0x5: {  	s14 =	simm.s32 $0xC80;
	s15 =	simm.s32 $0x1080;
	s16 =	simm.s32 $0xE80  }
0x6: {  	s17 =	simm.s32 $0x1280;
	s18 =	simm.s32 $0xD00;
	s19 =	simm.s32 $0x1100  }
0x7: {  	s28 =	simm.s32 $0x2;
	s29 =	simm.s32 $0x3;
	s30 =	simm.s32 $0x4  }
0x8: {  	v0 =	vimm.s32 $0x76543210;
	s31 =	simm.s32 $0x1400;
	s1 =	sand.u32 $0x1, s1;
	s2 =	sshll.u32 s0, $0x1  }
0x9: {  	v1 =	vimm.s32 $0xFEDCBA98;
	v2 =	vimm.s32 $0xBA98FEDC;
	v3 =	vimm.s32 $0x32107654;
	s6 =	sor.u32 s1, s2;
	s2 =	simm.s32 $0x0;
	s1 =	ssub.s32 $0x2, s1  }
0xa: {  	v4 =	vimm.s32 $0xDCFE98BA;
	v5 =	vimm.s32 $0x54761032;
	s3 =	sshll.u32 s6, $0x6;
	[smem:$0x7FF] =	sst s2;
	s6 =	sshll.u32 s6, $0x4  }
0xb: {  	v6 =	vimm.s32 $0xEFCDAB89;
	v7 =	vimm.s32 $0x67452301;
	s23 =	sshrl.u32 s1, $0x1;
	_ =	strace $0x80000047;
	[dreg:$0x8] =	wrdreg s24  }
0xc: {  	v0 =	vunpack.c.l.s4.s8 v0;
	v1 =	vunpack.c.l.s4.s8 v1;
	v2 =	vunpack.c.l.s4.s8 v2;
	s3 =	sadd.s32 s5, s3;
	s1 =	ssub.s32 s1, s23;
	[dreg:$0x9] =	wrdreg s25  }
0xd: {  	v3 =	vunpack.c.l.s4.s8 v3;
	v4 =	vunpack.c.l.s4.s8 v4;
	v5 =	vunpack.c.l.s4.s8 v5;
	[dreg:$0xa] =	wrdreg s26;
	s23 =	simm.s32 $0x1180;
	s4 =	sadd.s32 $0x2800, s3  }
0xe: {  	v6 =	vunpack.c.l.s4.s8 v6;
	v7 =	vunpack.c.l.s4.s8 v7;
	v2 =	vunpack.c.0.s8.s32 v2;
	s24 =	simm.s32 $0xF80;
	s7 =	sadd.s32 $0x2000, s3;
	[dreg:$0x2] =	wrdreg s4  }
0xf: {  	v3 =	vunpack.c.0.s8.s32 v3;
	v4 =	vunpack.c.0.s8.s32 v4;
	v5 =	vunpack.c.0.s8.s32 v5;
	s25 =	simm.s32 $0x1380;
	s20 =	sadd.s32 $0x1800, s3;
	[dreg:$0x3] =	wrdreg s7  }
0x10: {  	v1 =	vunpack.c.0.s8.s32 v1;
	v6 =	vunpack.c.0.s8.s32 v6;
	v7 =	vunpack.c.0.s8.s32 v7;
	s26 =	simm.s32 $0x1;
	s21 =	sadd.s32 $0x1000, s3;
	[dreg:$0x4] =	wrdreg s20  }
0x11: {  	s22 =	sadd.s32 $0x800, s3;
	v2 =	vcombine.low v3, v2;
	v3 =	vcombine.low v5, v4;
	v4 =	vunpack.c.0.s8.s32 v0;
	s4 =	sadd.s32 $0x3000, s5;
	[dreg:$0x5] =	wrdreg s21  }
0x12: {  	vm0 =	vmmov $0x1;
	v5 =	vcombine.low v7, v6;
	v1 =	vand.u32 $0xF, v1;
	s5 =	sadd.s32 s6, s5;
	[dreg:$0x6] =	wrdreg s22;
	s20 =	simm.s32 $0xF00  }
0x13: {  	vm1 =	vcmask $0x308;
	v0 =	vimm.f32 $0.0e+00;
	s21 =	simm.s32 $0x1300;
	s22 =	simm.s32 $0xD80;
	s5 =	sadd.s32 $0xB000, s5;
	v1 =	vcombine.low v1, v4  }
0x14: {  	v2 =	vand.u32 $0xF, v2;
	v3 =	vand.u32 $0xF, v3;
	v4 =	vand.u32 $0xF, v5;
	[dreg:$0x7] =	wrdreg s5;
	s5 =	smax.u32 s1, $0x1;
	s1 =	simm.s32 $0x6  }
.LBB2_1:
0x15: {  	s0 =	rddreg [dreg:$0x2]  }
0x16: {  	s6 =	rddreg [dreg:$0x3]  }
0x17: {  	s7 =	rddreg [dreg:$0x8]  }
0x18: {  	s10 =	rddreg [dreg:$0xa]  }
0x19: {  	[tilespmem:s2], [sflag:$0x5] =	stream.linear.gather [hbm4b:s0+s2], $0x200, $0x38;
	[tilespmem:$0x1480] =	vst v63  }
0x1a: {  	s0 =	rddreg [dreg:$0x4]  }
0x1b: {  	[tilespmem:s7], [sflag:$0x5] =	stream.linear.gather [hbm4b:s6+s2], $0x200, $0x38;
	[tilespmem:$0x1480] =	vst v63  }
0x1c: {  	s6 =	rddreg [dreg:$0x9]  }
0x1d: {  	[tilespmem:s6], [sflag:$0x5] =	stream.linear.gather [hbm4b:s0+s2], $0x200, $0x38;
	[tilespmem:$0x1480] =	vst v63  }
0x1e: {  	s7 =	rddreg [dreg:$0x5]  }
0x1f: {  	[tilespmem:s10], [sflag:$0x5] =	stream.linear.gather [hbm4b:s7+s2], $0x200, $0x38;
	[tilespmem:$0x1480] =	vst v63  }
0x20: {  	s6 =	rddreg [dreg:$0x6];
	s10 =	simm.s32 $0x800  }
0x21: {  	[tilespmem:s10], [sflag:$0x5] =	stream.linear.gather [hbm4b:s6+s2], $0x200, $0x38;
	[tilespmem:$0x1480] =	vst v63  }
0x22: {  	s6 =	simm.s32 $0xA00  }
0x23: {  	[tilespmem:s6], [sflag:$0x5] =	stream.linear.gather [hbm4b:s3+s2], $0x200, $0x38;
	[tilespmem:$0x1480] =	vst v63  }
0x24: {  	_ =	swait.ge [sflag:s8], $0x200  }
0x25: {  	[sflag:s8] =	ssyncset.done $0x0  }
0x26: {  	[sflag:s8] =	ssyncadd.s32 $0xFFFFFE00  }
0x27: {  	_ =	swait.ge [sflag:s8], $0x200  }
0x28: {  	[sflag:s8] =	ssyncset.done $0x0  }
0x29: {  	[sflag:s8] =	ssyncadd.s32 $0xFFFFFE00  }
0x2a: {  	_ =	swait.ge [sflag:s8], $0x200  }
0x2b: {  	[sflag:s8] =	ssyncset.done $0x0  }
0x2c: {  	[sflag:s8] =	ssyncadd.s32 $0xFFFFFE00  }
0x2d: {  	_ =	swait.ge [sflag:s8], $0x200  }
0x2e: {  	[sflag:s8] =	ssyncset.done $0x0  }
0x2f: {  	[sflag:s8] =	ssyncadd.s32 $0xFFFFFE00  }
0x30: {  	_ =	swait.ge [sflag:s8], $0x200  }
0x31: {  	[sflag:s8] =	ssyncset.done $0x0  }
0x32: {  	[sflag:s8] =	ssyncadd.s32 $0xFFFFFE00  }
0x33: {  	_ =	swait.ge [sflag:s8], $0x200  }
0x34: {  	[sflag:s8] =	ssyncset.done $0x0  }
0x35: {  	[sflag:s8] =	ssyncadd.s32 $0xFFFFFE00  }
0x36: {  	v5 =	vld [tilespmem:$0x0]  }
0x37: {  	v6 =	vld [tilespmem:$0x200]  }
0x38: {  	v7 =	vld [tilespmem:$0x400]  }
0x39: {  	v8 =	vld [tilespmem:$0x600]  }
0x3a: {  	v9 =	vld [tilespmem:$0x10]  }
0x3b: {  	v10 =	vld [tilespmem:$0x210]  }
0x3c: {  	v11 =	vld [tilespmem:$0x410]  }
0x3d: {  	v12 =	vld [tilespmem:$0x610]  }
0x3e: {  	v13 =	vld [tilespmem:$0x20]  }
0x3f: {  	v14 =	vld [tilespmem:$0x220]  }
0x40: {  	v15 =	vld [tilespmem:$0x420]  }
0x41: {  	v16 =	vld [tilespmem:$0x620]  }
0x42: {  	v17 =	vld [tilespmem:$0x30]  }
0x43: {  	v18 =	vld [tilespmem:$0x230]  }
0x44: {  	v19 =	vld [tilespmem:$0x430]  }
0x45: {  	v20 =	vld [tilespmem:$0x630]  }
0x46: {  	v21 =	vld [tilespmem:$0x40]  }
0x47: {  	v22 =	vld [tilespmem:$0x240];
	v5 =	vmul.f32 $5.120000000e+02, v5;
	v6 =	vmul.f32 $5.120000000e+02, v6  }
0x48: {  	v23 =	vld [tilespmem:$0x440];
	v7 =	vmul.f32 $5.120000000e+02, v7;
	v8 =	vmul.f32 $5.120000000e+02, v8  }
0x49: {  	v56 =	vld [tilespmem:$0x250];
	v9 =	vmul.f32 $5.120000000e+02, v9;
	v10 =	vmul.f32 $5.120000000e+02, v10  }
0x4a: {  	v24 =	vld [tilespmem:$0x450];
	v11 =	vmul.f32 $5.120000000e+02, v11;
	v12 =	vmul.f32 $5.120000000e+02, v12  }
0x4b: {  	v63 =	vld [tilespmem:$0x260];
	v13 =	vmul.f32 $5.120000000e+02, v13;
	v14 =	vmul.f32 $5.120000000e+02, v14  }
0x4c: {  	v25 =	vld [tilespmem:$0x460];
	v15 =	vmul.f32 $5.120000000e+02, v15;
	v16 =	vmul.f32 $5.120000000e+02, v16  }
0x4d: {  	v29 =	vld [tilespmem:$0x660];
	v17 =	vmul.f32 $5.120000000e+02, v17;
	v18 =	vmul.f32 $5.120000000e+02, v18  }
0x4e: {  	v32 =	vld [tilespmem:$0x70];
	v19 =	vmul.f32 $5.120000000e+02, v19;
	v20 =	vmul.f32 $5.120000000e+02, v20  }
0x4f: {  	v21 =	vmul.f32 $5.120000000e+02, v21;
	v22 =	vmul.f32 $5.120000000e+02, v22  }
0x50: {  	v55 =	vmul.f32 $5.120000000e+02, v23;
	v23 =	vmul.f32 $5.120000000e+02, v56  }
0x51: {  	v62 =	vmul.f32 $5.120000000e+02, v24;
	v34 =	vmul.f32 $5.120000000e+02, v63  }
0x52: {  	v36 =	vmul.f32 $5.120000000e+02, v25;
	v40 =	vmul.f32 $5.120000000e+02, v29  }
0x53: {  	v46 =	vmul.f32 $5.120000000e+02, v32;
	v5 =	vtrunc.f32 v5  }
0x54: {  	v6 =	vtrunc.f32 v6;
	v7 =	vtrunc.f32 v7  }
0x55: {  	v8 =	vtrunc.f32 v8;
	v9 =	vtrunc.f32 v9  }
0x56: {  	v10 =	vtrunc.f32 v10;
	v11 =	vtrunc.f32 v11  }
0x57: {  	v50 =	vld [tilespmem:$0x640];
	v12 =	vtrunc.f32 v12;
	v13 =	vtrunc.f32 v13  }
0x58: {  	v14 =	vtrunc.f32 v14;
	v15 =	vtrunc.f32 v15  }
0x59: {  	v16 =	vtrunc.f32 v16;
	v17 =	vtrunc.f32 v17  }
0x5a: {  	v18 =	vtrunc.f32 v18;
	v49 =	vtrunc.f32 v19  }
0x5b: {  	v20 =	vtrunc.f32 v20;
	v21 =	vtrunc.f32 v21  }
0x5c: {  	v22 =	vtrunc.f32 v22;
	v19 =	vmul.f32 $5.120000000e+02, v50  }
0x5d: {  	v23 =	vtrunc.f32 v23;
	v39 =	vtrunc.f32 v34  }
0x5e: {  	v45 =	vtrunc.f32 v40;
	v48 =	vtrunc.f32 v46  }
0x5f: {  	v5 =	vcvt.f32.s32 v5;
	v6 =	vcvt.f32.s32 v6  }
0x60: {  	v7 =	vcvt.f32.s32 v7;
	v8 =	vcvt.f32.s32 v8  }
0x61: {  	v9 =	vcvt.f32.s32 v9;
	v10 =	vcvt.f32.s32 v10  }
0x62: {  	v53 =	vld [tilespmem:$0x50];
	v11 =	vcvt.f32.s32 v11;
	v12 =	vcvt.f32.s32 v12  }
0x63: {  	v58 =	vld [tilespmem:$0x650];
	v13 =	vcvt.f32.s32 v13;
	v14 =	vcvt.f32.s32 v14  }
0x64: {  	v15 =	vcvt.f32.s32 v15;
	v16 =	vcvt.f32.s32 v16  }
0x65: {  	v41 =	vld [tilespmem:$0x670];
	v17 =	vcvt.f32.s32 v17;
	v51 =	vcvt.f32.s32 v49  }
0x66: {  	v52 =	vcvt.f32.s32 v20;
	v54 =	vcvt.f32.s32 v21  }
0x67: {  	v60 =	vld [tilespmem:$0x60];
	v57 =	vcvt.f32.s32 v22;
	v21 =	vtrunc.f32 v55  }
0x68: {  	v20 =	vmul.f32 $5.120000000e+02, v53;
	v22 =	vmul.f32 $5.120000000e+02, v58  }
0x69: {  	v28 =	vcvt.f32.s32 v23;
	v42 =	vcvt.f32.s32 v39  }
0x6a: {  	v47 =	vcvt.f32.s32 v45;
	v49 =	vmul.f32 $5.120000000e+02, v41  }
0x6b: {  	v19 =	vtrunc.f32 v19;
	v59 =	vcvt.f32.s32 v21  }
0x6c: {  	v21 =	vmul.f32 $5.120000000e+02, v60;
	v6 =	vshll.u32 v6, $0x9;
	v8 =	vshll.u32 v8, $0x9  }
0x6d: {  	v10 =	vshll.u32 v10, $0x9;
	v12 =	vshll.u32 v12, $0x9;
	v14 =	vshll.u32 v14, $0x9  }
0x6e: {  	v19 =	vcvt.f32.s32 v19;
	v16 =	vshll.u32 v16, $0x9;
	v20 =	vtrunc.f32 v20  }
0x6f: {  	v37 =	vld [tilespmem:$0x270];
	v22 =	vtrunc.f32 v22;
	v44 =	vshll.u32 v28, $0x9;
	v5 =	vadd.s32 v5, v6  }
0x70: {  	v50 =	vshll.u32 v42, $0x9;
	v6 =	vcvt.f32.s32 v18;
	v7 =	vadd.s32 v7, v8;
	[tilespmem:$0xC00] =	vst v5  }
0x71: {  	v9 =	vadd.s32 v9, v10;
	v11 =	vadd.s32 v11, v12;
	v61 =	vcvt.f32.s32 v20;
	[tilespmem:$0xE00] =	vst v7  }
0x72: {  	v13 =	vadd.s32 v13, v14;
	v20 =	vtrunc.f32 v62;
	v31 =	vcvt.f32.s32 v22;
	[tilespmem:$0xC10] =	vst v9  }
0x73: {  	v43 =	vld [tilespmem:$0x470];
	v15 =	vadd.s32 v15, v16;
	v33 =	vtrunc.f32 v21;
	v10 =	vtrunc.f32 v36;
	[tilespmem:$0xE10] =	vst v11  }
0x74: {  	v18 =	vshll.u32 v52, $0x9;
	v12 =	vmul.f32 $5.120000000e+02, v37;
	v8 =	vtrunc.f32 v49;
	[tilespmem:$0xC20] =	vst v13  }
0x75: {  	v5 =	vadd.s32 v51, v18;
	v30 =	vcvt.f32.s32 v20;
	v7 =	vshll.u32 v57, $0x9;
	[tilespmem:$0xE20] =	vst v15  }
0x76: {  	v35 =	vcvt.f32.s32 v33;
	v38 =	vshll.u32 v19, $0x9;
	v7 =	vadd.s32 v54, v7;
	[tilespmem:$0xE30] =	vst v5  }
0x77: {  	v10 =	vcvt.f32.s32 v10;
	v6 =	vshll.u32 v6, $0x9;
	v11 =	vadd.s32 v59, v38;
	[tilespmem:$0xC40] =	vst v7  }
0x78: {  	v51 =	vmul.f32 $5.120000000e+02, v43;
	v5 =	vshll.u32 v31, $0x9;
	v6 =	vadd.s32 v17, v6;
	[tilespmem:$0xE40] =	vst v11  }
0x79: {  	v8 =	vcvt.f32.s32 v8;
	v12 =	vtrunc.f32 v12;
	v5 =	vadd.s32 v30, v5;
	[tilespmem:$0xC30] =	vst v6  }
0x7a: {  	v7 =	vcvt.f32.s32 v48;
	v52 =	vcvt.f32.s32 v12;
	v6 =	vadd.s32 v61, v44;
	[tilespmem:$0xE50] =	vst v5  }
0x7b: {  	v53 =	vtrunc.f32 v51;
	v5 =	vshll.u32 v47, $0x9;
	[tilespmem:$0xC50] =	vst v6;
	v6 =	vadd.s32 v35, v50  }
0x7c: {  	v5 =	vadd.s32 v10, v5;
	v9 =	vshll.u32 v52, $0x9;
	[tilespmem:$0xC60] =	vst v6;
	v6 =	vcvt.f32.s32 v53  }
0x7d: {  	[tilespmem:$0xE60] =	vst v5;
	v5 =	vadd.s32 v7, v9;
	v7 =	vshll.u32 v8, $0x9  }
0x7e: {  	[tilespmem:$0xC70] =	vst v5;
	v5 =	vadd.s32 v6, v7  }
0x7f: {  	s7 =	simm.s32 $0xC00;
	[tilespmem:$0xE70] =	vst v5  }
0x80: {  	[tilespmem:s11], [sflag:$0x1] =	stream.indirect.gather [hbm4b:s4+s9], $0x1, s7, s9, $0xb8;
	[tilespmem:$0x1480] =	vst v63  }
0x81: {  	_ = 	snop  }
0x82: {  	[tilespmem:s13], [sflag:$0x1] =	stream.indirect.gather [hbm4b:s4+s9], $0x1, s12, s9, $0xb8;
	[tilespmem:$0x1480] =	vst v63  }
0x83: {  	v5 =	vld [tilespmem:$0x80]  }
0x84: {  	v6 =	vld [tilespmem:$0x280]  }
0x85: {  	v7 =	vld [tilespmem:$0x480]  }
0x86: {  	v54 =	vld [tilespmem:$0x680]  }
0x87: {  	v55 =	vld [tilespmem:$0x90]  }
0x88: {  	v56 =	vld [tilespmem:$0x290]  }
0x89: {  	v57 =	vld [tilespmem:$0x490]  }
0x8a: {  	v58 =	vld [tilespmem:$0x690]  }
0x8b: {  	v59 =	vld [tilespmem:$0xA0]  }
0x8c: {  	v60 =	vld [tilespmem:$0x2A0]  }
0x8d: {  	v61 =	vld [tilespmem:$0x4A0]  }
0x8e: {  	v62 =	vld [tilespmem:$0x6A0]  }
0x8f: {  	v63 =	vld [tilespmem:$0xB0]  }
0x90: {  	v24 =	vld [tilespmem:$0x2B0]  }
0x91: {  	v25 =	vld [tilespmem:$0x4B0]  }
0x92: {  	v26 =	vld [tilespmem:$0x6B0]  }
0x93: {  	v27 =	vld [tilespmem:$0xC0];
	v5 =	vmul.f32 $5.120000000e+02, v5  }
0x94: {  	v28 =	vld [tilespmem:$0x2C0];
	v6 =	vmul.f32 $5.120000000e+02, v6;
	v7 =	vmul.f32 $5.120000000e+02, v7  }
0x95: {  	v29 =	vld [tilespmem:$0x4C0];
	v8 =	vmul.f32 $5.120000000e+02, v54;
	v9 =	vmul.f32 $5.120000000e+02, v55  }
0x96: {  	v37 =	vld [tilespmem:$0x2D0];
	v10 =	vmul.f32 $5.120000000e+02, v56;
	v11 =	vmul.f32 $5.120000000e+02, v57  }
0x97: {  	v38 =	vld [tilespmem:$0x4D0];
	v12 =	vmul.f32 $5.120000000e+02, v58;
	v13 =	vmul.f32 $5.120000000e+02, v59  }
0x98: {  	v45 =	vld [tilespmem:$0x2E0];
	v14 =	vmul.f32 $5.120000000e+02, v60;
	v15 =	vmul.f32 $5.120000000e+02, v61  }
0x99: {  	v46 =	vld [tilespmem:$0x4E0];
	v16 =	vmul.f32 $5.120000000e+02, v62;
	v17 =	vmul.f32 $5.120000000e+02, v63  }
0x9a: {  	v48 =	vld [tilespmem:$0x6E0];
	v18 =	vmul.f32 $5.120000000e+02, v24;
	v19 =	vmul.f32 $5.120000000e+02, v25  }
0x9b: {  	v20 =	vmul.f32 $5.120000000e+02, v26;
	v21 =	vmul.f32 $5.120000000e+02, v27  }
0x9c: {  	v22 =	vmul.f32 $5.120000000e+02, v28;
	v36 =	vmul.f32 $5.120000000e+02, v29  }
0x9d: {  	v23 =	vmul.f32 $5.120000000e+02, v37;
	v44 =	vmul.f32 $5.120000000e+02, v38  }
0x9e: {  	v53 =	vmul.f32 $5.120000000e+02, v45;
	v55 =	vmul.f32 $5.120000000e+02, v46  }
0x9f: {  	v59 =	vmul.f32 $5.120000000e+02, v48;
	v5 =	vtrunc.f32 v5  }
0xa0: {  	v6 =	vtrunc.f32 v6;
	v7 =	vtrunc.f32 v7  }
0xa1: {  	v8 =	vtrunc.f32 v8;
	v9 =	vtrunc.f32 v9  }
0xa2: {  	v10 =	vtrunc.f32 v10;
	v11 =	vtrunc.f32 v11  }
0xa3: {  	v31 =	vld [tilespmem:$0x6C0];
	v12 =	vtrunc.f32 v12;
	v13 =	vtrunc.f32 v13  }
0xa4: {  	v14 =	vtrunc.f32 v14;
	v15 =	vtrunc.f32 v15  }
0xa5: {  	v16 =	vtrunc.f32 v16;
	v17 =	vtrunc.f32 v17  }
0xa6: {  	v18 =	vtrunc.f32 v18;
	v30 =	vtrunc.f32 v19  }
0xa7: {  	v20 =	vtrunc.f32 v20;
	v21 =	vtrunc.f32 v21  }
0xa8: {  	v22 =	vtrunc.f32 v22;
	v19 =	vmul.f32 $5.120000000e+02, v31  }
0xa9: {  	v23 =	vtrunc.f32 v23;
	v58 =	vtrunc.f32 v53  }
0xaa: {  	v5 =	vcvt.f32.s32 v5;
	v6 =	vcvt.f32.s32 v6  }
0xab: {  	v7 =	vcvt.f32.s32 v7;
	v8 =	vcvt.f32.s32 v8  }
0xac: {  	v9 =	vcvt.f32.s32 v9;
	v10 =	vcvt.f32.s32 v10  }
0xad: {  	v34 =	vld [tilespmem:$0xD0];
	v11 =	vcvt.f32.s32 v11;
	v12 =	vcvt.f32.s32 v12  }
0xae: {  	v40 =	vld [tilespmem:$0x6D0];
	v13 =	vcvt.f32.s32 v13;
	v14 =	vcvt.f32.s32 v14  }
0xaf: {  	v15 =	vcvt.f32.s32 v15;
	v16 =	vcvt.f32.s32 v16  }
0xb0: {  	v51 =	vld [tilespmem:$0xF0];
	v17 =	vcvt.f32.s32 v17;
	v32 =	vcvt.f32.s32 v30  }
0xb1: {  	v42 =	vld [tilespmem:$0xE0];
	v33 =	vcvt.f32.s32 v20;
	v35 =	vcvt.f32.s32 v21  }
0xb2: {  	v39 =	vcvt.f32.s32 v22;
	v21 =	vtrunc.f32 v36  }
0xb3: {  	v20 =	vmul.f32 $5.120000000e+02, v34;
	v22 =	vmul.f32 $5.120000000e+02, v40  }
0xb4: {  	v47 =	vcvt.f32.s32 v23;
	v61 =	vcvt.f32.s32 v58  }
0xb5: {  	v60 =	vld [tilespmem:$0x6F0];
	v23 =	vmul.f32 $5.120000000e+02, v51;
	v19 =	vtrunc.f32 v19  }
0xb6: {  	v62 =	vld [tilespmem:$0x4F0];
	v41 =	vcvt.f32.s32 v21;
	v21 =	vmul.f32 $5.120000000e+02, v42  }
0xb7: {  	v6 =	vshll.u32 v6, $0x9;
	v8 =	vshll.u32 v8, $0x9;
	v10 =	vshll.u32 v10, $0x9  }
0xb8: {  	v12 =	vshll.u32 v12, $0x9;
	v14 =	vshll.u32 v14, $0x9;
	v19 =	vcvt.f32.s32 v19  }
0xb9: {  	v16 =	vshll.u32 v16, $0x9;
	v20 =	vtrunc.f32 v20;
	v22 =	vtrunc.f32 v22  }
0xba: {  	v63 =	vshll.u32 v47, $0x9;
	v25 =	vtrunc.f32 v23;
	v26 =	vmul.f32 $5.120000000e+02, v60  }
0xbb: {  	v56 =	vld [tilespmem:$0x2F0];
	v27 =	vshll.u32 v61, $0x9;
	v28 =	vmul.f32 $5.120000000e+02, v62;
	v5 =	vadd.s32 v5, v6  }
0xbc: {  	v6 =	vcvt.f32.s32 v18;
	v7 =	vadd.s32 v7, v8;
	v9 =	vadd.s32 v9, v10;
	[tilespmem:$0xC80] =	vst v5  }
0xbd: {  	v11 =	vadd.s32 v11, v12;
	v13 =	vadd.s32 v13, v14;
	v43 =	vcvt.f32.s32 v20;
	[tilespmem:$0xE80] =	vst v7  }
0xbe: {  	v15 =	vadd.s32 v15, v16;
	v20 =	vtrunc.f32 v44;
	v50 =	vcvt.f32.s32 v22;
	[tilespmem:$0xC90] =	vst v9  }
0xbf: {  	v18 =	vshll.u32 v33, $0x9;
	v52 =	vtrunc.f32 v21;
	v10 =	vtrunc.f32 v55;
	[tilespmem:$0xE90] =	vst v11  }
0xc0: {  	v21 =	vtrunc.f32 v59;
	v12 =	vmul.f32 $5.120000000e+02, v56;
	v5 =	vadd.s32 v32, v18;
	[tilespmem:$0xCA0] =	vst v13  }
0xc1: {  	v49 =	vcvt.f32.s32 v20;
	v7 =	vshll.u32 v39, $0x9;
	v54 =	vcvt.f32.s32 v52;
	[tilespmem:$0xEA0] =	vst v15  }
0xc2: {  	v57 =	vshll.u32 v19, $0x9;
	v10 =	vcvt.f32.s32 v10;
	v7 =	vadd.s32 v35, v7;
	[tilespmem:$0xEB0] =	vst v5  }
0xc3: {  	v24 =	vcvt.f32.s32 v21;
	v6 =	vshll.u32 v6, $0x9;
	v11 =	vadd.s32 v41, v57;
	[tilespmem:$0xCC0] =	vst v7  }
0xc4: {  	v8 =	vtrunc.f32 v26;
	v5 =	vshll.u32 v50, $0x9;
	v6 =	vadd.s32 v17, v6;
	[tilespmem:$0xEC0] =	vst v11  }
0xc5: {  	v30 =	vtrunc.f32 v28;
	v12 =	vtrunc.f32 v12;
	v5 =	vadd.s32 v49, v5;
	[tilespmem:$0xCB0] =	vst v6  }
0xc6: {  	v8 =	vcvt.f32.s32 v8;
	v29 =	vcvt.f32.s32 v12;
	v6 =	vadd.s32 v43, v63;
	[tilespmem:$0xED0] =	vst v5  }
0xc7: {  	v7 =	vcvt.f32.s32 v25;
	v5 =	vshll.u32 v24, $0x9;
	[tilespmem:$0xCD0] =	vst v6;
	v6 =	vadd.s32 v54, v27  }
0xc8: {  	v5 =	vadd.s32 v10, v5;
	v9 =	vshll.u32 v29, $0x9;
	[tilespmem:$0xCE0] =	vst v6;
	v6 =	vcvt.f32.s32 v30  }
0xc9: {  	[tilespmem:$0xEE0] =	vst v5;
	v5 =	vadd.s32 v7, v9;
	v7 =	vshll.u32 v8, $0x9  }
0xca: {  	[tilespmem:$0xCF0] =	vst v5;
	v5 =	vadd.s32 v6, v7  }
0xcb: {  	[tilespmem:$0xEF0] =	vst v5  }
0xcc: {  	[tilespmem:s15], [sflag:$0x2] =	stream.indirect.gather [hbm4b:s4+s9], $0x1, s14, s9, $0xb8;
	[tilespmem:$0x1480] =	vst v63  }
0xcd: {  	_ = 	snop  }
0xce: {  	[tilespmem:s17], [sflag:$0x2] =	stream.indirect.gather [hbm4b:s4+s9], $0x1, s16, s9, $0xb8;
	[tilespmem:$0x1480] =	vst v63  }
0xcf: {  	v5 =	vld [tilespmem:$0x100]  }
0xd0: {  	v6 =	vld [tilespmem:$0x300]  }
0xd1: {  	v7 =	vld [tilespmem:$0x500]  }
0xd2: {  	v31 =	vld [tilespmem:$0x700]  }
0xd3: {  	v32 =	vld [tilespmem:$0x110]  }
0xd4: {  	v33 =	vld [tilespmem:$0x310]  }
0xd5: {  	v34 =	vld [tilespmem:$0x510]  }
0xd6: {  	v35 =	vld [tilespmem:$0x710]  }
0xd7: {  	v36 =	vld [tilespmem:$0x120]  }
0xd8: {  	v37 =	vld [tilespmem:$0x320]  }
0xd9: {  	v38 =	vld [tilespmem:$0x520]  }
0xda: {  	v39 =	vld [tilespmem:$0x720]  }
0xdb: {  	v40 =	vld [tilespmem:$0x130]  }
0xdc: {  	v41 =	vld [tilespmem:$0x330]  }
0xdd: {  	v42 =	vld [tilespmem:$0x530]  }
0xde: {  	v43 =	vld [tilespmem:$0x730]  }
0xdf: {  	v44 =	vld [tilespmem:$0x140];
	v5 =	vmul.f32 $5.120000000e+02, v5  }
0xe0: {  	v45 =	vld [tilespmem:$0x340];
	v6 =	vmul.f32 $5.120000000e+02, v6;
	v7 =	vmul.f32 $5.120000000e+02, v7  }
0xe1: {  	v46 =	vld [tilespmem:$0x540];
	v8 =	vmul.f32 $5.120000000e+02, v31;
	v9 =	vmul.f32 $5.120000000e+02, v32  }
0xe2: {  	v54 =	vld [tilespmem:$0x350];
	v10 =	vmul.f32 $5.120000000e+02, v33;
	v11 =	vmul.f32 $5.120000000e+02, v34  }
0xe3: {  	v55 =	vld [tilespmem:$0x550];
	v12 =	vmul.f32 $5.120000000e+02, v35;
	v13 =	vmul.f32 $5.120000000e+02, v36  }
0xe4: {  	v62 =	vld [tilespmem:$0x360];
	v14 =	vmul.f32 $5.120000000e+02, v37;
	v15 =	vmul.f32 $5.120000000e+02, v38  }
0xe5: {  	v63 =	vld [tilespmem:$0x560];
	v16 =	vmul.f32 $5.120000000e+02, v39;
	v17 =	vmul.f32 $5.120000000e+02, v40  }
0xe6: {  	v29 =	vld [tilespmem:$0x760];
	v18 =	vmul.f32 $5.120000000e+02, v41;
	v19 =	vmul.f32 $5.120000000e+02, v42  }
0xe7: {  	v20 =	vmul.f32 $5.120000000e+02, v43;
	v21 =	vmul.f32 $5.120000000e+02, v44  }
0xe8: {  	v22 =	vmul.f32 $5.120000000e+02, v45;
	v53 =	vmul.f32 $5.120000000e+02, v46  }
0xe9: {  	v23 =	vmul.f32 $5.120000000e+02, v54;
	v61 =	vmul.f32 $5.120000000e+02, v55  }
0xea: {  	v34 =	vmul.f32 $5.120000000e+02, v62;
	v36 =	vmul.f32 $5.120000000e+02, v63  }
0xeb: {  	v40 =	vmul.f32 $5.120000000e+02, v29;
	v5 =	vtrunc.f32 v5  }
0xec: {  	v6 =	vtrunc.f32 v6;
	v7 =	vtrunc.f32 v7  }
0xed: {  	v8 =	vtrunc.f32 v8;
	v9 =	vtrunc.f32 v9  }
0xee: {  	v10 =	vtrunc.f32 v10;
	v11 =	vtrunc.f32 v11  }
0xef: {  	v48 =	vld [tilespmem:$0x740];
	v12 =	vtrunc.f32 v12;
	v13 =	vtrunc.f32 v13  }
0xf0: {  	v14 =	vtrunc.f32 v14;
	v15 =	vtrunc.f32 v15  }
0xf1: {  	v16 =	vtrunc.f32 v16;
	v17 =	vtrunc.f32 v17  }
0xf2: {  	v18 =	vtrunc.f32 v18;
	v47 =	vtrunc.f32 v19  }
0xf3: {  	v20 =	vtrunc.f32 v20;
	v21 =	vtrunc.f32 v21  }
0xf4: {  	v22 =	vtrunc.f32 v22;
	v19 =	vmul.f32 $5.120000000e+02, v48  }
0xf5: {  	v23 =	vtrunc.f32 v23;
	v39 =	vtrunc.f32 v34  }
0xf6: {  	v45 =	vtrunc.f32 v40;
	v5 =	vcvt.f32.s32 v5  }
0xf7: {  	v6 =	vcvt.f32.s32 v6;
	v7 =	vcvt.f32.s32 v7  }
0xf8: {  	v8 =	vcvt.f32.s32 v8;
	v9 =	vcvt.f32.s32 v9  }
0xf9: {  	v10 =	vcvt.f32.s32 v10;
	v11 =	vcvt.f32.s32 v11  }
0xfa: {  	v51 =	vld [tilespmem:$0x150];
	v12 =	vcvt.f32.s32 v12;
	v13 =	vcvt.f32.s32 v13  }
0xfb: {  	v57 =	vld [tilespmem:$0x750];
	v14 =	vcvt.f32.s32 v14;
	v15 =	vcvt.f32.s32 v15  }
0xfc: {  	v16 =	vcvt.f32.s32 v16;
	v17 =	vcvt.f32.s32 v17  }
0xfd: {  	v49 =	vcvt.f32.s32 v47;
	v50 =	vcvt.f32.s32 v20  }
0xfe: {  	v59 =	vld [tilespmem:$0x160];
	v52 =	vcvt.f32.s32 v21;
	v56 =	vcvt.f32.s32 v22  }
0xff: {  	v21 =	vtrunc.f32 v53;
	v20 =	vmul.f32 $5.120000000e+02, v51  }
0x100: {  	v22 =	vmul.f32 $5.120000000e+02, v57;
	v28 =	vcvt.f32.s32 v23  }
0x101: {  	v32 =	vld [tilespmem:$0x170];
	v42 =	vcvt.f32.s32 v39;
	v47 =	vcvt.f32.s32 v45  }
0x102: {  	v43 =	vld [tilespmem:$0x570];
	v19 =	vtrunc.f32 v19;
	v58 =	vcvt.f32.s32 v21  }
0x103: {  	v21 =	vmul.f32 $5.120000000e+02, v59;
	v6 =	vshll.u32 v6, $0x9;
	v8 =	vshll.u32 v8, $0x9  }
0x104: {  	v10 =	vshll.u32 v10, $0x9;
	v12 =	vshll.u32 v12, $0x9;
	v14 =	vshll.u32 v14, $0x9  }
0x105: {  	v19 =	vcvt.f32.s32 v19;
	v16 =	vshll.u32 v16, $0x9;
	v20 =	vtrunc.f32 v20  }
0x106: {  	v37 =	vld [tilespmem:$0x370];
	v22 =	vtrunc.f32 v22;
	v44 =	vshll.u32 v28, $0x9;
	v46 =	vmul.f32 $5.120000000e+02, v32  }
0x107: {  	v51 =	vmul.f32 $5.120000000e+02, v43;
	v5 =	vadd.s32 v5, v6;
	v6 =	vcvt.f32.s32 v18  }
0x108: {  	v7 =	vadd.s32 v7, v8;
	v9 =	vadd.s32 v9, v10;
	v11 =	vadd.s32 v11, v12;
	[tilespmem:$0xD00] =	vst v5  }
0x109: {  	v13 =	vadd.s32 v13, v14;
	v60 =	vcvt.f32.s32 v20;
	v20 =	vtrunc.f32 v61;
	[tilespmem:$0xF00] =	vst v7  }
0x10a: {  	v41 =	vld [tilespmem:$0x770];
	v15 =	vadd.s32 v15, v16;
	v31 =	vcvt.f32.s32 v22;
	v33 =	vtrunc.f32 v21;
	[tilespmem:$0xD10] =	vst v9  }
0x10b: {  	v18 =	vshll.u32 v50, $0x9;
	v10 =	vtrunc.f32 v36;
	v12 =	vmul.f32 $5.120000000e+02, v37;
	[tilespmem:$0xF10] =	vst v11  }
0x10c: {  	v50 =	vshll.u32 v42, $0x9;
	v5 =	vadd.s32 v49, v18;
	v30 =	vcvt.f32.s32 v20;
	[tilespmem:$0xD20] =	vst v13  }
0x10d: {  	v7 =	vshll.u32 v56, $0x9;
	v35 =	vcvt.f32.s32 v33;
	v38 =	vshll.u32 v19, $0x9;
	[tilespmem:$0xF20] =	vst v15  }
0x10e: {  	v10 =	vcvt.f32.s32 v10;
	v48 =	vtrunc.f32 v46;
	v7 =	vadd.s32 v52, v7;
	[tilespmem:$0xF30] =	vst v5  }
0x10f: {  	v49 =	vmul.f32 $5.120000000e+02, v41;
	v6 =	vshll.u32 v6, $0x9;
	v11 =	vadd.s32 v58, v38;
	[tilespmem:$0xD40] =	vst v7  }
0x110: {  	v53 =	vtrunc.f32 v51;
	v5 =	vshll.u32 v31, $0x9;
	v6 =	vadd.s32 v17, v6;
	[tilespmem:$0xF40] =	vst v11  }
0x111: {  	v12 =	vtrunc.f32 v12;
	v5 =	vadd.s32 v30, v5;
	v7 =	vcvt.f32.s32 v48;
	[tilespmem:$0xD30] =	vst v6  }
0x112: {  	v52 =	vcvt.f32.s32 v12;
	v8 =	vtrunc.f32 v49;
	v6 =	vadd.s32 v60, v44;
	[tilespmem:$0xF50] =	vst v5  }
0x113: {  	v5 =	vshll.u32 v47, $0x9;
	v8 =	vcvt.f32.s32 v8;
	[tilespmem:$0xD50] =	vst v6;
	v6 =	vadd.s32 v35, v50  }
0x114: {  	v5 =	vadd.s32 v10, v5;
	v9 =	vshll.u32 v52, $0x9;
	[tilespmem:$0xD60] =	vst v6;
	v6 =	vcvt.f32.s32 v53  }
0x115: {  	[tilespmem:$0xF60] =	vst v5;
	v5 =	vadd.s32 v7, v9;
	v7 =	vshll.u32 v8, $0x9  }
0x116: {  	[tilespmem:$0xD70] =	vst v5;
	v5 =	vadd.s32 v6, v7  }
0x117: {  	[tilespmem:$0xF70] =	vst v5  }
0x118: {  	[tilespmem:s19], [sflag:$0x3] =	stream.indirect.gather [hbm4b:s4+s9], $0x1, s18, s9, $0xb8;
	[tilespmem:$0x1480] =	vst v63  }
0x119: {  	_ = 	snop  }
0x11a: {  	[tilespmem:s21], [sflag:$0x3] =	stream.indirect.gather [hbm4b:s4+s9], $0x1, s20, s9, $0xb8;
	[tilespmem:$0x1480] =	vst v63  }
0x11b: {  	v5 =	vld [tilespmem:$0x180]  }
0x11c: {  	v6 =	vld [tilespmem:$0x380]  }
0x11d: {  	v7 =	vld [tilespmem:$0x580]  }
0x11e: {  	v54 =	vld [tilespmem:$0x780]  }
0x11f: {  	v55 =	vld [tilespmem:$0x190]  }
0x120: {  	v56 =	vld [tilespmem:$0x390]  }
0x121: {  	v57 =	vld [tilespmem:$0x590]  }
0x122: {  	v58 =	vld [tilespmem:$0x790]  }
0x123: {  	v59 =	vld [tilespmem:$0x1A0]  }
0x124: {  	v60 =	vld [tilespmem:$0x3A0]  }
0x125: {  	v61 =	vld [tilespmem:$0x5A0]  }
0x126: {  	v62 =	vld [tilespmem:$0x7A0]  }
0x127: {  	v63 =	vld [tilespmem:$0x1B0]  }
0x128: {  	v24 =	vld [tilespmem:$0x3B0]  }
0x129: {  	v25 =	vld [tilespmem:$0x5B0]  }
0x12a: {  	v26 =	vld [tilespmem:$0x7B0]  }
0x12b: {  	v27 =	vld [tilespmem:$0x1C0];
	v5 =	vmul.f32 $5.120000000e+02, v5  }
0x12c: {  	v28 =	vld [tilespmem:$0x3C0];
	v6 =	vmul.f32 $5.120000000e+02, v6;
	v7 =	vmul.f32 $5.120000000e+02, v7  }
0x12d: {  	v29 =	vld [tilespmem:$0x5C0];
	v8 =	vmul.f32 $5.120000000e+02, v54;
	v9 =	vmul.f32 $5.120000000e+02, v55  }
0x12e: {  	v37 =	vld [tilespmem:$0x3D0];
	v10 =	vmul.f32 $5.120000000e+02, v56;
	v11 =	vmul.f32 $5.120000000e+02, v57  }
0x12f: {  	v38 =	vld [tilespmem:$0x5D0];
	v12 =	vmul.f32 $5.120000000e+02, v58;
	v13 =	vmul.f32 $5.120000000e+02, v59  }
0x130: {  	v45 =	vld [tilespmem:$0x3E0];
	v14 =	vmul.f32 $5.120000000e+02, v60;
	v15 =	vmul.f32 $5.120000000e+02, v61  }
0x131: {  	v46 =	vld [tilespmem:$0x5E0];
	v16 =	vmul.f32 $5.120000000e+02, v62;
	v17 =	vmul.f32 $5.120000000e+02, v63  }
0x132: {  	v48 =	vld [tilespmem:$0x7E0];
	v18 =	vmul.f32 $5.120000000e+02, v24;
	v19 =	vmul.f32 $5.120000000e+02, v25  }
0x133: {  	v20 =	vmul.f32 $5.120000000e+02, v26;
	v21 =	vmul.f32 $5.120000000e+02, v27  }
0x134: {  	v22 =	vmul.f32 $5.120000000e+02, v28;
	v36 =	vmul.f32 $5.120000000e+02, v29  }
0x135: {  	v23 =	vmul.f32 $5.120000000e+02, v37;
	v44 =	vmul.f32 $5.120000000e+02, v38  }
0x136: {  	v53 =	vmul.f32 $5.120000000e+02, v45;
	v55 =	vmul.f32 $5.120000000e+02, v46  }
0x137: {  	v59 =	vmul.f32 $5.120000000e+02, v48;
	v5 =	vtrunc.f32 v5  }
0x138: {  	v6 =	vtrunc.f32 v6;
	v7 =	vtrunc.f32 v7  }
0x139: {  	v8 =	vtrunc.f32 v8;
	v9 =	vtrunc.f32 v9  }
0x13a: {  	v10 =	vtrunc.f32 v10;
	v11 =	vtrunc.f32 v11  }
0x13b: {  	v31 =	vld [tilespmem:$0x7C0];
	v12 =	vtrunc.f32 v12;
	v13 =	vtrunc.f32 v13  }
0x13c: {  	v14 =	vtrunc.f32 v14;
	v15 =	vtrunc.f32 v15  }
0x13d: {  	v16 =	vtrunc.f32 v16;
	v17 =	vtrunc.f32 v17  }
0x13e: {  	v18 =	vtrunc.f32 v18;
	v30 =	vtrunc.f32 v19  }
0x13f: {  	v20 =	vtrunc.f32 v20;
	v21 =	vtrunc.f32 v21  }
0x140: {  	v22 =	vtrunc.f32 v22;
	v19 =	vmul.f32 $5.120000000e+02, v31  }
0x141: {  	v23 =	vtrunc.f32 v23;
	v58 =	vtrunc.f32 v53  }
0x142: {  	v5 =	vcvt.f32.s32 v5;
	v6 =	vcvt.f32.s32 v6  }
0x143: {  	v7 =	vcvt.f32.s32 v7;
	v8 =	vcvt.f32.s32 v8  }
0x144: {  	v9 =	vcvt.f32.s32 v9;
	v10 =	vcvt.f32.s32 v10  }
0x145: {  	v34 =	vld [tilespmem:$0x1D0];
	v11 =	vcvt.f32.s32 v11;
	v12 =	vcvt.f32.s32 v12  }
0x146: {  	v40 =	vld [tilespmem:$0x7D0];
	v13 =	vcvt.f32.s32 v13;
	v14 =	vcvt.f32.s32 v14  }
0x147: {  	v15 =	vcvt.f32.s32 v15;
	v16 =	vcvt.f32.s32 v16  }
0x148: {  	v51 =	vld [tilespmem:$0x1F0];
	v17 =	vcvt.f32.s32 v17;
	v32 =	vcvt.f32.s32 v30  }
0x149: {  	v42 =	vld [tilespmem:$0x1E0];
	v33 =	vcvt.f32.s32 v20;
	v35 =	vcvt.f32.s32 v21  }
0x14a: {  	v39 =	vcvt.f32.s32 v22;
	v21 =	vtrunc.f32 v36  }
0x14b: {  	v20 =	vmul.f32 $5.120000000e+02, v34;
	v22 =	vmul.f32 $5.120000000e+02, v40  }
0x14c: {  	v47 =	vcvt.f32.s32 v23;
	v61 =	vcvt.f32.s32 v58  }
0x14d: {  	v60 =	vld [tilespmem:$0x7F0];
	v23 =	vmul.f32 $5.120000000e+02, v51;
	v19 =	vtrunc.f32 v19  }
0x14e: {  	v62 =	vld [tilespmem:$0x5F0];
	v41 =	vcvt.f32.s32 v21;
	v21 =	vmul.f32 $5.120000000e+02, v42  }
0x14f: {  	v6 =	vshll.u32 v6, $0x9;
	v8 =	vshll.u32 v8, $0x9;
	v10 =	vshll.u32 v10, $0x9  }
0x150: {  	v12 =	vshll.u32 v12, $0x9;
	v14 =	vshll.u32 v14, $0x9;
	v19 =	vcvt.f32.s32 v19  }
0x151: {  	v16 =	vshll.u32 v16, $0x9;
	v20 =	vtrunc.f32 v20;
	v22 =	vtrunc.f32 v22  }
0x152: {  	v63 =	vshll.u32 v47, $0x9;
	v25 =	vtrunc.f32 v23;
	v26 =	vmul.f32 $5.120000000e+02, v60  }
0x153: {  	v56 =	vld [tilespmem:$0x3F0];
	v27 =	vshll.u32 v61, $0x9;
	v28 =	vmul.f32 $5.120000000e+02, v62;
	v5 =	vadd.s32 v5, v6  }
0x154: {  	v6 =	vcvt.f32.s32 v18;
	v7 =	vadd.s32 v7, v8;
	v9 =	vadd.s32 v9, v10;
	[tilespmem:$0xD80] =	vst v5  }
0x155: {  	v11 =	vadd.s32 v11, v12;
	v13 =	vadd.s32 v13, v14;
	v43 =	vcvt.f32.s32 v20;
	[tilespmem:$0xF80] =	vst v7  }
0x156: {  	v15 =	vadd.s32 v15, v16;
	v20 =	vtrunc.f32 v44;
	v50 =	vcvt.f32.s32 v22;
	[tilespmem:$0xD90] =	vst v9  }
0x157: {  	v18 =	vshll.u32 v33, $0x9;
	v52 =	vtrunc.f32 v21;
	v10 =	vtrunc.f32 v55;
	[tilespmem:$0xF90] =	vst v11  }
0x158: {  	v21 =	vtrunc.f32 v59;
	v12 =	vmul.f32 $5.120000000e+02, v56;
	v5 =	vadd.s32 v32, v18;
	[tilespmem:$0xDA0] =	vst v13  }
0x159: {  	v49 =	vcvt.f32.s32 v20;
	v7 =	vshll.u32 v39, $0x9;
	v54 =	vcvt.f32.s32 v52;
	[tilespmem:$0xFA0] =	vst v15  }
0x15a: {  	v57 =	vshll.u32 v19, $0x9;
	v10 =	vcvt.f32.s32 v10;
	v7 =	vadd.s32 v35, v7;
	[tilespmem:$0xFB0] =	vst v5  }
0x15b: {  	v24 =	vcvt.f32.s32 v21;
	v6 =	vshll.u32 v6, $0x9;
	v11 =	vadd.s32 v41, v57;
	[tilespmem:$0xDC0] =	vst v7  }
0x15c: {  	v8 =	vtrunc.f32 v26;
	v5 =	vshll.u32 v50, $0x9;
	v6 =	vadd.s32 v17, v6;
	[tilespmem:$0xFC0] =	vst v11  }
0x15d: {  	v30 =	vtrunc.f32 v28;
	v12 =	vtrunc.f32 v12;
	v5 =	vadd.s32 v49, v5;
	[tilespmem:$0xDB0] =	vst v6  }
0x15e: {  	v8 =	vcvt.f32.s32 v8;
	v29 =	vcvt.f32.s32 v12;
	v6 =	vadd.s32 v43, v63;
	[tilespmem:$0xFD0] =	vst v5  }
0x15f: {  	v7 =	vcvt.f32.s32 v25;
	v5 =	vshll.u32 v24, $0x9;
	[tilespmem:$0xDD0] =	vst v6;
	v6 =	vadd.s32 v54, v27  }
0x160: {  	v5 =	vadd.s32 v10, v5;
	v9 =	vshll.u32 v29, $0x9;
	[tilespmem:$0xDE0] =	vst v6;
	v6 =	vcvt.f32.s32 v30  }
0x161: {  	[tilespmem:$0xFE0] =	vst v5;
	v5 =	vadd.s32 v7, v9;
	v7 =	vshll.u32 v8, $0x9  }
0x162: {  	[tilespmem:$0xDF0] =	vst v5;
	v5 =	vadd.s32 v6, v7  }
0x163: {  	[tilespmem:$0xFF0] =	vst v5  }
0x164: {  	[tilespmem:s23], [sflag:$0x4] =	stream.indirect.gather [hbm4b:s4+s9], $0x1, s22, s9, $0xb8;
	[tilespmem:$0x1480] =	vst v63  }
0x165: {  	_ = 	snop  }
0x166: {  	[tilespmem:s25], [sflag:$0x4] =	stream.indirect.gather [hbm4b:s4+s9], $0x1, s24, s9, $0xb8;
	[tilespmem:$0x1480] =	vst v63  }
0x167: {  	_ =	swait.ge [sflag:s26], $0x80  }
0x168: {  	[sflag:s26] =	ssyncset.done $0x0  }
0x169: {  	[sflag:s26] =	ssyncadd.s32 $0xFFFFFF80  }
0x16a: {  	_ =	swait.ge [sflag:s26], $0x80  }
0x16b: {  	[sflag:s26] =	ssyncset.done $0x0  }
0x16c: {  	[sflag:s26] =	ssyncadd.s32 $0xFFFFFF80  }
0x16d: {  	v5 =	vld [tilespmem:$0x1200];
	_ =	sdelay $0x4  }
0x16e: {  	v5 =	vadd.f32 $1.000000010e-07, v5;
	_ =	sdelay $0x1  }
0x16f: {  	(erf) = vrcp.f32 v5;
	v5 =	vld [tilespmem:$0x1210];
	_ =	sdelay $0x2  }
0x170: {  	v7 =	vld [tilespmem:$0x1220];
	_ =	sdelay $0x1  }
0x171: {  	v6 =	vld [tilespmem:$0x1000];
	v5 =	vadd.f32 $1.000000010e-07, v5;
	_ =	sdelay $0x1  }
0x172: {  	(erf) = vrcp.f32 v5  }
0x173: {  	v32 =	vld [tilespmem:$0x1230];
	v7 =	vadd.f32 $1.000000010e-07, v7  }
0x174: {  	v38 =	vld [tilespmem:$0x1240];
	v5 =	vpop (erf)  }
0x175: {  	v40 =	vld [tilespmem:$0x1260];
	(erf) = vrcp.f32 v7;
	v5 =	vmul.f32 v5, v6  }
0x176: {  	v31 =	vld [tilespmem:$0x1010]  }
0x177: {  	v33 =	vld [tilespmem:$0xA00];
	vm2 =	vle.f32 v5, $1.120000000e+00  }
0x178: {  	v39 =	vld [tilespmem:$0x1250];
	v5 =	vnsel vm2, $0x40000000, v5  }
0x179: {  	v41 =	vld [tilespmem:$0x1270];
	v9 =	vadd.f32 $1.000000010e-07, v32;
	vm2 =	vge.f32 v5, $8.928571340e-01  }
0x17a: {  	v11 =	vld [tilespmem:$0x810];
	v15 =	vadd.f32 $1.000000010e-07, v38;
	v14 =	vadd.f32 $1.000000010e-07, v40;
	v5 =	vnsel vm2, $0x3F800000, v5  }
0x17b: {  	v35 =	vld [tilespmem:$0x1020];
	(erf) = vrcp.f32 v9;
	vm2 =	veq.f32 v5, $1.000000000e+00;
	v34 =	vpop (erf);
	vm3 =	veq.f32 v5, $2.000000000e+00  }
0x17c: {  	v6 =	vld [tilespmem:$0x800];
	v5 =	vmul.f32 v34, v31;
	v36 =	vsel vm2, $0x3F800000, v0;
	v37 =	vsel vm3, $0x40000000, v0  }
0x17d: {  	v8 =	vld [tilespmem:$0x820];
	v9 =	vadd.f32 $1.000000010e-07, v39;
	v12 =	vadd.f32 v37, v36  }
0x17e: {  	v43 =	vld [tilespmem:$0xA20];
	v48 =	vadd.f32 $1.000000010e-07, v41;
	v42 =	vpop (erf);
	(erf) = vrcp.f32 v15;
	vm2 =	vle.f32 v5, $1.120000000e+00  }
0x17f: {  	v44 =	vld [tilespmem:$0x1030];
	(erf) = vrcp.f32 v9;
	v5 =	vnsel vm2, $0x40000000, v5;
	vm2 =	vlt.f32 v33, v12  }
0x180: {  	v46 =	vld [tilespmem:$0xA30];
	vm3 =	vgt.f32 v33, v12;
	v12 =	vmul.f32 v42, v35;
	vm4 =	vge.f32 v5, $8.928571340e-01  }
0x181: {  	v47 =	vld [tilespmem:$0x1040];
	v6 =	vadd.f32 $0.0e+00, v6;
	(erf) = vrcp.f32 v14;
	v5 =	vnsel vm4, $0x3F800000, v5  }
0x182: {  	v7 =	vld [tilespmem:$0xA10];
	vm2 =	vmor vm3, vm2;
	vm9 =	vle.f32 v12, $1.120000000e+00;
	vm3 =	veq.f32 v5, $1.000000000e+00  }
0x183: {  	v50 =	vld [tilespmem:$0x840];
	v12 =	vnsel vm9, $0x40000000, v12;
	v45 =	vsel vm3, $0x3F800000, v0;
	vm3 =	veq.f32 v5, $2.000000000e+00  }
0x184: {  	v52 =	vld [tilespmem:$0xA40];
	v51 =	vpop (erf);
	(erf) = vrcp.f32 v48;
	v49 =	vsel vm3, $0x40000000, v0;
	vm3 =	vge.f32 v12, $8.928571340e-01  }
0x185: {  	v54 =	vld [tilespmem:$0x1050];
	v53 =	vmul.f32 v51, v44;
	v10 =	vadd.f32 v49, v45;
	v12 =	vnsel vm3, $0x3F800000, v12  }
0x186: {  	v56 =	vld [tilespmem:$0x850];
	v59 =	vnsel vm2, $0x0, v6;
	v6 =	vadd.f32 v11, v6;
	vm3 =	veq.f32 v12, $1.000000000e+00  }
0x187: {  	v58 =	vld [tilespmem:$0x1060];
	vm10 =	vlt.f32 v7, v10;
	v55 =	vsel vm3, $0x3F800000, v0;
	vm3 =	veq.f32 v12, $2.000000000e+00  }
0x188: {  	v57 =	vld [tilespmem:$0xA50];
	vm5 =	vgt.f32 v7, v10;
	v7 =	vsel vm3, $0x40000000, v0;
	vm3 =	vle.f32 v53, $1.120000000e+00  }
0x189: {  	v61 =	vld [tilespmem:$0x860];
	v6 =	vadd.f32 v8, v6;
	v62 =	vpop (erf);
	v9 =	vnsel vm3, $0x40000000, v53  }
0x18a: {  	v63 =	vld [tilespmem:$0xA60];
	v28 =	vmul.f32 v62, v47;
	v29 =	vpop (erf);
	v7 =	vadd.f32 v7, v55;
	vm2 =	vge.f32 v9, $8.928571340e-01  }
0x18b: {  	v30 =	vld [tilespmem:$0x1070];
	v33 =	vpop (erf);
	v36 =	vmul.f32 v29, v54;
	vm4 =	vmor vm5, vm10;
	v9 =	vnsel vm2, $0x3F800000, v9  }
0x18c: {  	v26 =	vld [tilespmem:$0xA70];
	v41 =	vmul.f32 v33, v58;
	vm3 =	vlt.f32 v43, v7;
	vm2 =	veq.f32 v9, $1.000000000e+00  }
0x18d: {  	v5 =	vld [tilespmem:$0x830];
	v34 =	vpop (erf);
	vm11 =	veq.f32 v9, $2.000000000e+00;
	v31 =	vsel vm2, $0x3F800000, v0;
	vm2 =	vgt.f32 v43, v7  }
0x18e: {  	v32 =	vsel vm11, $0x40000000, v0;
	v7 =	vld [tilespmem:$0x870];
	_ =	swait.ge [sflag:s28], $0x80;
	vm2 =	vmor vm2, vm3;
	vm3 =	vle.f32 v28, $1.120000000e+00  }
0x18f: {  	v60 =	vnsel vm4, $0x0, v11;
	v16 =	vadd.f32 v32, v31;
	[sflag:s28] =	ssyncset.done $0x0;
	v9 =	vnsel vm3, $0x40000000, v28  }
0x190: {  	v14 =	vadd.f32 v60, v59;
	v35 =	vnsel vm2, $0x0, v8;
	[sflag:s28] =	ssyncadd.s32 $0xFFFFFF80;
	vm12 =	vge.f32 v9, $8.928571340e-01  }
0x191: {  	vm2 =	vlt.f32 v46, v16;
	vm3 =	vgt.f32 v46, v16;
	_ =	swait.ge [sflag:s28], $0x80;
	v9 =	vnsel vm12, $0x3F800000, v9  }
0x192: {  	vm2 =	vmor vm3, vm2;
	[sflag:s28] =	ssyncset.done $0x0;
	vm3 =	veq.f32 v9, $1.000000000e+00;
	vm4 =	veq.f32 v9, $2.000000000e+00  }
0x193: {  	v11 =	vadd.f32 v35, v14;
	[sflag:s28] =	ssyncadd.s32 $0xFFFFFF80;
	v37 =	vsel vm3, $0x3F800000, v0;
	v38 =	vsel vm4, $0x40000000, v0  }
0x194: {  	v39 =	vnsel vm2, $0x0, v5;
	vm2 =	vle.f32 v36, $1.120000000e+00;
	v40 =	vld [tilespmem:$0x1280];
	v8 =	vadd.f32 v38, v37  }
0x195: {  	v5 =	vadd.f32 v5, v6;
	v11 =	vadd.f32 v39, v11;
	v6 =	vnsel vm2, $0x40000000, v36;
	v45 =	vld [tilespmem:$0x1290]  }
0x196: {  	vm13 =	vge.f32 v6, $8.928571340e-01;
	vm2 =	vlt.f32 v52, v8;
	vm3 =	vgt.f32 v52, v8  }
0x197: {  	v5 =	vadd.f32 v50, v5;
	v6 =	vnsel vm13, $0x3F800000, v6;
	vm2 =	vmor vm3, vm2  }
0x198: {  	vm3 =	veq.f32 v6, $2.000000000e+00;
	v42 =	vnsel vm2, $0x0, v50;
	vm2 =	veq.f32 v6, $1.000000000e+00  }
0x199: {  	v43 =	vsel vm3, $0x40000000, v0;
	v9 =	vadd.f32 $1.000000010e-07, v40;
	v6 =	vsel vm2, $0x3F800000, v0  }
0x19a: {  	v13 =	vadd.f32 $1.000000010e-07, v45;
	vm2 =	vle.f32 v41, $1.120000000e+00;
	v6 =	vadd.f32 v43, v6  }
0x19b: {  	v44 =	vld [tilespmem:$0x1080];
	v5 =	vadd.f32 v56, v5;
	v8 =	vnsel vm2, $0x40000000, v41;
	(erf) = vrcp.f32 v9  }
0x19c: {  	v52 =	vld [tilespmem:$0x12A0];
	vm2 =	vge.f32 v8, $8.928571340e-01;
	(erf) = vrcp.f32 v13;
	vm3 =	vlt.f32 v57, v6  }
0x19d: {  	v12 =	vld [tilespmem:$0x880];
	v8 =	vnsel vm2, $0x3F800000, v8;
	vm2 =	vgt.f32 v57, v6;
	v6 =	vmul.f32 v34, v30  }
0x19e: {  	v47 =	vld [tilespmem:$0xA80];
	vm14 =	veq.f32 v8, $1.000000000e+00;
	vm2 =	vmor vm2, vm3;
	vm3 =	veq.f32 v8, $2.000000000e+00  }
0x19f: {  	v48 =	vld [tilespmem:$0x1090];
	v49 =	vsel vm14, $0x3F800000, v0;
	v8 =	vsel vm3, $0x40000000, v0;
	vm3 =	vle.f32 v6, $1.120000000e+00  }
0x1a0: {  	v62 =	vld [tilespmem:$0x12F0];
	v60 =	vadd.f32 v61, v5;
	v8 =	vadd.f32 v8, v49;
	v6 =	vnsel vm3, $0x40000000, v6  }
0x1a1: {  	v53 =	vld [tilespmem:$0x10A0];
	v19 =	vadd.f32 $1.000000010e-07, v52;
	v51 =	vnsel vm2, $0x0, v56;
	vm2 =	vge.f32 v6, $8.928571340e-01  }
0x1a2: {  	v56 =	vld [tilespmem:$0x12C0];
	vm3 =	vlt.f32 v63, v8;
	vm15 =	vgt.f32 v63, v8;
	v6 =	vnsel vm2, $0x3F800000, v6  }
0x1a3: {  	vm2 =	vmor vm15, vm3;
	vm3 =	veq.f32 v6, $1.000000000e+00;
	vm8 =	veq.f32 v6, $2.000000000e+00;
	v6 =	vld [tilespmem:$0x12B0]  }
0x1a4: {  	v10 =	vld [tilespmem:$0x8A0];
	v46 =	vadd.f32 v42, v11;
	v54 =	vsel vm3, $0x3F800000, v0;
	v55 =	vsel vm8, $0x40000000, v0  }
0x1a5: {  	v59 =	vld [tilespmem:$0x12D0];
	v18 =	vadd.f32 $1.000000010e-07, v62;
	(erf) = vrcp.f32 v19;
	v8 =	vadd.f32 v55, v54  }
0x1a6: {  	v21 =	vadd.f32 v7, v60;
	v15 =	vadd.f32 v51, v46;
	v57 =	vnsel vm2, $0x0, v61;
	v58 =	vpop (erf);
	v61 =	vld [tilespmem:$0x12E0]  }
0x1a7: {  	v33 =	vld [tilespmem:$0x10B0];
	v5 =	vmul.f32 v58, v44;
	vm2 =	vlt.f32 v26, v8;
	vm3 =	vgt.f32 v26, v8  }
0x1a8: {  	v35 =	vld [tilespmem:$0xAB0];
	v20 =	vadd.f32 $1.000000010e-07, v56;
	v34 =	vpop (erf);
	vm2 =	vmor vm3, vm2;
	v6 =	vadd.f32 $1.000000010e-07, v6  }
0x1a9: {  	v36 =	vld [tilespmem:$0x10C0];
	v16 =	vmul.f32 v34, v48;
	vm3 =	vle.f32 v5, $1.120000000e+00;
	v32 =	vnsel vm2, $0x0, v7  }
0x1aa: {  	v27 =	vld [tilespmem:$0xAE0];
	v5 =	vnsel vm3, $0x40000000, v5;
	(erf) = vrcp.f32 v6;
	v6 =	vadd.f32 $1.000000010e-07, v59  }
0x1ab: {  	v29 =	vld [tilespmem:$0x10F0];
	v14 =	vadd.f32 $1.000000010e-07, v61;
	vm2 =	vge.f32 v5, $8.928571340e-01;
	(erf) = vrcp.f32 v20  }
0x1ac: {  	v31 =	vld [tilespmem:$0xAF0];
	v15 =	vadd.f32 v57, v15;
	v5 =	vnsel vm2, $0x3F800000, v5;
	(erf) = vrcp.f32 v6  }
0x1ad: {  	v11 =	vld [tilespmem:$0x890];
	vm3 =	vle.f32 v16, $1.120000000e+00;
	vm2 =	veq.f32 v5, $1.000000000e+00;
	(erf) = vrcp.f32 v14  }
0x1ae: {  	v37 =	vld [tilespmem:$0xAC0];
	v41 =	vpop (erf);
	vm9 =	veq.f32 v5, $2.000000000e+00;
	v5 =	vnsel vm3, $0x40000000, v16;
	(erf) = vrcp.f32 v18  }
0x1af: {  	v50 =	vld [tilespmem:$0xA90];
	v13 =	vmul.f32 v41, v53;
	v38 =	vsel vm2, $0x3F800000, v0;
	vm2 =	vge.f32 v5, $8.928571340e-01  }
0x1b0: {  	v40 =	vld [tilespmem:$0x10D0];
	v53 =	vadd.f32 v12, v21;
	v39 =	vsel vm9, $0x40000000, v0;
	v42 =	vnsel vm2, $0x3F800000, v5  }
0x1b1: {  	v45 =	vld [tilespmem:$0x10E0];
	v15 =	vadd.f32 v32, v15;
	v16 =	vadd.f32 v39, v38;
	vm2 =	veq.f32 v42, $1.000000000e+00  }
0x1b2: {  	v43 =	vld [tilespmem:$0xAD0];
	v20 =	vadd.f32 v11, v53;
	v44 =	vsel vm2, $0x3F800000, v0;
	vm2 =	veq.f32 v42, $2.000000000e+00  }
0x1b3: {  	v63 =	vld [tilespmem:$0xAA0];
	vm3 =	vlt.f32 v47, v16;
	vm10 =	vgt.f32 v47, v16;
	v46 =	vsel vm2, $0x40000000, v0;
	v47 =	vpop (erf)  }
0x1b4: {  	v8 =	vld [tilespmem:$0x8B0];
	vm2 =	vle.f32 v13, $1.120000000e+00;
	vm3 =	vmor vm10, vm3;
	v9 =	vadd.f32 v46, v44;
	v48 =	vpop (erf)  }
0x1b5: {  	v7 =	vld [tilespmem:$0x8E0];
	v13 =	vnsel vm2, $0x40000000, v13;
	v28 =	vnsel vm3, $0x0, v12;
	v16 =	vmul.f32 v47, v33;
	v49 =	vpop (erf)  }
0x1b6: {  	v6 =	vld [tilespmem:$0x8C0];
	vm2 =	vge.f32 v13, $8.928571340e-01;
	vm3 =	vlt.f32 v50, v9;
	vm11 =	vgt.f32 v50, v9;
	v50 =	vpop (erf)  }
0x1b7: {  	v5 =	vld [tilespmem:$0x8D0];
	v15 =	vadd.f32 v28, v15;
	v13 =	vnsel vm2, $0x3F800000, v13;
	vm12 =	vle.f32 v16, $1.120000000e+00;
	v30 =	vpop (erf)  }
0x1b8: {  	v9 =	vld [tilespmem:$0x8F0];
	vm2 =	vmor vm11, vm3;
	vm3 =	veq.f32 v13, $1.000000000e+00;
	v16 =	vnsel vm12, $0x40000000, v16;
	_ =	swait.ge [sflag:s29], $0x80  }
0x1b9: {  	v52 =	vmul.f32 v48, v36;
	v51 =	vsel vm3, $0x3F800000, v0;
	vm4 =	vge.f32 v16, $8.928571340e-01;
	[sflag:s29] =	ssyncset.done $0x0  }
0x1ba: {  	vm3 =	veq.f32 v13, $2.000000000e+00;
	v58 =	vnsel vm2, $0x0, v11;
	v16 =	vnsel vm4, $0x3F800000, v16;
	[sflag:s29] =	ssyncadd.s32 $0xFFFFFF80  }
0x1bb: {  	v60 =	vmul.f32 v49, v40;
	v54 =	vsel vm3, $0x40000000, v0;
	vm3 =	veq.f32 v16, $1.000000000e+00;
	_ =	swait.ge [sflag:s29], $0x80  }
0x1bc: {  	vm13 =	vle.f32 v52, $1.120000000e+00;
	v55 =	vsel vm3, $0x3F800000, v0;
	vm3 =	veq.f32 v16, $2.000000000e+00;
	[sflag:s29] =	ssyncset.done $0x0  }
0x1bd: {  	v12 =	vadd.f32 v54, v51;
	v13 =	vnsel vm13, $0x40000000, v52;
	v16 =	vsel vm3, $0x40000000, v0;
	[sflag:s29] =	ssyncadd.s32 $0xFFFFFF80  }
0x1be: {  	v15 =	vadd.f32 v58, v15;
	vm3 =	vge.f32 v13, $8.928571340e-01;
	v56 =	vadd.f32 v16, v55;
	v57 =	vld [tilespmem:$0x1300]  }
0x1bf: {  	vm14 =	vlt.f32 v63, v12;
	v13 =	vnsel vm3, $0x3F800000, v13;
	vm3 =	vgt.f32 v63, v12;
	v63 =	vld [tilespmem:$0x1310]  }
0x1c0: {  	vm2 =	vmor vm3, vm14;
	vm3 =	veq.f32 v13, $1.000000000e+00;
	v38 =	vld [tilespmem:$0x1320];
	vm15 =	vlt.f32 v35, v56  }
0x1c1: {  	v52 =	vld [tilespmem:$0x1340];
	v59 =	vsel vm3, $0x3F800000, v0;
	vm3 =	veq.f32 v13, $2.000000000e+00;
	v61 =	vnsel vm2, $0x0, v10  }
0x1c2: {  	v54 =	vld [tilespmem:$0x1350];
	v10 =	vadd.f32 v10, v20;
	v13 =	vsel vm3, $0x40000000, v0;
	vm3 =	vgt.f32 v35, v56  }
0x1c3: {  	v55 =	vld [tilespmem:$0x1360];
	v15 =	vadd.f32 v61, v15;
	vm2 =	vmor vm3, vm15;
	v13 =	vadd.f32 v13, v59  }
0x1c4: {  	v62 =	vnsel vm2, $0x0, v8;
	vm2 =	vle.f32 v60, $1.120000000e+00;
	v8 =	vadd.f32 v8, v10  }
0x1c5: {  	v16 =	vadd.f32 $1.000000010e-07, v57;
	vm3 =	vlt.f32 v37, v13;
	v12 =	vnsel vm2, $0x40000000, v60  }
0x1c6: {  	v56 =	vld [tilespmem:$0x1370];
	vm2 =	vgt.f32 v37, v13;
	v13 =	vadd.f32 $1.000000010e-07, v63;
	v44 =	vadd.f32 $1.000000010e-07, v38  }
0x1c7: {  	v17 =	vmul.f32 v50, v45;
	v15 =	vadd.f32 v62, v15;
	v19 =	vadd.f32 $1.000000010e-07, v52  }
0x1c8: {  	v34 =	vmul.f32 v30, v29;
	v26 =	vadd.f32 $1.000000010e-07, v54;
	v62 =	vadd.f32 $1.000000010e-07, v55  }
0x1c9: {  	vm8 =	vge.f32 v12, $8.928571340e-01;
	vm2 =	vmor vm2, vm3;
	vm3 =	vle.f32 v17, $1.120000000e+00  }
0x1ca: {  	(erf) = vrcp.f32 v16;
	v12 =	vnsel vm8, $0x3F800000, v12;
	v28 =	vnsel vm3, $0x40000000, v17  }
0x1cb: {  	v17 =	vnsel vm2, $0x0, v6;
	v16 =	vadd.f32 $1.000000010e-07, v56;
	vm3 =	veq.f32 v12, $2.000000000e+00  }
0x1cc: {  	vm4 =	veq.f32 v12, $1.000000000e+00;
	v33 =	vsel vm3, $0x40000000, v0;
	vm3 =	vge.f32 v28, $8.928571340e-01  }
0x1cd: {  	(erf) = vrcp.f32 v13;
	v32 =	vsel vm4, $0x3F800000, v0;
	v14 =	vnsel vm3, $0x3F800000, v28  }
0x1ce: {  	v46 =	vld [tilespmem:$0x1330];
	v12 =	vadd.f32 v33, v32;
	vm2 =	veq.f32 v14, $1.000000000e+00;
	vm3 =	veq.f32 v14, $2.000000000e+00  }
0x1cf: {  	v35 =	vld [tilespmem:$0x1100];
	v15 =	vadd.f32 v17, v15;
	v36 =	vsel vm2, $0x3F800000, v0;
	v37 =	vsel vm3, $0x40000000, v0  }
0x1d0: {  	vm2 =	vlt.f32 v43, v12;
	vm3 =	vle.f32 v34, $1.120000000e+00;
	vm9 =	vgt.f32 v43, v12  }
0x1d1: {  	v18 =	vadd.f32 v37, v36;
	v39 =	vnsel vm3, $0x40000000, v34;
	vm2 =	vmor vm9, vm2  }
0x1d2: {  	(erf) = vrcp.f32 v44;
	vm10 =	vge.f32 v39, $8.928571340e-01;
	v22 =	vnsel vm2, $0x0, v5  }
0x1d3: {  	v41 =	vld [tilespmem:$0xB00];
	vm3 =	vlt.f32 v27, v18;
	v14 =	vnsel vm10, $0x3F800000, v39;
	vm11 =	vgt.f32 v27, v18;
	v40 =	vpop (erf)  }
0x1d4: {  	v43 =	vld [tilespmem:$0x1110];
	v18 =	vadd.f32 $1.000000010e-07, v46;
	v46 =	vadd.f32 v6, v8;
	v13 =	vmul.f32 v40, v35  }
0x1d5: {  	v11 =	vld [tilespmem:$0x910];
	vm3 =	vmor vm11, vm3;
	vm12 =	veq.f32 v14, $1.000000000e+00;
	vm14 =	veq.f32 v14, $2.000000000e+00  }
0x1d6: {  	v45 =	vld [tilespmem:$0xB10];
	v42 =	vsel vm12, $0x3F800000, v0;
	v14 =	vsel vm14, $0x40000000, v0;
	vm13 =	vle.f32 v13, $1.120000000e+00  }
0x1d7: {  	v47 =	vld [tilespmem:$0x1120];
	v23 =	vnsel vm3, $0x0, v7;
	(erf) = vrcp.f32 v18;
	v13 =	vnsel vm13, $0x40000000, v13  }
0x1d8: {  	v25 =	vld [tilespmem:$0x930];
	v49 =	vpop (erf);
	v5 =	vadd.f32 v5, v46;
	v14 =	vadd.f32 v14, v42;
	vm15 =	vge.f32 v13, $8.928571340e-01  }
0x1d9: {  	v61 =	vld [tilespmem:$0xB30];
	v51 =	vmul.f32 v49, v43;
	(erf) = vrcp.f32 v19;
	v13 =	vnsel vm15, $0x3F800000, v13  }
0x1da: {  	v59 =	vld [tilespmem:$0x1130];
	(erf) = vrcp.f32 v26;
	v5 =	vadd.f32 v7, v5;
	vm2 =	veq.f32 v13, $1.000000000e+00  }
0x1db: {  	v10 =	vld [tilespmem:$0x950];
	vm3 =	vlt.f32 v31, v14;
	v48 =	vsel vm2, $0x3F800000, v0;
	vm2 =	veq.f32 v13, $2.000000000e+00  }
0x1dc: {  	v12 =	vld [tilespmem:$0x900];
	(erf) = vrcp.f32 v62;
	v50 =	vsel vm2, $0x40000000, v0;
	vm2 =	vgt.f32 v31, v14  }
0x1dd: {  	v57 =	vld [tilespmem:$0xB20];
	v58 =	vpop (erf);
	(erf) = vrcp.f32 v16;
	vm2 =	vmor vm2, vm3;
	v53 =	vadd.f32 v50, v48  }
0x1de: {  	v63 =	vld [tilespmem:$0x1140];
	v5 =	vadd.f32 v9, v5;
	v27 =	vnsel vm2, $0x0, v9;
	vm2 =	vle.f32 v51, $1.120000000e+00  }
0x1df: {  	v55 =	vld [tilespmem:$0xB70];
	vm3 =	vlt.f32 v41, v53;
	v14 =	vnsel vm2, $0x40000000, v51;
	vm2 =	vgt.f32 v41, v53  }
0x1e0: {  	v33 =	vld [tilespmem:$0xB50];
	v15 =	vadd.f32 v22, v15;
	vm2 =	vmor vm2, vm3;
	vm3 =	vge.f32 v14, $8.928571340e-01  }
0x1e1: {  	v18 =	vmul.f32 v58, v47;
	v5 =	vadd.f32 v12, v5;
	v13 =	vld [tilespmem:$0x920];
	v14 =	vnsel vm3, $0x3F800000, v14  }
0x1e2: {  	v37 =	vld [tilespmem:$0xB40];
	v15 =	vadd.f32 v23, v15;
	vm3 =	veq.f32 v14, $1.000000000e+00  }
0x1e3: {  	v8 =	vld [tilespmem:$0x960];
	v5 =	vadd.f32 v11, v5;
	v42 =	vpop (erf);
	v60 =	vsel vm3, $0x3F800000, v0;
	vm3 =	vle.f32 v18, $1.120000000e+00  }
0x1e4: {  	v40 =	vld [tilespmem:$0x1150];
	v21 =	vmul.f32 v42, v59;
	v6 =	vpop (erf);
	v18 =	vnsel vm3, $0x40000000, v18;
	vm3 =	veq.f32 v14, $2.000000000e+00  }
0x1e5: {  	v50 =	vmul.f32 v6, v63;
	v51 =	vld [tilespmem:$0x1170];
	v36 =	vsel vm3, $0x40000000, v0;
	vm3 =	vge.f32 v18, $8.928571340e-01  }
0x1e6: {  	v49 =	vpop (erf);
	v15 =	vadd.f32 v27, v15;
	v5 =	vadd.f32 v13, v5;
	v14 =	vld [tilespmem:$0x940];
	v39 =	vnsel vm3, $0x3F800000, v18  }
0x1e7: {  	v48 =	vld [tilespmem:$0xB60];
	v52 =	vpop (erf);
	v41 =	vnsel vm2, $0x0, v12;
	v38 =	vadd.f32 v36, v60;
	vm2 =	veq.f32 v39, $1.000000000e+00  }
0x1e8: {  	v6 =	vld [tilespmem:$0x970];
	v54 =	vpop (erf);
	v5 =	vadd.f32 v25, v5;
	vm3 =	veq.f32 v39, $2.000000000e+00;
	v43 =	vsel vm2, $0x3F800000, v0  }
0x1e9: {  	vm2 =	vlt.f32 v45, v38;
	v32 =	vsel vm3, $0x40000000, v0;
	vm3 =	vgt.f32 v45, v38;
	v45 =	vld [tilespmem:$0x1160];
	_ =	swait.ge [sflag:s30], $0x80  }
0x1ea: {  	v36 =	vmul.f32 v54, v51;
	v44 =	vadd.f32 v32, v43;
	vm2 =	vmor vm3, vm2;
	[sflag:s30] =	ssyncset.done $0x0  }
0x1eb: {  	vm3 =	vle.f32 v21, $1.120000000e+00;
	v5 =	vadd.f32 v14, v5;
	v47 =	vnsel vm2, $0x0, v11;
	[sflag:s30] =	ssyncadd.s32 $0xFFFFFF80  }
0x1ec: {  	v21 =	vnsel vm3, $0x40000000, v21;
	vm2 =	vlt.f32 v57, v44;
	vm3 =	vgt.f32 v57, v44;
	_ =	swait.ge [sflag:s30], $0x80  }
0x1ed: {  	v57 =	vmul.f32 v49, v40;
	vm2 =	vmor vm3, vm2;
	vm3 =	vge.f32 v21, $8.928571340e-01;
	[sflag:s30] =	ssyncset.done $0x0  }
0x1ee: {  	v5 =	vadd.f32 v10, v5;
	v53 =	vnsel vm3, $0x3F800000, v21;
	vm3 =	vle.f32 v50, $1.120000000e+00;
	[sflag:s30] =	ssyncadd.s32 $0xFFFFFF80  }
0x1ef: {  	v58 =	vnsel vm2, $0x0, v13;
	v16 =	vnsel vm3, $0x40000000, v50;
	vm3 =	veq.f32 v53, $1.000000000e+00;
	v60 =	vld [tilespmem:$0x1380]  }
0x1f0: {  	v30 =	vmul.f32 v52, v45;
	v34 =	vld [tilespmem:$0x1390];
	v7 =	vsel vm3, $0x3F800000, v0;
	vm3 =	veq.f32 v53, $2.000000000e+00  }
0x1f1: {  	v5 =	vadd.f32 v8, v5;
	v39 =	vld [tilespmem:$0x13A0];
	v17 =	vsel vm3, $0x40000000, v0;
	vm3 =	vge.f32 v16, $8.928571340e-01  }
0x1f2: {  	v44 =	vld [tilespmem:$0x13B0];
	v56 =	vnsel vm3, $0x3F800000, v16;
	v7 =	vadd.f32 v17, v7;
	vm3 =	vle.f32 v57, $1.120000000e+00  }
0x1f3: {  	v5 =	vadd.f32 v6, v5;
	vm2 =	veq.f32 v56, $1.000000000e+00;
	v16 =	vnsel vm3, $0x40000000, v57  }
0x1f4: {  	v59 =	vsel vm2, $0x3F800000, v0;
	vm2 =	veq.f32 v56, $2.000000000e+00;
	vm3 =	vgt.f32 v61, v7  }
0x1f5: {  	v27 =	vadd.f32 $1.000000010e-07, v60;
	v9 =	vsel vm2, $0x40000000, v0;
	vm2 =	vlt.f32 v61, v7  }
0x1f6: {  	v54 =	vld [tilespmem:$0x980];
	v12 =	vadd.f32 $1.000000010e-07, v34;
	vm2 =	vmor vm3, vm2;
	vm3 =	vge.f32 v16, $8.928571340e-01  }
0x1f7: {  	v42 =	vadd.f32 $1.000000010e-07, v39;
	v13 =	vadd.f32 $1.000000010e-07, v44;
	v61 =	vnsel vm3, $0x3F800000, v16  }
0x1f8: {  	v9 =	vadd.f32 v9, v59;
	(erf) = vrcp.f32 v27;
	vm3 =	veq.f32 v61, $1.000000000e+00  }
0x1f9: {  	v52 =	vld [tilespmem:$0x13C0];
	v62 =	vnsel vm2, $0x0, v25;
	v63 =	vsel vm3, $0x3F800000, v0;
	vm3 =	veq.f32 v61, $2.000000000e+00  }
0x1fa: {  	vm2 =	vlt.f32 v37, v9;
	v29 =	vsel vm3, $0x40000000, v0;
	vm3 =	vgt.f32 v37, v9  }
0x1fb: {  	v21 =	vld [tilespmem:$0x990];
	v5 =	vadd.f32 v54, v5;
	vm2 =	vmor vm3, vm2;
	v32 =	vadd.f32 v29, v63  }
0x1fc: {  	v7 =	vadd.f32 v41, v15;
	v35 =	vnsel vm2, $0x0, v14;
	vm2 =	vle.f32 v30, $1.120000000e+00  }
0x1fd: {  	v9 =	vnsel vm2, $0x40000000, v30;
	vm2 =	vlt.f32 v33, v32;
	vm3 =	vgt.f32 v33, v32  }
0x1fe: {  	v59 =	vadd.f32 $1.000000010e-07, v52;
	v37 =	vld [tilespmem:$0x1180];
	vm2 =	vmor vm3, vm2;
	vm3 =	vge.f32 v9, $8.928571340e-01  }
0x1ff: {  	(erf) = vrcp.f32 v12;
	v9 =	vnsel vm3, $0x3F800000, v9;
	vm3 =	vle.f32 v36, $1.120000000e+00  }
0x200: {  	v5 =	vadd.f32 v21, v5;
	v38 =	vnsel vm2, $0x0, v10;
	v11 =	vnsel vm3, $0x40000000, v36  }
0x201: {  	v41 =	vpop (erf);
	(erf) = vrcp.f32 v42;
	vm2 =	veq.f32 v9, $1.000000000e+00;
	vm3 =	vge.f32 v11, $8.928571340e-01  }
0x202: {  	v57 =	vld [tilespmem:$0x13D0];
	v40 =	vsel vm2, $0x3F800000, v0;
	vm2 =	veq.f32 v9, $2.000000000e+00;
	v11 =	vnsel vm3, $0x3F800000, v11  }
0x203: {  	v31 =	vld [tilespmem:$0x9A0];
	v12 =	vmul.f32 v41, v37;
	v9 =	vsel vm2, $0x40000000, v0;
	vm2 =	veq.f32 v11, $1.000000000e+00  }
0x204: {  	v45 =	vld [tilespmem:$0x1190];
	v9 =	vadd.f32 v9, v40;
	v43 =	vsel vm2, $0x3F800000, v0;
	vm2 =	veq.f32 v11, $2.000000000e+00  }
0x205: {  	v7 =	vadd.f32 v47, v7;
	v11 =	vsel vm2, $0x40000000, v0;
	vm2 =	vle.f32 v12, $1.120000000e+00  }
0x206: {  	vm3 =	vlt.f32 v48, v9;
	v12 =	vnsel vm2, $0x40000000, v12;
	vm2 =	vgt.f32 v48, v9  }
0x207: {  	v20 =	vadd.f32 $1.000000010e-07, v57;
	vm2 =	vmor vm2, vm3;
	vm3 =	vge.f32 v12, $8.928571340e-01  }
0x208: {  	v50 =	vld [tilespmem:$0x11A0];
	v5 =	vadd.f32 v31, v5;
	v49 =	vpop (erf);
	(erf) = vrcp.f32 v13;
	v12 =	vnsel vm3, $0x3F800000, v12  }
0x209: {  	v47 =	vld [tilespmem:$0xB80];
	v11 =	vadd.f32 v11, v43;
	v9 =	vmul.f32 v49, v45;
	vm3 =	veq.f32 v12, $1.000000000e+00  }
0x20a: {  	v46 =	vnsel vm2, $0x0, v8;
	v48 =	vsel vm3, $0x3F800000, v0;
	vm3 =	veq.f32 v12, $2.000000000e+00  }
0x20b: {  	vm2 =	vlt.f32 v55, v11;
	v51 =	vsel vm3, $0x40000000, v0;
	vm3 =	vgt.f32 v55, v11  }
0x20c: {  	v7 =	vadd.f32 v58, v7;
	v56 =	vpop (erf);
	vm2 =	vmor vm3, vm2;
	v53 =	vadd.f32 v51, v48  }
0x20d: {  	v10 =	vmul.f32 v56, v50;
	v55 =	vnsel vm2, $0x0, v6;
	vm2 =	vle.f32 v9, $1.120000000e+00  }
0x20e: {  	vm3 =	vlt.f32 v47, v53;
	v9 =	vnsel vm2, $0x40000000, v9;
	vm2 =	vgt.f32 v47, v53  }
0x20f: {  	v7 =	vadd.f32 v62, v7;
	vm2 =	vmor vm2, vm3;
	vm3 =	vge.f32 v9, $8.928571340e-01  }
0x210: {  	v61 =	vld [tilespmem:$0x11B0];
	(erf) = vrcp.f32 v59;
	v58 =	vnsel vm3, $0x3F800000, v9;
	vm3 =	vle.f32 v10, $1.120000000e+00  }
0x211: {  	v63 =	vld [tilespmem:$0xB90];
	v60 =	vnsel vm2, $0x0, v54;
	vm2 =	veq.f32 v58, $1.000000000e+00;
	v10 =	vnsel vm3, $0x40000000, v10  }
0x212: {  	v26 =	vld [tilespmem:$0x13E0];
	v62 =	vsel vm2, $0x3F800000, v0;
	vm2 =	veq.f32 v58, $2.000000000e+00;
	vm3 =	vge.f32 v10, $8.928571340e-01  }
0x213: {  	v7 =	vadd.f32 v35, v7;
	v6 =	vsel vm2, $0x40000000, v0;
	v10 =	vnsel vm3, $0x3F800000, v10  }
0x214: {  	v30 =	vld [tilespmem:$0x13F0];
	v23 =	vpop (erf);
	(erf) = vrcp.f32 v20;
	v6 =	vadd.f32 v6, v62;
	vm2 =	veq.f32 v10, $1.000000000e+00  }
0x215: {  	v22 =	vld [tilespmem:$0xBA0];
	v25 =	vmul.f32 v23, v61;
	v24 =	vsel vm2, $0x3F800000, v0;
	vm2 =	veq.f32 v10, $2.000000000e+00  }
0x216: {  	vm3 =	vlt.f32 v63, v6;
	v27 =	vsel vm2, $0x40000000, v0;
	vm2 =	vgt.f32 v63, v6;
	v6 =	vld [tilespmem:$0x11C0]  }
0x217: {  	v33 =	vadd.f32 $1.000000010e-07, v26;
	vm2 =	vmor vm2, vm3;
	vm3 =	vle.f32 v25, $1.120000000e+00  }
0x218: {  	v7 =	vadd.f32 v38, v7;
	v8 =	vadd.f32 v27, v24;
	v10 =	vnsel vm3, $0x40000000, v25  }
0x219: {  	v28 =	vld [tilespmem:$0x11D0];
	v37 =	vadd.f32 $1.000000010e-07, v30;
	v29 =	vnsel vm2, $0x0, v21;
	vm3 =	vge.f32 v10, $8.928571340e-01  }
0x21a: {  	v32 =	vpop (erf);
	vm2 =	vlt.f32 v22, v8;
	v10 =	vnsel vm3, $0x3F800000, v10;
	vm3 =	vgt.f32 v22, v8  }
0x21b: {  	vm2 =	vmor vm3, vm2;
	vm3 =	veq.f32 v10, $1.000000000e+00;
	v6 =	vmul.f32 v32, v6  }
0x21c: {  	v7 =	vadd.f32 v46, v7;
	v34 =	vsel vm3, $0x3F800000, v0;
	vm3 =	veq.f32 v10, $2.000000000e+00  }
0x21d: {  	(erf) = vrcp.f32 v33;
	v35 =	vpop (erf);
	v10 =	vsel vm3, $0x40000000, v0;
	vm3 =	vle.f32 v6, $1.120000000e+00  }
0x21e: {  	v36 =	vld [tilespmem:$0xBB0];
	v7 =	vadd.f32 v55, v7;
	v11 =	vmul.f32 v35, v28;
	v6 =	vnsel vm3, $0x40000000, v6  }
0x21f: {  	v39 =	vld [tilespmem:$0x9B0];
	(erf) = vrcp.f32 v37;
	v38 =	vnsel vm2, $0x0, v31;
	vm2 =	vge.f32 v6, $8.928571340e-01  }
0x220: {  	v8 =	vadd.f32 v10, v34;
	v6 =	vnsel vm2, $0x3F800000, v6;
	vm2 =	vle.f32 v11, $1.120000000e+00  }
0x221: {  	v40 =	vld [tilespmem:$0xBC0];
	vm3 =	veq.f32 v6, $1.000000000e+00;
	v11 =	vnsel vm2, $0x40000000, v11;
	vm2 =	veq.f32 v6, $2.000000000e+00  }
0x222: {  	v6 =	vld [tilespmem:$0x11E0];
	v41 =	vsel vm3, $0x3F800000, v0;
	v42 =	vsel vm2, $0x40000000, v0;
	vm2 =	vge.f32 v11, $8.928571340e-01  }
0x223: {  	v43 =	vld [tilespmem:$0x9C0];
	vm3 =	vlt.f32 v36, v8;
	v11 =	vnsel vm2, $0x3F800000, v11;
	vm2 =	vgt.f32 v36, v8  }
0x224: {  	v5 =	vadd.f32 v39, v5;
	v48 =	vld [tilespmem:$0x11F0];
	v12 =	vadd.f32 v42, v41;
	vm2 =	vmor vm2, vm3  }
0x225: {  	v44 =	vld [tilespmem:$0xBD0];
	v7 =	vadd.f32 v60, v7;
	vm3 =	veq.f32 v11, $1.000000000e+00;
	v46 =	vnsel vm2, $0x0, v39  }
0x226: {  	v45 =	vpop (erf);
	v47 =	vsel vm3, $0x3F800000, v0;
	vm2 =	veq.f32 v11, $2.000000000e+00;
	vm3 =	vlt.f32 v40, v12  }
0x227: {  	v6 =	vmul.f32 v45, v6;
	v49 =	vsel vm2, $0x40000000, v0;
	vm2 =	vgt.f32 v40, v12  }
0x228: {  	v51 =	vld [tilespmem:$0x9D0];
	v7 =	vadd.f32 v29, v7;
	v53 =	vpop (erf);
	v50 =	vadd.f32 v49, v47;
	vm2 =	vmor vm2, vm3  }
0x229: {  	v54 =	vmul.f32 v53, v48;
	vm3 =	vle.f32 v6, $1.120000000e+00;
	v52 =	vnsel vm2, $0x0, v43  }
0x22a: {  	vm2 =	vlt.f32 v44, v50;
	v6 =	vnsel vm3, $0x40000000, v6;
	vm3 =	vgt.f32 v44, v50  }
0x22b: {  	v5 =	vadd.f32 v43, v5;
	vm2 =	vmor vm3, vm2;
	vm3 =	vge.f32 v6, $8.928571340e-01  }
0x22c: {  	v7 =	vadd.f32 v38, v7;
	v6 =	vnsel vm3, $0x3F800000, v6;
	vm3 =	vle.f32 v54, $1.120000000e+00  }
0x22d: {  	v56 =	vld [tilespmem:$0xBE0];
	v55 =	vnsel vm2, $0x0, v51;
	vm2 =	veq.f32 v6, $1.000000000e+00;
	v9 =	vnsel vm3, $0x40000000, v54  }
0x22e: {  	v59 =	vld [tilespmem:$0xBF0];
	v57 =	vsel vm2, $0x3F800000, v0;
	vm2 =	veq.f32 v6, $2.000000000e+00;
	vm3 =	vge.f32 v9, $8.928571340e-01  }
0x22f: {  	v7 =	vadd.f32 v46, v7;
	v6 =	vld [tilespmem:$0x9E0];
	v58 =	vsel vm2, $0x40000000, v0;
	v9 =	vnsel vm3, $0x3F800000, v9  }
0x230: {  	v13 =	vadd.f32 v58, v57;
	vm2 =	veq.f32 v9, $1.000000000e+00;
	vm3 =	veq.f32 v9, $2.000000000e+00  }
0x231: {  	v61 =	vld [tilespmem:$0x9F0];
	v7 =	vadd.f32 v52, v7;
	v60 =	vsel vm2, $0x3F800000, v0;
	v9 =	vsel vm3, $0x40000000, v0  }
0x232: {  	vm2 =	vlt.f32 v56, v13;
	vm3 =	vgt.f32 v56, v13;
	v8 =	vadd.f32 v9, v60  }
0x233: {  	v5 =	vadd.f32 v51, v5;
	v7 =	vadd.f32 v55, v7;
	vm2 =	vmor vm3, vm2  }
0x234: {  	v62 =	vnsel vm2, $0x0, v6;
	vm2 =	vlt.f32 v59, v8;
	vm3 =	vgt.f32 v59, v8  }
0x235: {  	v5 =	vadd.f32 v6, v5;
	v7 =	vadd.f32 v62, v7;
	vm2 =	vmor vm3, vm2  }
0x236: {  	v6 =	vnsel vm2, $0x0, v61  }
0x237: {  	v5 =	vadd.f32 v61, v5;
	v6 =	vadd.f32 v6, v7;
	_ =	sdelay $0x1  }
0x238: {  	v63 =	vperm.xlane v5, v1;
	v7 =	vperm.xlane v6, v1;
	_ =	sdelay $0x1  }
0x239: {  	v5 =	vadd.f32 v63, v5;
	v6 =	vadd.f32 v6, v7;
	_ =	sdelay $0x1  }
0x23a: {  	v8 =	vperm.xlane v5, v2;
	v7 =	vperm.xlane v6, v2;
	_ =	sdelay $0x1  }
0x23b: {  	v5 =	vadd.f32 v8, v5;
	v6 =	vadd.f32 v6, v7;
	_ =	sdelay $0x1  }
0x23c: {  	v8 =	vperm.xlane v5, v3;
	v7 =	vperm.xlane v6, v3;
	_ =	sdelay $0x1  }
0x23d: {  	v5 =	vadd.f32 v8, v5;
	v6 =	vadd.f32 v6, v7;
	_ =	sdelay $0x1  }
0x23e: {  	v8 =	vperm.xlane v5, v4;
	v7 =	vperm.xlane v6, v4;
	_ =	sdelay $0x1  }
0x23f: {  	v5 =	vadd.f32 v8, v5;
	v6 =	vadd.f32 v6, v7;
	_ =	sdelay $0x1  }
0x240: {  	v5 =	vsel vm1, $0x0, v5;
	v6 =	vnsel vm0, $0x0, v6  }
0x241: {  	v5 =	vadd.f32 v6, v5  }
0x242: {  	p0 =	sne.s32 s5, $0x1  }
.Ltmp0:
0x243: {  	s10 =	rddreg [dreg:$0x7];
	[tilespmem:$0x1400] =	vst v5;
	(pc) =	sbr.rel @p0 .LBB2_1-.Ltmp0, $4  }
0x244: {  	[hbm4b:s10+s2] =	stream.linear.scatter [tilespmem:s31], [sflag:$0x6], $0x80, $0x38;
	[tilespmem:$0x1480] =	vst v63  }
0x245: {  	_ =	swait.ge [sflag:s1], $0x80  }
0x246: {  	[sflag:s1] =	ssyncset.done $0x0  }
0x247: {  	s5 =	sadd.s32 $0xFFFFFFFF, s5;
	[sflag:s1] =	ssyncadd.s32 $0xFFFFFF80  }
0x248: {  	_ =	sfence.sel $0x180000  }
0x249: {  	[bflag:$0x0] =	sbarrier.arrive $0xFFFF  }
0x24a: {  	_ =	strace $0x90000047  }
0x24b: {  	s0 =	stileid.u32;
	[bflag:$0x2] =	sbarrier.arrive $0xFFFF  }
0x24c: {  	p0 =	sne.s32 s0, $0x0;
	s0 =	rddreg [dreg:$0x1]  }
0x24d: {  	s0 =	sadd.s32 @!p0 $0x100000, s0  }
0x24e: {  	[sflag:s0] =	ssyncadd.tile.s32 @!p0 $0x1;
	_ =	shalt  }
.Lfunc_end2:
_tile_overlayer_lowered:
.L_overlay_start_2:
0x24f: {  	(tag) =	ssettag $0x2  }
0x250: {  	s0 =	rddreg [dreg:$0x0];
	s2 =	stileid.u32  }
0x251: {  	s1 =	rddreg [dreg:$0x1];
	p0 =	sne.s32 s2, $0x0  }
0x252: {  	s3 =	rddreg [dreg:$0x2];
	[bflag:$0x3] =	sbarrier.arrive $0xFFFF;
	s2 =	simm.s32 @!p0 $0x1C06  }
0x253: {  	[timem:s3], [sflag:s2] =	dma.local @!p0 [hbm:s0], s1  }
0x254: {  	s0 =	simm.s32 @!p0 $0x6  }
0x255: {  	_ =	swait.ge @!p0 [sflag:s0], s1  }
0x256: {  	s1 =	ssub.s32 @!p0 $0x0, s1;
	[sflag:s0] =	ssyncset.done @!p0 $0x0  }
0x257: {  	[sflag:s0] =	ssyncadd.s32 @!p0 s1  }
0x258: {  	[bflag:$0x3] =	sbarrier.arrive $0xFFFF  }
0x259: {  	_ =	shalt  }

</sc_bundles>
